<compile_context>
chip_gen: v7x
topology: tpu7x:2x2x1
jax: 0.10.2.dev20260603
libtpu: 0.0.44.dev20260713+nightly
codegen_flags: <defaults>
</compile_context>

<pallas_src>
import jax
import jax.numpy as jnp
from jax import lax
from jax.experimental import pallas as pl
from jax.experimental.pallas import tpu as pltpu
from jax.experimental.pallas import tpu_sc as plsc

VOCAB = 1000000
DIM = 64
BATCH = 16384
T = 20

NC = 2
NS = 16
LANES = 16
NW = NC * NS
CPW = BATCH // NW
CHUNK_C = 32
NCHUNK = CPW // CHUNK_C
ROWS = CHUNK_C * T
IDX_W = 128
NIDX = ROWS // IDX_W
SUB_C = 4
NSUB = CHUNK_C // SUB_C
SUB_ROWS = SUB_C * T


def _log_sigmoid(x):
    z = jnp.exp(-jnp.abs(x))
    y = z / (2.0 + z)
    y2 = y * y
    p = 1.0 + y2 * (
        (1.0 / 3.0) + y2 * ((1.0 / 5.0) + y2 * ((1.0 / 7.0) + y2 * (1.0 / 9.0)))
    )
    return jnp.minimum(x, 0.0) - 2.0 * y * p


def _row_sums_16(pbuf):
    base = lax.iota(jnp.int32, LANES) * LANES
    acc = plsc.load_gather(pbuf, [base])
    for l in range(1, LANES):
        acc = acc + plsc.load_gather(pbuf, [base + l])
    return acc


def _sc_body(cidx_hbm, tidx_hbm, emb_v, emb_u, out_hbm,
             cidx_v, tidx_v, cbuf, tbuf, pbuf, acc_pos, acc_neg, sem):
    wid = lax.axis_index("s") * NC + lax.axis_index("c")
    acc_pos[...] = jnp.zeros((LANES,), jnp.float32)
    acc_neg[...] = jnp.zeros((LANES,), jnp.float32)

    def chunk_body(g, carry):
        base_c = wid * CPW + g * CHUNK_C
        base_t = base_c * T
        pltpu.sync_copy(cidx_hbm.at[pl.ds(base_c, CHUNK_C)], cidx_v)
        pltpu.sync_copy(tidx_hbm.at[pl.ds(base_t, ROWS)], tidx_v)
        copies = [pltpu.async_copy(emb_v.at[cidx_v], cbuf, sem)]
        for i in range(NIDX):
            copies.append(
                pltpu.async_copy(emb_u.at[tidx_v.at[pl.ds(i * IDX_W, IDX_W)]],
                                 tbuf.at[pl.ds(i * IDX_W, IDX_W)], sem))
        for c in copies:
            c.wait()

        def sub_body(s, _):
            ap = acc_pos[...]
            for ci in range(SUB_C):
                crow = s * SUB_C + ci
                cvec = [cbuf[crow, pl.ds(k * LANES, LANES)] for k in range(4)]
                for t in range(T):
                    lrow = ci * T + t
                    r = s * SUB_ROWS + lrow
                    part = tbuf[r, pl.ds(0, LANES)] * cvec[0]
                    for k in range(1, 4):
                        part = part + tbuf[r, pl.ds(k * LANES, LANES)] * cvec[k]
                    j = lrow % LANES
                    pbuf[pl.ds(j * LANES, LANES)] = part
                    if lrow % LANES == LANES - 1:
                        ap = ap + _log_sigmoid(_row_sums_16(pbuf))
            acc_pos[...] = ap
            return 0

        lax.fori_loop(0, NSUB, sub_body, 0, unroll=1)

        an = acc_neg[...]
        for ci in range(CHUNK_C):
            cv = [cbuf[ci, pl.ds(k * LANES, LANES)] for k in range(4)]
            part = cv[0] * cv[0]
            for k in range(1, 4):
                part = part + cv[k] * cv[k]
            pbuf[pl.ds((ci % LANES) * LANES, LANES)] = part
            if ci % LANES == LANES - 1:
                an = an + _log_sigmoid(_row_sums_16(pbuf))
        acc_neg[...] = an
        return 0

    lax.fori_loop(0, NCHUNK, chunk_body, 0, unroll=1)

    acc_pos[...] = acc_pos[...] + jnp.float32(T) * acc_neg[...]
    pltpu.sync_copy(acc_pos, out_hbm.at[wid])


@jax.jit
def _skipgram_loss(cidx, tidx, emb_v, emb_u):
    mesh = plsc.VectorSubcoreMesh(
        core_axis_name="c", subcore_axis_name="s",
        num_cores=NC, num_subcores=NS)
    parts = pl.kernel(
        _sc_body,
        out_type=jax.ShapeDtypeStruct((NW, LANES), jnp.float32),
        mesh=mesh,
        compiler_params=pltpu.CompilerParams(
            needs_layout_passes=False, use_tc_tiling_on_sc=False),
        scratch_types=[
            pltpu.VMEM((CHUNK_C,), jnp.int32),
            pltpu.VMEM((ROWS,), jnp.int32),
            pltpu.VMEM((CHUNK_C, DIM), jnp.float32),
            pltpu.VMEM((ROWS, DIM), jnp.float32),
            pltpu.VMEM((LANES * LANES,), jnp.float32),
            pltpu.VMEM((LANES,), jnp.float32),
            pltpu.VMEM((LANES,), jnp.float32),
            pltpu.SemaphoreType.DMA,
        ],
    )(cidx, tidx, emb_v, emb_u)
    return -(jnp.sum(parts) / jnp.float32(BATCH * T))


def kernel(center_words, target_words, outer_words, emb_v, emb_u):
    del outer_words
    cidx = center_words.reshape(BATCH)
    tidx = target_words.reshape(BATCH * T)
    return _skipgram_loss(cidx, tidx, emb_v, emb_u)

# --- scband reference (transcript-rebuilt; emitter-appended) ---
"""Pipeline reference for scband-skip-gram-55920474193920 (READ-ONLY COPY).

The authoritative reference and input builder live on the scoring server;
editing this copy changes nothing except your own understanding.
"""

import jax, jax.numpy as jnp
import numpy as np

VOCAB = 1000000
DIM = 64
BATCH = 16384
T = 20


def setup_inputs(seed: int = 0) -> dict:
    key = jax.random.key(seed)
    k1, k2, k3, k4, k5 = jax.random.split(key, 5)
    center_words = jax.random.randint(k1, (BATCH, 1), 0, VOCAB, dtype=jnp.int64 if jax.config.jax_enable_x64 else jnp.int32).astype(jnp.int32)
    target_words = jax.random.randint(k2, (BATCH, T), 0, VOCAB).astype(jnp.int32)
    outer_words = jax.random.randint(k3, (BATCH, T), 0, VOCAB).astype(jnp.int32)
    # learned parameters sized per init_kwargs (vocab_size=1000000, projection_dim=64)
    # torch inits emb_u to zeros; we randomize to avoid a degenerate reference
    emb_v = jax.random.uniform(k4, (VOCAB, DIM), minval=-1.0, maxval=1.0, dtype=jnp.float32)
    emb_u = jax.random.uniform(k5, (VOCAB, DIM), minval=-1.0, maxval=1.0, dtype=jnp.float32)
    return {
        "center_words": center_words,
        "target_words": target_words,
        "outer_words": outer_words,
        "emb_v": emb_v,
        "emb_u": emb_u,
    }


def reference(center_words, target_words, outer_words, emb_v, emb_u):
    # ns=True branch of SkipGram.forward
    batch_size = center_words.shape[0]
    if outer_words.shape[0] != batch_size:
        outer_words = jnp.broadcast_to(outer_words[None, :], (batch_size, outer_words.shape[0]))
    center_embeds = jnp.take(emb_v, center_words, axis=0)   # [B, 1, d]
    target_embeds = jnp.take(emb_u, target_words, axis=0)   # [B, T, d]
    outer_embeds = jnp.take(emb_u, outer_words, axis=0)     # [B, T, d] (computed, unused in ns branch)
    # scores / positive_score: target_embeds.bmm(center_embeds.transpose(1,2)).squeeze(2)
    positive_score = jnp.einsum("btd,bcd->btc", target_embeds, center_embeds)[:, :, 0]  # [B, T]
    # negative_score: sum over dim 1 of center.bmm(center^T).squeeze(2), viewed as [B, -1]
    cc = jnp.einsum("bcd,bed->bce", center_embeds, center_embeds)[:, :, 0]  # [B, 1]
    negative_score = jnp.sum(cc, axis=1).reshape(batch_size, -1)  # [B, 1]
    nll = jax.nn.log_sigmoid(positive_score) + jax.nn.log_sigmoid(negative_score)  # [B, T]
    nll = -jnp.mean(nll)
    # keep outer_embeds live (matches torch memory traffic; zero math contribution)
    nll = nll + 0.0 * jnp.sum(outer_embeds[0, 0, 0] - outer_embeds[0, 0, 0])
    return nll

if __name__ == "__main__":
    import jax
    _d = setup_inputs()
    print(jax.jit(kernel)(*tuple(_d.values())))

</pallas_src>

<mosaic_0001>
#map = affine_map<(d0, d1) -> (0)>
#map1 = affine_map<(d0, d1) -> (0, 0)>
module attributes {stable_mosaic.version = 14 : i64} {
  func.func @_sc_body(%arg0: i32, %arg1: i32, %arg2: memref<16384xi32, #tpu.memory_space<hbm>>, %arg3: memref<327680xi32, #tpu.memory_space<hbm>>, %arg4: memref<1000000x64xf32, #tpu.memory_space<hbm>>, %arg5: memref<1000000x64xf32, #tpu.memory_space<hbm>>, %arg6: memref<32x16xf32, #tpu.memory_space<hbm>>, %arg7: memref<32xi32, #tpu.memory_space<vmem>>, %arg8: memref<640xi32, #tpu.memory_space<vmem>>, %arg9: memref<32x64xf32, #tpu.memory_space<vmem>>, %arg10: memref<640x64xf32, #tpu.memory_space<vmem>>, %arg11: memref<256xf32, #tpu.memory_space<vmem>>, %arg12: memref<16xf32, #tpu.memory_space<vmem>>, %arg13: memref<16xf32, #tpu.memory_space<vmem>>, %arg14: memref<!tpu.dma_semaphore, #tpu.memory_space<semaphore_mem>>) attributes {dimension_semantics = [#tpu.dimension_semantics<core_parallel>, #tpu.dimension_semantics<subcore_parallel>], iteration_bounds = array<i64: 2, 16>, scalar_prefetch = 0 : i64, scratch_operands = 8 : i64, tpu.core_type = #tpu.core_type<sc_vector_subcore>, window_params = [{transform_indices = #map}, {transform_indices = #map}, {transform_indices = #map1}, {transform_indices = #map1}, {transform_indices = #map1}]} {
    %mul3A = arith.constant 2 : i32
    %mul3A_0 = arith.muli %arg1, %mul3A : i32
    %add3A = arith.addi %mul3A_0, %arg0 : i32
    %broadcast_in_dim3A = arith.constant 0.000000e+00 : f32
    %broadcast_in_dim3A_1 = vector.broadcast %broadcast_in_dim3A : f32 to vector<16xf32>
    %swap3A = arith.constant 0 : index
    %swap3A_2 = tpu.vector_load %arg12[%swap3A] {strides = array<i32>} : memref<16xf32, #tpu.memory_space<vmem>>, vector<16xf32>,
    tpu.vector_store %arg12[%swap3A], %broadcast_in_dim3A_1 {strides = array<i32>} : memref<16xf32, #tpu.memory_space<vmem>>, vector<16xf32>,
    %broadcast_in_dim3A_3 = arith.constant 0.000000e+00 : f32
    %broadcast_in_dim3A_4 = vector.broadcast %broadcast_in_dim3A_3 : f32 to vector<16xf32>
    %swap3A_5 = arith.constant 0 : index
    %swap3A_6 = tpu.vector_load %arg13[%swap3A_5] {strides = array<i32>} : memref<16xf32, #tpu.memory_space<vmem>>, vector<16xf32>,
    tpu.vector_store %arg13[%swap3A_5], %broadcast_in_dim3A_4 {strides = array<i32>} : memref<16xf32, #tpu.memory_space<vmem>>, vector<16xf32>,
    %scan3A = arith.constant 0 : i32
    %scan3A_7 = arith.constant 0 : i32
    %scan3A_8 = arith.constant 16 : i32
    %scan3A_9 = arith.addi %scan3A_7, %scan3A_8 : i32
    %scan3A_10 = arith.constant 1 : i32
    %scan3A_11 = scf.for %scan3A_22 = %scan3A_7 to %scan3A_9 step %scan3A_10 iter_args(%scan3A_23 = %scan3A) -> (i32)  : i32 {
      %mul3A_24 = arith.constant 512 : i32
      %mul3A_25 = arith.muli %add3A, %mul3A_24 : i32
      %mul3A_26 = arith.constant 32 : i32
      %mul3A_27 = arith.muli %scan3A_22, %mul3A_26 : i32
      %add3A_28 = arith.addi %mul3A_25, %mul3A_27 : i32
      %mul3A_29 = arith.constant 20 : i32
      %mul3A_30 = arith.muli %add3A_28, %mul3A_29 : i32
      "tpu.region"() ({
        %run_scoped3A = tpu.sem_alloc : memref<!tpu.dma_semaphore, #tpu.memory_space<semaphore_mem>>
        %dma_start3A_1153 = tpu.memref_slice %arg2[%add3A_28] : memref<16384xi32, #tpu.memory_space<hbm>> -> memref<32xi32, #tpu.memory_space<hbm>>
        %dma_start3A_1154 = tpu.memref_slice %arg2[%add3A_28] : memref<16384xi32, #tpu.memory_space<hbm>> -> memref<32xi32, #tpu.memory_space<hbm>>
        tpu.enqueue_dma source(%dma_start3A_1154 : memref<32xi32, #tpu.memory_space<hbm>>) target(%arg7 : memref<32xi32, #tpu.memory_space<vmem>>) target_semaphore(%run_scoped3A : memref<!tpu.dma_semaphore, #tpu.memory_space<semaphore_mem>>)
        %dma_wait3A_1155 = tpu.memref_slice %arg2[%add3A_28] : memref<16384xi32, #tpu.memory_space<hbm>> -> memref<32xi32, #tpu.memory_space<hbm>>
        %dma_wait3A_1156 = tpu.memref_slice %arg2[%add3A_28] : memref<16384xi32, #tpu.memory_space<hbm>> -> memref<32xi32, #tpu.memory_space<hbm>>
        tpu.wait_dma2 semaphore(%run_scoped3A : memref<!tpu.dma_semaphore, #tpu.memory_space<semaphore_mem>>) src(%dma_wait3A_1156 : memref<32xi32, #tpu.memory_space<hbm>>) dst(%arg7 : memref<32xi32, #tpu.memory_space<vmem>>)
        tpu.yield
      }) : () -> ()
      "tpu.region"() ({
        %run_scoped3A = tpu.sem_alloc : memref<!tpu.dma_semaphore, #tpu.memory_space<semaphore_mem>>
        %dma_start3A_1153 = tpu.memref_slice %arg3[%mul3A_30] : memref<327680xi32, #tpu.memory_space<hbm>> -> memref<640xi32, #tpu.memory_space<hbm>>
        %dma_start3A_1154 = tpu.memref_slice %arg3[%mul3A_30] : memref<327680xi32, #tpu.memory_space<hbm>> -> memref<640xi32, #tpu.memory_space<hbm>>
        tpu.enqueue_dma source(%dma_start3A_1154 : memref<640xi32, #tpu.memory_space<hbm>>) target(%arg8 : memref<640xi32, #tpu.memory_space<vmem>>) target_semaphore(%run_scoped3A : memref<!tpu.dma_semaphore, #tpu.memory_space<semaphore_mem>>)
        %dma_wait3A_1155 = tpu.memref_slice %arg3[%mul3A_30] : memref<327680xi32, #tpu.memory_space<hbm>> -> memref<640xi32, #tpu.memory_space<hbm>>
        %dma_wait3A_1156 = tpu.memref_slice %arg3[%mul3A_30] : memref<327680xi32, #tpu.memory_space<hbm>> -> memref<640xi32, #tpu.memory_space<hbm>>
        tpu.wait_dma2 semaphore(%run_scoped3A : memref<!tpu.dma_semaphore, #tpu.memory_space<semaphore_mem>>) src(%dma_wait3A_1156 : memref<640xi32, #tpu.memory_space<hbm>>) dst(%arg8 : memref<640xi32, #tpu.memory_space<vmem>>)
        tpu.yield
      }) : () -> ()
      %dma_start3A = arith.constant 0 : i32
      %dma_start3A_31 = arith.constant 0 : i32
      %dma_start3A_32 = tpu.memref_slice %arg4[%dma_start3A, %dma_start3A_31] : memref<1000000x64xf32, #tpu.memory_space<hbm>> -> memref<1000000x64xf32, #tpu.memory_space<hbm>>
      tpu.enqueue_indirect_dma source(%dma_start3A_32 : memref<1000000x64xf32, #tpu.memory_space<hbm>>) target(%arg9 : memref<32x64xf32, #tpu.memory_space<vmem>>) offsets(%arg7 : memref<32xi32, #tpu.memory_space<vmem>>) semaphore(%arg14 : memref<!tpu.dma_semaphore, #tpu.memory_space<semaphore_mem>>)
      %dma_start3A_33 = arith.constant 0 : i32
      %dma_start3A_34 = arith.constant 0 : i32
      %dma_start3A_35 = tpu.memref_slice %arg10[%dma_start3A_33, %dma_start3A_34] : memref<640x64xf32, #tpu.memory_space<vmem>> -> memref<128x64xf32, #tpu.memory_space<vmem>>
      %dma_start3A_36 = arith.constant 0 : i32
      %dma_start3A_37 = tpu.memref_slice %arg8[%dma_start3A_36] : memref<640xi32, #tpu.memory_space<vmem>> -> memref<128xi32, #tpu.memory_space<vmem>>
      %dma_start3A_38 = arith.constant 0 : i32
      %dma_start3A_39 = arith.constant 0 : i32
      %dma_start3A_40 = tpu.memref_slice %arg5[%dma_start3A_38, %dma_start3A_39] : memref<1000000x64xf32, #tpu.memory_space<hbm>> -> memref<1000000x64xf32, #tpu.memory_space<hbm>>
      tpu.enqueue_indirect_dma source(%dma_start3A_40 : memref<1000000x64xf32, #tpu.memory_space<hbm>>) target(%dma_start3A_35 : memref<128x64xf32, #tpu.memory_space<vmem>>) offsets(%dma_start3A_37 : memref<128xi32, #tpu.memory_space<vmem>>) semaphore(%arg14 : memref<!tpu.dma_semaphore, #tpu.memory_space<semaphore_mem>>)
      %dma_start3A_41 = arith.constant 128 : i32
      %dma_start3A_42 = arith.constant 0 : i32
      %dma_start3A_43 = tpu.memref_slice %arg10[%dma_start3A_41, %dma_start3A_42] : memref<640x64xf32, #tpu.memory_space<vmem>> -> memref<128x64xf32, #tpu.memory_space<vmem>>
      %dma_start3A_44 = arith.constant 128 : i32
      %dma_start3A_45 = tpu.memref_slice %arg8[%dma_start3A_44] : memref<640xi32, #tpu.memory_space<vmem>> -> memref<128xi32, #tpu.memory_space<vmem>>
      %dma_start3A_46 = arith.constant 0 : i32
      %dma_start3A_47 = arith.constant 0 : i32
      %dma_start3A_48 = tpu.memref_slice %arg5[%dma_start3A_46, %dma_start3A_47] : memref<1000000x64xf32, #tpu.memory_space<hbm>> -> memref<1000000x64xf32, #tpu.memory_space<hbm>>
      tpu.enqueue_indirect_dma source(%dma_start3A_48 : memref<1000000x64xf32, #tpu.memory_space<hbm>>) target(%dma_start3A_43 : memref<128x64xf32, #tpu.memory_space<vmem>>) offsets(%dma_start3A_45 : memref<128xi32, #tpu.memory_space<vmem>>) semaphore(%arg14 : memref<!tpu.dma_semaphore, #tpu.memory_space<semaphore_mem>>)
      %dma_start3A_49 = arith.constant 256 : i32
      %dma_start3A_50 = arith.constant 0 : i32
      %dma_start3A_51 = tpu.memref_slice %arg10[%dma_start3A_49, %dma_start3A_50] : memref<640x64xf32, #tpu.memory_space<vmem>> -> memref<128x64xf32, #tpu.memory_space<vmem>>
      %dma_start3A_52 = arith.constant 256 : i32
      %dma_start3A_53 = tpu.memref_slice %arg8[%dma_start3A_52] : memref<640xi32, #tpu.memory_space<vmem>> -> memref<128xi32, #tpu.memory_space<vmem>>
      %dma_start3A_54 = arith.constant 0 : i32
      %dma_start3A_55 = arith.constant 0 : i32
      %dma_start3A_56 = tpu.memref_slice %arg5[%dma_start3A_54, %dma_start3A_55] : memref<1000000x64xf32, #tpu.memory_space<hbm>> -> memref<1000000x64xf32, #tpu.memory_space<hbm>>
      tpu.enqueue_indirect_dma source(%dma_start3A_56 : memref<1000000x64xf32, #tpu.memory_space<hbm>>) target(%dma_start3A_51 : memref<128x64xf32, #tpu.memory_space<vmem>>) offsets(%dma_start3A_53 : memref<128xi32, #tpu.memory_space<vmem>>) semaphore(%arg14 : memref<!tpu.dma_semaphore, #tpu.memory_space<semaphore_mem>>)
      %dma_start3A_57 = arith.constant 384 : i32
      %dma_start3A_58 = arith.constant 0 : i32
      %dma_start3A_59 = tpu.memref_slice %arg10[%dma_start3A_57, %dma_start3A_58] : memref<640x64xf32, #tpu.memory_space<vmem>> -> memref<128x64xf32, #tpu.memory_space<vmem>>
      %dma_start3A_60 = arith.constant 384 : i32
      %dma_start3A_61 = tpu.memref_slice %arg8[%dma_start3A_60] : memref<640xi32, #tpu.memory_space<vmem>> -> memref<128xi32, #tpu.memory_space<vmem>>
      %dma_start3A_62 = arith.constant 0 : i32
      %dma_start3A_63 = arith.constant 0 : i32
      %dma_start3A_64 = tpu.memref_slice %arg5[%dma_start3A_62, %dma_start3A_63] : memref<1000000x64xf32, #tpu.memory_space<hbm>> -> memref<1000000x64xf32, #tpu.memory_space<hbm>>
      tpu.enqueue_indirect_dma source(%dma_start3A_64 : memref<1000000x64xf32, #tpu.memory_space<hbm>>) target(%dma_start3A_59 : memref<128x64xf32, #tpu.memory_space<vmem>>) offsets(%dma_start3A_61 : memref<128xi32, #tpu.memory_space<vmem>>) semaphore(%arg14 : memref<!tpu.dma_semaphore, #tpu.memory_space<semaphore_mem>>)
      %dma_start3A_65 = arith.constant 512 : i32
      %dma_start3A_66 = arith.constant 0 : i32
      %dma_start3A_67 = tpu.memref_slice %arg10[%dma_start3A_65, %dma_start3A_66] : memref<640x64xf32, #tpu.memory_space<vmem>> -> memref<128x64xf32, #tpu.memory_space<vmem>>
      %dma_start3A_68 = arith.constant 512 : i32
      %dma_start3A_69 = tpu.memref_slice %arg8[%dma_start3A_68] : memref<640xi32, #tpu.memory_space<vmem>> -> memref<128xi32, #tpu.memory_space<vmem>>
      %dma_start3A_70 = arith.constant 0 : i32
      %dma_start3A_71 = arith.constant 0 : i32
      %dma_start3A_72 = tpu.memref_slice %arg5[%dma_start3A_70, %dma_start3A_71] : memref<1000000x64xf32, #tpu.memory_space<hbm>> -> memref<1000000x64xf32, #tpu.memory_space<hbm>>
      tpu.enqueue_indirect_dma source(%dma_start3A_72 : memref<1000000x64xf32, #tpu.memory_space<hbm>>) target(%dma_start3A_67 : memref<128x64xf32, #tpu.memory_space<vmem>>) offsets(%dma_start3A_69 : memref<128xi32, #tpu.memory_space<vmem>>) semaphore(%arg14 : memref<!tpu.dma_semaphore, #tpu.memory_space<semaphore_mem>>)
      %dma_wait3A = arith.constant 0 : i32
      %dma_wait3A_73 = arith.constant 0 : i32
      %dma_wait3A_74 = tpu.memref_slice %arg4[%dma_wait3A, %dma_wait3A_73] : memref<1000000x64xf32, #tpu.memory_space<hbm>> -> memref<1000000x64xf32, #tpu.memory_space<hbm>>
      tpu.wait_indirect_dma semaphore(%arg14 : memref<!tpu.dma_semaphore, #tpu.memory_space<semaphore_mem>>) src(%dma_wait3A_74 : memref<1000000x64xf32, #tpu.memory_space<hbm>>) dst(%arg9 : memref<32x64xf32, #tpu.memory_space<vmem>>)
      %dma_wait3A_75 = arith.constant 0 : i32
      %dma_wait3A_76 = arith.constant 0 : i32
      %dma_wait3A_77 = tpu.memref_slice %arg10[%dma_wait3A_75, %dma_wait3A_76] : memref<640x64xf32, #tpu.memory_space<vmem>> -> memref<128x64xf32, #tpu.memory_space<vmem>>
      %dma_wait3A_78 = arith.constant 0 : i32
      %dma_wait3A_79 = tpu.memref_slice %arg8[%dma_wait3A_78] : memref<640xi32, #tpu.memory_space<vmem>> -> memref<128xi32, #tpu.memory_space<vmem>>
      %dma_wait3A_80 = arith.constant 0 : i32
      %dma_wait3A_81 = arith.constant 0 : i32
      %dma_wait3A_82 = tpu.memref_slice %arg5[%dma_wait3A_80, %dma_wait3A_81] : memref<1000000x64xf32, #tpu.memory_space<hbm>> -> memref<1000000x64xf32, #tpu.memory_space<hbm>>
      tpu.wait_indirect_dma semaphore(%arg14 : memref<!tpu.dma_semaphore, #tpu.memory_space<semaphore_mem>>) src(%dma_wait3A_82 : memref<1000000x64xf32, #tpu.memory_space<hbm>>) dst(%dma_wait3A_77 : memref<128x64xf32, #tpu.memory_space<vmem>>)
      %dma_wait3A_83 = arith.constant 128 : i32
      %dma_wait3A_84 = arith.constant 0 : i32
      %dma_wait3A_85 = tpu.memref_slice %arg10[%dma_wait3A_83, %dma_wait3A_84] : memref<640x64xf32, #tpu.memory_space<vmem>> -> memref<128x64xf32, #tpu.memory_space<vmem>>
      %dma_wait3A_86 = arith.constant 128 : i32
      %dma_wait3A_87 = tpu.memref_slice %arg8[%dma_wait3A_86] : memref<640xi32, #tpu.memory_space<vmem>> -> memref<128xi32, #tpu.memory_space<vmem>>
      %dma_wait3A_88 = arith.constant 0 : i32
      %dma_wait3A_89 = arith.constant 0 : i32
      %dma_wait3A_90 = tpu.memref_slice %arg5[%dma_wait3A_88, %dma_wait3A_89] : memref<1000000x64xf32, #tpu.memory_space<hbm>> -> memref<1000000x64xf32, #tpu.memory_space<hbm>>
      tpu.wait_indirect_dma semaphore(%arg14 : memref<!tpu.dma_semaphore, #tpu.memory_space<semaphore_mem>>) src(%dma_wait3A_90 : memref<1000000x64xf32, #tpu.memory_space<hbm>>) dst(%dma_wait3A_85 : memref<128x64xf32, #tpu.memory_space<vmem>>)
      %dma_wait3A_91 = arith.constant 256 : i32
      %dma_wait3A_92 = arith.constant 0 : i32
      %dma_wait3A_93 = tpu.memref_slice %arg10[%dma_wait3A_91, %dma_wait3A_92] : memref<640x64xf32, #tpu.memory_space<vmem>> -> memref<128x64xf32, #tpu.memory_space<vmem>>
      %dma_wait3A_94 = arith.constant 256 : i32
      %dma_wait3A_95 = tpu.memref_slice %arg8[%dma_wait3A_94] : memref<640xi32, #tpu.memory_space<vmem>> -> memref<128xi32, #tpu.memory_space<vmem>>
      %dma_wait3A_96 = arith.constant 0 : i32
      %dma_wait3A_97 = arith.constant 0 : i32
      %dma_wait3A_98 = tpu.memref_slice %arg5[%dma_wait3A_96, %dma_wait3A_97] : memref<1000000x64xf32, #tpu.memory_space<hbm>> -> memref<1000000x64xf32, #tpu.memory_space<hbm>>
      tpu.wait_indirect_dma semaphore(%arg14 : memref<!tpu.dma_semaphore, #tpu.memory_space<semaphore_mem>>) src(%dma_wait3A_98 : memref<1000000x64xf32, #tpu.memory_space<hbm>>) dst(%dma_wait3A_93 : memref<128x64xf32, #tpu.memory_space<vmem>>)
      %dma_wait3A_99 = arith.constant 384 : i32
      %dma_wait3A_100 = arith.constant 0 : i32
      %dma_wait3A_101 = tpu.memref_slice %arg10[%dma_wait3A_99, %dma_wait3A_100] : memref<640x64xf32, #tpu.memory_space<vmem>> -> memref<128x64xf32, #tpu.memory_space<vmem>>
      %dma_wait3A_102 = arith.constant 384 : i32
      %dma_wait3A_103 = tpu.memref_slice %arg8[%dma_wait3A_102] : memref<640xi32, #tpu.memory_space<vmem>> -> memref<128xi32, #tpu.memory_space<vmem>>
      %dma_wait3A_104 = arith.constant 0 : i32
      %dma_wait3A_105 = arith.constant 0 : i32
      %dma_wait3A_106 = tpu.memref_slice %arg5[%dma_wait3A_104, %dma_wait3A_105] : memref<1000000x64xf32, #tpu.memory_space<hbm>> -> memref<1000000x64xf32, #tpu.memory_space<hbm>>
      tpu.wait_indirect_dma semaphore(%arg14 : memref<!tpu.dma_semaphore, #tpu.memory_space<semaphore_mem>>) src(%dma_wait3A_106 : memref<1000000x64xf32, #tpu.memory_space<hbm>>) dst(%dma_wait3A_101 : memref<128x64xf32, #tpu.memory_space<vmem>>)
      %dma_wait3A_107 = arith.constant 512 : i32
      %dma_wait3A_108 = arith.constant 0 : i32
      %dma_wait3A_109 = tpu.memref_slice %arg10[%dma_wait3A_107, %dma_wait3A_108] : memref<640x64xf32, #tpu.memory_space<vmem>> -> memref<128x64xf32, #tpu.memory_space<vmem>>
      %dma_wait3A_110 = arith.constant 512 : i32
      %dma_wait3A_111 = tpu.memref_slice %arg8[%dma_wait3A_110] : memref<640xi32, #tpu.memory_space<vmem>> -> memref<128xi32, #tpu.memory_space<vmem>>
      %dma_wait3A_112 = arith.constant 0 : i32
      %dma_wait3A_113 = arith.constant 0 : i32
      %dma_wait3A_114 = tpu.memref_slice %arg5[%dma_wait3A_112, %dma_wait3A_113] : memref<1000000x64xf32, #tpu.memory_space<hbm>> -> memref<1000000x64xf32, #tpu.memory_space<hbm>>
      tpu.wait_indirect_dma semaphore(%arg14 : memref<!tpu.dma_semaphore, #tpu.memory_space<semaphore_mem>>) src(%dma_wait3A_114 : memref<1000000x64xf32, #tpu.memory_space<hbm>>) dst(%dma_wait3A_109 : memref<128x64xf32, #tpu.memory_space<vmem>>)
      %scan3A_115 = arith.constant 0 : i32
      %scan3A_116 = arith.constant 0 : i32
      %scan3A_117 = arith.constant 8 : i32
      %scan3A_118 = arith.addi %scan3A_116, %scan3A_117 : i32
      %scan3A_119 = arith.constant 1 : i32
      %scan3A_120 = scf.for %scan3A_1153 = %scan3A_116 to %scan3A_118 step %scan3A_119 iter_args(%scan3A_1154 = %scan3A_115) -> (i32)  : i32 {
        %get3A_1155 = arith.constant 0 : index
        %get3A_1156 = tpu.vector_load %arg12[%get3A_1155] {strides = array<i32>} : memref<16xf32, #tpu.memory_space<vmem>>, vector<16xf32>,
        %mul3A_1157 = arith.constant 4 : i32
        %mul3A_1158 = arith.muli %scan3A_1153, %mul3A_1157 : i32
        %add3A_1159 = arith.constant 0 : i32
        %add3A_1160 = arith.addi %mul3A_1158, %add3A_1159 : i32
        %get3A_1161 = arith.index_cast %add3A_1160 : i32 to index
        %get3A_1162 = arith.constant 0 : index
        %get3A_1163 = tpu.vector_load %arg9[%get3A_1161, %get3A_1162] {strides = array<i32>} : memref<32x64xf32, #tpu.memory_space<vmem>>, vector<16xf32>,
        %get3A_1164 = arith.index_cast %add3A_1160 : i32 to index
        %get3A_1165 = arith.constant 16 : index
        %get3A_1166 = tpu.vector_load %arg9[%get3A_1164, %get3A_1165] {strides = array<i32>} : memref<32x64xf32, #tpu.memory_space<vmem>>, vector<16xf32>,
        %get3A_1167 = arith.index_cast %add3A_1160 : i32 to index
        %get3A_1168 = arith.constant 32 : index
        %get3A_1169 = tpu.vector_load %arg9[%get3A_1167, %get3A_1168] {strides = array<i32>} : memref<32x64xf32, #tpu.memory_space<vmem>>, vector<16xf32>,
        %get3A_1170 = arith.index_cast %add3A_1160 : i32 to index
        %get3A_1171 = arith.constant 48 : index
        %get3A_1172 = tpu.vector_load %arg9[%get3A_1170, %get3A_1171] {strides = array<i32>} : memref<32x64xf32, #tpu.memory_space<vmem>>, vector<16xf32>,
        %mul3A_1173 = arith.constant 80 : i32
        %mul3A_1174 = arith.muli %scan3A_1153, %mul3A_1173 : i32
        %add3A_1175 = arith.constant 0 : i32
        %add3A_1176 = arith.addi %mul3A_1174, %add3A_1175 : i32
        %get3A_1177 = arith.index_cast %add3A_1176 : i32 to index
        %get3A_1178 = arith.constant 0 : index
        %get3A_1179 = tpu.vector_load %arg10[%get3A_1177, %get3A_1178] {strides = array<i32>} : memref<640x64xf32, #tpu.memory_space<vmem>>, vector<16xf32>,
        %mul3A_1180 = arith.mulf %get3A_1179, %get3A_1163 : vector<16xf32>
        %get3A_1181 = arith.index_cast %add3A_1176 : i32 to index
        %get3A_1182 = arith.constant 16 : index
        %get3A_1183 = tpu.vector_load %arg10[%get3A_1181, %get3A_1182] {strides = array<i32>} : memref<640x64xf32, #tpu.memory_space<vmem>>, vector<16xf32>,
        %mul3A_1184 = arith.mulf %get3A_1183, %get3A_1166 : vector<16xf32>
        %add3A_1185 = arith.addf %mul3A_1180, %mul3A_1184 : vector<16xf32>
        %get3A_1186 = arith.index_cast %add3A_1176 : i32 to index
        %get3A_1187 = arith.constant 32 : index
        %get3A_1188 = tpu.vector_load %arg10[%get3A_1186, %get3A_1187] {strides = array<i32>} : memref<640x64xf32, #tpu.memory_space<vmem>>, vector<16xf32>,
        %mul3A_1189 = arith.mulf %get3A_1188, %get3A_1169 : vector<16xf32>
        %add3A_1190 = arith.addf %add3A_1185, %mul3A_1189 : vector<16xf32>
        %get3A_1191 = arith.index_cast %add3A_1176 : i32 to index
        %get3A_1192 = arith.constant 48 : index
        %get3A_1193 = tpu.vector_load %arg10[%get3A_1191, %get3A_1192] {strides = array<i32>} : memref<640x64xf32, #tpu.memory_space<vmem>>, vector<16xf32>,
        %mul3A_1194 = arith.mulf %get3A_1193, %get3A_1172 : vector<16xf32>
        %add3A_1195 = arith.addf %add3A_1190, %mul3A_1194 : vector<16xf32>
        %swap3A_1196 = arith.constant 0 : index
        %swap3A_1197 = tpu.vector_load %arg11[%swap3A_1196] {strides = array<i32>} : memref<256xf32, #tpu.memory_space<vmem>>, vector<16xf32>,
        tpu.vector_store %arg11[%swap3A_1196], %add3A_1195 {strides = array<i32>} : memref<256xf32, #tpu.memory_space<vmem>>, vector<16xf32>,
        %mul3A_1198 = arith.constant 80 : i32
        %mul3A_1199 = arith.muli %scan3A_1153, %mul3A_1198 : i32
        %add3A_1200 = arith.constant 1 : i32
        %add3A_1201 = arith.addi %mul3A_1199, %add3A_1200 : i32
        %get3A_1202 = arith.index_cast %add3A_1201 : i32 to index
        %get3A_1203 = arith.constant 0 : index
        %get3A_1204 = tpu.vector_load %arg10[%get3A_1202, %get3A_1203] {strides = array<i32>} : memref<640x64xf32, #tpu.memory_space<vmem>>, vector<16xf32>,
        %mul3A_1205 = arith.mulf %get3A_1204, %get3A_1163 : vector<16xf32>
        %get3A_1206 = arith.index_cast %add3A_1201 : i32 to index
        %get3A_1207 = arith.constant 16 : index
        %get3A_1208 = tpu.vector_load %arg10[%get3A_1206, %get3A_1207] {strides = array<i32>} : memref<640x64xf32, #tpu.memory_space<vmem>>, vector<16xf32>,
        %mul3A_1209 = arith.mulf %get3A_1208, %get3A_1166 : vector<16xf32>
        %add3A_1210 = arith.addf %mul3A_1205, %mul3A_1209 : vector<16xf32>
        %get3A_1211 = arith.index_cast %add3A_1201 : i32 to index
        %get3A_1212 = arith.constant 32 : index
        %get3A_1213 = tpu.vector_load %arg10[%get3A_1211, %get3A_1212] {strides = array<i32>} : memref<640x64xf32, #tpu.memory_space<vmem>>, vector<16xf32>,
        %mul3A_1214 = arith.mulf %get3A_1213, %get3A_1169 : vector<16xf32>
        %add3A_1215 = arith.addf %add3A_1210, %mul3A_1214 : vector<16xf32>
        %get3A_1216 = arith.index_cast %add3A_1201 : i32 to index
        %get3A_1217 = arith.constant 48 : index
        %get3A_1218 = tpu.vector_load %arg10[%get3A_1216, %get3A_1217] {strides = array<i32>} : memref<640x64xf32, #tpu.memory_space<vmem>>, vector<16xf32>,
        %mul3A_1219 = arith.mulf %get3A_1218, %get3A_1172 : vector<16xf32>
        %add3A_1220 = arith.addf %add3A_1215, %mul3A_1219 : vector<16xf32>
        %swap3A_1221 = arith.constant 16 : index
        %swap3A_1222 = tpu.vector_load %arg11[%swap3A_1221] {strides = array<i32>} : memref<256xf32, #tpu.memory_space<vmem>>, vector<16xf32>,
        tpu.vector_store %arg11[%swap3A_1221], %add3A_1220 {strides = array<i32>} : memref<256xf32, #tpu.memory_space<vmem>>, vector<16xf32>,
        %mul3A_1223 = arith.constant 80 : i32
        %mul3A_1224 = arith.muli %scan3A_1153, %mul3A_1223 : i32
        %add3A_1225 = arith.constant 2 : i32
        %add3A_1226 = arith.addi %mul3A_1224, %add3A_1225 : i32
        %get3A_1227 = arith.index_cast %add3A_1226 : i32 to index
        %get3A_1228 = arith.constant 0 : index
        %get3A_1229 = tpu.vector_load %arg10[%get3A_1227, %get3A_1228] {strides = array<i32>} : memref<640x64xf32, #tpu.memory_space<vmem>>, vector<16xf32>,
        %mul3A_1230 = arith.mulf %get3A_1229, %get3A_1163 : vector<16xf32>
        %get3A_1231 = arith.index_cast %add3A_1226 : i32 to index
        %get3A_1232 = arith.constant 16 : index
        %get3A_1233 = tpu.vector_load %arg10[%get3A_1231, %get3A_1232] {strides = array<i32>} : memref<640x64xf32, #tpu.memory_space<vmem>>, vector<16xf32>,
        %mul3A_1234 = arith.mulf %get3A_1233, %get3A_1166 : vector<16xf32>
        %add3A_1235 = arith.addf %mul3A_1230, %mul3A_1234 : vector<16xf32>
        %get3A_1236 = arith.index_cast %add3A_1226 : i32 to index
        %get3A_1237 = arith.constant 32 : index
        %get3A_1238 = tpu.vector_load %arg10[%get3A_1236, %get3A_1237] {strides = array<i32>} : memref<640x64xf32, #tpu.memory_space<vmem>>, vector<16xf32>,
        %mul3A_1239 = arith.mulf %get3A_1238, %get3A_1169 : vector<16xf32>
        %add3A_1240 = arith.addf %add3A_1235, %mul3A_1239 : vector<16xf32>
        %get3A_1241 = arith.index_cast %add3A_1226 : i32 to index
        %get3A_1242 = arith.constant 48 : index
        %get3A_1243 = tpu.vector_load %arg10[%get3A_1241, %get3A_1242] {strides = array<i32>} : memref<640x64xf32, #tpu.memory_space<vmem>>, vector<16xf32>,
        %mul3A_1244 = arith.mulf %get3A_1243, %get3A_1172 : vector<16xf32>
        %add3A_1245 = arith.addf %add3A_1240, %mul3A_1244 : vector<16xf32>
        %swap3A_1246 = arith.constant 32 : index
        %swap3A_1247 = tpu.vector_load %arg11[%swap3A_1246] {strides = array<i32>} : memref<256xf32, #tpu.memory_space<vmem>>, vector<16xf32>,
        tpu.vector_store %arg11[%swap3A_1246], %add3A_1245 {strides = array<i32>} : memref<256xf32, #tpu.memory_space<vmem>>, vector<16xf32>,
        %mul3A_1248 = arith.constant 80 : i32
        %mul3A_1249 = arith.muli %scan3A_1153, %mul3A_1248 : i32
        %add3A_1250 = arith.constant 3 : i32
        %add3A_1251 = arith.addi %mul3A_1249, %add3A_1250 : i32
        %get3A_1252 = arith.index_cast %add3A_1251 : i32 to index
        %get3A_1253 = arith.constant 0 : index
        %get3A_1254 = tpu.vector_load %arg10[%get3A_1252, %get3A_1253] {strides = array<i32>} : memref<640x64xf32, #tpu.memory_space<vmem>>, vector<16xf32>,
        %mul3A_1255 = arith.mulf %get3A_1254, %get3A_1163 : vector<16xf32>
        %get3A_1256 = arith.index_cast %add3A_1251 : i32 to index
        %get3A_1257 = arith.constant 16 : index
        %get3A_1258 = tpu.vector_load %arg10[%get3A_1256, %get3A_1257] {strides = array<i32>} : memref<640x64xf32, #tpu.memory_space<vmem>>, vector<16xf32>,
        %mul3A_1259 = arith.mulf %get3A_1258, %get3A_1166 : vector<16xf32>
        %add3A_1260 = arith.addf %mul3A_1255, %mul3A_1259 : vector<16xf32>
        %get3A_1261 = arith.index_cast %add3A_1251 : i32 to index
        %get3A_1262 = arith.constant 32 : index
        %get3A_1263 = tpu.vector_load %arg10[%get3A_1261, %get3A_1262] {strides = array<i32>} : memref<640x64xf32, #tpu.memory_space<vmem>>, vector<16xf32>,
        %mul3A_1264 = arith.mulf %get3A_1263, %get3A_1169 : vector<16xf32>
        %add3A_1265 = arith.addf %add3A_1260, %mul3A_1264 : vector<16xf32>
        %get3A_1266 = arith.index_cast %add3A_1251 : i32 to index
        %get3A_1267 = arith.constant 48 : index
        %get3A_1268 = tpu.vector_load %arg10[%get3A_1266, %get3A_1267] {strides = array<i32>} : memref<640x64xf32, #tpu.memory_space<vmem>>, vector<16xf32>,
        %mul3A_1269 = arith.mulf %get3A_1268, %get3A_1172 : vector<16xf32>
        %add3A_1270 = arith.addf %add3A_1265, %mul3A_1269 : vector<16xf32>
        %swap3A_1271 = arith.constant 48 : index
        %swap3A_1272 = tpu.vector_load %arg11[%swap3A_1271] {strides = array<i32>} : memref<256xf32, #tpu.memory_space<vmem>>, vector<16xf32>,
        tpu.vector_store %arg11[%swap3A_1271], %add3A_1270 {strides = array<i32>} : memref<256xf32, #tpu.memory_space<vmem>>, vector<16xf32>,
        %mul3A_1273 = arith.constant 80 : i32
        %mul3A_1274 = arith.muli %scan3A_1153, %mul3A_1273 : i32
        %add3A_1275 = arith.constant 4 : i32
        %add3A_1276 = arith.addi %mul3A_1274, %add3A_1275 : i32
        %get3A_1277 = arith.index_cast %add3A_1276 : i32 to index
        %get3A_1278 = arith.constant 0 : index
        %get3A_1279 = tpu.vector_load %arg10[%get3A_1277, %get3A_1278] {strides = array<i32>} : memref<640x64xf32, #tpu.memory_space<vmem>>, vector<16xf32>,
        %mul3A_1280 = arith.mulf %get3A_1279, %get3A_1163 : vector<16xf32>
        %get3A_1281 = arith.index_cast %add3A_1276 : i32 to index
        %get3A_1282 = arith.constant 16 : index
        %get3A_1283 = tpu.vector_load %arg10[%get3A_1281, %get3A_1282] {strides = array<i32>} : memref<640x64xf32, #tpu.memory_space<vmem>>, vector<16xf32>,
        %mul3A_1284 = arith.mulf %get3A_1283, %get3A_1166 : vector<16xf32>
        %add3A_1285 = arith.addf %mul3A_1280, %mul3A_1284 : vector<16xf32>
        %get3A_1286 = arith.index_cast %add3A_1276 : i32 to index
        %get3A_1287 = arith.constant 32 : index
        %get3A_1288 = tpu.vector_load %arg10[%get3A_1286, %get3A_1287] {strides = array<i32>} : memref<640x64xf32, #tpu.memory_space<vmem>>, vector<16xf32>,
        %mul3A_1289 = arith.mulf %get3A_1288, %get3A_1169 : vector<16xf32>
        %add3A_1290 = arith.addf %add3A_1285, %mul3A_1289 : vector<16xf32>
        %get3A_1291 = arith.index_cast %add3A_1276 : i32 to index
        %get3A_1292 = arith.constant 48 : index
        %get3A_1293 = tpu.vector_load %arg10[%get3A_1291, %get3A_1292] {strides = array<i32>} : memref<640x64xf32, #tpu.memory_space<vmem>>, vector<16xf32>,
        %mul3A_1294 = arith.mulf %get3A_1293, %get3A_1172 : vector<16xf32>
        %add3A_1295 = arith.addf %add3A_1290, %mul3A_1294 : vector<16xf32>
        %swap3A_1296 = arith.constant 64 : index
        %swap3A_1297 = tpu.vector_load %arg11[%swap3A_1296] {strides = array<i32>} : memref<256xf32, #tpu.memory_space<vmem>>, vector<16xf32>,
        tpu.vector_store %arg11[%swap3A_1296], %add3A_1295 {strides = array<i32>} : memref<256xf32, #tpu.memory_space<vmem>>, vector<16xf32>,
        %mul3A_1298 = arith.constant 80 : i32
        %mul3A_1299 = arith.muli %scan3A_1153, %mul3A_1298 : i32
        %add3A_1300 = arith.constant 5 : i32
        %add3A_1301 = arith.addi %mul3A_1299, %add3A_1300 : i32
        %get3A_1302 = arith.index_cast %add3A_1301 : i32 to index
        %get3A_1303 = arith.constant 0 : index
        %get3A_1304 = tpu.vector_load %arg10[%get3A_1302, %get3A_1303] {strides = array<i32>} : memref<640x64xf32, #tpu.memory_space<vmem>>, vector<16xf32>,
        %mul3A_1305 = arith.mulf %get3A_1304, %get3A_1163 : vector<16xf32>
        %get3A_1306 = arith.index_cast %add3A_1301 : i32 to index
        %get3A_1307 = arith.constant 16 : index
        %get3A_1308 = tpu.vector_load %arg10[%get3A_1306, %get3A_1307] {strides = array<i32>} : memref<640x64xf32, #tpu.memory_space<vmem>>, vector<16xf32>,
        %mul3A_1309 = arith.mulf %get3A_1308, %get3A_1166 : vector<16xf32>
        %add3A_1310 = arith.addf %mul3A_1305, %mul3A_1309 : vector<16xf32>
        %get3A_1311 = arith.index_cast %add3A_1301 : i32 to index
        %get3A_1312 = arith.constant 32 : index
        %get3A_1313 = tpu.vector_load %arg10[%get3A_1311, %get3A_1312] {strides = array<i32>} : memref<640x64xf32, #tpu.memory_space<vmem>>, vector<16xf32>,
        %mul3A_1314 = arith.mulf %get3A_1313, %get3A_1169 : vector<16xf32>
        %add3A_1315 = arith.addf %add3A_1310, %mul3A_1314 : vector<16xf32>
        %get3A_1316 = arith.index_cast %add3A_1301 : i32 to index
        %get3A_1317 = arith.constant 48 : index
        %get3A_1318 = tpu.vector_load %arg10[%get3A_1316, %get3A_1317] {strides = array<i32>} : memref<640x64xf32, #tpu.memory_space<vmem>>, vector<16xf32>,
        %mul3A_1319 = arith.mulf %get3A_1318, %get3A_1172 : vector<16xf32>
        %add3A_1320 = arith.addf %add3A_1315, %mul3A_1319 : vector<16xf32>
        %swap3A_1321 = arith.constant 80 : index
        %swap3A_1322 = tpu.vector_load %arg11[%swap3A_1321] {strides = array<i32>} : memref<256xf32, #tpu.memory_space<vmem>>, vector<16xf32>,
        tpu.vector_store %arg11[%swap3A_1321], %add3A_1320 {strides = array<i32>} : memref<256xf32, #tpu.memory_space<vmem>>, vector<16xf32>,
        %mul3A_1323 = arith.constant 80 : i32
        %mul3A_1324 = arith.muli %scan3A_1153, %mul3A_1323 : i32
        %add3A_1325 = arith.constant 6 : i32
        %add3A_1326 = arith.addi %mul3A_1324, %add3A_1325 : i32
        %get3A_1327 = arith.index_cast %add3A_1326 : i32 to index
        %get3A_1328 = arith.constant 0 : index
        %get3A_1329 = tpu.vector_load %arg10[%get3A_1327, %get3A_1328] {strides = array<i32>} : memref<640x64xf32, #tpu.memory_space<vmem>>, vector<16xf32>,
        %mul3A_1330 = arith.mulf %get3A_1329, %get3A_1163 : vector<16xf32>
        %get3A_1331 = arith.index_cast %add3A_1326 : i32 to index
        %get3A_1332 = arith.constant 16 : index
        %get3A_1333 = tpu.vector_load %arg10[%get3A_1331, %get3A_1332] {strides = array<i32>} : memref<640x64xf32, #tpu.memory_space<vmem>>, vector<16xf32>,
        %mul3A_1334 = arith.mulf %get3A_1333, %get3A_1166 : vector<16xf32>
        %add3A_1335 = arith.addf %mul3A_1330, %mul3A_1334 : vector<16xf32>
        %get3A_1336 = arith.index_cast %add3A_1326 : i32 to index
        %get3A_1337 = arith.constant 32 : index
        %get3A_1338 = tpu.vector_load %arg10[%get3A_1336, %get3A_1337] {strides = array<i32>} : memref<640x64xf32, #tpu.memory_space<vmem>>, vector<16xf32>,
        %mul3A_1339 = arith.mulf %get3A_1338, %get3A_1169 : vector<16xf32>
        %add3A_1340 = arith.addf %add3A_1335, %mul3A_1339 : vector<16xf32>
        %get3A_1341 = arith.index_cast %add3A_1326 : i32 to index
        %get3A_1342 = arith.constant 48 : index
        %get3A_1343 = tpu.vector_load %arg10[%get3A_1341, %get3A_1342] {strides = array<i32>} : memref<640x64xf32, #tpu.memory_space<vmem>>, vector<16xf32>,
        %mul3A_1344 = arith.mulf %get3A_1343, %get3A_1172 : vector<16xf32>
        %add3A_1345 = arith.addf %add3A_1340, %mul3A_1344 : vector<16xf32>
        %swap3A_1346 = arith.constant 96 : index
        %swap3A_1347 = tpu.vector_load %arg11[%swap3A_1346] {strides = array<i32>} : memref<256xf32, #tpu.memory_space<vmem>>, vector<16xf32>,
        tpu.vector_store %arg11[%swap3A_1346], %add3A_1345 {strides = array<i32>} : memref<256xf32, #tpu.memory_space<vmem>>, vector<16xf32>,
        %mul3A_1348 = arith.constant 80 : i32
        %mul3A_1349 = arith.muli %scan3A_1153, %mul3A_1348 : i32
        %add3A_1350 = arith.constant 7 : i32
        %add3A_1351 = arith.addi %mul3A_1349, %add3A_1350 : i32
        %get3A_1352 = arith.index_cast %add3A_1351 : i32 to index
        %get3A_1353 = arith.constant 0 : index
        %get3A_1354 = tpu.vector_load %arg10[%get3A_1352, %get3A_1353] {strides = array<i32>} : memref<640x64xf32, #tpu.memory_space<vmem>>, vector<16xf32>,
        %mul3A_1355 = arith.mulf %get3A_1354, %get3A_1163 : vector<16xf32>
        %get3A_1356 = arith.index_cast %add3A_1351 : i32 to index
        %get3A_1357 = arith.constant 16 : index
        %get3A_1358 = tpu.vector_load %arg10[%get3A_1356, %get3A_1357] {strides = array<i32>} : memref<640x64xf32, #tpu.memory_space<vmem>>, vector<16xf32>,
        %mul3A_1359 = arith.mulf %get3A_1358, %get3A_1166 : vector<16xf32>
        %add3A_1360 = arith.addf %mul3A_1355, %mul3A_1359 : vector<16xf32>
        %get3A_1361 = arith.index_cast %add3A_1351 : i32 to index
        %get3A_1362 = arith.constant 32 : index
        %get3A_1363 = tpu.vector_load %arg10[%get3A_1361, %get3A_1362] {strides = array<i32>} : memref<640x64xf32, #tpu.memory_space<vmem>>, vector<16xf32>,
        %mul3A_1364 = arith.mulf %get3A_1363, %get3A_1169 : vector<16xf32>
        %add3A_1365 = arith.addf %add3A_1360, %mul3A_1364 : vector<16xf32>
        %get3A_1366 = arith.index_cast %add3A_1351 : i32 to index
        %get3A_1367 = arith.constant 48 : index
        %get3A_1368 = tpu.vector_load %arg10[%get3A_1366, %get3A_1367] {strides = array<i32>} : memref<640x64xf32, #tpu.memory_space<vmem>>, vector<16xf32>,
        %mul3A_1369 = arith.mulf %get3A_1368, %get3A_1172 : vector<16xf32>
        %add3A_1370 = arith.addf %add3A_1365, %mul3A_1369 : vector<16xf32>
        %swap3A_1371 = arith.constant 112 : index
        %swap3A_1372 = tpu.vector_load %arg11[%swap3A_1371] {strides = array<i32>} : memref<256xf32, #tpu.memory_space<vmem>>, vector<16xf32>,
        tpu.vector_store %arg11[%swap3A_1371], %add3A_1370 {strides = array<i32>} : memref<256xf32, #tpu.memory_space<vmem>>, vector<16xf32>,
        %mul3A_1373 = arith.constant 80 : i32
        %mul3A_1374 = arith.muli %scan3A_1153, %mul3A_1373 : i32
        %add3A_1375 = arith.constant 8 : i32
        %add3A_1376 = arith.addi %mul3A_1374, %add3A_1375 : i32
        %get3A_1377 = arith.index_cast %add3A_1376 : i32 to index
        %get3A_1378 = arith.constant 0 : index
        %get3A_1379 = tpu.vector_load %arg10[%get3A_1377, %get3A_1378] {strides = array<i32>} : memref<640x64xf32, #tpu.memory_space<vmem>>, vector<16xf32>,
        %mul3A_1380 = arith.mulf %get3A_1379, %get3A_1163 : vector<16xf32>
        %get3A_1381 = arith.index_cast %add3A_1376 : i32 to index
        %get3A_1382 = arith.constant 16 : index
        %get3A_1383 = tpu.vector_load %arg10[%get3A_1381, %get3A_1382] {strides = array<i32>} : memref<640x64xf32, #tpu.memory_space<vmem>>, vector<16xf32>,
        %mul3A_1384 = arith.mulf %get3A_1383, %get3A_1166 : vector<16xf32>
        %add3A_1385 = arith.addf %mul3A_1380, %mul3A_1384 : vector<16xf32>
        %get3A_1386 = arith.index_cast %add3A_1376 : i32 to index
        %get3A_1387 = arith.constant 32 : index
        %get3A_1388 = tpu.vector_load %arg10[%get3A_1386, %get3A_1387] {strides = array<i32>} : memref<640x64xf32, #tpu.memory_space<vmem>>, vector<16xf32>,
        %mul3A_1389 = arith.mulf %get3A_1388, %get3A_1169 : vector<16xf32>
        %add3A_1390 = arith.addf %add3A_1385, %mul3A_1389 : vector<16xf32>
        %get3A_1391 = arith.index_cast %add3A_1376 : i32 to index
        %get3A_1392 = arith.constant 48 : index
        %get3A_1393 = tpu.vector_load %arg10[%get3A_1391, %get3A_1392] {strides = array<i32>} : memref<640x64xf32, #tpu.memory_space<vmem>>, vector<16xf32>,
        %mul3A_1394 = arith.mulf %get3A_1393, %get3A_1172 : vector<16xf32>
        %add3A_1395 = arith.addf %add3A_1390, %mul3A_1394 : vector<16xf32>
        %swap3A_1396 = arith.constant 128 : index
        %swap3A_1397 = tpu.vector_load %arg11[%swap3A_1396] {strides = array<i32>} : memref<256xf32, #tpu.memory_space<vmem>>, vector<16xf32>,
        tpu.vector_store %arg11[%swap3A_1396], %add3A_1395 {strides = array<i32>} : memref<256xf32, #tpu.memory_space<vmem>>, vector<16xf32>,
        %mul3A_1398 = arith.constant 80 : i32
        %mul3A_1399 = arith.muli %scan3A_1153, %mul3A_1398 : i32
        %add3A_1400 = arith.constant 9 : i32
        %add3A_1401 = arith.addi %mul3A_1399, %add3A_1400 : i32
        %get3A_1402 = arith.index_cast %add3A_1401 : i32 to index
        %get3A_1403 = arith.constant 0 : index
        %get3A_1404 = tpu.vector_load %arg10[%get3A_1402, %get3A_1403] {strides = array<i32>} : memref<640x64xf32, #tpu.memory_space<vmem>>, vector<16xf32>,
        %mul3A_1405 = arith.mulf %get3A_1404, %get3A_1163 : vector<16xf32>
        %get3A_1406 = arith.index_cast %add3A_1401 : i32 to index
        %get3A_1407 = arith.constant 16 : index
        %get3A_1408 = tpu.vector_load %arg10[%get3A_1406, %get3A_1407] {strides = array<i32>} : memref<640x64xf32, #tpu.memory_space<vmem>>, vector<16xf32>,
        %mul3A_1409 = arith.mulf %get3A_1408, %get3A_1166 : vector<16xf32>
        %add3A_1410 = arith.addf %mul3A_1405, %mul3A_1409 : vector<16xf32>
        %get3A_1411 = arith.index_cast %add3A_1401 : i32 to index
        %get3A_1412 = arith.constant 32 : index
        %get3A_1413 = tpu.vector_load %arg10[%get3A_1411, %get3A_1412] {strides = array<i32>} : memref<640x64xf32, #tpu.memory_space<vmem>>, vector<16xf32>,
        %mul3A_1414 = arith.mulf %get3A_1413, %get3A_1169 : vector<16xf32>
        %add3A_1415 = arith.addf %add3A_1410, %mul3A_1414 : vector<16xf32>
        %get3A_1416 = arith.index_cast %add3A_1401 : i32 to index
        %get3A_1417 = arith.constant 48 : index
        %get3A_1418 = tpu.vector_load %arg10[%get3A_1416, %get3A_1417] {strides = array<i32>} : memref<640x64xf32, #tpu.memory_space<vmem>>, vector<16xf32>,
        %mul3A_1419 = arith.mulf %get3A_1418, %get3A_1172 : vector<16xf32>
        %add3A_1420 = arith.addf %add3A_1415, %mul3A_1419 : vector<16xf32>
        %swap3A_1421 = arith.constant 144 : index
        %swap3A_1422 = tpu.vector_load %arg11[%swap3A_1421] {strides = array<i32>} : memref<256xf32, #tpu.memory_space<vmem>>, vector<16xf32>,
        tpu.vector_store %arg11[%swap3A_1421], %add3A_1420 {strides = array<i32>} : memref<256xf32, #tpu.memory_space<vmem>>, vector<16xf32>,
        %mul3A_1423 = arith.constant 80 : i32
        %mul3A_1424 = arith.muli %scan3A_1153, %mul3A_1423 : i32
        %add3A_1425 = arith.constant 10 : i32
        %add3A_1426 = arith.addi %mul3A_1424, %add3A_1425 : i32
        %get3A_1427 = arith.index_cast %add3A_1426 : i32 to index
        %get3A_1428 = arith.constant 0 : index
        %get3A_1429 = tpu.vector_load %arg10[%get3A_1427, %get3A_1428] {strides = array<i32>} : memref<640x64xf32, #tpu.memory_space<vmem>>, vector<16xf32>,
        %mul3A_1430 = arith.mulf %get3A_1429, %get3A_1163 : vector<16xf32>
        %get3A_1431 = arith.index_cast %add3A_1426 : i32 to index
        %get3A_1432 = arith.constant 16 : index
        %get3A_1433 = tpu.vector_load %arg10[%get3A_1431, %get3A_1432] {strides = array<i32>} : memref<640x64xf32, #tpu.memory_space<vmem>>, vector<16xf32>,
        %mul3A_1434 = arith.mulf %get3A_1433, %get3A_1166 : vector<16xf32>
        %add3A_1435 = arith.addf %mul3A_1430, %mul3A_1434 : vector<16xf32>
        %get3A_1436 = arith.index_cast %add3A_1426 : i32 to index
        %get3A_1437 = arith.constant 32 : index
        %get3A_1438 = tpu.vector_load %arg10[%get3A_1436, %get3A_1437] {strides = array<i32>} : memref<640x64xf32, #tpu.memory_space<vmem>>, vector<16xf32>,
        %mul3A_1439 = arith.mulf %get3A_1438, %get3A_1169 : vector<16xf32>
        %add3A_1440 = arith.addf %add3A_1435, %mul3A_1439 : vector<16xf32>
        %get3A_1441 = arith.index_cast %add3A_1426 : i32 to index
        %get3A_1442 = arith.constant 48 : index
        %get3A_1443 = tpu.vector_load %arg10[%get3A_1441, %get3A_1442] {strides = array<i32>} : memref<640x64xf32, #tpu.memory_space<vmem>>, vector<16xf32>,
        %mul3A_1444 = arith.mulf %get3A_1443, %get3A_1172 : vector<16xf32>
        %add3A_1445 = arith.addf %add3A_1440, %mul3A_1444 : vector<16xf32>
        %swap3A_1446 = arith.constant 160 : index
        %swap3A_1447 = tpu.vector_load %arg11[%swap3A_1446] {strides = array<i32>} : memref<256xf32, #tpu.memory_space<vmem>>, vector<16xf32>,
        tpu.vector_store %arg11[%swap3A_1446], %add3A_1445 {strides = array<i32>} : memref<256xf32, #tpu.memory_space<vmem>>, vector<16xf32>,
        %mul3A_1448 = arith.constant 80 : i32
        %mul3A_1449 = arith.muli %scan3A_1153, %mul3A_1448 : i32
        %add3A_1450 = arith.constant 11 : i32
        %add3A_1451 = arith.addi %mul3A_1449, %add3A_1450 : i32
        %get3A_1452 = arith.index_cast %add3A_1451 : i32 to index
        %get3A_1453 = arith.constant 0 : index
        %get3A_1454 = tpu.vector_load %arg10[%get3A_1452, %get3A_1453] {strides = array<i32>} : memref<640x64xf32, #tpu.memory_space<vmem>>, vector<16xf32>,
        %mul3A_1455 = arith.mulf %get3A_1454, %get3A_1163 : vector<16xf32>
        %get3A_1456 = arith.index_cast %add3A_1451 : i32 to index
        %get3A_1457 = arith.constant 16 : index
        %get3A_1458 = tpu.vector_load %arg10[%get3A_1456, %get3A_1457] {strides = array<i32>} : memref<640x64xf32, #tpu.memory_space<vmem>>, vector<16xf32>,
        %mul3A_1459 = arith.mulf %get3A_1458, %get3A_1166 : vector<16xf32>
        %add3A_1460 = arith.addf %mul3A_1455, %mul3A_1459 : vector<16xf32>
        %get3A_1461 = arith.index_cast %add3A_1451 : i32 to index
        %get3A_1462 = arith.constant 32 : index
        %get3A_1463 = tpu.vector_load %arg10[%get3A_1461, %get3A_1462] {strides = array<i32>} : memref<640x64xf32, #tpu.memory_space<vmem>>, vector<16xf32>,
        %mul3A_1464 = arith.mulf %get3A_1463, %get3A_1169 : vector<16xf32>
        %add3A_1465 = arith.addf %add3A_1460, %mul3A_1464 : vector<16xf32>
        %get3A_1466 = arith.index_cast %add3A_1451 : i32 to index
        %get3A_1467 = arith.constant 48 : index
        %get3A_1468 = tpu.vector_load %arg10[%get3A_1466, %get3A_1467] {strides = array<i32>} : memref<640x64xf32, #tpu.memory_space<vmem>>, vector<16xf32>,
        %mul3A_1469 = arith.mulf %get3A_1468, %get3A_1172 : vector<16xf32>
        %add3A_1470 = arith.addf %add3A_1465, %mul3A_1469 : vector<16xf32>
        %swap3A_1471 = arith.constant 176 : index
        %swap3A_1472 = tpu.vector_load %arg11[%swap3A_1471] {strides = array<i32>} : memref<256xf32, #tpu.memory_space<vmem>>, vector<16xf32>,
        tpu.vector_store %arg11[%swap3A_1471], %add3A_1470 {strides = array<i32>} : memref<256xf32, #tpu.memory_space<vmem>>, vector<16xf32>,
        %mul3A_1473 = arith.constant 80 : i32
        %mul3A_1474 = arith.muli %scan3A_1153, %mul3A_1473 : i32
        %add3A_1475 = arith.constant 12 : i32
        %add3A_1476 = arith.addi %mul3A_1474, %add3A_1475 : i32
        %get3A_1477 = arith.index_cast %add3A_1476 : i32 to index
        %get3A_1478 = arith.constant 0 : index
        %get3A_1479 = tpu.vector_load %arg10[%get3A_1477, %get3A_1478] {strides = array<i32>} : memref<640x64xf32, #tpu.memory_space<vmem>>, vector<16xf32>,
        %mul3A_1480 = arith.mulf %get3A_1479, %get3A_1163 : vector<16xf32>
        %get3A_1481 = arith.index_cast %add3A_1476 : i32 to index
        %get3A_1482 = arith.constant 16 : index
        %get3A_1483 = tpu.vector_load %arg10[%get3A_1481, %get3A_1482] {strides = array<i32>} : memref<640x64xf32, #tpu.memory_space<vmem>>, vector<16xf32>,
        %mul3A_1484 = arith.mulf %get3A_1483, %get3A_1166 : vector<16xf32>
        %add3A_1485 = arith.addf %mul3A_1480, %mul3A_1484 : vector<16xf32>
        %get3A_1486 = arith.index_cast %add3A_1476 : i32 to index
        %get3A_1487 = arith.constant 32 : index
        %get3A_1488 = tpu.vector_load %arg10[%get3A_1486, %get3A_1487] {strides = array<i32>} : memref<640x64xf32, #tpu.memory_space<vmem>>, vector<16xf32>,
        %mul3A_1489 = arith.mulf %get3A_1488, %get3A_1169 : vector<16xf32>
        %add3A_1490 = arith.addf %add3A_1485, %mul3A_1489 : vector<16xf32>
        %get3A_1491 = arith.index_cast %add3A_1476 : i32 to index
        %get3A_1492 = arith.constant 48 : index
        %get3A_1493 = tpu.vector_load %arg10[%get3A_1491, %get3A_1492] {strides = array<i32>} : memref<640x64xf32, #tpu.memory_space<vmem>>, vector<16xf32>,
        %mul3A_1494 = arith.mulf %get3A_1493, %get3A_1172 : vector<16xf32>
        %add3A_1495 = arith.addf %add3A_1490, %mul3A_1494 : vector<16xf32>
        %swap3A_1496 = arith.constant 192 : index
        %swap3A_1497 = tpu.vector_load %arg11[%swap3A_1496] {strides = array<i32>} : memref<256xf32, #tpu.memory_space<vmem>>, vector<16xf32>,
        tpu.vector_store %arg11[%swap3A_1496], %add3A_1495 {strides = array<i32>} : memref<256xf32, #tpu.memory_space<vmem>>, vector<16xf32>,
        %mul3A_1498 = arith.constant 80 : i32
        %mul3A_1499 = arith.muli %scan3A_1153, %mul3A_1498 : i32
        %add3A_1500 = arith.constant 13 : i32
        %add3A_1501 = arith.addi %mul3A_1499, %add3A_1500 : i32
        %get3A_1502 = arith.index_cast %add3A_1501 : i32 to index
        %get3A_1503 = arith.constant 0 : index
        %get3A_1504 = tpu.vector_load %arg10[%get3A_1502, %get3A_1503] {strides = array<i32>} : memref<640x64xf32, #tpu.memory_space<vmem>>, vector<16xf32>,
        %mul3A_1505 = arith.mulf %get3A_1504, %get3A_1163 : vector<16xf32>
        %get3A_1506 = arith.index_cast %add3A_1501 : i32 to index
        %get3A_1507 = arith.constant 16 : index
        %get3A_1508 = tpu.vector_load %arg10[%get3A_1506, %get3A_1507] {strides = array<i32>} : memref<640x64xf32, #tpu.memory_space<vmem>>, vector<16xf32>,
        %mul3A_1509 = arith.mulf %get3A_1508, %get3A_1166 : vector<16xf32>
        %add3A_1510 = arith.addf %mul3A_1505, %mul3A_1509 : vector<16xf32>
        %get3A_1511 = arith.index_cast %add3A_1501 : i32 to index
        %get3A_1512 = arith.constant 32 : index
        %get3A_1513 = tpu.vector_load %arg10[%get3A_1511, %get3A_1512] {strides = array<i32>} : memref<640x64xf32, #tpu.memory_space<vmem>>, vector<16xf32>,
        %mul3A_1514 = arith.mulf %get3A_1513, %get3A_1169 : vector<16xf32>
        %add3A_1515 = arith.addf %add3A_1510, %mul3A_1514 : vector<16xf32>
        %get3A_1516 = arith.index_cast %add3A_1501 : i32 to index
        %get3A_1517 = arith.constant 48 : index
        %get3A_1518 = tpu.vector_load %arg10[%get3A_1516, %get3A_1517] {strides = array<i32>} : memref<640x64xf32, #tpu.memory_space<vmem>>, vector<16xf32>,
        %mul3A_1519 = arith.mulf %get3A_1518, %get3A_1172 : vector<16xf32>
        %add3A_1520 = arith.addf %add3A_1515, %mul3A_1519 : vector<16xf32>
        %swap3A_1521 = arith.constant 208 : index
        %swap3A_1522 = tpu.vector_load %arg11[%swap3A_1521] {strides = array<i32>} : memref<256xf32, #tpu.memory_space<vmem>>, vector<16xf32>,
        tpu.vector_store %arg11[%swap3A_1521], %add3A_1520 {strides = array<i32>} : memref<256xf32, #tpu.memory_space<vmem>>, vector<16xf32>,
        %mul3A_1523 = arith.constant 80 : i32
        %mul3A_1524 = arith.muli %scan3A_1153, %mul3A_1523 : i32
        %add3A_1525 = arith.constant 14 : i32
        %add3A_1526 = arith.addi %mul3A_1524, %add3A_1525 : i32
        %get3A_1527 = arith.index_cast %add3A_1526 : i32 to index
        %get3A_1528 = arith.constant 0 : index
        %get3A_1529 = tpu.vector_load %arg10[%get3A_1527, %get3A_1528] {strides = array<i32>} : memref<640x64xf32, #tpu.memory_space<vmem>>, vector<16xf32>,
        %mul3A_1530 = arith.mulf %get3A_1529, %get3A_1163 : vector<16xf32>
        %get3A_1531 = arith.index_cast %add3A_1526 : i32 to index
        %get3A_1532 = arith.constant 16 : index
        %get3A_1533 = tpu.vector_load %arg10[%get3A_1531, %get3A_1532] {strides = array<i32>} : memref<640x64xf32, #tpu.memory_space<vmem>>, vector<16xf32>,
        %mul3A_1534 = arith.mulf %get3A_1533, %get3A_1166 : vector<16xf32>
        %add3A_1535 = arith.addf %mul3A_1530, %mul3A_1534 : vector<16xf32>
        %get3A_1536 = arith.index_cast %add3A_1526 : i32 to index
        %get3A_1537 = arith.constant 32 : index
        %get3A_1538 = tpu.vector_load %arg10[%get3A_1536, %get3A_1537] {strides = array<i32>} : memref<640x64xf32, #tpu.memory_space<vmem>>, vector<16xf32>,
        %mul3A_1539 = arith.mulf %get3A_1538, %get3A_1169 : vector<16xf32>
        %add3A_1540 = arith.addf %add3A_1535, %mul3A_1539 : vector<16xf32>
        %get3A_1541 = arith.index_cast %add3A_1526 : i32 to index
        %get3A_1542 = arith.constant 48 : index
        %get3A_1543 = tpu.vector_load %arg10[%get3A_1541, %get3A_1542] {strides = array<i32>} : memref<640x64xf32, #tpu.memory_space<vmem>>, vector<16xf32>,
        %mul3A_1544 = arith.mulf %get3A_1543, %get3A_1172 : vector<16xf32>
        %add3A_1545 = arith.addf %add3A_1540, %mul3A_1544 : vector<16xf32>
        %swap3A_1546 = arith.constant 224 : index
        %swap3A_1547 = tpu.vector_load %arg11[%swap3A_1546] {strides = array<i32>} : memref<256xf32, #tpu.memory_space<vmem>>, vector<16xf32>,
        tpu.vector_store %arg11[%swap3A_1546], %add3A_1545 {strides = array<i32>} : memref<256xf32, #tpu.memory_space<vmem>>, vector<16xf32>,
        %mul3A_1548 = arith.constant 80 : i32
        %mul3A_1549 = arith.muli %scan3A_1153, %mul3A_1548 : i32
        %add3A_1550 = arith.constant 15 : i32
        %add3A_1551 = arith.addi %mul3A_1549, %add3A_1550 : i32
        %get3A_1552 = arith.index_cast %add3A_1551 : i32 to index
        %get3A_1553 = arith.constant 0 : index
        %get3A_1554 = tpu.vector_load %arg10[%get3A_1552, %get3A_1553] {strides = array<i32>} : memref<640x64xf32, #tpu.memory_space<vmem>>, vector<16xf32>,
        %mul3A_1555 = arith.mulf %get3A_1554, %get3A_1163 : vector<16xf32>
        %get3A_1556 = arith.index_cast %add3A_1551 : i32 to index
        %get3A_1557 = arith.constant 16 : index
        %get3A_1558 = tpu.vector_load %arg10[%get3A_1556, %get3A_1557] {strides = array<i32>} : memref<640x64xf32, #tpu.memory_space<vmem>>, vector<16xf32>,
        %mul3A_1559 = arith.mulf %get3A_1558, %get3A_1166 : vector<16xf32>
        %add3A_1560 = arith.addf %mul3A_1555, %mul3A_1559 : vector<16xf32>
        %get3A_1561 = arith.index_cast %add3A_1551 : i32 to index
        %get3A_1562 = arith.constant 32 : index
        %get3A_1563 = tpu.vector_load %arg10[%get3A_1561, %get3A_1562] {strides = array<i32>} : memref<640x64xf32, #tpu.memory_space<vmem>>, vector<16xf32>,
        %mul3A_1564 = arith.mulf %get3A_1563, %get3A_1169 : vector<16xf32>
        %add3A_1565 = arith.addf %add3A_1560, %mul3A_1564 : vector<16xf32>
        %get3A_1566 = arith.index_cast %add3A_1551 : i32 to index
        %get3A_1567 = arith.constant 48 : index
        %get3A_1568 = tpu.vector_load %arg10[%get3A_1566, %get3A_1567] {strides = array<i32>} : memref<640x64xf32, #tpu.memory_space<vmem>>, vector<16xf32>,
        %mul3A_1569 = arith.mulf %get3A_1568, %get3A_1172 : vector<16xf32>
        %add3A_1570 = arith.addf %add3A_1565, %mul3A_1569 : vector<16xf32>
        %swap3A_1571 = arith.constant 240 : index
        %swap3A_1572 = tpu.vector_load %arg11[%swap3A_1571] {strides = array<i32>} : memref<256xf32, #tpu.memory_space<vmem>>, vector<16xf32>,
        tpu.vector_store %arg11[%swap3A_1571], %add3A_1570 {strides = array<i32>} : memref<256xf32, #tpu.memory_space<vmem>>, vector<16xf32>,
        %iota3A_1573 = tpu.iota {dimensions = array<i32: 0>} : vector<16xi32>
        %mul3A_1574 = arith.constant 16 : i32
        %mul3A_1575 = vector.broadcast %mul3A_1574 : i32 to vector<16xi32>
        %mul3A_1576 = arith.muli %iota3A_1573, %mul3A_1575 : vector<16xi32>
        %gather3A_1577 = tpu.vector_load_idx %arg11[%mul3A_1576] : memref<256xf32, #tpu.memory_space<vmem>>[vector<16xi32>], vector<16xf32>,
        %add3A_1578 = arith.constant 1 : i32
        %add3A_1579 = vector.broadcast %add3A_1578 : i32 to vector<16xi32>
        %add3A_1580 = arith.addi %mul3A_1576, %add3A_1579 : vector<16xi32>
        %gather3A_1581 = tpu.vector_load_idx %arg11[%add3A_1580] : memref<256xf32, #tpu.memory_space<vmem>>[vector<16xi32>], vector<16xf32>,
        %add3A_1582 = arith.addf %gather3A_1577, %gather3A_1581 : vector<16xf32>
        %add3A_1583 = arith.constant 2 : i32
        %add3A_1584 = vector.broadcast %add3A_1583 : i32 to vector<16xi32>
        %add3A_1585 = arith.addi %mul3A_1576, %add3A_1584 : vector<16xi32>
        %gather3A_1586 = tpu.vector_load_idx %arg11[%add3A_1585] : memref<256xf32, #tpu.memory_space<vmem>>[vector<16xi32>], vector<16xf32>,
        %add3A_1587 = arith.addf %add3A_1582, %gather3A_1586 : vector<16xf32>
        %add3A_1588 = arith.constant 3 : i32
        %add3A_1589 = vector.broadcast %add3A_1588 : i32 to vector<16xi32>
        %add3A_1590 = arith.addi %mul3A_1576, %add3A_1589 : vector<16xi32>
        %gather3A_1591 = tpu.vector_load_idx %arg11[%add3A_1590] : memref<256xf32, #tpu.memory_space<vmem>>[vector<16xi32>], vector<16xf32>,
        %add3A_1592 = arith.addf %add3A_1587, %gather3A_1591 : vector<16xf32>
        %add3A_1593 = arith.constant 4 : i32
        %add3A_1594 = vector.broadcast %add3A_1593 : i32 to vector<16xi32>
        %add3A_1595 = arith.addi %mul3A_1576, %add3A_1594 : vector<16xi32>
        %gather3A_1596 = tpu.vector_load_idx %arg11[%add3A_1595] : memref<256xf32, #tpu.memory_space<vmem>>[vector<16xi32>], vector<16xf32>,
        %add3A_1597 = arith.addf %add3A_1592, %gather3A_1596 : vector<16xf32>
        %add3A_1598 = arith.constant 5 : i32
        %add3A_1599 = vector.broadcast %add3A_1598 : i32 to vector<16xi32>
        %add3A_1600 = arith.addi %mul3A_1576, %add3A_1599 : vector<16xi32>
        %gather3A_1601 = tpu.vector_load_idx %arg11[%add3A_1600] : memref<256xf32, #tpu.memory_space<vmem>>[vector<16xi32>], vector<16xf32>,
        %add3A_1602 = arith.addf %add3A_1597, %gather3A_1601 : vector<16xf32>
        %add3A_1603 = arith.constant 6 : i32
        %add3A_1604 = vector.broadcast %add3A_1603 : i32 to vector<16xi32>
        %add3A_1605 = arith.addi %mul3A_1576, %add3A_1604 : vector<16xi32>
        %gather3A_1606 = tpu.vector_load_idx %arg11[%add3A_1605] : memref<256xf32, #tpu.memory_space<vmem>>[vector<16xi32>], vector<16xf32>,
        %add3A_1607 = arith.addf %add3A_1602, %gather3A_1606 : vector<16xf32>
        %add3A_1608 = arith.constant 7 : i32
        %add3A_1609 = vector.broadcast %add3A_1608 : i32 to vector<16xi32>
        %add3A_1610 = arith.addi %mul3A_1576, %add3A_1609 : vector<16xi32>
        %gather3A_1611 = tpu.vector_load_idx %arg11[%add3A_1610] : memref<256xf32, #tpu.memory_space<vmem>>[vector<16xi32>], vector<16xf32>,
        %add3A_1612 = arith.addf %add3A_1607, %gather3A_1611 : vector<16xf32>
        %add3A_1613 = arith.constant 8 : i32
        %add3A_1614 = vector.broadcast %add3A_1613 : i32 to vector<16xi32>
        %add3A_1615 = arith.addi %mul3A_1576, %add3A_1614 : vector<16xi32>
        %gather3A_1616 = tpu.vector_load_idx %arg11[%add3A_1615] : memref<256xf32, #tpu.memory_space<vmem>>[vector<16xi32>], vector<16xf32>,
        %add3A_1617 = arith.addf %add3A_1612, %gather3A_1616 : vector<16xf32>
        %add3A_1618 = arith.constant 9 : i32
        %add3A_1619 = vector.broadcast %add3A_1618 : i32 to vector<16xi32>
        %add3A_1620 = arith.addi %mul3A_1576, %add3A_1619 : vector<16xi32>
        %gather3A_1621 = tpu.vector_load_idx %arg11[%add3A_1620] : memref<256xf32, #tpu.memory_space<vmem>>[vector<16xi32>], vector<16xf32>,
        %add3A_1622 = arith.addf %add3A_1617, %gather3A_1621 : vector<16xf32>
        %add3A_1623 = arith.constant 10 : i32
        %add3A_1624 = vector.broadcast %add3A_1623 : i32 to vector<16xi32>
        %add3A_1625 = arith.addi %mul3A_1576, %add3A_1624 : vector<16xi32>
        %gather3A_1626 = tpu.vector_load_idx %arg11[%add3A_1625] : memref<256xf32, #tpu.memory_space<vmem>>[vector<16xi32>], vector<16xf32>,
        %add3A_1627 = arith.addf %add3A_1622, %gather3A_1626 : vector<16xf32>
        %add3A_1628 = arith.constant 11 : i32
        %add3A_1629 = vector.broadcast %add3A_1628 : i32 to vector<16xi32>
        %add3A_1630 = arith.addi %mul3A_1576, %add3A_1629 : vector<16xi32>
        %gather3A_1631 = tpu.vector_load_idx %arg11[%add3A_1630] : memref<256xf32, #tpu.memory_space<vmem>>[vector<16xi32>], vector<16xf32>,
        %add3A_1632 = arith.addf %add3A_1627, %gather3A_1631 : vector<16xf32>
        %add3A_1633 = arith.constant 12 : i32
        %add3A_1634 = vector.broadcast %add3A_1633 : i32 to vector<16xi32>
        %add3A_1635 = arith.addi %mul3A_1576, %add3A_1634 : vector<16xi32>
        %gather3A_1636 = tpu.vector_load_idx %arg11[%add3A_1635] : memref<256xf32, #tpu.memory_space<vmem>>[vector<16xi32>], vector<16xf32>,
        %add3A_1637 = arith.addf %add3A_1632, %gather3A_1636 : vector<16xf32>
        %add3A_1638 = arith.constant 13 : i32
        %add3A_1639 = vector.broadcast %add3A_1638 : i32 to vector<16xi32>
        %add3A_1640 = arith.addi %mul3A_1576, %add3A_1639 : vector<16xi32>
        %gather3A_1641 = tpu.vector_load_idx %arg11[%add3A_1640] : memref<256xf32, #tpu.memory_space<vmem>>[vector<16xi32>], vector<16xf32>,
        %add3A_1642 = arith.addf %add3A_1637, %gather3A_1641 : vector<16xf32>
        %add3A_1643 = arith.constant 14 : i32
        %add3A_1644 = vector.broadcast %add3A_1643 : i32 to vector<16xi32>
        %add3A_1645 = arith.addi %mul3A_1576, %add3A_1644 : vector<16xi32>
        %gather3A_1646 = tpu.vector_load_idx %arg11[%add3A_1645] : memref<256xf32, #tpu.memory_space<vmem>>[vector<16xi32>], vector<16xf32>,
        %add3A_1647 = arith.addf %add3A_1642, %gather3A_1646 : vector<16xf32>
        %add3A_1648 = arith.constant 15 : i32
        %add3A_1649 = vector.broadcast %add3A_1648 : i32 to vector<16xi32>
        %add3A_1650 = arith.addi %mul3A_1576, %add3A_1649 : vector<16xi32>
        %gather3A_1651 = tpu.vector_load_idx %arg11[%add3A_1650] : memref<256xf32, #tpu.memory_space<vmem>>[vector<16xi32>], vector<16xf32>,
        %add3A_1652 = arith.addf %add3A_1647, %gather3A_1651 : vector<16xf32>
        %abs3A_1653 = math.absf %add3A_1652 : vector<16xf32>
        %neg3A_1654 = arith.constant 0.000000e+00 : f32
        %neg3A_1655 = vector.broadcast %neg3A_1654 : f32 to vector<16xf32>
        %neg3A_1656 = arith.subf %neg3A_1655, %abs3A_1653 : vector<16xf32>
        %exp3A_1657 = math.exp %neg3A_1656 : vector<16xf32>
        %add3A_1658 = arith.constant 2.000000e+00 : f32
        %add3A_1659 = vector.broadcast %add3A_1658 : f32 to vector<16xf32>
        %add3A_1660 = arith.addf %add3A_1659, %exp3A_1657 : vector<16xf32>
        %div3A_1661 = arith.divf %exp3A_1657, %add3A_1660 : vector<16xf32>
        %mul3A_1662 = arith.mulf %div3A_1661, %div3A_1661 : vector<16xf32>
        %mul3A_1663 = arith.constant 0.111111112 : f32
        %mul3A_1664 = vector.broadcast %mul3A_1663 : f32 to vector<16xf32>
        %mul3A_1665 = arith.mulf %mul3A_1662, %mul3A_1664 : vector<16xf32>
        %add3A_1666 = arith.constant 0.142857149 : f32
        %add3A_1667 = vector.broadcast %add3A_1666 : f32 to vector<16xf32>
        %add3A_1668 = arith.addf %add3A_1667, %mul3A_1665 : vector<16xf32>
        %mul3A_1669 = arith.mulf %mul3A_1662, %add3A_1668 : vector<16xf32>
        %add3A_1670 = arith.constant 2.000000e-01 : f32
        %add3A_1671 = vector.broadcast %add3A_1670 : f32 to vector<16xf32>
        %add3A_1672 = arith.addf %add3A_1671, %mul3A_1669 : vector<16xf32>
        %mul3A_1673 = arith.mulf %mul3A_1662, %add3A_1672 : vector<16xf32>
        %add3A_1674 = arith.constant 0.333333343 : f32
        %add3A_1675 = vector.broadcast %add3A_1674 : f32 to vector<16xf32>
        %add3A_1676 = arith.addf %add3A_1675, %mul3A_1673 : vector<16xf32>
        %mul3A_1677 = arith.mulf %mul3A_1662, %add3A_1676 : vector<16xf32>
        %add3A_1678 = arith.constant 1.000000e+00 : f32
        %add3A_1679 = vector.broadcast %add3A_1678 : f32 to vector<16xf32>
        %add3A_1680 = arith.addf %add3A_1679, %mul3A_1677 : vector<16xf32>
        %min3A_1681 = arith.constant 0.000000e+00 : f32
        %min3A_1682 = vector.broadcast %min3A_1681 : f32 to vector<16xf32>
        %min3A_1683 = arith.minimumf %add3A_1652, %min3A_1682 : vector<16xf32>
        %mul3A_1684 = arith.constant 2.000000e+00 : f32
        %mul3A_1685 = vector.broadcast %mul3A_1684 : f32 to vector<16xf32>
        %mul3A_1686 = arith.mulf %mul3A_1685, %div3A_1661 : vector<16xf32>
        %mul3A_1687 = arith.mulf %mul3A_1686, %add3A_1680 : vector<16xf32>
        %sub3A_1688 = arith.subf %min3A_1683, %mul3A_1687 : vector<16xf32>
        %add3A_1689 = arith.addf %get3A_1156, %sub3A_1688 : vector<16xf32>
        %mul3A_1690 = arith.constant 80 : i32
        %mul3A_1691 = arith.muli %scan3A_1153, %mul3A_1690 : i32
        %add3A_1692 = arith.constant 16 : i32
        %add3A_1693 = arith.addi %mul3A_1691, %add3A_1692 : i32
        %get3A_1694 = arith.index_cast %add3A_1693 : i32 to index
        %get3A_1695 = arith.constant 0 : index
        %get3A_1696 = tpu.vector_load %arg10[%get3A_1694, %get3A_1695] {strides = array<i32>} : memref<640x64xf32, #tpu.memory_space<vmem>>, vector<16xf32>,
        %mul3A_1697 = arith.mulf %get3A_1696, %get3A_1163 : vector<16xf32>
        %get3A_1698 = arith.index_cast %add3A_1693 : i32 to index
        %get3A_1699 = arith.constant 16 : index
        %get3A_1700 = tpu.vector_load %arg10[%get3A_1698, %get3A_1699] {strides = array<i32>} : memref<640x64xf32, #tpu.memory_space<vmem>>, vector<16xf32>,
        %mul3A_1701 = arith.mulf %get3A_1700, %get3A_1166 : vector<16xf32>
        %add3A_1702 = arith.addf %mul3A_1697, %mul3A_1701 : vector<16xf32>
        %get3A_1703 = arith.index_cast %add3A_1693 : i32 to index
        %get3A_1704 = arith.constant 32 : index
        %get3A_1705 = tpu.vector_load %arg10[%get3A_1703, %get3A_1704] {strides = array<i32>} : memref<640x64xf32, #tpu.memory_space<vmem>>, vector<16xf32>,
        %mul3A_1706 = arith.mulf %get3A_1705, %get3A_1169 : vector<16xf32>
        %add3A_1707 = arith.addf %add3A_1702, %mul3A_1706 : vector<16xf32>
        %get3A_1708 = arith.index_cast %add3A_1693 : i32 to index
        %get3A_1709 = arith.constant 48 : index
        %get3A_1710 = tpu.vector_load %arg10[%get3A_1708, %get3A_1709] {strides = array<i32>} : memref<640x64xf32, #tpu.memory_space<vmem>>, vector<16xf32>,
        %mul3A_1711 = arith.mulf %get3A_1710, %get3A_1172 : vector<16xf32>
        %add3A_1712 = arith.addf %add3A_1707, %mul3A_1711 : vector<16xf32>
        %swap3A_1713 = arith.constant 0 : index
        %swap3A_1714 = tpu.vector_load %arg11[%swap3A_1713] {strides = array<i32>} : memref<256xf32, #tpu.memory_space<vmem>>, vector<16xf32>,
        tpu.vector_store %arg11[%swap3A_1713], %add3A_1712 {strides = array<i32>} : memref<256xf32, #tpu.memory_space<vmem>>, vector<16xf32>,
        %mul3A_1715 = arith.constant 80 : i32
        %mul3A_1716 = arith.muli %scan3A_1153, %mul3A_1715 : i32
        %add3A_1717 = arith.constant 17 : i32
        %add3A_1718 = arith.addi %mul3A_1716, %add3A_1717 : i32
        %get3A_1719 = arith.index_cast %add3A_1718 : i32 to index
        %get3A_1720 = arith.constant 0 : index
        %get3A_1721 = tpu.vector_load %arg10[%get3A_1719, %get3A_1720] {strides = array<i32>} : memref<640x64xf32, #tpu.memory_space<vmem>>, vector<16xf32>,
        %mul3A_1722 = arith.mulf %get3A_1721, %get3A_1163 : vector<16xf32>
        %get3A_1723 = arith.index_cast %add3A_1718 : i32 to index
        %get3A_1724 = arith.constant 16 : index
        %get3A_1725 = tpu.vector_load %arg10[%get3A_1723, %get3A_1724] {strides = array<i32>} : memref<640x64xf32, #tpu.memory_space<vmem>>, vector<16xf32>,
        %mul3A_1726 = arith.mulf %get3A_1725, %get3A_1166 : vector<16xf32>
        %add3A_1727 = arith.addf %mul3A_1722, %mul3A_1726 : vector<16xf32>
        %get3A_1728 = arith.index_cast %add3A_1718 : i32 to index
        %get3A_1729 = arith.constant 32 : index
        %get3A_1730 = tpu.vector_load %arg10[%get3A_1728, %get3A_1729] {strides = array<i32>} : memref<640x64xf32, #tpu.memory_space<vmem>>, vector<16xf32>,
        %mul3A_1731 = arith.mulf %get3A_1730, %get3A_1169 : vector<16xf32>
        %add3A_1732 = arith.addf %add3A_1727, %mul3A_1731 : vector<16xf32>
        %get3A_1733 = arith.index_cast %add3A_1718 : i32 to index
        %get3A_1734 = arith.constant 48 : index
        %get3A_1735 = tpu.vector_load %arg10[%get3A_1733, %get3A_1734] {strides = array<i32>} : memref<640x64xf32, #tpu.memory_space<vmem>>, vector<16xf32>,
        %mul3A_1736 = arith.mulf %get3A_1735, %get3A_1172 : vector<16xf32>
        %add3A_1737 = arith.addf %add3A_1732, %mul3A_1736 : vector<16xf32>
        %swap3A_1738 = arith.constant 16 : index
        %swap3A_1739 = tpu.vector_load %arg11[%swap3A_1738] {strides = array<i32>} : memref<256xf32, #tpu.memory_space<vmem>>, vector<16xf32>,
        tpu.vector_store %arg11[%swap3A_1738], %add3A_1737 {strides = array<i32>} : memref<256xf32, #tpu.memory_space<vmem>>, vector<16xf32>,
        %mul3A_1740 = arith.constant 80 : i32
        %mul3A_1741 = arith.muli %scan3A_1153, %mul3A_1740 : i32
        %add3A_1742 = arith.constant 18 : i32
        %add3A_1743 = arith.addi %mul3A_1741, %add3A_1742 : i32
        %get3A_1744 = arith.index_cast %add3A_1743 : i32 to index
        %get3A_1745 = arith.constant 0 : index
        %get3A_1746 = tpu.vector_load %arg10[%get3A_1744, %get3A_1745] {strides = array<i32>} : memref<640x64xf32, #tpu.memory_space<vmem>>, vector<16xf32>,
        %mul3A_1747 = arith.mulf %get3A_1746, %get3A_1163 : vector<16xf32>
        %get3A_1748 = arith.index_cast %add3A_1743 : i32 to index
        %get3A_1749 = arith.constant 16 : index
        %get3A_1750 = tpu.vector_load %arg10[%get3A_1748, %get3A_1749] {strides = array<i32>} : memref<640x64xf32, #tpu.memory_space<vmem>>, vector<16xf32>,
        %mul3A_1751 = arith.mulf %get3A_1750, %get3A_1166 : vector<16xf32>
        %add3A_1752 = arith.addf %mul3A_1747, %mul3A_1751 : vector<16xf32>
        %get3A_1753 = arith.index_cast %add3A_1743 : i32 to index
        %get3A_1754 = arith.constant 32 : index
        %get3A_1755 = tpu.vector_load %arg10[%get3A_1753, %get3A_1754] {strides = array<i32>} : memref<640x64xf32, #tpu.memory_space<vmem>>, vector<16xf32>,
        %mul3A_1756 = arith.mulf %get3A_1755, %get3A_1169 : vector<16xf32>
        %add3A_1757 = arith.addf %add3A_1752, %mul3A_1756 : vector<16xf32>
        %get3A_1758 = arith.index_cast %add3A_1743 : i32 to index
        %get3A_1759 = arith.constant 48 : index
        %get3A_1760 = tpu.vector_load %arg10[%get3A_1758, %get3A_1759] {strides = array<i32>} : memref<640x64xf32, #tpu.memory_space<vmem>>, vector<16xf32>,
        %mul3A_1761 = arith.mulf %get3A_1760, %get3A_1172 : vector<16xf32>
        %add3A_1762 = arith.addf %add3A_1757, %mul3A_1761 : vector<16xf32>
        %swap3A_1763 = arith.constant 32 : index
        %swap3A_1764 = tpu.vector_load %arg11[%swap3A_1763] {strides = array<i32>} : memref<256xf32, #tpu.memory_space<vmem>>, vector<16xf32>,
        tpu.vector_store %arg11[%swap3A_1763], %add3A_1762 {strides = array<i32>} : memref<256xf32, #tpu.memory_space<vmem>>, vector<16xf32>,
        %mul3A_1765 = arith.constant 80 : i32
        %mul3A_1766 = arith.muli %scan3A_1153, %mul3A_1765 : i32
        %add3A_1767 = arith.constant 19 : i32
        %add3A_1768 = arith.addi %mul3A_1766, %add3A_1767 : i32
        %get3A_1769 = arith.index_cast %add3A_1768 : i32 to index
        %get3A_1770 = arith.constant 0 : index
        %get3A_1771 = tpu.vector_load %arg10[%get3A_1769, %get3A_1770] {strides = array<i32>} : memref<640x64xf32, #tpu.memory_space<vmem>>, vector<16xf32>,
        %mul3A_1772 = arith.mulf %get3A_1771, %get3A_1163 : vector<16xf32>
        %get3A_1773 = arith.index_cast %add3A_1768 : i32 to index
        %get3A_1774 = arith.constant 16 : index
        %get3A_1775 = tpu.vector_load %arg10[%get3A_1773, %get3A_1774] {strides = array<i32>} : memref<640x64xf32, #tpu.memory_space<vmem>>, vector<16xf32>,
        %mul3A_1776 = arith.mulf %get3A_1775, %get3A_1166 : vector<16xf32>
        %add3A_1777 = arith.addf %mul3A_1772, %mul3A_1776 : vector<16xf32>
        %get3A_1778 = arith.index_cast %add3A_1768 : i32 to index
        %get3A_1779 = arith.constant 32 : index
        %get3A_1780 = tpu.vector_load %arg10[%get3A_1778, %get3A_1779] {strides = array<i32>} : memref<640x64xf32, #tpu.memory_space<vmem>>, vector<16xf32>,
        %mul3A_1781 = arith.mulf %get3A_1780, %get3A_1169 : vector<16xf32>
        %add3A_1782 = arith.addf %add3A_1777, %mul3A_1781 : vector<16xf32>
        %get3A_1783 = arith.index_cast %add3A_1768 : i32 to index
        %get3A_1784 = arith.constant 48 : index
        %get3A_1785 = tpu.vector_load %arg10[%get3A_1783, %get3A_1784] {strides = array<i32>} : memref<640x64xf32, #tpu.memory_space<vmem>>, vector<16xf32>,
        %mul3A_1786 = arith.mulf %get3A_1785, %get3A_1172 : vector<16xf32>
        %add3A_1787 = arith.addf %add3A_1782, %mul3A_1786 : vector<16xf32>
        %swap3A_1788 = arith.constant 48 : index
        %swap3A_1789 = tpu.vector_load %arg11[%swap3A_1788] {strides = array<i32>} : memref<256xf32, #tpu.memory_space<vmem>>, vector<16xf32>,
        tpu.vector_store %arg11[%swap3A_1788], %add3A_1787 {strides = array<i32>} : memref<256xf32, #tpu.memory_space<vmem>>, vector<16xf32>,
        %mul3A_1790 = arith.constant 4 : i32
        %mul3A_1791 = arith.muli %scan3A_1153, %mul3A_1790 : i32
        %add3A_1792 = arith.constant 1 : i32
        %add3A_1793 = arith.addi %mul3A_1791, %add3A_1792 : i32
        %get3A_1794 = arith.index_cast %add3A_1793 : i32 to index
        %get3A_1795 = arith.constant 0 : index
        %get3A_1796 = tpu.vector_load %arg9[%get3A_1794, %get3A_1795] {strides = array<i32>} : memref<32x64xf32, #tpu.memory_space<vmem>>, vector<16xf32>,
        %get3A_1797 = arith.index_cast %add3A_1793 : i32 to index
        %get3A_1798 = arith.constant 16 : index
        %get3A_1799 = tpu.vector_load %arg9[%get3A_1797, %get3A_1798] {strides = array<i32>} : memref<32x64xf32, #tpu.memory_space<vmem>>, vector<16xf32>,
        %get3A_1800 = arith.index_cast %add3A_1793 : i32 to index
        %get3A_1801 = arith.constant 32 : index
        %get3A_1802 = tpu.vector_load %arg9[%get3A_1800, %get3A_1801] {strides = array<i32>} : memref<32x64xf32, #tpu.memory_space<vmem>>, vector<16xf32>,
        %get3A_1803 = arith.index_cast %add3A_1793 : i32 to index
        %get3A_1804 = arith.constant 48 : index
        %get3A_1805 = tpu.vector_load %arg9[%get3A_1803, %get3A_1804] {strides = array<i32>} : memref<32x64xf32, #tpu.memory_space<vmem>>, vector<16xf32>,
        %mul3A_1806 = arith.constant 80 : i32
        %mul3A_1807 = arith.muli %scan3A_1153, %mul3A_1806 : i32
        %add3A_1808 = arith.constant 20 : i32
        %add3A_1809 = arith.addi %mul3A_1807, %add3A_1808 : i32
        %get3A_1810 = arith.index_cast %add3A_1809 : i32 to index
        %get3A_1811 = arith.constant 0 : index
        %get3A_1812 = tpu.vector_load %arg10[%get3A_1810, %get3A_1811] {strides = array<i32>} : memref<640x64xf32, #tpu.memory_space<vmem>>, vector<16xf32>,
        %mul3A_1813 = arith.mulf %get3A_1812, %get3A_1796 : vector<16xf32>
        %get3A_1814 = arith.index_cast %add3A_1809 : i32 to index
        %get3A_1815 = arith.constant 16 : index
        %get3A_1816 = tpu.vector_load %arg10[%get3A_1814, %get3A_1815] {strides = array<i32>} : memref<640x64xf32, #tpu.memory_space<vmem>>, vector<16xf32>,
        %mul3A_1817 = arith.mulf %get3A_1816, %get3A_1799 : vector<16xf32>
        %add3A_1818 = arith.addf %mul3A_1813, %mul3A_1817 : vector<16xf32>
        %get3A_1819 = arith.index_cast %add3A_1809 : i32 to index
        %get3A_1820 = arith.constant 32 : index
        %get3A_1821 = tpu.vector_load %arg10[%get3A_1819, %get3A_1820] {strides = array<i32>} : memref<640x64xf32, #tpu.memory_space<vmem>>, vector<16xf32>,
        %mul3A_1822 = arith.mulf %get3A_1821, %get3A_1802 : vector<16xf32>
        %add3A_1823 = arith.addf %add3A_1818, %mul3A_1822 : vector<16xf32>
        %get3A_1824 = arith.index_cast %add3A_1809 : i32 to index
        %get3A_1825 = arith.constant 48 : index
        %get3A_1826 = tpu.vector_load %arg10[%get3A_1824, %get3A_1825] {strides = array<i32>} : memref<640x64xf32, #tpu.memory_space<vmem>>, vector<16xf32>,
        %mul3A_1827 = arith.mulf %get3A_1826, %get3A_1805 : vector<16xf32>
        %add3A_1828 = arith.addf %add3A_1823, %mul3A_1827 : vector<16xf32>
        %swap3A_1829 = arith.constant 64 : index
        %swap3A_1830 = tpu.vector_load %arg11[%swap3A_1829] {strides = array<i32>} : memref<256xf32, #tpu.memory_space<vmem>>, vector<16xf32>,
        tpu.vector_store %arg11[%swap3A_1829], %add3A_1828 {strides = array<i32>} : memref<256xf32, #tpu.memory_space<vmem>>, vector<16xf32>,
        %mul3A_1831 = arith.constant 80 : i32
        %mul3A_1832 = arith.muli %scan3A_1153, %mul3A_1831 : i32
        %add3A_1833 = arith.constant 21 : i32
        %add3A_1834 = arith.addi %mul3A_1832, %add3A_1833 : i32
        %get3A_1835 = arith.index_cast %add3A_1834 : i32 to index
        %get3A_1836 = arith.constant 0 : index
        %get3A_1837 = tpu.vector_load %arg10[%get3A_1835, %get3A_1836] {strides = array<i32>} : memref<640x64xf32, #tpu.memory_space<vmem>>, vector<16xf32>,
        %mul3A_1838 = arith.mulf %get3A_1837, %get3A_1796 : vector<16xf32>
        %get3A_1839 = arith.index_cast %add3A_1834 : i32 to index
        %get3A_1840 = arith.constant 16 : index
        %get3A_1841 = tpu.vector_load %arg10[%get3A_1839, %get3A_1840] {strides = array<i32>} : memref<640x64xf32, #tpu.memory_space<vmem>>, vector<16xf32>,
        %mul3A_1842 = arith.mulf %get3A_1841, %get3A_1799 : vector<16xf32>
        %add3A_1843 = arith.addf %mul3A_1838, %mul3A_1842 : vector<16xf32>
        %get3A_1844 = arith.index_cast %add3A_1834 : i32 to index
        %get3A_1845 = arith.constant 32 : index
        %get3A_1846 = tpu.vector_load %arg10[%get3A_1844, %get3A_1845] {strides = array<i32>} : memref<640x64xf32, #tpu.memory_space<vmem>>, vector<16xf32>,
        %mul3A_1847 = arith.mulf %get3A_1846, %get3A_1802 : vector<16xf32>
        %add3A_1848 = arith.addf %add3A_1843, %mul3A_1847 : vector<16xf32>
        %get3A_1849 = arith.index_cast %add3A_1834 : i32 to index
        %get3A_1850 = arith.constant 48 : index
        %get3A_1851 = tpu.vector_load %arg10[%get3A_1849, %get3A_1850] {strides = array<i32>} : memref<640x64xf32, #tpu.memory_space<vmem>>, vector<16xf32>,
        %mul3A_1852 = arith.mulf %get3A_1851, %get3A_1805 : vector<16xf32>
        %add3A_1853 = arith.addf %add3A_1848, %mul3A_1852 : vector<16xf32>
        %swap3A_1854 = arith.constant 80 : index
        %swap3A_1855 = tpu.vector_load %arg11[%swap3A_1854] {strides = array<i32>} : memref<256xf32, #tpu.memory_space<vmem>>, vector<16xf32>,
        tpu.vector_store %arg11[%swap3A_1854], %add3A_1853 {strides = array<i32>} : memref<256xf32, #tpu.memory_space<vmem>>, vector<16xf32>,
        %mul3A_1856 = arith.constant 80 : i32
        %mul3A_1857 = arith.muli %scan3A_1153, %mul3A_1856 : i32
        %add3A_1858 = arith.constant 22 : i32
        %add3A_1859 = arith.addi %mul3A_1857, %add3A_1858 : i32
        %get3A_1860 = arith.index_cast %add3A_1859 : i32 to index
        %get3A_1861 = arith.constant 0 : index
        %get3A_1862 = tpu.vector_load %arg10[%get3A_1860, %get3A_1861] {strides = array<i32>} : memref<640x64xf32, #tpu.memory_space<vmem>>, vector<16xf32>,
        %mul3A_1863 = arith.mulf %get3A_1862, %get3A_1796 : vector<16xf32>
        %get3A_1864 = arith.index_cast %add3A_1859 : i32 to index
        %get3A_1865 = arith.constant 16 : index
        %get3A_1866 = tpu.vector_load %arg10[%get3A_1864, %get3A_1865] {strides = array<i32>} : memref<640x64xf32, #tpu.memory_space<vmem>>, vector<16xf32>,
        %mul3A_1867 = arith.mulf %get3A_1866, %get3A_1799 : vector<16xf32>
        %add3A_1868 = arith.addf %mul3A_1863, %mul3A_1867 : vector<16xf32>
        %get3A_1869 = arith.index_cast %add3A_1859 : i32 to index
        %get3A_1870 = arith.constant 32 : index
        %get3A_1871 = tpu.vector_load %arg10[%get3A_1869, %get3A_1870] {strides = array<i32>} : memref<640x64xf32, #tpu.memory_space<vmem>>, vector<16xf32>,
        %mul3A_1872 = arith.mulf %get3A_1871, %get3A_1802 : vector<16xf32>
        %add3A_1873 = arith.addf %add3A_1868, %mul3A_1872 : vector<16xf32>
        %get3A_1874 = arith.index_cast %add3A_1859 : i32 to index
        %get3A_1875 = arith.constant 48 : index
        %get3A_1876 = tpu.vector_load %arg10[%get3A_1874, %get3A_1875] {strides = array<i32>} : memref<640x64xf32, #tpu.memory_space<vmem>>, vector<16xf32>,
        %mul3A_1877 = arith.mulf %get3A_1876, %get3A_1805 : vector<16xf32>
        %add3A_1878 = arith.addf %add3A_1873, %mul3A_1877 : vector<16xf32>
        %swap3A_1879 = arith.constant 96 : index
        %swap3A_1880 = tpu.vector_load %arg11[%swap3A_1879] {strides = array<i32>} : memref<256xf32, #tpu.memory_space<vmem>>, vector<16xf32>,
        tpu.vector_store %arg11[%swap3A_1879], %add3A_1878 {strides = array<i32>} : memref<256xf32, #tpu.memory_space<vmem>>, vector<16xf32>,
        %mul3A_1881 = arith.constant 80 : i32
        %mul3A_1882 = arith.muli %scan3A_1153, %mul3A_1881 : i32
        %add3A_1883 = arith.constant 23 : i32
        %add3A_1884 = arith.addi %mul3A_1882, %add3A_1883 : i32
        %get3A_1885 = arith.index_cast %add3A_1884 : i32 to index
        %get3A_1886 = arith.constant 0 : index
        %get3A_1887 = tpu.vector_load %arg10[%get3A_1885, %get3A_1886] {strides = array<i32>} : memref<640x64xf32, #tpu.memory_space<vmem>>, vector<16xf32>,
        %mul3A_1888 = arith.mulf %get3A_1887, %get3A_1796 : vector<16xf32>
        %get3A_1889 = arith.index_cast %add3A_1884 : i32 to index
        %get3A_1890 = arith.constant 16 : index
        %get3A_1891 = tpu.vector_load %arg10[%get3A_1889, %get3A_1890] {strides = array<i32>} : memref<640x64xf32, #tpu.memory_space<vmem>>, vector<16xf32>,
        %mul3A_1892 = arith.mulf %get3A_1891, %get3A_1799 : vector<16xf32>
        %add3A_1893 = arith.addf %mul3A_1888, %mul3A_1892 : vector<16xf32>
        %get3A_1894 = arith.index_cast %add3A_1884 : i32 to index
        %get3A_1895 = arith.constant 32 : index
        %get3A_1896 = tpu.vector_load %arg10[%get3A_1894, %get3A_1895] {strides = array<i32>} : memref<640x64xf32, #tpu.memory_space<vmem>>, vector<16xf32>,
        %mul3A_1897 = arith.mulf %get3A_1896, %get3A_1802 : vector<16xf32>
        %add3A_1898 = arith.addf %add3A_1893, %mul3A_1897 : vector<16xf32>
        %get3A_1899 = arith.index_cast %add3A_1884 : i32 to index
        %get3A_1900 = arith.constant 48 : index
        %get3A_1901 = tpu.vector_load %arg10[%get3A_1899, %get3A_1900] {strides = array<i32>} : memref<640x64xf32, #tpu.memory_space<vmem>>, vector<16xf32>,
        %mul3A_1902 = arith.mulf %get3A_1901, %get3A_1805 : vector<16xf32>
        %add3A_1903 = arith.addf %add3A_1898, %mul3A_1902 : vector<16xf32>
        %swap3A_1904 = arith.constant 112 : index
        %swap3A_1905 = tpu.vector_load %arg11[%swap3A_1904] {strides = array<i32>} : memref<256xf32, #tpu.memory_space<vmem>>, vector<16xf32>,
        tpu.vector_store %arg11[%swap3A_1904], %add3A_1903 {strides = array<i32>} : memref<256xf32, #tpu.memory_space<vmem>>, vector<16xf32>,
        %mul3A_1906 = arith.constant 80 : i32
        %mul3A_1907 = arith.muli %scan3A_1153, %mul3A_1906 : i32
        %add3A_1908 = arith.constant 24 : i32
        %add3A_1909 = arith.addi %mul3A_1907, %add3A_1908 : i32
        %get3A_1910 = arith.index_cast %add3A_1909 : i32 to index
        %get3A_1911 = arith.constant 0 : index
        %get3A_1912 = tpu.vector_load %arg10[%get3A_1910, %get3A_1911] {strides = array<i32>} : memref<640x64xf32, #tpu.memory_space<vmem>>, vector<16xf32>,
        %mul3A_1913 = arith.mulf %get3A_1912, %get3A_1796 : vector<16xf32>
        %get3A_1914 = arith.index_cast %add3A_1909 : i32 to index
        %get3A_1915 = arith.constant 16 : index
        %get3A_1916 = tpu.vector_load %arg10[%get3A_1914, %get3A_1915] {strides = array<i32>} : memref<640x64xf32, #tpu.memory_space<vmem>>, vector<16xf32>,
        %mul3A_1917 = arith.mulf %get3A_1916, %get3A_1799 : vector<16xf32>
        %add3A_1918 = arith.addf %mul3A_1913, %mul3A_1917 : vector<16xf32>
        %get3A_1919 = arith.index_cast %add3A_1909 : i32 to index
        %get3A_1920 = arith.constant 32 : index
        %get3A_1921 = tpu.vector_load %arg10[%get3A_1919, %get3A_1920] {strides = array<i32>} : memref<640x64xf32, #tpu.memory_space<vmem>>, vector<16xf32>,
        %mul3A_1922 = arith.mulf %get3A_1921, %get3A_1802 : vector<16xf32>
        %add3A_1923 = arith.addf %add3A_1918, %mul3A_1922 : vector<16xf32>
        %get3A_1924 = arith.index_cast %add3A_1909 : i32 to index
        %get3A_1925 = arith.constant 48 : index
        %get3A_1926 = tpu.vector_load %arg10[%get3A_1924, %get3A_1925] {strides = array<i32>} : memref<640x64xf32, #tpu.memory_space<vmem>>, vector<16xf32>,
        %mul3A_1927 = arith.mulf %get3A_1926, %get3A_1805 : vector<16xf32>
        %add3A_1928 = arith.addf %add3A_1923, %mul3A_1927 : vector<16xf32>
        %swap3A_1929 = arith.constant 128 : index
        %swap3A_1930 = tpu.vector_load %arg11[%swap3A_1929] {strides = array<i32>} : memref<256xf32, #tpu.memory_space<vmem>>, vector<16xf32>,
        tpu.vector_store %arg11[%swap3A_1929], %add3A_1928 {strides = array<i32>} : memref<256xf32, #tpu.memory_space<vmem>>, vector<16xf32>,
        %mul3A_1931 = arith.constant 80 : i32
        %mul3A_1932 = arith.muli %scan3A_1153, %mul3A_1931 : i32
        %add3A_1933 = arith.constant 25 : i32
        %add3A_1934 = arith.addi %mul3A_1932, %add3A_1933 : i32
        %get3A_1935 = arith.index_cast %add3A_1934 : i32 to index
        %get3A_1936 = arith.constant 0 : index
        %get3A_1937 = tpu.vector_load %arg10[%get3A_1935, %get3A_1936] {strides = array<i32>} : memref<640x64xf32, #tpu.memory_space<vmem>>, vector<16xf32>,
        %mul3A_1938 = arith.mulf %get3A_1937, %get3A_1796 : vector<16xf32>
        %get3A_1939 = arith.index_cast %add3A_1934 : i32 to index
        %get3A_1940 = arith.constant 16 : index
        %get3A_1941 = tpu.vector_load %arg10[%get3A_1939, %get3A_1940] {strides = array<i32>} : memref<640x64xf32, #tpu.memory_space<vmem>>, vector<16xf32>,
        %mul3A_1942 = arith.mulf %get3A_1941, %get3A_1799 : vector<16xf32>
        %add3A_1943 = arith.addf %mul3A_1938, %mul3A_1942 : vector<16xf32>
        %get3A_1944 = arith.index_cast %add3A_1934 : i32 to index
        %get3A_1945 = arith.constant 32 : index
        %get3A_1946 = tpu.vector_load %arg10[%get3A_1944, %get3A_1945] {strides = array<i32>} : memref<640x64xf32, #tpu.memory_space<vmem>>, vector<16xf32>,
        %mul3A_1947 = arith.mulf %get3A_1946, %get3A_1802 : vector<16xf32>
        %add3A_1948 = arith.addf %add3A_1943, %mul3A_1947 : vector<16xf32>
        %get3A_1949 = arith.index_cast %add3A_1934 : i32 to index
        %get3A_1950 = arith.constant 48 : index
        %get3A_1951 = tpu.vector_load %arg10[%get3A_1949, %get3A_1950] {strides = array<i32>} : memref<640x64xf32, #tpu.memory_space<vmem>>, vector<16xf32>,
        %mul3A_1952 = arith.mulf %get3A_1951, %get3A_1805 : vector<16xf32>
        %add3A_1953 = arith.addf %add3A_1948, %mul3A_1952 : vector<16xf32>
        %swap3A_1954 = arith.constant 144 : index
        %swap3A_1955 = tpu.vector_load %arg11[%swap3A_1954] {strides = array<i32>} : memref<256xf32, #tpu.memory_space<vmem>>, vector<16xf32>,
        tpu.vector_store %arg11[%swap3A_1954], %add3A_1953 {strides = array<i32>} : memref<256xf32, #tpu.memory_space<vmem>>, vector<16xf32>,
        %mul3A_1956 = arith.constant 80 : i32
        %mul3A_1957 = arith.muli %scan3A_1153, %mul3A_1956 : i32
        %add3A_1958 = arith.constant 26 : i32
        %add3A_1959 = arith.addi %mul3A_1957, %add3A_1958 : i32
        %get3A_1960 = arith.index_cast %add3A_1959 : i32 to index
        %get3A_1961 = arith.constant 0 : index
        %get3A_1962 = tpu.vector_load %arg10[%get3A_1960, %get3A_1961] {strides = array<i32>} : memref<640x64xf32, #tpu.memory_space<vmem>>, vector<16xf32>,
        %mul3A_1963 = arith.mulf %get3A_1962, %get3A_1796 : vector<16xf32>
        %get3A_1964 = arith.index_cast %add3A_1959 : i32 to index
        %get3A_1965 = arith.constant 16 : index
        %get3A_1966 = tpu.vector_load %arg10[%get3A_1964, %get3A_1965] {strides = array<i32>} : memref<640x64xf32, #tpu.memory_space<vmem>>, vector<16xf32>,
        %mul3A_1967 = arith.mulf %get3A_1966, %get3A_1799 : vector<16xf32>
        %add3A_1968 = arith.addf %mul3A_1963, %mul3A_1967 : vector<16xf32>
        %get3A_1969 = arith.index_cast %add3A_1959 : i32 to index
        %get3A_1970 = arith.constant 32 : index
        %get3A_1971 = tpu.vector_load %arg10[%get3A_1969, %get3A_1970] {strides = array<i32>} : memref<640x64xf32, #tpu.memory_space<vmem>>, vector<16xf32>,
        %mul3A_1972 = arith.mulf %get3A_1971, %get3A_1802 : vector<16xf32>
        %add3A_1973 = arith.addf %add3A_1968, %mul3A_1972 : vector<16xf32>
        %get3A_1974 = arith.index_cast %add3A_1959 : i32 to index
        %get3A_1975 = arith.constant 48 : index
        %get3A_1976 = tpu.vector_load %arg10[%get3A_1974, %get3A_1975] {strides = array<i32>} : memref<640x64xf32, #tpu.memory_space<vmem>>, vector<16xf32>,
        %mul3A_1977 = arith.mulf %get3A_1976, %get3A_1805 : vector<16xf32>
        %add3A_1978 = arith.addf %add3A_1973, %mul3A_1977 : vector<16xf32>
        %swap3A_1979 = arith.constant 160 : index
        %swap3A_1980 = tpu.vector_load %arg11[%swap3A_1979] {strides = array<i32>} : memref<256xf32, #tpu.memory_space<vmem>>, vector<16xf32>,
        tpu.vector_store %arg11[%swap3A_1979], %add3A_1978 {strides = array<i32>} : memref<256xf32, #tpu.memory_space<vmem>>, vector<16xf32>,
        %mul3A_1981 = arith.constant 80 : i32
        %mul3A_1982 = arith.muli %scan3A_1153, %mul3A_1981 : i32
        %add3A_1983 = arith.constant 27 : i32
        %add3A_1984 = arith.addi %mul3A_1982, %add3A_1983 : i32
        %get3A_1985 = arith.index_cast %add3A_1984 : i32 to index
        %get3A_1986 = arith.constant 0 : index
        %get3A_1987 = tpu.vector_load %arg10[%get3A_1985, %get3A_1986] {strides = array<i32>} : memref<640x64xf32, #tpu.memory_space<vmem>>, vector<16xf32>,
        %mul3A_1988 = arith.mulf %get3A_1987, %get3A_1796 : vector<16xf32>
        %get3A_1989 = arith.index_cast %add3A_1984 : i32 to index
        %get3A_1990 = arith.constant 16 : index
        %get3A_1991 = tpu.vector_load %arg10[%get3A_1989, %get3A_1990] {strides = array<i32>} : memref<640x64xf32, #tpu.memory_space<vmem>>, vector<16xf32>,
        %mul3A_1992 = arith.mulf %get3A_1991, %get3A_1799 : vector<16xf32>
        %add3A_1993 = arith.addf %mul3A_1988, %mul3A_1992 : vector<16xf32>
        %get3A_1994 = arith.index_cast %add3A_1984 : i32 to index
        %get3A_1995 = arith.constant 32 : index
        %get3A_1996 = tpu.vector_load %arg10[%get3A_1994, %get3A_1995] {strides = array<i32>} : memref<640x64xf32, #tpu.memory_space<vmem>>, vector<16xf32>,
        %mul3A_1997 = arith.mulf %get3A_1996, %get3A_1802 : vector<16xf32>
        %add3A_1998 = arith.addf %add3A_1993, %mul3A_1997 : vector<16xf32>
        %get3A_1999 = arith.index_cast %add3A_1984 : i32 to index
        %get3A_2000 = arith.constant 48 : index
        %get3A_2001 = tpu.vector_load %arg10[%get3A_1999, %get3A_2000] {strides = array<i32>} : memref<640x64xf32, #tpu.memory_space<vmem>>, vector<16xf32>,
        %mul3A_2002 = arith.mulf %get3A_2001, %get3A_1805 : vector<16xf32>
        %add3A_2003 = arith.addf %add3A_1998, %mul3A_2002 : vector<16xf32>
        %swap3A_2004 = arith.constant 176 : index
        %swap3A_2005 = tpu.vector_load %arg11[%swap3A_2004] {strides = array<i32>} : memref<256xf32, #tpu.memory_space<vmem>>, vector<16xf32>,
        tpu.vector_store %arg11[%swap3A_2004], %add3A_2003 {strides = array<i32>} : memref<256xf32, #tpu.memory_space<vmem>>, vector<16xf32>,
        %mul3A_2006 = arith.constant 80 : i32
        %mul3A_2007 = arith.muli %scan3A_1153, %mul3A_2006 : i32
        %add3A_2008 = arith.constant 28 : i32
        %add3A_2009 = arith.addi %mul3A_2007, %add3A_2008 : i32
        %get3A_2010 = arith.index_cast %add3A_2009 : i32 to index
        %get3A_2011 = arith.constant 0 : index
        %get3A_2012 = tpu.vector_load %arg10[%get3A_2010, %get3A_2011] {strides = array<i32>} : memref<640x64xf32, #tpu.memory_space<vmem>>, vector<16xf32>,
        %mul3A_2013 = arith.mulf %get3A_2012, %get3A_1796 : vector<16xf32>
        %get3A_2014 = arith.index_cast %add3A_2009 : i32 to index
        %get3A_2015 = arith.constant 16 : index
        %get3A_2016 = tpu.vector_load %arg10[%get3A_2014, %get3A_2015] {strides = array<i32>} : memref<640x64xf32, #tpu.memory_space<vmem>>, vector<16xf32>,
        %mul3A_2017 = arith.mulf %get3A_2016, %get3A_1799 : vector<16xf32>
        %add3A_2018 = arith.addf %mul3A_2013, %mul3A_2017 : vector<16xf32>
        %get3A_2019 = arith.index_cast %add3A_2009 : i32 to index
        %get3A_2020 = arith.constant 32 : index
        %get3A_2021 = tpu.vector_load %arg10[%get3A_2019, %get3A_2020] {strides = array<i32>} : memref<640x64xf32, #tpu.memory_space<vmem>>, vector<16xf32>,
        %mul3A_2022 = arith.mulf %get3A_2021, %get3A_1802 : vector<16xf32>
        %add3A_2023 = arith.addf %add3A_2018, %mul3A_2022 : vector<16xf32>
        %get3A_2024 = arith.index_cast %add3A_2009 : i32 to index
        %get3A_2025 = arith.constant 48 : index
        %get3A_2026 = tpu.vector_load %arg10[%get3A_2024, %get3A_2025] {strides = array<i32>} : memref<640x64xf32, #tpu.memory_space<vmem>>, vector<16xf32>,
        %mul3A_2027 = arith.mulf %get3A_2026, %get3A_1805 : vector<16xf32>
        %add3A_2028 = arith.addf %add3A_2023, %mul3A_2027 : vector<16xf32>
        %swap3A_2029 = arith.constant 192 : index
        %swap3A_2030 = tpu.vector_load %arg11[%swap3A_2029] {strides = array<i32>} : memref<256xf32, #tpu.memory_space<vmem>>, vector<16xf32>,
        tpu.vector_store %arg11[%swap3A_2029], %add3A_2028 {strides = array<i32>} : memref<256xf32, #tpu.memory_space<vmem>>, vector<16xf32>,
        %mul3A_2031 = arith.constant 80 : i32
        %mul3A_2032 = arith.muli %scan3A_1153, %mul3A_2031 : i32
        %add3A_2033 = arith.constant 29 : i32
        %add3A_2034 = arith.addi %mul3A_2032, %add3A_2033 : i32
        %get3A_2035 = arith.index_cast %add3A_2034 : i32 to index
        %get3A_2036 = arith.constant 0 : index
        %get3A_2037 = tpu.vector_load %arg10[%get3A_2035, %get3A_2036] {strides = array<i32>} : memref<640x64xf32, #tpu.memory_space<vmem>>, vector<16xf32>,
        %mul3A_2038 = arith.mulf %get3A_2037, %get3A_1796 : vector<16xf32>
        %get3A_2039 = arith.index_cast %add3A_2034 : i32 to index
        %get3A_2040 = arith.constant 16 : index
        %get3A_2041 = tpu.vector_load %arg10[%get3A_2039, %get3A_2040] {strides = array<i32>} : memref<640x64xf32, #tpu.memory_space<vmem>>, vector<16xf32>,
        %mul3A_2042 = arith.mulf %get3A_2041, %get3A_1799 : vector<16xf32>
        %add3A_2043 = arith.addf %mul3A_2038, %mul3A_2042 : vector<16xf32>
        %get3A_2044 = arith.index_cast %add3A_2034 : i32 to index
        %get3A_2045 = arith.constant 32 : index
        %get3A_2046 = tpu.vector_load %arg10[%get3A_2044, %get3A_2045] {strides = array<i32>} : memref<640x64xf32, #tpu.memory_space<vmem>>, vector<16xf32>,
        %mul3A_2047 = arith.mulf %get3A_2046, %get3A_1802 : vector<16xf32>
        %add3A_2048 = arith.addf %add3A_2043, %mul3A_2047 : vector<16xf32>
        %get3A_2049 = arith.index_cast %add3A_2034 : i32 to index
        %get3A_2050 = arith.constant 48 : index
        %get3A_2051 = tpu.vector_load %arg10[%get3A_2049, %get3A_2050] {strides = array<i32>} : memref<640x64xf32, #tpu.memory_space<vmem>>, vector<16xf32>,
        %mul3A_2052 = arith.mulf %get3A_2051, %get3A_1805 : vector<16xf32>
        %add3A_2053 = arith.addf %add3A_2048, %mul3A_2052 : vector<16xf32>
        %swap3A_2054 = arith.constant 208 : index
        %swap3A_2055 = tpu.vector_load %arg11[%swap3A_2054] {strides = array<i32>} : memref<256xf32, #tpu.memory_space<vmem>>, vector<16xf32>,
        tpu.vector_store %arg11[%swap3A_2054], %add3A_2053 {strides = array<i32>} : memref<256xf32, #tpu.memory_space<vmem>>, vector<16xf32>,
        %mul3A_2056 = arith.constant 80 : i32
        %mul3A_2057 = arith.muli %scan3A_1153, %mul3A_2056 : i32
        %add3A_2058 = arith.constant 30 : i32
        %add3A_2059 = arith.addi %mul3A_2057, %add3A_2058 : i32
        %get3A_2060 = arith.index_cast %add3A_2059 : i32 to index
        %get3A_2061 = arith.constant 0 : index
        %get3A_2062 = tpu.vector_load %arg10[%get3A_2060, %get3A_2061] {strides = array<i32>} : memref<640x64xf32, #tpu.memory_space<vmem>>, vector<16xf32>,
        %mul3A_2063 = arith.mulf %get3A_2062, %get3A_1796 : vector<16xf32>
        %get3A_2064 = arith.index_cast %add3A_2059 : i32 to index
        %get3A_2065 = arith.constant 16 : index
        %get3A_2066 = tpu.vector_load %arg10[%get3A_2064, %get3A_2065] {strides = array<i32>} : memref<640x64xf32, #tpu.memory_space<vmem>>, vector<16xf32>,
        %mul3A_2067 = arith.mulf %get3A_2066, %get3A_1799 : vector<16xf32>
        %add3A_2068 = arith.addf %mul3A_2063, %mul3A_2067 : vector<16xf32>
        %get3A_2069 = arith.index_cast %add3A_2059 : i32 to index
        %get3A_2070 = arith.constant 32 : index
        %get3A_2071 = tpu.vector_load %arg10[%get3A_2069, %get3A_2070] {strides = array<i32>} : memref<640x64xf32, #tpu.memory_space<vmem>>, vector<16xf32>,
        %mul3A_2072 = arith.mulf %get3A_2071, %get3A_1802 : vector<16xf32>
        %add3A_2073 = arith.addf %add3A_2068, %mul3A_2072 : vector<16xf32>
        %get3A_2074 = arith.index_cast %add3A_2059 : i32 to index
        %get3A_2075 = arith.constant 48 : index
        %get3A_2076 = tpu.vector_load %arg10[%get3A_2074, %get3A_2075] {strides = array<i32>} : memref<640x64xf32, #tpu.memory_space<vmem>>, vector<16xf32>,
        %mul3A_2077 = arith.mulf %get3A_2076, %get3A_1805 : vector<16xf32>
        %add3A_2078 = arith.addf %add3A_2073, %mul3A_2077 : vector<16xf32>
        %swap3A_2079 = arith.constant 224 : index
        %swap3A_2080 = tpu.vector_load %arg11[%swap3A_2079] {strides = array<i32>} : memref<256xf32, #tpu.memory_space<vmem>>, vector<16xf32>,
        tpu.vector_store %arg11[%swap3A_2079], %add3A_2078 {strides = array<i32>} : memref<256xf32, #tpu.memory_space<vmem>>, vector<16xf32>,
        %mul3A_2081 = arith.constant 80 : i32
        %mul3A_2082 = arith.muli %scan3A_1153, %mul3A_2081 : i32
        %add3A_2083 = arith.constant 31 : i32
        %add3A_2084 = arith.addi %mul3A_2082, %add3A_2083 : i32
        %get3A_2085 = arith.index_cast %add3A_2084 : i32 to index
        %get3A_2086 = arith.constant 0 : index
        %get3A_2087 = tpu.vector_load %arg10[%get3A_2085, %get3A_2086] {strides = array<i32>} : memref<640x64xf32, #tpu.memory_space<vmem>>, vector<16xf32>,
        %mul3A_2088 = arith.mulf %get3A_2087, %get3A_1796 : vector<16xf32>
        %get3A_2089 = arith.index_cast %add3A_2084 : i32 to index
        %get3A_2090 = arith.constant 16 : index
        %get3A_2091 = tpu.vector_load %arg10[%get3A_2089, %get3A_2090] {strides = array<i32>} : memref<640x64xf32, #tpu.memory_space<vmem>>, vector<16xf32>,
        %mul3A_2092 = arith.mulf %get3A_2091, %get3A_1799 : vector<16xf32>
        %add3A_2093 = arith.addf %mul3A_2088, %mul3A_2092 : vector<16xf32>
        %get3A_2094 = arith.index_cast %add3A_2084 : i32 to index
        %get3A_2095 = arith.constant 32 : index
        %get3A_2096 = tpu.vector_load %arg10[%get3A_2094, %get3A_2095] {strides = array<i32>} : memref<640x64xf32, #tpu.memory_space<vmem>>, vector<16xf32>,
        %mul3A_2097 = arith.mulf %get3A_2096, %get3A_1802 : vector<16xf32>
        %add3A_2098 = arith.addf %add3A_2093, %mul3A_2097 : vector<16xf32>
        %get3A_2099 = arith.index_cast %add3A_2084 : i32 to index
        %get3A_2100 = arith.constant 48 : index
        %get3A_2101 = tpu.vector_load %arg10[%get3A_2099, %get3A_2100] {strides = array<i32>} : memref<640x64xf32, #tpu.memory_space<vmem>>, vector<16xf32>,
        %mul3A_2102 = arith.mulf %get3A_2101, %get3A_1805 : vector<16xf32>
        %add3A_2103 = arith.addf %add3A_2098, %mul3A_2102 : vector<16xf32>
        %swap3A_2104 = arith.constant 240 : index
        %swap3A_2105 = tpu.vector_load %arg11[%swap3A_2104] {strides = array<i32>} : memref<256xf32, #tpu.memory_space<vmem>>, vector<16xf32>,
        tpu.vector_store %arg11[%swap3A_2104], %add3A_2103 {strides = array<i32>} : memref<256xf32, #tpu.memory_space<vmem>>, vector<16xf32>,
        %iota3A_2106 = tpu.iota {dimensions = array<i32: 0>} : vector<16xi32>
        %mul3A_2107 = arith.constant 16 : i32
        %mul3A_2108 = vector.broadcast %mul3A_2107 : i32 to vector<16xi32>
        %mul3A_2109 = arith.muli %iota3A_2106, %mul3A_2108 : vector<16xi32>
        %gather3A_2110 = tpu.vector_load_idx %arg11[%mul3A_2109] : memref<256xf32, #tpu.memory_space<vmem>>[vector<16xi32>], vector<16xf32>,
        %add3A_2111 = arith.constant 1 : i32
        %add3A_2112 = vector.broadcast %add3A_2111 : i32 to vector<16xi32>
        %add3A_2113 = arith.addi %mul3A_2109, %add3A_2112 : vector<16xi32>
        %gather3A_2114 = tpu.vector_load_idx %arg11[%add3A_2113] : memref<256xf32, #tpu.memory_space<vmem>>[vector<16xi32>], vector<16xf32>,
        %add3A_2115 = arith.addf %gather3A_2110, %gather3A_2114 : vector<16xf32>
        %add3A_2116 = arith.constant 2 : i32
        %add3A_2117 = vector.broadcast %add3A_2116 : i32 to vector<16xi32>
        %add3A_2118 = arith.addi %mul3A_2109, %add3A_2117 : vector<16xi32>
        %gather3A_2119 = tpu.vector_load_idx %arg11[%add3A_2118] : memref<256xf32, #tpu.memory_space<vmem>>[vector<16xi32>], vector<16xf32>,
        %add3A_2120 = arith.addf %add3A_2115, %gather3A_2119 : vector<16xf32>
        %add3A_2121 = arith.constant 3 : i32
        %add3A_2122 = vector.broadcast %add3A_2121 : i32 to vector<16xi32>
        %add3A_2123 = arith.addi %mul3A_2109, %add3A_2122 : vector<16xi32>
        %gather3A_2124 = tpu.vector_load_idx %arg11[%add3A_2123] : memref<256xf32, #tpu.memory_space<vmem>>[vector<16xi32>], vector<16xf32>,
        %add3A_2125 = arith.addf %add3A_2120, %gather3A_2124 : vector<16xf32>
        %add3A_2126 = arith.constant 4 : i32
        %add3A_2127 = vector.broadcast %add3A_2126 : i32 to vector<16xi32>
        %add3A_2128 = arith.addi %mul3A_2109, %add3A_2127 : vector<16xi32>
        %gather3A_2129 = tpu.vector_load_idx %arg11[%add3A_2128] : memref<256xf32, #tpu.memory_space<vmem>>[vector<16xi32>], vector<16xf32>,
        %add3A_2130 = arith.addf %add3A_2125, %gather3A_2129 : vector<16xf32>
        %add3A_2131 = arith.constant 5 : i32
        %add3A_2132 = vector.broadcast %add3A_2131 : i32 to vector<16xi32>
        %add3A_2133 = arith.addi %mul3A_2109, %add3A_2132 : vector<16xi32>
        %gather3A_2134 = tpu.vector_load_idx %arg11[%add3A_2133] : memref<256xf32, #tpu.memory_space<vmem>>[vector<16xi32>], vector<16xf32>,
        %add3A_2135 = arith.addf %add3A_2130, %gather3A_2134 : vector<16xf32>
        %add3A_2136 = arith.constant 6 : i32
        %add3A_2137 = vector.broadcast %add3A_2136 : i32 to vector<16xi32>
        %add3A_2138 = arith.addi %mul3A_2109, %add3A_2137 : vector<16xi32>
        %gather3A_2139 = tpu.vector_load_idx %arg11[%add3A_2138] : memref<256xf32, #tpu.memory_space<vmem>>[vector<16xi32>], vector<16xf32>,
        %add3A_2140 = arith.addf %add3A_2135, %gather3A_2139 : vector<16xf32>
        %add3A_2141 = arith.constant 7 : i32
        %add3A_2142 = vector.broadcast %add3A_2141 : i32 to vector<16xi32>
        %add3A_2143 = arith.addi %mul3A_2109, %add3A_2142 : vector<16xi32>
        %gather3A_2144 = tpu.vector_load_idx %arg11[%add3A_2143] : memref<256xf32, #tpu.memory_space<vmem>>[vector<16xi32>], vector<16xf32>,
        %add3A_2145 = arith.addf %add3A_2140, %gather3A_2144 : vector<16xf32>
        %add3A_2146 = arith.constant 8 : i32
        %add3A_2147 = vector.broadcast %add3A_2146 : i32 to vector<16xi32>
        %add3A_2148 = arith.addi %mul3A_2109, %add3A_2147 : vector<16xi32>
        %gather3A_2149 = tpu.vector_load_idx %arg11[%add3A_2148] : memref<256xf32, #tpu.memory_space<vmem>>[vector<16xi32>], vector<16xf32>,
        %add3A_2150 = arith.addf %add3A_2145, %gather3A_2149 : vector<16xf32>
        %add3A_2151 = arith.constant 9 : i32
        %add3A_2152 = vector.broadcast %add3A_2151 : i32 to vector<16xi32>
        %add3A_2153 = arith.addi %mul3A_2109, %add3A_2152 : vector<16xi32>
        %gather3A_2154 = tpu.vector_load_idx %arg11[%add3A_2153] : memref<256xf32, #tpu.memory_space<vmem>>[vector<16xi32>], vector<16xf32>,
        %add3A_2155 = arith.addf %add3A_2150, %gather3A_2154 : vector<16xf32>
        %add3A_2156 = arith.constant 10 : i32
        %add3A_2157 = vector.broadcast %add3A_2156 : i32 to vector<16xi32>
        %add3A_2158 = arith.addi %mul3A_2109, %add3A_2157 : vector<16xi32>
        %gather3A_2159 = tpu.vector_load_idx %arg11[%add3A_2158] : memref<256xf32, #tpu.memory_space<vmem>>[vector<16xi32>], vector<16xf32>,
        %add3A_2160 = arith.addf %add3A_2155, %gather3A_2159 : vector<16xf32>
        %add3A_2161 = arith.constant 11 : i32
        %add3A_2162 = vector.broadcast %add3A_2161 : i32 to vector<16xi32>
        %add3A_2163 = arith.addi %mul3A_2109, %add3A_2162 : vector<16xi32>
        %gather3A_2164 = tpu.vector_load_idx %arg11[%add3A_2163] : memref<256xf32, #tpu.memory_space<vmem>>[vector<16xi32>], vector<16xf32>,
        %add3A_2165 = arith.addf %add3A_2160, %gather3A_2164 : vector<16xf32>
        %add3A_2166 = arith.constant 12 : i32
        %add3A_2167 = vector.broadcast %add3A_2166 : i32 to vector<16xi32>
        %add3A_2168 = arith.addi %mul3A_2109, %add3A_2167 : vector<16xi32>
        %gather3A_2169 = tpu.vector_load_idx %arg11[%add3A_2168] : memref<256xf32, #tpu.memory_space<vmem>>[vector<16xi32>], vector<16xf32>,
        %add3A_2170 = arith.addf %add3A_2165, %gather3A_2169 : vector<16xf32>
        %add3A_2171 = arith.constant 13 : i32
        %add3A_2172 = vector.broadcast %add3A_2171 : i32 to vector<16xi32>
        %add3A_2173 = arith.addi %mul3A_2109, %add3A_2172 : vector<16xi32>
        %gather3A_2174 = tpu.vector_load_idx %arg11[%add3A_2173] : memref<256xf32, #tpu.memory_space<vmem>>[vector<16xi32>], vector<16xf32>,
        %add3A_2175 = arith.addf %add3A_2170, %gather3A_2174 : vector<16xf32>
        %add3A_2176 = arith.constant 14 : i32
        %add3A_2177 = vector.broadcast %add3A_2176 : i32 to vector<16xi32>
        %add3A_2178 = arith.addi %mul3A_2109, %add3A_2177 : vector<16xi32>
        %gather3A_2179 = tpu.vector_load_idx %arg11[%add3A_2178] : memref<256xf32, #tpu.memory_space<vmem>>[vector<16xi32>], vector<16xf32>,
        %add3A_2180 = arith.addf %add3A_2175, %gather3A_2179 : vector<16xf32>
        %add3A_2181 = arith.constant 15 : i32
        %add3A_2182 = vector.broadcast %add3A_2181 : i32 to vector<16xi32>
        %add3A_2183 = arith.addi %mul3A_2109, %add3A_2182 : vector<16xi32>
        %gather3A_2184 = tpu.vector_load_idx %arg11[%add3A_2183] : memref<256xf32, #tpu.memory_space<vmem>>[vector<16xi32>], vector<16xf32>,
        %add3A_2185 = arith.addf %add3A_2180, %gather3A_2184 : vector<16xf32>
        %abs3A_2186 = math.absf %add3A_2185 : vector<16xf32>
        %neg3A_2187 = arith.constant 0.000000e+00 : f32
        %neg3A_2188 = vector.broadcast %neg3A_2187 : f32 to vector<16xf32>
        %neg3A_2189 = arith.subf %neg3A_2188, %abs3A_2186 : vector<16xf32>
        %exp3A_2190 = math.exp %neg3A_2189 : vector<16xf32>
        %add3A_2191 = arith.constant 2.000000e+00 : f32
        %add3A_2192 = vector.broadcast %add3A_2191 : f32 to vector<16xf32>
        %add3A_2193 = arith.addf %add3A_2192, %exp3A_2190 : vector<16xf32>
        %div3A_2194 = arith.divf %exp3A_2190, %add3A_2193 : vector<16xf32>
        %mul3A_2195 = arith.mulf %div3A_2194, %div3A_2194 : vector<16xf32>
        %mul3A_2196 = arith.constant 0.111111112 : f32
        %mul3A_2197 = vector.broadcast %mul3A_2196 : f32 to vector<16xf32>
        %mul3A_2198 = arith.mulf %mul3A_2195, %mul3A_2197 : vector<16xf32>
        %add3A_2199 = arith.constant 0.142857149 : f32
        %add3A_2200 = vector.broadcast %add3A_2199 : f32 to vector<16xf32>
        %add3A_2201 = arith.addf %add3A_2200, %mul3A_2198 : vector<16xf32>
        %mul3A_2202 = arith.mulf %mul3A_2195, %add3A_2201 : vector<16xf32>
        %add3A_2203 = arith.constant 2.000000e-01 : f32
        %add3A_2204 = vector.broadcast %add3A_2203 : f32 to vector<16xf32>
        %add3A_2205 = arith.addf %add3A_2204, %mul3A_2202 : vector<16xf32>
        %mul3A_2206 = arith.mulf %mul3A_2195, %add3A_2205 : vector<16xf32>
        %add3A_2207 = arith.constant 0.333333343 : f32
        %add3A_2208 = vector.broadcast %add3A_2207 : f32 to vector<16xf32>
        %add3A_2209 = arith.addf %add3A_2208, %mul3A_2206 : vector<16xf32>
        %mul3A_2210 = arith.mulf %mul3A_2195, %add3A_2209 : vector<16xf32>
        %add3A_2211 = arith.constant 1.000000e+00 : f32
        %add3A_2212 = vector.broadcast %add3A_2211 : f32 to vector<16xf32>
        %add3A_2213 = arith.addf %add3A_2212, %mul3A_2210 : vector<16xf32>
        %min3A_2214 = arith.constant 0.000000e+00 : f32
        %min3A_2215 = vector.broadcast %min3A_2214 : f32 to vector<16xf32>
        %min3A_2216 = arith.minimumf %add3A_2185, %min3A_2215 : vector<16xf32>
        %mul3A_2217 = arith.constant 2.000000e+00 : f32
        %mul3A_2218 = vector.broadcast %mul3A_2217 : f32 to vector<16xf32>
        %mul3A_2219 = arith.mulf %mul3A_2218, %div3A_2194 : vector<16xf32>
        %mul3A_2220 = arith.mulf %mul3A_2219, %add3A_2213 : vector<16xf32>
        %sub3A_2221 = arith.subf %min3A_2216, %mul3A_2220 : vector<16xf32>
        %add3A_2222 = arith.addf %add3A_1689, %sub3A_2221 : vector<16xf32>
        %mul3A_2223 = arith.constant 80 : i32
        %mul3A_2224 = arith.muli %scan3A_1153, %mul3A_2223 : i32
        %add3A_2225 = arith.constant 32 : i32
        %add3A_2226 = arith.addi %mul3A_2224, %add3A_2225 : i32
        %get3A_2227 = arith.index_cast %add3A_2226 : i32 to index
        %get3A_2228 = arith.constant 0 : index
        %get3A_2229 = tpu.vector_load %arg10[%get3A_2227, %get3A_2228] {strides = array<i32>} : memref<640x64xf32, #tpu.memory_space<vmem>>, vector<16xf32>,
        %mul3A_2230 = arith.mulf %get3A_2229, %get3A_1796 : vector<16xf32>
        %get3A_2231 = arith.index_cast %add3A_2226 : i32 to index
        %get3A_2232 = arith.constant 16 : index
        %get3A_2233 = tpu.vector_load %arg10[%get3A_2231, %get3A_2232] {strides = array<i32>} : memref<640x64xf32, #tpu.memory_space<vmem>>, vector<16xf32>,
        %mul3A_2234 = arith.mulf %get3A_2233, %get3A_1799 : vector<16xf32>
        %add3A_2235 = arith.addf %mul3A_2230, %mul3A_2234 : vector<16xf32>
        %get3A_2236 = arith.index_cast %add3A_2226 : i32 to index
        %get3A_2237 = arith.constant 32 : index
        %get3A_2238 = tpu.vector_load %arg10[%get3A_2236, %get3A_2237] {strides = array<i32>} : memref<640x64xf32, #tpu.memory_space<vmem>>, vector<16xf32>,
        %mul3A_2239 = arith.mulf %get3A_2238, %get3A_1802 : vector<16xf32>
        %add3A_2240 = arith.addf %add3A_2235, %mul3A_2239 : vector<16xf32>
        %get3A_2241 = arith.index_cast %add3A_2226 : i32 to index
        %get3A_2242 = arith.constant 48 : index
        %get3A_2243 = tpu.vector_load %arg10[%get3A_2241, %get3A_2242] {strides = array<i32>} : memref<640x64xf32, #tpu.memory_space<vmem>>, vector<16xf32>,
        %mul3A_2244 = arith.mulf %get3A_2243, %get3A_1805 : vector<16xf32>
        %add3A_2245 = arith.addf %add3A_2240, %mul3A_2244 : vector<16xf32>
        %swap3A_2246 = arith.constant 0 : index
        %swap3A_2247 = tpu.vector_load %arg11[%swap3A_2246] {strides = array<i32>} : memref<256xf32, #tpu.memory_space<vmem>>, vector<16xf32>,
        tpu.vector_store %arg11[%swap3A_2246], %add3A_2245 {strides = array<i32>} : memref<256xf32, #tpu.memory_space<vmem>>, vector<16xf32>,
        %mul3A_2248 = arith.constant 80 : i32
        %mul3A_2249 = arith.muli %scan3A_1153, %mul3A_2248 : i32
        %add3A_2250 = arith.constant 33 : i32
        %add3A_2251 = arith.addi %mul3A_2249, %add3A_2250 : i32
        %get3A_2252 = arith.index_cast %add3A_2251 : i32 to index
        %get3A_2253 = arith.constant 0 : index
        %get3A_2254 = tpu.vector_load %arg10[%get3A_2252, %get3A_2253] {strides = array<i32>} : memref<640x64xf32, #tpu.memory_space<vmem>>, vector<16xf32>,
        %mul3A_2255 = arith.mulf %get3A_2254, %get3A_1796 : vector<16xf32>
        %get3A_2256 = arith.index_cast %add3A_2251 : i32 to index
        %get3A_2257 = arith.constant 16 : index
        %get3A_2258 = tpu.vector_load %arg10[%get3A_2256, %get3A_2257] {strides = array<i32>} : memref<640x64xf32, #tpu.memory_space<vmem>>, vector<16xf32>,
        %mul3A_2259 = arith.mulf %get3A_2258, %get3A_1799 : vector<16xf32>
        %add3A_2260 = arith.addf %mul3A_2255, %mul3A_2259 : vector<16xf32>
        %get3A_2261 = arith.index_cast %add3A_2251 : i32 to index
        %get3A_2262 = arith.constant 32 : index
        %get3A_2263 = tpu.vector_load %arg10[%get3A_2261, %get3A_2262] {strides = array<i32>} : memref<640x64xf32, #tpu.memory_space<vmem>>, vector<16xf32>,
        %mul3A_2264 = arith.mulf %get3A_2263, %get3A_1802 : vector<16xf32>
        %add3A_2265 = arith.addf %add3A_2260, %mul3A_2264 : vector<16xf32>
        %get3A_2266 = arith.index_cast %add3A_2251 : i32 to index
        %get3A_2267 = arith.constant 48 : index
        %get3A_2268 = tpu.vector_load %arg10[%get3A_2266, %get3A_2267] {strides = array<i32>} : memref<640x64xf32, #tpu.memory_space<vmem>>, vector<16xf32>,
        %mul3A_2269 = arith.mulf %get3A_2268, %get3A_1805 : vector<16xf32>
        %add3A_2270 = arith.addf %add3A_2265, %mul3A_2269 : vector<16xf32>
        %swap3A_2271 = arith.constant 16 : index
        %swap3A_2272 = tpu.vector_load %arg11[%swap3A_2271] {strides = array<i32>} : memref<256xf32, #tpu.memory_space<vmem>>, vector<16xf32>,
        tpu.vector_store %arg11[%swap3A_2271], %add3A_2270 {strides = array<i32>} : memref<256xf32, #tpu.memory_space<vmem>>, vector<16xf32>,
        %mul3A_2273 = arith.constant 80 : i32
        %mul3A_2274 = arith.muli %scan3A_1153, %mul3A_2273 : i32
        %add3A_2275 = arith.constant 34 : i32
        %add3A_2276 = arith.addi %mul3A_2274, %add3A_2275 : i32
        %get3A_2277 = arith.index_cast %add3A_2276 : i32 to index
        %get3A_2278 = arith.constant 0 : index
        %get3A_2279 = tpu.vector_load %arg10[%get3A_2277, %get3A_2278] {strides = array<i32>} : memref<640x64xf32, #tpu.memory_space<vmem>>, vector<16xf32>,
        %mul3A_2280 = arith.mulf %get3A_2279, %get3A_1796 : vector<16xf32>
        %get3A_2281 = arith.index_cast %add3A_2276 : i32 to index
        %get3A_2282 = arith.constant 16 : index
        %get3A_2283 = tpu.vector_load %arg10[%get3A_2281, %get3A_2282] {strides = array<i32>} : memref<640x64xf32, #tpu.memory_space<vmem>>, vector<16xf32>,
        %mul3A_2284 = arith.mulf %get3A_2283, %get3A_1799 : vector<16xf32>
        %add3A_2285 = arith.addf %mul3A_2280, %mul3A_2284 : vector<16xf32>
        %get3A_2286 = arith.index_cast %add3A_2276 : i32 to index
        %get3A_2287 = arith.constant 32 : index
        %get3A_2288 = tpu.vector_load %arg10[%get3A_2286, %get3A_2287] {strides = array<i32>} : memref<640x64xf32, #tpu.memory_space<vmem>>, vector<16xf32>,
        %mul3A_2289 = arith.mulf %get3A_2288, %get3A_1802 : vector<16xf32>
        %add3A_2290 = arith.addf %add3A_2285, %mul3A_2289 : vector<16xf32>
        %get3A_2291 = arith.index_cast %add3A_2276 : i32 to index
        %get3A_2292 = arith.constant 48 : index
        %get3A_2293 = tpu.vector_load %arg10[%get3A_2291, %get3A_2292] {strides = array<i32>} : memref<640x64xf32, #tpu.memory_space<vmem>>, vector<16xf32>,
        %mul3A_2294 = arith.mulf %get3A_2293, %get3A_1805 : vector<16xf32>
        %add3A_2295 = arith.addf %add3A_2290, %mul3A_2294 : vector<16xf32>
        %swap3A_2296 = arith.constant 32 : index
        %swap3A_2297 = tpu.vector_load %arg11[%swap3A_2296] {strides = array<i32>} : memref<256xf32, #tpu.memory_space<vmem>>, vector<16xf32>,
        tpu.vector_store %arg11[%swap3A_2296], %add3A_2295 {strides = array<i32>} : memref<256xf32, #tpu.memory_space<vmem>>, vector<16xf32>,
        %mul3A_2298 = arith.constant 80 : i32
        %mul3A_2299 = arith.muli %scan3A_1153, %mul3A_2298 : i32
        %add3A_2300 = arith.constant 35 : i32
        %add3A_2301 = arith.addi %mul3A_2299, %add3A_2300 : i32
        %get3A_2302 = arith.index_cast %add3A_2301 : i32 to index
        %get3A_2303 = arith.constant 0 : index
        %get3A_2304 = tpu.vector_load %arg10[%get3A_2302, %get3A_2303] {strides = array<i32>} : memref<640x64xf32, #tpu.memory_space<vmem>>, vector<16xf32>,
        %mul3A_2305 = arith.mulf %get3A_2304, %get3A_1796 : vector<16xf32>
        %get3A_2306 = arith.index_cast %add3A_2301 : i32 to index
        %get3A_2307 = arith.constant 16 : index
        %get3A_2308 = tpu.vector_load %arg10[%get3A_2306, %get3A_2307] {strides = array<i32>} : memref<640x64xf32, #tpu.memory_space<vmem>>, vector<16xf32>,
        %mul3A_2309 = arith.mulf %get3A_2308, %get3A_1799 : vector<16xf32>
        %add3A_2310 = arith.addf %mul3A_2305, %mul3A_2309 : vector<16xf32>
        %get3A_2311 = arith.index_cast %add3A_2301 : i32 to index
        %get3A_2312 = arith.constant 32 : index
        %get3A_2313 = tpu.vector_load %arg10[%get3A_2311, %get3A_2312] {strides = array<i32>} : memref<640x64xf32, #tpu.memory_space<vmem>>, vector<16xf32>,
        %mul3A_2314 = arith.mulf %get3A_2313, %get3A_1802 : vector<16xf32>
        %add3A_2315 = arith.addf %add3A_2310, %mul3A_2314 : vector<16xf32>
        %get3A_2316 = arith.index_cast %add3A_2301 : i32 to index
        %get3A_2317 = arith.constant 48 : index
        %get3A_2318 = tpu.vector_load %arg10[%get3A_2316, %get3A_2317] {strides = array<i32>} : memref<640x64xf32, #tpu.memory_space<vmem>>, vector<16xf32>,
        %mul3A_2319 = arith.mulf %get3A_2318, %get3A_1805 : vector<16xf32>
        %add3A_2320 = arith.addf %add3A_2315, %mul3A_2319 : vector<16xf32>
        %swap3A_2321 = arith.constant 48 : index
        %swap3A_2322 = tpu.vector_load %arg11[%swap3A_2321] {strides = array<i32>} : memref<256xf32, #tpu.memory_space<vmem>>, vector<16xf32>,
        tpu.vector_store %arg11[%swap3A_2321], %add3A_2320 {strides = array<i32>} : memref<256xf32, #tpu.memory_space<vmem>>, vector<16xf32>,
        %mul3A_2323 = arith.constant 80 : i32
        %mul3A_2324 = arith.muli %scan3A_1153, %mul3A_2323 : i32
        %add3A_2325 = arith.constant 36 : i32
        %add3A_2326 = arith.addi %mul3A_2324, %add3A_2325 : i32
        %get3A_2327 = arith.index_cast %add3A_2326 : i32 to index
        %get3A_2328 = arith.constant 0 : index
        %get3A_2329 = tpu.vector_load %arg10[%get3A_2327, %get3A_2328] {strides = array<i32>} : memref<640x64xf32, #tpu.memory_space<vmem>>, vector<16xf32>,
        %mul3A_2330 = arith.mulf %get3A_2329, %get3A_1796 : vector<16xf32>
        %get3A_2331 = arith.index_cast %add3A_2326 : i32 to index
        %get3A_2332 = arith.constant 16 : index
        %get3A_2333 = tpu.vector_load %arg10[%get3A_2331, %get3A_2332] {strides = array<i32>} : memref<640x64xf32, #tpu.memory_space<vmem>>, vector<16xf32>,
        %mul3A_2334 = arith.mulf %get3A_2333, %get3A_1799 : vector<16xf32>
        %add3A_2335 = arith.addf %mul3A_2330, %mul3A_2334 : vector<16xf32>
        %get3A_2336 = arith.index_cast %add3A_2326 : i32 to index
        %get3A_2337 = arith.constant 32 : index
        %get3A_2338 = tpu.vector_load %arg10[%get3A_2336, %get3A_2337] {strides = array<i32>} : memref<640x64xf32, #tpu.memory_space<vmem>>, vector<16xf32>,
        %mul3A_2339 = arith.mulf %get3A_2338, %get3A_1802 : vector<16xf32>
        %add3A_2340 = arith.addf %add3A_2335, %mul3A_2339 : vector<16xf32>
        %get3A_2341 = arith.index_cast %add3A_2326 : i32 to index
        %get3A_2342 = arith.constant 48 : index
        %get3A_2343 = tpu.vector_load %arg10[%get3A_2341, %get3A_2342] {strides = array<i32>} : memref<640x64xf32, #tpu.memory_space<vmem>>, vector<16xf32>,
        %mul3A_2344 = arith.mulf %get3A_2343, %get3A_1805 : vector<16xf32>
        %add3A_2345 = arith.addf %add3A_2340, %mul3A_2344 : vector<16xf32>
        %swap3A_2346 = arith.constant 64 : index
        %swap3A_2347 = tpu.vector_load %arg11[%swap3A_2346] {strides = array<i32>} : memref<256xf32, #tpu.memory_space<vmem>>, vector<16xf32>,
        tpu.vector_store %arg11[%swap3A_2346], %add3A_2345 {strides = array<i32>} : memref<256xf32, #tpu.memory_space<vmem>>, vector<16xf32>,
        %mul3A_2348 = arith.constant 80 : i32
        %mul3A_2349 = arith.muli %scan3A_1153, %mul3A_2348 : i32
        %add3A_2350 = arith.constant 37 : i32
        %add3A_2351 = arith.addi %mul3A_2349, %add3A_2350 : i32
        %get3A_2352 = arith.index_cast %add3A_2351 : i32 to index
        %get3A_2353 = arith.constant 0 : index
        %get3A_2354 = tpu.vector_load %arg10[%get3A_2352, %get3A_2353] {strides = array<i32>} : memref<640x64xf32, #tpu.memory_space<vmem>>, vector<16xf32>,
        %mul3A_2355 = arith.mulf %get3A_2354, %get3A_1796 : vector<16xf32>
        %get3A_2356 = arith.index_cast %add3A_2351 : i32 to index
        %get3A_2357 = arith.constant 16 : index
        %get3A_2358 = tpu.vector_load %arg10[%get3A_2356, %get3A_2357] {strides = array<i32>} : memref<640x64xf32, #tpu.memory_space<vmem>>, vector<16xf32>,
        %mul3A_2359 = arith.mulf %get3A_2358, %get3A_1799 : vector<16xf32>
        %add3A_2360 = arith.addf %mul3A_2355, %mul3A_2359 : vector<16xf32>
        %get3A_2361 = arith.index_cast %add3A_2351 : i32 to index
        %get3A_2362 = arith.constant 32 : index
        %get3A_2363 = tpu.vector_load %arg10[%get3A_2361, %get3A_2362] {strides = array<i32>} : memref<640x64xf32, #tpu.memory_space<vmem>>, vector<16xf32>,
        %mul3A_2364 = arith.mulf %get3A_2363, %get3A_1802 : vector<16xf32>
        %add3A_2365 = arith.addf %add3A_2360, %mul3A_2364 : vector<16xf32>
        %get3A_2366 = arith.index_cast %add3A_2351 : i32 to index
        %get3A_2367 = arith.constant 48 : index
        %get3A_2368 = tpu.vector_load %arg10[%get3A_2366, %get3A_2367] {strides = array<i32>} : memref<640x64xf32, #tpu.memory_space<vmem>>, vector<16xf32>,
        %mul3A_2369 = arith.mulf %get3A_2368, %get3A_1805 : vector<16xf32>
        %add3A_2370 = arith.addf %add3A_2365, %mul3A_2369 : vector<16xf32>
        %swap3A_2371 = arith.constant 80 : index
        %swap3A_2372 = tpu.vector_load %arg11[%swap3A_2371] {strides = array<i32>} : memref<256xf32, #tpu.memory_space<vmem>>, vector<16xf32>,
        tpu.vector_store %arg11[%swap3A_2371], %add3A_2370 {strides = array<i32>} : memref<256xf32, #tpu.memory_space<vmem>>, vector<16xf32>,
        %mul3A_2373 = arith.constant 80 : i32
        %mul3A_2374 = arith.muli %scan3A_1153, %mul3A_2373 : i32
        %add3A_2375 = arith.constant 38 : i32
        %add3A_2376 = arith.addi %mul3A_2374, %add3A_2375 : i32
        %get3A_2377 = arith.index_cast %add3A_2376 : i32 to index
        %get3A_2378 = arith.constant 0 : index
        %get3A_2379 = tpu.vector_load %arg10[%get3A_2377, %get3A_2378] {strides = array<i32>} : memref<640x64xf32, #tpu.memory_space<vmem>>, vector<16xf32>,
        %mul3A_2380 = arith.mulf %get3A_2379, %get3A_1796 : vector<16xf32>
        %get3A_2381 = arith.index_cast %add3A_2376 : i32 to index
        %get3A_2382 = arith.constant 16 : index
        %get3A_2383 = tpu.vector_load %arg10[%get3A_2381, %get3A_2382] {strides = array<i32>} : memref<640x64xf32, #tpu.memory_space<vmem>>, vector<16xf32>,
        %mul3A_2384 = arith.mulf %get3A_2383, %get3A_1799 : vector<16xf32>
        %add3A_2385 = arith.addf %mul3A_2380, %mul3A_2384 : vector<16xf32>
        %get3A_2386 = arith.index_cast %add3A_2376 : i32 to index
        %get3A_2387 = arith.constant 32 : index
        %get3A_2388 = tpu.vector_load %arg10[%get3A_2386, %get3A_2387] {strides = array<i32>} : memref<640x64xf32, #tpu.memory_space<vmem>>, vector<16xf32>,
        %mul3A_2389 = arith.mulf %get3A_2388, %get3A_1802 : vector<16xf32>
        %add3A_2390 = arith.addf %add3A_2385, %mul3A_2389 : vector<16xf32>
        %get3A_2391 = arith.index_cast %add3A_2376 : i32 to index
        %get3A_2392 = arith.constant 48 : index
        %get3A_2393 = tpu.vector_load %arg10[%get3A_2391, %get3A_2392] {strides = array<i32>} : memref<640x64xf32, #tpu.memory_space<vmem>>, vector<16xf32>,
        %mul3A_2394 = arith.mulf %get3A_2393, %get3A_1805 : vector<16xf32>
        %add3A_2395 = arith.addf %add3A_2390, %mul3A_2394 : vector<16xf32>
        %swap3A_2396 = arith.constant 96 : index
        %swap3A_2397 = tpu.vector_load %arg11[%swap3A_2396] {strides = array<i32>} : memref<256xf32, #tpu.memory_space<vmem>>, vector<16xf32>,
        tpu.vector_store %arg11[%swap3A_2396], %add3A_2395 {strides = array<i32>} : memref<256xf32, #tpu.memory_space<vmem>>, vector<16xf32>,
        %mul3A_2398 = arith.constant 80 : i32
        %mul3A_2399 = arith.muli %scan3A_1153, %mul3A_2398 : i32
        %add3A_2400 = arith.constant 39 : i32
        %add3A_2401 = arith.addi %mul3A_2399, %add3A_2400 : i32
        %get3A_2402 = arith.index_cast %add3A_2401 : i32 to index
        %get3A_2403 = arith.constant 0 : index
        %get3A_2404 = tpu.vector_load %arg10[%get3A_2402, %get3A_2403] {strides = array<i32>} : memref<640x64xf32, #tpu.memory_space<vmem>>, vector<16xf32>,
        %mul3A_2405 = arith.mulf %get3A_2404, %get3A_1796 : vector<16xf32>
        %get3A_2406 = arith.index_cast %add3A_2401 : i32 to index
        %get3A_2407 = arith.constant 16 : index
        %get3A_2408 = tpu.vector_load %arg10[%get3A_2406, %get3A_2407] {strides = array<i32>} : memref<640x64xf32, #tpu.memory_space<vmem>>, vector<16xf32>,
        %mul3A_2409 = arith.mulf %get3A_2408, %get3A_1799 : vector<16xf32>
        %add3A_2410 = arith.addf %mul3A_2405, %mul3A_2409 : vector<16xf32>
        %get3A_2411 = arith.index_cast %add3A_2401 : i32 to index
        %get3A_2412 = arith.constant 32 : index
        %get3A_2413 = tpu.vector_load %arg10[%get3A_2411, %get3A_2412] {strides = array<i32>} : memref<640x64xf32, #tpu.memory_space<vmem>>, vector<16xf32>,
        %mul3A_2414 = arith.mulf %get3A_2413, %get3A_1802 : vector<16xf32>
        %add3A_2415 = arith.addf %add3A_2410, %mul3A_2414 : vector<16xf32>
        %get3A_2416 = arith.index_cast %add3A_2401 : i32 to index
        %get3A_2417 = arith.constant 48 : index
        %get3A_2418 = tpu.vector_load %arg10[%get3A_2416, %get3A_2417] {strides = array<i32>} : memref<640x64xf32, #tpu.memory_space<vmem>>, vector<16xf32>,
        %mul3A_2419 = arith.mulf %get3A_2418, %get3A_1805 : vector<16xf32>
        %add3A_2420 = arith.addf %add3A_2415, %mul3A_2419 : vector<16xf32>
        %swap3A_2421 = arith.constant 112 : index
        %swap3A_2422 = tpu.vector_load %arg11[%swap3A_2421] {strides = array<i32>} : memref<256xf32, #tpu.memory_space<vmem>>, vector<16xf32>,
        tpu.vector_store %arg11[%swap3A_2421], %add3A_2420 {strides = array<i32>} : memref<256xf32, #tpu.memory_space<vmem>>, vector<16xf32>,
        %mul3A_2423 = arith.constant 4 : i32
        %mul3A_2424 = arith.muli %scan3A_1153, %mul3A_2423 : i32
        %add3A_2425 = arith.constant 2 : i32
        %add3A_2426 = arith.addi %mul3A_2424, %add3A_2425 : i32
        %get3A_2427 = arith.index_cast %add3A_2426 : i32 to index
        %get3A_2428 = arith.constant 0 : index
        %get3A_2429 = tpu.vector_load %arg9[%get3A_2427, %get3A_2428] {strides = array<i32>} : memref<32x64xf32, #tpu.memory_space<vmem>>, vector<16xf32>,
        %get3A_2430 = arith.index_cast %add3A_2426 : i32 to index
        %get3A_2431 = arith.constant 16 : index
        %get3A_2432 = tpu.vector_load %arg9[%get3A_2430, %get3A_2431] {strides = array<i32>} : memref<32x64xf32, #tpu.memory_space<vmem>>, vector<16xf32>,
        %get3A_2433 = arith.index_cast %add3A_2426 : i32 to index
        %get3A_2434 = arith.constant 32 : index
        %get3A_2435 = tpu.vector_load %arg9[%get3A_2433, %get3A_2434] {strides = array<i32>} : memref<32x64xf32, #tpu.memory_space<vmem>>, vector<16xf32>,
        %get3A_2436 = arith.index_cast %add3A_2426 : i32 to index
        %get3A_2437 = arith.constant 48 : index
        %get3A_2438 = tpu.vector_load %arg9[%get3A_2436, %get3A_2437] {strides = array<i32>} : memref<32x64xf32, #tpu.memory_space<vmem>>, vector<16xf32>,
        %mul3A_2439 = arith.constant 80 : i32
        %mul3A_2440 = arith.muli %scan3A_1153, %mul3A_2439 : i32
        %add3A_2441 = arith.constant 40 : i32
        %add3A_2442 = arith.addi %mul3A_2440, %add3A_2441 : i32
        %get3A_2443 = arith.index_cast %add3A_2442 : i32 to index
        %get3A_2444 = arith.constant 0 : index
        %get3A_2445 = tpu.vector_load %arg10[%get3A_2443, %get3A_2444] {strides = array<i32>} : memref<640x64xf32, #tpu.memory_space<vmem>>, vector<16xf32>,
        %mul3A_2446 = arith.mulf %get3A_2445, %get3A_2429 : vector<16xf32>
        %get3A_2447 = arith.index_cast %add3A_2442 : i32 to index
        %get3A_2448 = arith.constant 16 : index
        %get3A_2449 = tpu.vector_load %arg10[%get3A_2447, %get3A_2448] {strides = array<i32>} : memref<640x64xf32, #tpu.memory_space<vmem>>, vector<16xf32>,
        %mul3A_2450 = arith.mulf %get3A_2449, %get3A_2432 : vector<16xf32>
        %add3A_2451 = arith.addf %mul3A_2446, %mul3A_2450 : vector<16xf32>
        %get3A_2452 = arith.index_cast %add3A_2442 : i32 to index
        %get3A_2453 = arith.constant 32 : index
        %get3A_2454 = tpu.vector_load %arg10[%get3A_2452, %get3A_2453] {strides = array<i32>} : memref<640x64xf32, #tpu.memory_space<vmem>>, vector<16xf32>,
        %mul3A_2455 = arith.mulf %get3A_2454, %get3A_2435 : vector<16xf32>
        %add3A_2456 = arith.addf %add3A_2451, %mul3A_2455 : vector<16xf32>
        %get3A_2457 = arith.index_cast %add3A_2442 : i32 to index
        %get3A_2458 = arith.constant 48 : index
        %get3A_2459 = tpu.vector_load %arg10[%get3A_2457, %get3A_2458] {strides = array<i32>} : memref<640x64xf32, #tpu.memory_space<vmem>>, vector<16xf32>,
        %mul3A_2460 = arith.mulf %get3A_2459, %get3A_2438 : vector<16xf32>
        %add3A_2461 = arith.addf %add3A_2456, %mul3A_2460 : vector<16xf32>
        %swap3A_2462 = arith.constant 128 : index
        %swap3A_2463 = tpu.vector_load %arg11[%swap3A_2462] {strides = array<i32>} : memref<256xf32, #tpu.memory_space<vmem>>, vector<16xf32>,
        tpu.vector_store %arg11[%swap3A_2462], %add3A_2461 {strides = array<i32>} : memref<256xf32, #tpu.memory_space<vmem>>, vector<16xf32>,
        %mul3A_2464 = arith.constant 80 : i32
        %mul3A_2465 = arith.muli %scan3A_1153, %mul3A_2464 : i32
        %add3A_2466 = arith.constant 41 : i32
        %add3A_2467 = arith.addi %mul3A_2465, %add3A_2466 : i32
        %get3A_2468 = arith.index_cast %add3A_2467 : i32 to index
        %get3A_2469 = arith.constant 0 : index
        %get3A_2470 = tpu.vector_load %arg10[%get3A_2468, %get3A_2469] {strides = array<i32>} : memref<640x64xf32, #tpu.memory_space<vmem>>, vector<16xf32>,
        %mul3A_2471 = arith.mulf %get3A_2470, %get3A_2429 : vector<16xf32>
        %get3A_2472 = arith.index_cast %add3A_2467 : i32 to index
        %get3A_2473 = arith.constant 16 : index
        %get3A_2474 = tpu.vector_load %arg10[%get3A_2472, %get3A_2473] {strides = array<i32>} : memref<640x64xf32, #tpu.memory_space<vmem>>, vector<16xf32>,
        %mul3A_2475 = arith.mulf %get3A_2474, %get3A_2432 : vector<16xf32>
        %add3A_2476 = arith.addf %mul3A_2471, %mul3A_2475 : vector<16xf32>
        %get3A_2477 = arith.index_cast %add3A_2467 : i32 to index
        %get3A_2478 = arith.constant 32 : index
        %get3A_2479 = tpu.vector_load %arg10[%get3A_2477, %get3A_2478] {strides = array<i32>} : memref<640x64xf32, #tpu.memory_space<vmem>>, vector<16xf32>,
        %mul3A_2480 = arith.mulf %get3A_2479, %get3A_2435 : vector<16xf32>
        %add3A_2481 = arith.addf %add3A_2476, %mul3A_2480 : vector<16xf32>
        %get3A_2482 = arith.index_cast %add3A_2467 : i32 to index
        %get3A_2483 = arith.constant 48 : index
        %get3A_2484 = tpu.vector_load %arg10[%get3A_2482, %get3A_2483] {strides = array<i32>} : memref<640x64xf32, #tpu.memory_space<vmem>>, vector<16xf32>,
        %mul3A_2485 = arith.mulf %get3A_2484, %get3A_2438 : vector<16xf32>
        %add3A_2486 = arith.addf %add3A_2481, %mul3A_2485 : vector<16xf32>
        %swap3A_2487 = arith.constant 144 : index
        %swap3A_2488 = tpu.vector_load %arg11[%swap3A_2487] {strides = array<i32>} : memref<256xf32, #tpu.memory_space<vmem>>, vector<16xf32>,
        tpu.vector_store %arg11[%swap3A_2487], %add3A_2486 {strides = array<i32>} : memref<256xf32, #tpu.memory_space<vmem>>, vector<16xf32>,
        %mul3A_2489 = arith.constant 80 : i32
        %mul3A_2490 = arith.muli %scan3A_1153, %mul3A_2489 : i32
        %add3A_2491 = arith.constant 42 : i32
        %add3A_2492 = arith.addi %mul3A_2490, %add3A_2491 : i32
        %get3A_2493 = arith.index_cast %add3A_2492 : i32 to index
        %get3A_2494 = arith.constant 0 : index
        %get3A_2495 = tpu.vector_load %arg10[%get3A_2493, %get3A_2494] {strides = array<i32>} : memref<640x64xf32, #tpu.memory_space<vmem>>, vector<16xf32>,
        %mul3A_2496 = arith.mulf %get3A_2495, %get3A_2429 : vector<16xf32>
        %get3A_2497 = arith.index_cast %add3A_2492 : i32 to index
        %get3A_2498 = arith.constant 16 : index
        %get3A_2499 = tpu.vector_load %arg10[%get3A_2497, %get3A_2498] {strides = array<i32>} : memref<640x64xf32, #tpu.memory_space<vmem>>, vector<16xf32>,
        %mul3A_2500 = arith.mulf %get3A_2499, %get3A_2432 : vector<16xf32>
        %add3A_2501 = arith.addf %mul3A_2496, %mul3A_2500 : vector<16xf32>
        %get3A_2502 = arith.index_cast %add3A_2492 : i32 to index
        %get3A_2503 = arith.constant 32 : index
        %get3A_2504 = tpu.vector_load %arg10[%get3A_2502, %get3A_2503] {strides = array<i32>} : memref<640x64xf32, #tpu.memory_space<vmem>>, vector<16xf32>,
        %mul3A_2505 = arith.mulf %get3A_2504, %get3A_2435 : vector<16xf32>
        %add3A_2506 = arith.addf %add3A_2501, %mul3A_2505 : vector<16xf32>
        %get3A_2507 = arith.index_cast %add3A_2492 : i32 to index
        %get3A_2508 = arith.constant 48 : index
        %get3A_2509 = tpu.vector_load %arg10[%get3A_2507, %get3A_2508] {strides = array<i32>} : memref<640x64xf32, #tpu.memory_space<vmem>>, vector<16xf32>,
        %mul3A_2510 = arith.mulf %get3A_2509, %get3A_2438 : vector<16xf32>
        %add3A_2511 = arith.addf %add3A_2506, %mul3A_2510 : vector<16xf32>
        %swap3A_2512 = arith.constant 160 : index
        %swap3A_2513 = tpu.vector_load %arg11[%swap3A_2512] {strides = array<i32>} : memref<256xf32, #tpu.memory_space<vmem>>, vector<16xf32>,
        tpu.vector_store %arg11[%swap3A_2512], %add3A_2511 {strides = array<i32>} : memref<256xf32, #tpu.memory_space<vmem>>, vector<16xf32>,
        %mul3A_2514 = arith.constant 80 : i32
        %mul3A_2515 = arith.muli %scan3A_1153, %mul3A_2514 : i32
        %add3A_2516 = arith.constant 43 : i32
        %add3A_2517 = arith.addi %mul3A_2515, %add3A_2516 : i32
        %get3A_2518 = arith.index_cast %add3A_2517 : i32 to index
        %get3A_2519 = arith.constant 0 : index
        %get3A_2520 = tpu.vector_load %arg10[%get3A_2518, %get3A_2519] {strides = array<i32>} : memref<640x64xf32, #tpu.memory_space<vmem>>, vector<16xf32>,
        %mul3A_2521 = arith.mulf %get3A_2520, %get3A_2429 : vector<16xf32>
        %get3A_2522 = arith.index_cast %add3A_2517 : i32 to index
        %get3A_2523 = arith.constant 16 : index
        %get3A_2524 = tpu.vector_load %arg10[%get3A_2522, %get3A_2523] {strides = array<i32>} : memref<640x64xf32, #tpu.memory_space<vmem>>, vector<16xf32>,
        %mul3A_2525 = arith.mulf %get3A_2524, %get3A_2432 : vector<16xf32>
        %add3A_2526 = arith.addf %mul3A_2521, %mul3A_2525 : vector<16xf32>
        %get3A_2527 = arith.index_cast %add3A_2517 : i32 to index
        %get3A_2528 = arith.constant 32 : index
        %get3A_2529 = tpu.vector_load %arg10[%get3A_2527, %get3A_2528] {strides = array<i32>} : memref<640x64xf32, #tpu.memory_space<vmem>>, vector<16xf32>,
        %mul3A_2530 = arith.mulf %get3A_2529, %get3A_2435 : vector<16xf32>
        %add3A_2531 = arith.addf %add3A_2526, %mul3A_2530 : vector<16xf32>
        %get3A_2532 = arith.index_cast %add3A_2517 : i32 to index
        %get3A_2533 = arith.constant 48 : index
        %get3A_2534 = tpu.vector_load %arg10[%get3A_2532, %get3A_2533] {strides = array<i32>} : memref<640x64xf32, #tpu.memory_space<vmem>>, vector<16xf32>,
        %mul3A_2535 = arith.mulf %get3A_2534, %get3A_2438 : vector<16xf32>
        %add3A_2536 = arith.addf %add3A_2531, %mul3A_2535 : vector<16xf32>
        %swap3A_2537 = arith.constant 176 : index
        %swap3A_2538 = tpu.vector_load %arg11[%swap3A_2537] {strides = array<i32>} : memref<256xf32, #tpu.memory_space<vmem>>, vector<16xf32>,
        tpu.vector_store %arg11[%swap3A_2537], %add3A_2536 {strides = array<i32>} : memref<256xf32, #tpu.memory_space<vmem>>, vector<16xf32>,
        %mul3A_2539 = arith.constant 80 : i32
        %mul3A_2540 = arith.muli %scan3A_1153, %mul3A_2539 : i32
        %add3A_2541 = arith.constant 44 : i32
        %add3A_2542 = arith.addi %mul3A_2540, %add3A_2541 : i32
        %get3A_2543 = arith.index_cast %add3A_2542 : i32 to index
        %get3A_2544 = arith.constant 0 : index
        %get3A_2545 = tpu.vector_load %arg10[%get3A_2543, %get3A_2544] {strides = array<i32>} : memref<640x64xf32, #tpu.memory_space<vmem>>, vector<16xf32>,
        %mul3A_2546 = arith.mulf %get3A_2545, %get3A_2429 : vector<16xf32>
        %get3A_2547 = arith.index_cast %add3A_2542 : i32 to index
        %get3A_2548 = arith.constant 16 : index
        %get3A_2549 = tpu.vector_load %arg10[%get3A_2547, %get3A_2548] {strides = array<i32>} : memref<640x64xf32, #tpu.memory_space<vmem>>, vector<16xf32>,
        %mul3A_2550 = arith.mulf %get3A_2549, %get3A_2432 : vector<16xf32>
        %add3A_2551 = arith.addf %mul3A_2546, %mul3A_2550 : vector<16xf32>
        %get3A_2552 = arith.index_cast %add3A_2542 : i32 to index
        %get3A_2553 = arith.constant 32 : index
        %get3A_2554 = tpu.vector_load %arg10[%get3A_2552, %get3A_2553] {strides = array<i32>} : memref<640x64xf32, #tpu.memory_space<vmem>>, vector<16xf32>,
        %mul3A_2555 = arith.mulf %get3A_2554, %get3A_2435 : vector<16xf32>
        %add3A_2556 = arith.addf %add3A_2551, %mul3A_2555 : vector<16xf32>
        %get3A_2557 = arith.index_cast %add3A_2542 : i32 to index
        %get3A_2558 = arith.constant 48 : index
        %get3A_2559 = tpu.vector_load %arg10[%get3A_2557, %get3A_2558] {strides = array<i32>} : memref<640x64xf32, #tpu.memory_space<vmem>>, vector<16xf32>,
        %mul3A_2560 = arith.mulf %get3A_2559, %get3A_2438 : vector<16xf32>
        %add3A_2561 = arith.addf %add3A_2556, %mul3A_2560 : vector<16xf32>
        %swap3A_2562 = arith.constant 192 : index
        %swap3A_2563 = tpu.vector_load %arg11[%swap3A_2562] {strides = array<i32>} : memref<256xf32, #tpu.memory_space<vmem>>, vector<16xf32>,
        tpu.vector_store %arg11[%swap3A_2562], %add3A_2561 {strides = array<i32>} : memref<256xf32, #tpu.memory_space<vmem>>, vector<16xf32>,
        %mul3A_2564 = arith.constant 80 : i32
        %mul3A_2565 = arith.muli %scan3A_1153, %mul3A_2564 : i32
        %add3A_2566 = arith.constant 45 : i32
        %add3A_2567 = arith.addi %mul3A_2565, %add3A_2566 : i32
        %get3A_2568 = arith.index_cast %add3A_2567 : i32 to index
        %get3A_2569 = arith.constant 0 : index
        %get3A_2570 = tpu.vector_load %arg10[%get3A_2568, %get3A_2569] {strides = array<i32>} : memref<640x64xf32, #tpu.memory_space<vmem>>, vector<16xf32>,
        %mul3A_2571 = arith.mulf %get3A_2570, %get3A_2429 : vector<16xf32>
        %get3A_2572 = arith.index_cast %add3A_2567 : i32 to index
        %get3A_2573 = arith.constant 16 : index
        %get3A_2574 = tpu.vector_load %arg10[%get3A_2572, %get3A_2573] {strides = array<i32>} : memref<640x64xf32, #tpu.memory_space<vmem>>, vector<16xf32>,
        %mul3A_2575 = arith.mulf %get3A_2574, %get3A_2432 : vector<16xf32>
        %add3A_2576 = arith.addf %mul3A_2571, %mul3A_2575 : vector<16xf32>
        %get3A_2577 = arith.index_cast %add3A_2567 : i32 to index
        %get3A_2578 = arith.constant 32 : index
        %get3A_2579 = tpu.vector_load %arg10[%get3A_2577, %get3A_2578] {strides = array<i32>} : memref<640x64xf32, #tpu.memory_space<vmem>>, vector<16xf32>,
        %mul3A_2580 = arith.mulf %get3A_2579, %get3A_2435 : vector<16xf32>
        %add3A_2581 = arith.addf %add3A_2576, %mul3A_2580 : vector<16xf32>
        %get3A_2582 = arith.index_cast %add3A_2567 : i32 to index
        %get3A_2583 = arith.constant 48 : index
        %get3A_2584 = tpu.vector_load %arg10[%get3A_2582, %get3A_2583] {strides = array<i32>} : memref<640x64xf32, #tpu.memory_space<vmem>>, vector<16xf32>,
        %mul3A_2585 = arith.mulf %get3A_2584, %get3A_2438 : vector<16xf32>
        %add3A_2586 = arith.addf %add3A_2581, %mul3A_2585 : vector<16xf32>
        %swap3A_2587 = arith.constant 208 : index
        %swap3A_2588 = tpu.vector_load %arg11[%swap3A_2587] {strides = array<i32>} : memref<256xf32, #tpu.memory_space<vmem>>, vector<16xf32>,
        tpu.vector_store %arg11[%swap3A_2587], %add3A_2586 {strides = array<i32>} : memref<256xf32, #tpu.memory_space<vmem>>, vector<16xf32>,
        %mul3A_2589 = arith.constant 80 : i32
        %mul3A_2590 = arith.muli %scan3A_1153, %mul3A_2589 : i32
        %add3A_2591 = arith.constant 46 : i32
        %add3A_2592 = arith.addi %mul3A_2590, %add3A_2591 : i32
        %get3A_2593 = arith.index_cast %add3A_2592 : i32 to index
        %get3A_2594 = arith.constant 0 : index
        %get3A_2595 = tpu.vector_load %arg10[%get3A_2593, %get3A_2594] {strides = array<i32>} : memref<640x64xf32, #tpu.memory_space<vmem>>, vector<16xf32>,
        %mul3A_2596 = arith.mulf %get3A_2595, %get3A_2429 : vector<16xf32>
        %get3A_2597 = arith.index_cast %add3A_2592 : i32 to index
        %get3A_2598 = arith.constant 16 : index
        %get3A_2599 = tpu.vector_load %arg10[%get3A_2597, %get3A_2598] {strides = array<i32>} : memref<640x64xf32, #tpu.memory_space<vmem>>, vector<16xf32>,
        %mul3A_2600 = arith.mulf %get3A_2599, %get3A_2432 : vector<16xf32>
        %add3A_2601 = arith.addf %mul3A_2596, %mul3A_2600 : vector<16xf32>
        %get3A_2602 = arith.index_cast %add3A_2592 : i32 to index
        %get3A_2603 = arith.constant 32 : index
        %get3A_2604 = tpu.vector_load %arg10[%get3A_2602, %get3A_2603] {strides = array<i32>} : memref<640x64xf32, #tpu.memory_space<vmem>>, vector<16xf32>,
        %mul3A_2605 = arith.mulf %get3A_2604, %get3A_2435 : vector<16xf32>
        %add3A_2606 = arith.addf %add3A_2601, %mul3A_2605 : vector<16xf32>
        %get3A_2607 = arith.index_cast %add3A_2592 : i32 to index
        %get3A_2608 = arith.constant 48 : index
        %get3A_2609 = tpu.vector_load %arg10[%get3A_2607, %get3A_2608] {strides = array<i32>} : memref<640x64xf32, #tpu.memory_space<vmem>>, vector<16xf32>,
        %mul3A_2610 = arith.mulf %get3A_2609, %get3A_2438 : vector<16xf32>
        %add3A_2611 = arith.addf %add3A_2606, %mul3A_2610 : vector<16xf32>
        %swap3A_2612 = arith.constant 224 : index
        %swap3A_2613 = tpu.vector_load %arg11[%swap3A_2612] {strides = array<i32>} : memref<256xf32, #tpu.memory_space<vmem>>, vector<16xf32>,
        tpu.vector_store %arg11[%swap3A_2612], %add3A_2611 {strides = array<i32>} : memref<256xf32, #tpu.memory_space<vmem>>, vector<16xf32>,
        %mul3A_2614 = arith.constant 80 : i32
        %mul3A_2615 = arith.muli %scan3A_1153, %mul3A_2614 : i32
        %add3A_2616 = arith.constant 47 : i32
        %add3A_2617 = arith.addi %mul3A_2615, %add3A_2616 : i32
        %get3A_2618 = arith.index_cast %add3A_2617 : i32 to index
        %get3A_2619 = arith.constant 0 : index
        %get3A_2620 = tpu.vector_load %arg10[%get3A_2618, %get3A_2619] {strides = array<i32>} : memref<640x64xf32, #tpu.memory_space<vmem>>, vector<16xf32>,
        %mul3A_2621 = arith.mulf %get3A_2620, %get3A_2429 : vector<16xf32>
        %get3A_2622 = arith.index_cast %add3A_2617 : i32 to index
        %get3A_2623 = arith.constant 16 : index
        %get3A_2624 = tpu.vector_load %arg10[%get3A_2622, %get3A_2623] {strides = array<i32>} : memref<640x64xf32, #tpu.memory_space<vmem>>, vector<16xf32>,
        %mul3A_2625 = arith.mulf %get3A_2624, %get3A_2432 : vector<16xf32>
        %add3A_2626 = arith.addf %mul3A_2621, %mul3A_2625 : vector<16xf32>
        %get3A_2627 = arith.index_cast %add3A_2617 : i32 to index
        %get3A_2628 = arith.constant 32 : index
        %get3A_2629 = tpu.vector_load %arg10[%get3A_2627, %get3A_2628] {strides = array<i32>} : memref<640x64xf32, #tpu.memory_space<vmem>>, vector<16xf32>,
        %mul3A_2630 = arith.mulf %get3A_2629, %get3A_2435 : vector<16xf32>
        %add3A_2631 = arith.addf %add3A_2626, %mul3A_2630 : vector<16xf32>
        %get3A_2632 = arith.index_cast %add3A_2617 : i32 to index
        %get3A_2633 = arith.constant 48 : index
        %get3A_2634 = tpu.vector_load %arg10[%get3A_2632, %get3A_2633] {strides = array<i32>} : memref<640x64xf32, #tpu.memory_space<vmem>>, vector<16xf32>,
        %mul3A_2635 = arith.mulf %get3A_2634, %get3A_2438 : vector<16xf32>
        %add3A_2636 = arith.addf %add3A_2631, %mul3A_2635 : vector<16xf32>
        %swap3A_2637 = arith.constant 240 : index
        %swap3A_2638 = tpu.vector_load %arg11[%swap3A_2637] {strides = array<i32>} : memref<256xf32, #tpu.memory_space<vmem>>, vector<16xf32>,
        tpu.vector_store %arg11[%swap3A_2637], %add3A_2636 {strides = array<i32>} : memref<256xf32, #tpu.memory_space<vmem>>, vector<16xf32>,
        %iota3A_2639 = tpu.iota {dimensions = array<i32: 0>} : vector<16xi32>
        %mul3A_2640 = arith.constant 16 : i32
        %mul3A_2641 = vector.broadcast %mul3A_2640 : i32 to vector<16xi32>
        %mul3A_2642 = arith.muli %iota3A_2639, %mul3A_2641 : vector<16xi32>
        %gather3A_2643 = tpu.vector_load_idx %arg11[%mul3A_2642] : memref<256xf32, #tpu.memory_space<vmem>>[vector<16xi32>], vector<16xf32>,
        %add3A_2644 = arith.constant 1 : i32
        %add3A_2645 = vector.broadcast %add3A_2644 : i32 to vector<16xi32>
        %add3A_2646 = arith.addi %mul3A_2642, %add3A_2645 : vector<16xi32>
        %gather3A_2647 = tpu.vector_load_idx %arg11[%add3A_2646] : memref<256xf32, #tpu.memory_space<vmem>>[vector<16xi32>], vector<16xf32>,
        %add3A_2648 = arith.addf %gather3A_2643, %gather3A_2647 : vector<16xf32>
        %add3A_2649 = arith.constant 2 : i32
        %add3A_2650 = vector.broadcast %add3A_2649 : i32 to vector<16xi32>
        %add3A_2651 = arith.addi %mul3A_2642, %add3A_2650 : vector<16xi32>
        %gather3A_2652 = tpu.vector_load_idx %arg11[%add3A_2651] : memref<256xf32, #tpu.memory_space<vmem>>[vector<16xi32>], vector<16xf32>,
        %add3A_2653 = arith.addf %add3A_2648, %gather3A_2652 : vector<16xf32>
        %add3A_2654 = arith.constant 3 : i32
        %add3A_2655 = vector.broadcast %add3A_2654 : i32 to vector<16xi32>
        %add3A_2656 = arith.addi %mul3A_2642, %add3A_2655 : vector<16xi32>
        %gather3A_2657 = tpu.vector_load_idx %arg11[%add3A_2656] : memref<256xf32, #tpu.memory_space<vmem>>[vector<16xi32>], vector<16xf32>,
        %add3A_2658 = arith.addf %add3A_2653, %gather3A_2657 : vector<16xf32>
        %add3A_2659 = arith.constant 4 : i32
        %add3A_2660 = vector.broadcast %add3A_2659 : i32 to vector<16xi32>
        %add3A_2661 = arith.addi %mul3A_2642, %add3A_2660 : vector<16xi32>
        %gather3A_2662 = tpu.vector_load_idx %arg11[%add3A_2661] : memref<256xf32, #tpu.memory_space<vmem>>[vector<16xi32>], vector<16xf32>,
        %add3A_2663 = arith.addf %add3A_2658, %gather3A_2662 : vector<16xf32>
        %add3A_2664 = arith.constant 5 : i32
        %add3A_2665 = vector.broadcast %add3A_2664 : i32 to vector<16xi32>
        %add3A_2666 = arith.addi %mul3A_2642, %add3A_2665 : vector<16xi32>
        %gather3A_2667 = tpu.vector_load_idx %arg11[%add3A_2666] : memref<256xf32, #tpu.memory_space<vmem>>[vector<16xi32>], vector<16xf32>,
        %add3A_2668 = arith.addf %add3A_2663, %gather3A_2667 : vector<16xf32>
        %add3A_2669 = arith.constant 6 : i32
        %add3A_2670 = vector.broadcast %add3A_2669 : i32 to vector<16xi32>
        %add3A_2671 = arith.addi %mul3A_2642, %add3A_2670 : vector<16xi32>
        %gather3A_2672 = tpu.vector_load_idx %arg11[%add3A_2671] : memref<256xf32, #tpu.memory_space<vmem>>[vector<16xi32>], vector<16xf32>,
        %add3A_2673 = arith.addf %add3A_2668, %gather3A_2672 : vector<16xf32>
        %add3A_2674 = arith.constant 7 : i32
        %add3A_2675 = vector.broadcast %add3A_2674 : i32 to vector<16xi32>
        %add3A_2676 = arith.addi %mul3A_2642, %add3A_2675 : vector<16xi32>
        %gather3A_2677 = tpu.vector_load_idx %arg11[%add3A_2676] : memref<256xf32, #tpu.memory_space<vmem>>[vector<16xi32>], vector<16xf32>,
        %add3A_2678 = arith.addf %add3A_2673, %gather3A_2677 : vector<16xf32>
        %add3A_2679 = arith.constant 8 : i32
        %add3A_2680 = vector.broadcast %add3A_2679 : i32 to vector<16xi32>
        %add3A_2681 = arith.addi %mul3A_2642, %add3A_2680 : vector<16xi32>
        %gather3A_2682 = tpu.vector_load_idx %arg11[%add3A_2681] : memref<256xf32, #tpu.memory_space<vmem>>[vector<16xi32>], vector<16xf32>,
        %add3A_2683 = arith.addf %add3A_2678, %gather3A_2682 : vector<16xf32>
        %add3A_2684 = arith.constant 9 : i32
        %add3A_2685 = vector.broadcast %add3A_2684 : i32 to vector<16xi32>
        %add3A_2686 = arith.addi %mul3A_2642, %add3A_2685 : vector<16xi32>
        %gather3A_2687 = tpu.vector_load_idx %arg11[%add3A_2686] : memref<256xf32, #tpu.memory_space<vmem>>[vector<16xi32>], vector<16xf32>,
        %add3A_2688 = arith.addf %add3A_2683, %gather3A_2687 : vector<16xf32>
        %add3A_2689 = arith.constant 10 : i32
        %add3A_2690 = vector.broadcast %add3A_2689 : i32 to vector<16xi32>
        %add3A_2691 = arith.addi %mul3A_2642, %add3A_2690 : vector<16xi32>
        %gather3A_2692 = tpu.vector_load_idx %arg11[%add3A_2691] : memref<256xf32, #tpu.memory_space<vmem>>[vector<16xi32>], vector<16xf32>,
        %add3A_2693 = arith.addf %add3A_2688, %gather3A_2692 : vector<16xf32>
        %add3A_2694 = arith.constant 11 : i32
        %add3A_2695 = vector.broadcast %add3A_2694 : i32 to vector<16xi32>
        %add3A_2696 = arith.addi %mul3A_2642, %add3A_2695 : vector<16xi32>
        %gather3A_2697 = tpu.vector_load_idx %arg11[%add3A_2696] : memref<256xf32, #tpu.memory_space<vmem>>[vector<16xi32>], vector<16xf32>,
        %add3A_2698 = arith.addf %add3A_2693, %gather3A_2697 : vector<16xf32>
        %add3A_2699 = arith.constant 12 : i32
        %add3A_2700 = vector.broadcast %add3A_2699 : i32 to vector<16xi32>
        %add3A_2701 = arith.addi %mul3A_2642, %add3A_2700 : vector<16xi32>
        %gather3A_2702 = tpu.vector_load_idx %arg11[%add3A_2701] : memref<256xf32, #tpu.memory_space<vmem>>[vector<16xi32>], vector<16xf32>,
        %add3A_2703 = arith.addf %add3A_2698, %gather3A_2702 : vector<16xf32>
        %add3A_2704 = arith.constant 13 : i32
        %add3A_2705 = vector.broadcast %add3A_2704 : i32 to vector<16xi32>
        %add3A_2706 = arith.addi %mul3A_2642, %add3A_2705 : vector<16xi32>
        %gather3A_2707 = tpu.vector_load_idx %arg11[%add3A_2706] : memref<256xf32, #tpu.memory_space<vmem>>[vector<16xi32>], vector<16xf32>,
        %add3A_2708 = arith.addf %add3A_2703, %gather3A_2707 : vector<16xf32>
        %add3A_2709 = arith.constant 14 : i32
        %add3A_2710 = vector.broadcast %add3A_2709 : i32 to vector<16xi32>
        %add3A_2711 = arith.addi %mul3A_2642, %add3A_2710 : vector<16xi32>
        %gather3A_2712 = tpu.vector_load_idx %arg11[%add3A_2711] : memref<256xf32, #tpu.memory_space<vmem>>[vector<16xi32>], vector<16xf32>,
        %add3A_2713 = arith.addf %add3A_2708, %gather3A_2712 : vector<16xf32>
        %add3A_2714 = arith.constant 15 : i32
        %add3A_2715 = vector.broadcast %add3A_2714 : i32 to vector<16xi32>
        %add3A_2716 = arith.addi %mul3A_2642, %add3A_2715 : vector<16xi32>
        %gather3A_2717 = tpu.vector_load_idx %arg11[%add3A_2716] : memref<256xf32, #tpu.memory_space<vmem>>[vector<16xi32>], vector<16xf32>,
        %add3A_2718 = arith.addf %add3A_2713, %gather3A_2717 : vector<16xf32>
        %abs3A_2719 = math.absf %add3A_2718 : vector<16xf32>
        %neg3A_2720 = arith.constant 0.000000e+00 : f32
        %neg3A_2721 = vector.broadcast %neg3A_2720 : f32 to vector<16xf32>
        %neg3A_2722 = arith.subf %neg3A_2721, %abs3A_2719 : vector<16xf32>
        %exp3A_2723 = math.exp %neg3A_2722 : vector<16xf32>
        %add3A_2724 = arith.constant 2.000000e+00 : f32
        %add3A_2725 = vector.broadcast %add3A_2724 : f32 to vector<16xf32>
        %add3A_2726 = arith.addf %add3A_2725, %exp3A_2723 : vector<16xf32>
        %div3A_2727 = arith.divf %exp3A_2723, %add3A_2726 : vector<16xf32>
        %mul3A_2728 = arith.mulf %div3A_2727, %div3A_2727 : vector<16xf32>
        %mul3A_2729 = arith.constant 0.111111112 : f32
        %mul3A_2730 = vector.broadcast %mul3A_2729 : f32 to vector<16xf32>
        %mul3A_2731 = arith.mulf %mul3A_2728, %mul3A_2730 : vector<16xf32>
        %add3A_2732 = arith.constant 0.142857149 : f32
        %add3A_2733 = vector.broadcast %add3A_2732 : f32 to vector<16xf32>
        %add3A_2734 = arith.addf %add3A_2733, %mul3A_2731 : vector<16xf32>
        %mul3A_2735 = arith.mulf %mul3A_2728, %add3A_2734 : vector<16xf32>
        %add3A_2736 = arith.constant 2.000000e-01 : f32
        %add3A_2737 = vector.broadcast %add3A_2736 : f32 to vector<16xf32>
        %add3A_2738 = arith.addf %add3A_2737, %mul3A_2735 : vector<16xf32>
        %mul3A_2739 = arith.mulf %mul3A_2728, %add3A_2738 : vector<16xf32>
        %add3A_2740 = arith.constant 0.333333343 : f32
        %add3A_2741 = vector.broadcast %add3A_2740 : f32 to vector<16xf32>
        %add3A_2742 = arith.addf %add3A_2741, %mul3A_2739 : vector<16xf32>
        %mul3A_2743 = arith.mulf %mul3A_2728, %add3A_2742 : vector<16xf32>
        %add3A_2744 = arith.constant 1.000000e+00 : f32
        %add3A_2745 = vector.broadcast %add3A_2744 : f32 to vector<16xf32>
        %add3A_2746 = arith.addf %add3A_2745, %mul3A_2743 : vector<16xf32>
        %min3A_2747 = arith.constant 0.000000e+00 : f32
        %min3A_2748 = vector.broadcast %min3A_2747 : f32 to vector<16xf32>
        %min3A_2749 = arith.minimumf %add3A_2718, %min3A_2748 : vector<16xf32>
        %mul3A_2750 = arith.constant 2.000000e+00 : f32
        %mul3A_2751 = vector.broadcast %mul3A_2750 : f32 to vector<16xf32>
        %mul3A_2752 = arith.mulf %mul3A_2751, %div3A_2727 : vector<16xf32>
        %mul3A_2753 = arith.mulf %mul3A_2752, %add3A_2746 : vector<16xf32>
        %sub3A_2754 = arith.subf %min3A_2749, %mul3A_2753 : vector<16xf32>
        %add3A_2755 = arith.addf %add3A_2222, %sub3A_2754 : vector<16xf32>
        %mul3A_2756 = arith.constant 80 : i32
        %mul3A_2757 = arith.muli %scan3A_1153, %mul3A_2756 : i32
        %add3A_2758 = arith.constant 48 : i32
        %add3A_2759 = arith.addi %mul3A_2757, %add3A_2758 : i32
        %get3A_2760 = arith.index_cast %add3A_2759 : i32 to index
        %get3A_2761 = arith.constant 0 : index
        %get3A_2762 = tpu.vector_load %arg10[%get3A_2760, %get3A_2761] {strides = array<i32>} : memref<640x64xf32, #tpu.memory_space<vmem>>, vector<16xf32>,
        %mul3A_2763 = arith.mulf %get3A_2762, %get3A_2429 : vector<16xf32>
        %get3A_2764 = arith.index_cast %add3A_2759 : i32 to index
        %get3A_2765 = arith.constant 16 : index
        %get3A_2766 = tpu.vector_load %arg10[%get3A_2764, %get3A_2765] {strides = array<i32>} : memref<640x64xf32, #tpu.memory_space<vmem>>, vector<16xf32>,
        %mul3A_2767 = arith.mulf %get3A_2766, %get3A_2432 : vector<16xf32>
        %add3A_2768 = arith.addf %mul3A_2763, %mul3A_2767 : vector<16xf32>
        %get3A_2769 = arith.index_cast %add3A_2759 : i32 to index
        %get3A_2770 = arith.constant 32 : index
        %get3A_2771 = tpu.vector_load %arg10[%get3A_2769, %get3A_2770] {strides = array<i32>} : memref<640x64xf32, #tpu.memory_space<vmem>>, vector<16xf32>,
        %mul3A_2772 = arith.mulf %get3A_2771, %get3A_2435 : vector<16xf32>
        %add3A_2773 = arith.addf %add3A_2768, %mul3A_2772 : vector<16xf32>
        %get3A_2774 = arith.index_cast %add3A_2759 : i32 to index
        %get3A_2775 = arith.constant 48 : index
        %get3A_2776 = tpu.vector_load %arg10[%get3A_2774, %get3A_2775] {strides = array<i32>} : memref<640x64xf32, #tpu.memory_space<vmem>>, vector<16xf32>,
        %mul3A_2777 = arith.mulf %get3A_2776, %get3A_2438 : vector<16xf32>
        %add3A_2778 = arith.addf %add3A_2773, %mul3A_2777 : vector<16xf32>
        %swap3A_2779 = arith.constant 0 : index
        %swap3A_2780 = tpu.vector_load %arg11[%swap3A_2779] {strides = array<i32>} : memref<256xf32, #tpu.memory_space<vmem>>, vector<16xf32>,
        tpu.vector_store %arg11[%swap3A_2779], %add3A_2778 {strides = array<i32>} : memref<256xf32, #tpu.memory_space<vmem>>, vector<16xf32>,
        %mul3A_2781 = arith.constant 80 : i32
        %mul3A_2782 = arith.muli %scan3A_1153, %mul3A_2781 : i32
        %add3A_2783 = arith.constant 49 : i32
        %add3A_2784 = arith.addi %mul3A_2782, %add3A_2783 : i32
        %get3A_2785 = arith.index_cast %add3A_2784 : i32 to index
        %get3A_2786 = arith.constant 0 : index
        %get3A_2787 = tpu.vector_load %arg10[%get3A_2785, %get3A_2786] {strides = array<i32>} : memref<640x64xf32, #tpu.memory_space<vmem>>, vector<16xf32>,
        %mul3A_2788 = arith.mulf %get3A_2787, %get3A_2429 : vector<16xf32>
        %get3A_2789 = arith.index_cast %add3A_2784 : i32 to index
        %get3A_2790 = arith.constant 16 : index
        %get3A_2791 = tpu.vector_load %arg10[%get3A_2789, %get3A_2790] {strides = array<i32>} : memref<640x64xf32, #tpu.memory_space<vmem>>, vector<16xf32>,
        %mul3A_2792 = arith.mulf %get3A_2791, %get3A_2432 : vector<16xf32>
        %add3A_2793 = arith.addf %mul3A_2788, %mul3A_2792 : vector<16xf32>
        %get3A_2794 = arith.index_cast %add3A_2784 : i32 to index
        %get3A_2795 = arith.constant 32 : index
        %get3A_2796 = tpu.vector_load %arg10[%get3A_2794, %get3A_2795] {strides = array<i32>} : memref<640x64xf32, #tpu.memory_space<vmem>>, vector<16xf32>,
        %mul3A_2797 = arith.mulf %get3A_2796, %get3A_2435 : vector<16xf32>
        %add3A_2798 = arith.addf %add3A_2793, %mul3A_2797 : vector<16xf32>
        %get3A_2799 = arith.index_cast %add3A_2784 : i32 to index
        %get3A_2800 = arith.constant 48 : index
        %get3A_2801 = tpu.vector_load %arg10[%get3A_2799, %get3A_2800] {strides = array<i32>} : memref<640x64xf32, #tpu.memory_space<vmem>>, vector<16xf32>,
        %mul3A_2802 = arith.mulf %get3A_2801, %get3A_2438 : vector<16xf32>
        %add3A_2803 = arith.addf %add3A_2798, %mul3A_2802 : vector<16xf32>
        %swap3A_2804 = arith.constant 16 : index
        %swap3A_2805 = tpu.vector_load %arg11[%swap3A_2804] {strides = array<i32>} : memref<256xf32, #tpu.memory_space<vmem>>, vector<16xf32>,
        tpu.vector_store %arg11[%swap3A_2804], %add3A_2803 {strides = array<i32>} : memref<256xf32, #tpu.memory_space<vmem>>, vector<16xf32>,
        %mul3A_2806 = arith.constant 80 : i32
        %mul3A_2807 = arith.muli %scan3A_1153, %mul3A_2806 : i32
        %add3A_2808 = arith.constant 50 : i32
        %add3A_2809 = arith.addi %mul3A_2807, %add3A_2808 : i32
        %get3A_2810 = arith.index_cast %add3A_2809 : i32 to index
        %get3A_2811 = arith.constant 0 : index
        %get3A_2812 = tpu.vector_load %arg10[%get3A_2810, %get3A_2811] {strides = array<i32>} : memref<640x64xf32, #tpu.memory_space<vmem>>, vector<16xf32>,
        %mul3A_2813 = arith.mulf %get3A_2812, %get3A_2429 : vector<16xf32>
        %get3A_2814 = arith.index_cast %add3A_2809 : i32 to index
        %get3A_2815 = arith.constant 16 : index
        %get3A_2816 = tpu.vector_load %arg10[%get3A_2814, %get3A_2815] {strides = array<i32>} : memref<640x64xf32, #tpu.memory_space<vmem>>, vector<16xf32>,
        %mul3A_2817 = arith.mulf %get3A_2816, %get3A_2432 : vector<16xf32>
        %add3A_2818 = arith.addf %mul3A_2813, %mul3A_2817 : vector<16xf32>
        %get3A_2819 = arith.index_cast %add3A_2809 : i32 to index
        %get3A_2820 = arith.constant 32 : index
        %get3A_2821 = tpu.vector_load %arg10[%get3A_2819, %get3A_2820] {strides = array<i32>} : memref<640x64xf32, #tpu.memory_space<vmem>>, vector<16xf32>,
        %mul3A_2822 = arith.mulf %get3A_2821, %get3A_2435 : vector<16xf32>
        %add3A_2823 = arith.addf %add3A_2818, %mul3A_2822 : vector<16xf32>
        %get3A_2824 = arith.index_cast %add3A_2809 : i32 to index
        %get3A_2825 = arith.constant 48 : index
        %get3A_2826 = tpu.vector_load %arg10[%get3A_2824, %get3A_2825] {strides = array<i32>} : memref<640x64xf32, #tpu.memory_space<vmem>>, vector<16xf32>,
        %mul3A_2827 = arith.mulf %get3A_2826, %get3A_2438 : vector<16xf32>
        %add3A_2828 = arith.addf %add3A_2823, %mul3A_2827 : vector<16xf32>
        %swap3A_2829 = arith.constant 32 : index
        %swap3A_2830 = tpu.vector_load %arg11[%swap3A_2829] {strides = array<i32>} : memref<256xf32, #tpu.memory_space<vmem>>, vector<16xf32>,
        tpu.vector_store %arg11[%swap3A_2829], %add3A_2828 {strides = array<i32>} : memref<256xf32, #tpu.memory_space<vmem>>, vector<16xf32>,
        %mul3A_2831 = arith.constant 80 : i32
        %mul3A_2832 = arith.muli %scan3A_1153, %mul3A_2831 : i32
        %add3A_2833 = arith.constant 51 : i32
        %add3A_2834 = arith.addi %mul3A_2832, %add3A_2833 : i32
        %get3A_2835 = arith.index_cast %add3A_2834 : i32 to index
        %get3A_2836 = arith.constant 0 : index
        %get3A_2837 = tpu.vector_load %arg10[%get3A_2835, %get3A_2836] {strides = array<i32>} : memref<640x64xf32, #tpu.memory_space<vmem>>, vector<16xf32>,
        %mul3A_2838 = arith.mulf %get3A_2837, %get3A_2429 : vector<16xf32>
        %get3A_2839 = arith.index_cast %add3A_2834 : i32 to index
        %get3A_2840 = arith.constant 16 : index
        %get3A_2841 = tpu.vector_load %arg10[%get3A_2839, %get3A_2840] {strides = array<i32>} : memref<640x64xf32, #tpu.memory_space<vmem>>, vector<16xf32>,
        %mul3A_2842 = arith.mulf %get3A_2841, %get3A_2432 : vector<16xf32>
        %add3A_2843 = arith.addf %mul3A_2838, %mul3A_2842 : vector<16xf32>
        %get3A_2844 = arith.index_cast %add3A_2834 : i32 to index
        %get3A_2845 = arith.constant 32 : index
        %get3A_2846 = tpu.vector_load %arg10[%get3A_2844, %get3A_2845] {strides = array<i32>} : memref<640x64xf32, #tpu.memory_space<vmem>>, vector<16xf32>,
        %mul3A_2847 = arith.mulf %get3A_2846, %get3A_2435 : vector<16xf32>
        %add3A_2848 = arith.addf %add3A_2843, %mul3A_2847 : vector<16xf32>
        %get3A_2849 = arith.index_cast %add3A_2834 : i32 to index
        %get3A_2850 = arith.constant 48 : index
        %get3A_2851 = tpu.vector_load %arg10[%get3A_2849, %get3A_2850] {strides = array<i32>} : memref<640x64xf32, #tpu.memory_space<vmem>>, vector<16xf32>,
        %mul3A_2852 = arith.mulf %get3A_2851, %get3A_2438 : vector<16xf32>
        %add3A_2853 = arith.addf %add3A_2848, %mul3A_2852 : vector<16xf32>
        %swap3A_2854 = arith.constant 48 : index
        %swap3A_2855 = tpu.vector_load %arg11[%swap3A_2854] {strides = array<i32>} : memref<256xf32, #tpu.memory_space<vmem>>, vector<16xf32>,
        tpu.vector_store %arg11[%swap3A_2854], %add3A_2853 {strides = array<i32>} : memref<256xf32, #tpu.memory_space<vmem>>, vector<16xf32>,
        %mul3A_2856 = arith.constant 80 : i32
        %mul3A_2857 = arith.muli %scan3A_1153, %mul3A_2856 : i32
        %add3A_2858 = arith.constant 52 : i32
        %add3A_2859 = arith.addi %mul3A_2857, %add3A_2858 : i32
        %get3A_2860 = arith.index_cast %add3A_2859 : i32 to index
        %get3A_2861 = arith.constant 0 : index
        %get3A_2862 = tpu.vector_load %arg10[%get3A_2860, %get3A_2861] {strides = array<i32>} : memref<640x64xf32, #tpu.memory_space<vmem>>, vector<16xf32>,
        %mul3A_2863 = arith.mulf %get3A_2862, %get3A_2429 : vector<16xf32>
        %get3A_2864 = arith.index_cast %add3A_2859 : i32 to index
        %get3A_2865 = arith.constant 16 : index
        %get3A_2866 = tpu.vector_load %arg10[%get3A_2864, %get3A_2865] {strides = array<i32>} : memref<640x64xf32, #tpu.memory_space<vmem>>, vector<16xf32>,
        %mul3A_2867 = arith.mulf %get3A_2866, %get3A_2432 : vector<16xf32>
        %add3A_2868 = arith.addf %mul3A_2863, %mul3A_2867 : vector<16xf32>
        %get3A_2869 = arith.index_cast %add3A_2859 : i32 to index
        %get3A_2870 = arith.constant 32 : index
        %get3A_2871 = tpu.vector_load %arg10[%get3A_2869, %get3A_2870] {strides = array<i32>} : memref<640x64xf32, #tpu.memory_space<vmem>>, vector<16xf32>,
        %mul3A_2872 = arith.mulf %get3A_2871, %get3A_2435 : vector<16xf32>
        %add3A_2873 = arith.addf %add3A_2868, %mul3A_2872 : vector<16xf32>
        %get3A_2874 = arith.index_cast %add3A_2859 : i32 to index
        %get3A_2875 = arith.constant 48 : index
        %get3A_2876 = tpu.vector_load %arg10[%get3A_2874, %get3A_2875] {strides = array<i32>} : memref<640x64xf32, #tpu.memory_space<vmem>>, vector<16xf32>,
        %mul3A_2877 = arith.mulf %get3A_2876, %get3A_2438 : vector<16xf32>
        %add3A_2878 = arith.addf %add3A_2873, %mul3A_2877 : vector<16xf32>
        %swap3A_2879 = arith.constant 64 : index
        %swap3A_2880 = tpu.vector_load %arg11[%swap3A_2879] {strides = array<i32>} : memref<256xf32, #tpu.memory_space<vmem>>, vector<16xf32>,
        tpu.vector_store %arg11[%swap3A_2879], %add3A_2878 {strides = array<i32>} : memref<256xf32, #tpu.memory_space<vmem>>, vector<16xf32>,
        %mul3A_2881 = arith.constant 80 : i32
        %mul3A_2882 = arith.muli %scan3A_1153, %mul3A_2881 : i32
        %add3A_2883 = arith.constant 53 : i32
        %add3A_2884 = arith.addi %mul3A_2882, %add3A_2883 : i32
        %get3A_2885 = arith.index_cast %add3A_2884 : i32 to index
        %get3A_2886 = arith.constant 0 : index
        %get3A_2887 = tpu.vector_load %arg10[%get3A_2885, %get3A_2886] {strides = array<i32>} : memref<640x64xf32, #tpu.memory_space<vmem>>, vector<16xf32>,
        %mul3A_2888 = arith.mulf %get3A_2887, %get3A_2429 : vector<16xf32>
        %get3A_2889 = arith.index_cast %add3A_2884 : i32 to index
        %get3A_2890 = arith.constant 16 : index
        %get3A_2891 = tpu.vector_load %arg10[%get3A_2889, %get3A_2890] {strides = array<i32>} : memref<640x64xf32, #tpu.memory_space<vmem>>, vector<16xf32>,
        %mul3A_2892 = arith.mulf %get3A_2891, %get3A_2432 : vector<16xf32>
        %add3A_2893 = arith.addf %mul3A_2888, %mul3A_2892 : vector<16xf32>
        %get3A_2894 = arith.index_cast %add3A_2884 : i32 to index
        %get3A_2895 = arith.constant 32 : index
        %get3A_2896 = tpu.vector_load %arg10[%get3A_2894, %get3A_2895] {strides = array<i32>} : memref<640x64xf32, #tpu.memory_space<vmem>>, vector<16xf32>,
        %mul3A_2897 = arith.mulf %get3A_2896, %get3A_2435 : vector<16xf32>
        %add3A_2898 = arith.addf %add3A_2893, %mul3A_2897 : vector<16xf32>
        %get3A_2899 = arith.index_cast %add3A_2884 : i32 to index
        %get3A_2900 = arith.constant 48 : index
        %get3A_2901 = tpu.vector_load %arg10[%get3A_2899, %get3A_2900] {strides = array<i32>} : memref<640x64xf32, #tpu.memory_space<vmem>>, vector<16xf32>,
        %mul3A_2902 = arith.mulf %get3A_2901, %get3A_2438 : vector<16xf32>
        %add3A_2903 = arith.addf %add3A_2898, %mul3A_2902 : vector<16xf32>
        %swap3A_2904 = arith.constant 80 : index
        %swap3A_2905 = tpu.vector_load %arg11[%swap3A_2904] {strides = array<i32>} : memref<256xf32, #tpu.memory_space<vmem>>, vector<16xf32>,
        tpu.vector_store %arg11[%swap3A_2904], %add3A_2903 {strides = array<i32>} : memref<256xf32, #tpu.memory_space<vmem>>, vector<16xf32>,
        %mul3A_2906 = arith.constant 80 : i32
        %mul3A_2907 = arith.muli %scan3A_1153, %mul3A_2906 : i32
        %add3A_2908 = arith.constant 54 : i32
        %add3A_2909 = arith.addi %mul3A_2907, %add3A_2908 : i32
        %get3A_2910 = arith.index_cast %add3A_2909 : i32 to index
        %get3A_2911 = arith.constant 0 : index
        %get3A_2912 = tpu.vector_load %arg10[%get3A_2910, %get3A_2911] {strides = array<i32>} : memref<640x64xf32, #tpu.memory_space<vmem>>, vector<16xf32>,
        %mul3A_2913 = arith.mulf %get3A_2912, %get3A_2429 : vector<16xf32>
        %get3A_2914 = arith.index_cast %add3A_2909 : i32 to index
        %get3A_2915 = arith.constant 16 : index
        %get3A_2916 = tpu.vector_load %arg10[%get3A_2914, %get3A_2915] {strides = array<i32>} : memref<640x64xf32, #tpu.memory_space<vmem>>, vector<16xf32>,
        %mul3A_2917 = arith.mulf %get3A_2916, %get3A_2432 : vector<16xf32>
        %add3A_2918 = arith.addf %mul3A_2913, %mul3A_2917 : vector<16xf32>
        %get3A_2919 = arith.index_cast %add3A_2909 : i32 to index
        %get3A_2920 = arith.constant 32 : index
        %get3A_2921 = tpu.vector_load %arg10[%get3A_2919, %get3A_2920] {strides = array<i32>} : memref<640x64xf32, #tpu.memory_space<vmem>>, vector<16xf32>,
        %mul3A_2922 = arith.mulf %get3A_2921, %get3A_2435 : vector<16xf32>
        %add3A_2923 = arith.addf %add3A_2918, %mul3A_2922 : vector<16xf32>
        %get3A_2924 = arith.index_cast %add3A_2909 : i32 to index
        %get3A_2925 = arith.constant 48 : index
        %get3A_2926 = tpu.vector_load %arg10[%get3A_2924, %get3A_2925] {strides = array<i32>} : memref<640x64xf32, #tpu.memory_space<vmem>>, vector<16xf32>,
        %mul3A_2927 = arith.mulf %get3A_2926, %get3A_2438 : vector<16xf32>
        %add3A_2928 = arith.addf %add3A_2923, %mul3A_2927 : vector<16xf32>
        %swap3A_2929 = arith.constant 96 : index
        %swap3A_2930 = tpu.vector_load %arg11[%swap3A_2929] {strides = array<i32>} : memref<256xf32, #tpu.memory_space<vmem>>, vector<16xf32>,
        tpu.vector_store %arg11[%swap3A_2929], %add3A_2928 {strides = array<i32>} : memref<256xf32, #tpu.memory_space<vmem>>, vector<16xf32>,
        %mul3A_2931 = arith.constant 80 : i32
        %mul3A_2932 = arith.muli %scan3A_1153, %mul3A_2931 : i32
        %add3A_2933 = arith.constant 55 : i32
        %add3A_2934 = arith.addi %mul3A_2932, %add3A_2933 : i32
        %get3A_2935 = arith.index_cast %add3A_2934 : i32 to index
        %get3A_2936 = arith.constant 0 : index
        %get3A_2937 = tpu.vector_load %arg10[%get3A_2935, %get3A_2936] {strides = array<i32>} : memref<640x64xf32, #tpu.memory_space<vmem>>, vector<16xf32>,
        %mul3A_2938 = arith.mulf %get3A_2937, %get3A_2429 : vector<16xf32>
        %get3A_2939 = arith.index_cast %add3A_2934 : i32 to index
        %get3A_2940 = arith.constant 16 : index
        %get3A_2941 = tpu.vector_load %arg10[%get3A_2939, %get3A_2940] {strides = array<i32>} : memref<640x64xf32, #tpu.memory_space<vmem>>, vector<16xf32>,
        %mul3A_2942 = arith.mulf %get3A_2941, %get3A_2432 : vector<16xf32>
        %add3A_2943 = arith.addf %mul3A_2938, %mul3A_2942 : vector<16xf32>
        %get3A_2944 = arith.index_cast %add3A_2934 : i32 to index
        %get3A_2945 = arith.constant 32 : index
        %get3A_2946 = tpu.vector_load %arg10[%get3A_2944, %get3A_2945] {strides = array<i32>} : memref<640x64xf32, #tpu.memory_space<vmem>>, vector<16xf32>,
        %mul3A_2947 = arith.mulf %get3A_2946, %get3A_2435 : vector<16xf32>
        %add3A_2948 = arith.addf %add3A_2943, %mul3A_2947 : vector<16xf32>
        %get3A_2949 = arith.index_cast %add3A_2934 : i32 to index
        %get3A_2950 = arith.constant 48 : index
        %get3A_2951 = tpu.vector_load %arg10[%get3A_2949, %get3A_2950] {strides = array<i32>} : memref<640x64xf32, #tpu.memory_space<vmem>>, vector<16xf32>,
        %mul3A_2952 = arith.mulf %get3A_2951, %get3A_2438 : vector<16xf32>
        %add3A_2953 = arith.addf %add3A_2948, %mul3A_2952 : vector<16xf32>
        %swap3A_2954 = arith.constant 112 : index
        %swap3A_2955 = tpu.vector_load %arg11[%swap3A_2954] {strides = array<i32>} : memref<256xf32, #tpu.memory_space<vmem>>, vector<16xf32>,
        tpu.vector_store %arg11[%swap3A_2954], %add3A_2953 {strides = array<i32>} : memref<256xf32, #tpu.memory_space<vmem>>, vector<16xf32>,
        %mul3A_2956 = arith.constant 80 : i32
        %mul3A_2957 = arith.muli %scan3A_1153, %mul3A_2956 : i32
        %add3A_2958 = arith.constant 56 : i32
        %add3A_2959 = arith.addi %mul3A_2957, %add3A_2958 : i32
        %get3A_2960 = arith.index_cast %add3A_2959 : i32 to index
        %get3A_2961 = arith.constant 0 : index
        %get3A_2962 = tpu.vector_load %arg10[%get3A_2960, %get3A_2961] {strides = array<i32>} : memref<640x64xf32, #tpu.memory_space<vmem>>, vector<16xf32>,
        %mul3A_2963 = arith.mulf %get3A_2962, %get3A_2429 : vector<16xf32>
        %get3A_2964 = arith.index_cast %add3A_2959 : i32 to index
        %get3A_2965 = arith.constant 16 : index
        %get3A_2966 = tpu.vector_load %arg10[%get3A_2964, %get3A_2965] {strides = array<i32>} : memref<640x64xf32, #tpu.memory_space<vmem>>, vector<16xf32>,
        %mul3A_2967 = arith.mulf %get3A_2966, %get3A_2432 : vector<16xf32>
        %add3A_2968 = arith.addf %mul3A_2963, %mul3A_2967 : vector<16xf32>
        %get3A_2969 = arith.index_cast %add3A_2959 : i32 to index
        %get3A_2970 = arith.constant 32 : index
        %get3A_2971 = tpu.vector_load %arg10[%get3A_2969, %get3A_2970] {strides = array<i32>} : memref<640x64xf32, #tpu.memory_space<vmem>>, vector<16xf32>,
        %mul3A_2972 = arith.mulf %get3A_2971, %get3A_2435 : vector<16xf32>
        %add3A_2973 = arith.addf %add3A_2968, %mul3A_2972 : vector<16xf32>
        %get3A_2974 = arith.index_cast %add3A_2959 : i32 to index
        %get3A_2975 = arith.constant 48 : index
        %get3A_2976 = tpu.vector_load %arg10[%get3A_2974, %get3A_2975] {strides = array<i32>} : memref<640x64xf32, #tpu.memory_space<vmem>>, vector<16xf32>,
        %mul3A_2977 = arith.mulf %get3A_2976, %get3A_2438 : vector<16xf32>
        %add3A_2978 = arith.addf %add3A_2973, %mul3A_2977 : vector<16xf32>
        %swap3A_2979 = arith.constant 128 : index
        %swap3A_2980 = tpu.vector_load %arg11[%swap3A_2979] {strides = array<i32>} : memref<256xf32, #tpu.memory_space<vmem>>, vector<16xf32>,
        tpu.vector_store %arg11[%swap3A_2979], %add3A_2978 {strides = array<i32>} : memref<256xf32, #tpu.memory_space<vmem>>, vector<16xf32>,
        %mul3A_2981 = arith.constant 80 : i32
        %mul3A_2982 = arith.muli %scan3A_1153, %mul3A_2981 : i32
        %add3A_2983 = arith.constant 57 : i32
        %add3A_2984 = arith.addi %mul3A_2982, %add3A_2983 : i32
        %get3A_2985 = arith.index_cast %add3A_2984 : i32 to index
        %get3A_2986 = arith.constant 0 : index
        %get3A_2987 = tpu.vector_load %arg10[%get3A_2985, %get3A_2986] {strides = array<i32>} : memref<640x64xf32, #tpu.memory_space<vmem>>, vector<16xf32>,
        %mul3A_2988 = arith.mulf %get3A_2987, %get3A_2429 : vector<16xf32>
        %get3A_2989 = arith.index_cast %add3A_2984 : i32 to index
        %get3A_2990 = arith.constant 16 : index
        %get3A_2991 = tpu.vector_load %arg10[%get3A_2989, %get3A_2990] {strides = array<i32>} : memref<640x64xf32, #tpu.memory_space<vmem>>, vector<16xf32>,
        %mul3A_2992 = arith.mulf %get3A_2991, %get3A_2432 : vector<16xf32>
        %add3A_2993 = arith.addf %mul3A_2988, %mul3A_2992 : vector<16xf32>
        %get3A_2994 = arith.index_cast %add3A_2984 : i32 to index
        %get3A_2995 = arith.constant 32 : index
        %get3A_2996 = tpu.vector_load %arg10[%get3A_2994, %get3A_2995] {strides = array<i32>} : memref<640x64xf32, #tpu.memory_space<vmem>>, vector<16xf32>,
        %mul3A_2997 = arith.mulf %get3A_2996, %get3A_2435 : vector<16xf32>
        %add3A_2998 = arith.addf %add3A_2993, %mul3A_2997 : vector<16xf32>
        %get3A_2999 = arith.index_cast %add3A_2984 : i32 to index
        %get3A_3000 = arith.constant 48 : index
        %get3A_3001 = tpu.vector_load %arg10[%get3A_2999, %get3A_3000] {strides = array<i32>} : memref<640x64xf32, #tpu.memory_space<vmem>>, vector<16xf32>,
        %mul3A_3002 = arith.mulf %get3A_3001, %get3A_2438 : vector<16xf32>
        %add3A_3003 = arith.addf %add3A_2998, %mul3A_3002 : vector<16xf32>
        %swap3A_3004 = arith.constant 144 : index
        %swap3A_3005 = tpu.vector_load %arg11[%swap3A_3004] {strides = array<i32>} : memref<256xf32, #tpu.memory_space<vmem>>, vector<16xf32>,
        tpu.vector_store %arg11[%swap3A_3004], %add3A_3003 {strides = array<i32>} : memref<256xf32, #tpu.memory_space<vmem>>, vector<16xf32>,
        %mul3A_3006 = arith.constant 80 : i32
        %mul3A_3007 = arith.muli %scan3A_1153, %mul3A_3006 : i32
        %add3A_3008 = arith.constant 58 : i32
        %add3A_3009 = arith.addi %mul3A_3007, %add3A_3008 : i32
        %get3A_3010 = arith.index_cast %add3A_3009 : i32 to index
        %get3A_3011 = arith.constant 0 : index
        %get3A_3012 = tpu.vector_load %arg10[%get3A_3010, %get3A_3011] {strides = array<i32>} : memref<640x64xf32, #tpu.memory_space<vmem>>, vector<16xf32>,
        %mul3A_3013 = arith.mulf %get3A_3012, %get3A_2429 : vector<16xf32>
        %get3A_3014 = arith.index_cast %add3A_3009 : i32 to index
        %get3A_3015 = arith.constant 16 : index
        %get3A_3016 = tpu.vector_load %arg10[%get3A_3014, %get3A_3015] {strides = array<i32>} : memref<640x64xf32, #tpu.memory_space<vmem>>, vector<16xf32>,
        %mul3A_3017 = arith.mulf %get3A_3016, %get3A_2432 : vector<16xf32>
        %add3A_3018 = arith.addf %mul3A_3013, %mul3A_3017 : vector<16xf32>
        %get3A_3019 = arith.index_cast %add3A_3009 : i32 to index
        %get3A_3020 = arith.constant 32 : index
        %get3A_3021 = tpu.vector_load %arg10[%get3A_3019, %get3A_3020] {strides = array<i32>} : memref<640x64xf32, #tpu.memory_space<vmem>>, vector<16xf32>,
        %mul3A_3022 = arith.mulf %get3A_3021, %get3A_2435 : vector<16xf32>
        %add3A_3023 = arith.addf %add3A_3018, %mul3A_3022 : vector<16xf32>
        %get3A_3024 = arith.index_cast %add3A_3009 : i32 to index
        %get3A_3025 = arith.constant 48 : index
        %get3A_3026 = tpu.vector_load %arg10[%get3A_3024, %get3A_3025] {strides = array<i32>} : memref<640x64xf32, #tpu.memory_space<vmem>>, vector<16xf32>,
        %mul3A_3027 = arith.mulf %get3A_3026, %get3A_2438 : vector<16xf32>
        %add3A_3028 = arith.addf %add3A_3023, %mul3A_3027 : vector<16xf32>
        %swap3A_3029 = arith.constant 160 : index
        %swap3A_3030 = tpu.vector_load %arg11[%swap3A_3029] {strides = array<i32>} : memref<256xf32, #tpu.memory_space<vmem>>, vector<16xf32>,
        tpu.vector_store %arg11[%swap3A_3029], %add3A_3028 {strides = array<i32>} : memref<256xf32, #tpu.memory_space<vmem>>, vector<16xf32>,
        %mul3A_3031 = arith.constant 80 : i32
        %mul3A_3032 = arith.muli %scan3A_1153, %mul3A_3031 : i32
        %add3A_3033 = arith.constant 59 : i32
        %add3A_3034 = arith.addi %mul3A_3032, %add3A_3033 : i32
        %get3A_3035 = arith.index_cast %add3A_3034 : i32 to index
        %get3A_3036 = arith.constant 0 : index
        %get3A_3037 = tpu.vector_load %arg10[%get3A_3035, %get3A_3036] {strides = array<i32>} : memref<640x64xf32, #tpu.memory_space<vmem>>, vector<16xf32>,
        %mul3A_3038 = arith.mulf %get3A_3037, %get3A_2429 : vector<16xf32>
        %get3A_3039 = arith.index_cast %add3A_3034 : i32 to index
        %get3A_3040 = arith.constant 16 : index
        %get3A_3041 = tpu.vector_load %arg10[%get3A_3039, %get3A_3040] {strides = array<i32>} : memref<640x64xf32, #tpu.memory_space<vmem>>, vector<16xf32>,
        %mul3A_3042 = arith.mulf %get3A_3041, %get3A_2432 : vector<16xf32>
        %add3A_3043 = arith.addf %mul3A_3038, %mul3A_3042 : vector<16xf32>
        %get3A_3044 = arith.index_cast %add3A_3034 : i32 to index
        %get3A_3045 = arith.constant 32 : index
        %get3A_3046 = tpu.vector_load %arg10[%get3A_3044, %get3A_3045] {strides = array<i32>} : memref<640x64xf32, #tpu.memory_space<vmem>>, vector<16xf32>,
        %mul3A_3047 = arith.mulf %get3A_3046, %get3A_2435 : vector<16xf32>
        %add3A_3048 = arith.addf %add3A_3043, %mul3A_3047 : vector<16xf32>
        %get3A_3049 = arith.index_cast %add3A_3034 : i32 to index
        %get3A_3050 = arith.constant 48 : index
        %get3A_3051 = tpu.vector_load %arg10[%get3A_3049, %get3A_3050] {strides = array<i32>} : memref<640x64xf32, #tpu.memory_space<vmem>>, vector<16xf32>,
        %mul3A_3052 = arith.mulf %get3A_3051, %get3A_2438 : vector<16xf32>
        %add3A_3053 = arith.addf %add3A_3048, %mul3A_3052 : vector<16xf32>
        %swap3A_3054 = arith.constant 176 : index
        %swap3A_3055 = tpu.vector_load %arg11[%swap3A_3054] {strides = array<i32>} : memref<256xf32, #tpu.memory_space<vmem>>, vector<16xf32>,
        tpu.vector_store %arg11[%swap3A_3054], %add3A_3053 {strides = array<i32>} : memref<256xf32, #tpu.memory_space<vmem>>, vector<16xf32>,
        %mul3A_3056 = arith.constant 4 : i32
        %mul3A_3057 = arith.muli %scan3A_1153, %mul3A_3056 : i32
        %add3A_3058 = arith.constant 3 : i32
        %add3A_3059 = arith.addi %mul3A_3057, %add3A_3058 : i32
        %get3A_3060 = arith.index_cast %add3A_3059 : i32 to index
        %get3A_3061 = arith.constant 0 : index
        %get3A_3062 = tpu.vector_load %arg9[%get3A_3060, %get3A_3061] {strides = array<i32>} : memref<32x64xf32, #tpu.memory_space<vmem>>, vector<16xf32>,
        %get3A_3063 = arith.index_cast %add3A_3059 : i32 to index
        %get3A_3064 = arith.constant 16 : index
        %get3A_3065 = tpu.vector_load %arg9[%get3A_3063, %get3A_3064] {strides = array<i32>} : memref<32x64xf32, #tpu.memory_space<vmem>>, vector<16xf32>,
        %get3A_3066 = arith.index_cast %add3A_3059 : i32 to index
        %get3A_3067 = arith.constant 32 : index
        %get3A_3068 = tpu.vector_load %arg9[%get3A_3066, %get3A_3067] {strides = array<i32>} : memref<32x64xf32, #tpu.memory_space<vmem>>, vector<16xf32>,
        %get3A_3069 = arith.index_cast %add3A_3059 : i32 to index
        %get3A_3070 = arith.constant 48 : index
        %get3A_3071 = tpu.vector_load %arg9[%get3A_3069, %get3A_3070] {strides = array<i32>} : memref<32x64xf32, #tpu.memory_space<vmem>>, vector<16xf32>,
        %mul3A_3072 = arith.constant 80 : i32
        %mul3A_3073 = arith.muli %scan3A_1153, %mul3A_3072 : i32
        %add3A_3074 = arith.constant 60 : i32
        %add3A_3075 = arith.addi %mul3A_3073, %add3A_3074 : i32
        %get3A_3076 = arith.index_cast %add3A_3075 : i32 to index
        %get3A_3077 = arith.constant 0 : index
        %get3A_3078 = tpu.vector_load %arg10[%get3A_3076, %get3A_3077] {strides = array<i32>} : memref<640x64xf32, #tpu.memory_space<vmem>>, vector<16xf32>,
        %mul3A_3079 = arith.mulf %get3A_3078, %get3A_3062 : vector<16xf32>
        %get3A_3080 = arith.index_cast %add3A_3075 : i32 to index
        %get3A_3081 = arith.constant 16 : index
        %get3A_3082 = tpu.vector_load %arg10[%get3A_3080, %get3A_3081] {strides = array<i32>} : memref<640x64xf32, #tpu.memory_space<vmem>>, vector<16xf32>,
        %mul3A_3083 = arith.mulf %get3A_3082, %get3A_3065 : vector<16xf32>
        %add3A_3084 = arith.addf %mul3A_3079, %mul3A_3083 : vector<16xf32>
        %get3A_3085 = arith.index_cast %add3A_3075 : i32 to index
        %get3A_3086 = arith.constant 32 : index
        %get3A_3087 = tpu.vector_load %arg10[%get3A_3085, %get3A_3086] {strides = array<i32>} : memref<640x64xf32, #tpu.memory_space<vmem>>, vector<16xf32>,
        %mul3A_3088 = arith.mulf %get3A_3087, %get3A_3068 : vector<16xf32>
        %add3A_3089 = arith.addf %add3A_3084, %mul3A_3088 : vector<16xf32>
        %get3A_3090 = arith.index_cast %add3A_3075 : i32 to index
        %get3A_3091 = arith.constant 48 : index
        %get3A_3092 = tpu.vector_load %arg10[%get3A_3090, %get3A_3091] {strides = array<i32>} : memref<640x64xf32, #tpu.memory_space<vmem>>, vector<16xf32>,
        %mul3A_3093 = arith.mulf %get3A_3092, %get3A_3071 : vector<16xf32>
        %add3A_3094 = arith.addf %add3A_3089, %mul3A_3093 : vector<16xf32>
        %swap3A_3095 = arith.constant 192 : index
        %swap3A_3096 = tpu.vector_load %arg11[%swap3A_3095] {strides = array<i32>} : memref<256xf32, #tpu.memory_space<vmem>>, vector<16xf32>,
        tpu.vector_store %arg11[%swap3A_3095], %add3A_3094 {strides = array<i32>} : memref<256xf32, #tpu.memory_space<vmem>>, vector<16xf32>,
        %mul3A_3097 = arith.constant 80 : i32
        %mul3A_3098 = arith.muli %scan3A_1153, %mul3A_3097 : i32
        %add3A_3099 = arith.constant 61 : i32
        %add3A_3100 = arith.addi %mul3A_3098, %add3A_3099 : i32
        %get3A_3101 = arith.index_cast %add3A_3100 : i32 to index
        %get3A_3102 = arith.constant 0 : index
        %get3A_3103 = tpu.vector_load %arg10[%get3A_3101, %get3A_3102] {strides = array<i32>} : memref<640x64xf32, #tpu.memory_space<vmem>>, vector<16xf32>,
        %mul3A_3104 = arith.mulf %get3A_3103, %get3A_3062 : vector<16xf32>
        %get3A_3105 = arith.index_cast %add3A_3100 : i32 to index
        %get3A_3106 = arith.constant 16 : index
        %get3A_3107 = tpu.vector_load %arg10[%get3A_3105, %get3A_3106] {strides = array<i32>} : memref<640x64xf32, #tpu.memory_space<vmem>>, vector<16xf32>,
        %mul3A_3108 = arith.mulf %get3A_3107, %get3A_3065 : vector<16xf32>
        %add3A_3109 = arith.addf %mul3A_3104, %mul3A_3108 : vector<16xf32>
        %get3A_3110 = arith.index_cast %add3A_3100 : i32 to index
        %get3A_3111 = arith.constant 32 : index
        %get3A_3112 = tpu.vector_load %arg10[%get3A_3110, %get3A_3111] {strides = array<i32>} : memref<640x64xf32, #tpu.memory_space<vmem>>, vector<16xf32>,
        %mul3A_3113 = arith.mulf %get3A_3112, %get3A_3068 : vector<16xf32>
        %add3A_3114 = arith.addf %add3A_3109, %mul3A_3113 : vector<16xf32>
        %get3A_3115 = arith.index_cast %add3A_3100 : i32 to index
        %get3A_3116 = arith.constant 48 : index
        %get3A_3117 = tpu.vector_load %arg10[%get3A_3115, %get3A_3116] {strides = array<i32>} : memref<640x64xf32, #tpu.memory_space<vmem>>, vector<16xf32>,
        %mul3A_3118 = arith.mulf %get3A_3117, %get3A_3071 : vector<16xf32>
        %add3A_3119 = arith.addf %add3A_3114, %mul3A_3118 : vector<16xf32>
        %swap3A_3120 = arith.constant 208 : index
        %swap3A_3121 = tpu.vector_load %arg11[%swap3A_3120] {strides = array<i32>} : memref<256xf32, #tpu.memory_space<vmem>>, vector<16xf32>,
        tpu.vector_store %arg11[%swap3A_3120], %add3A_3119 {strides = array<i32>} : memref<256xf32, #tpu.memory_space<vmem>>, vector<16xf32>,
        %mul3A_3122 = arith.constant 80 : i32
        %mul3A_3123 = arith.muli %scan3A_1153, %mul3A_3122 : i32
        %add3A_3124 = arith.constant 62 : i32
        %add3A_3125 = arith.addi %mul3A_3123, %add3A_3124 : i32
        %get3A_3126 = arith.index_cast %add3A_3125 : i32 to index
        %get3A_3127 = arith.constant 0 : index
        %get3A_3128 = tpu.vector_load %arg10[%get3A_3126, %get3A_3127] {strides = array<i32>} : memref<640x64xf32, #tpu.memory_space<vmem>>, vector<16xf32>,
        %mul3A_3129 = arith.mulf %get3A_3128, %get3A_3062 : vector<16xf32>
        %get3A_3130 = arith.index_cast %add3A_3125 : i32 to index
        %get3A_3131 = arith.constant 16 : index
        %get3A_3132 = tpu.vector_load %arg10[%get3A_3130, %get3A_3131] {strides = array<i32>} : memref<640x64xf32, #tpu.memory_space<vmem>>, vector<16xf32>,
        %mul3A_3133 = arith.mulf %get3A_3132, %get3A_3065 : vector<16xf32>
        %add3A_3134 = arith.addf %mul3A_3129, %mul3A_3133 : vector<16xf32>
        %get3A_3135 = arith.index_cast %add3A_3125 : i32 to index
        %get3A_3136 = arith.constant 32 : index
        %get3A_3137 = tpu.vector_load %arg10[%get3A_3135, %get3A_3136] {strides = array<i32>} : memref<640x64xf32, #tpu.memory_space<vmem>>, vector<16xf32>,
        %mul3A_3138 = arith.mulf %get3A_3137, %get3A_3068 : vector<16xf32>
        %add3A_3139 = arith.addf %add3A_3134, %mul3A_3138 : vector<16xf32>
        %get3A_3140 = arith.index_cast %add3A_3125 : i32 to index
        %get3A_3141 = arith.constant 48 : index
        %get3A_3142 = tpu.vector_load %arg10[%get3A_3140, %get3A_3141] {strides = array<i32>} : memref<640x64xf32, #tpu.memory_space<vmem>>, vector<16xf32>,
        %mul3A_3143 = arith.mulf %get3A_3142, %get3A_3071 : vector<16xf32>
        %add3A_3144 = arith.addf %add3A_3139, %mul3A_3143 : vector<16xf32>
        %swap3A_3145 = arith.constant 224 : index
        %swap3A_3146 = tpu.vector_load %arg11[%swap3A_3145] {strides = array<i32>} : memref<256xf32, #tpu.memory_space<vmem>>, vector<16xf32>,
        tpu.vector_store %arg11[%swap3A_3145], %add3A_3144 {strides = array<i32>} : memref<256xf32, #tpu.memory_space<vmem>>, vector<16xf32>,
        %mul3A_3147 = arith.constant 80 : i32
        %mul3A_3148 = arith.muli %scan3A_1153, %mul3A_3147 : i32
        %add3A_3149 = arith.constant 63 : i32
        %add3A_3150 = arith.addi %mul3A_3148, %add3A_3149 : i32
        %get3A_3151 = arith.index_cast %add3A_3150 : i32 to index
        %get3A_3152 = arith.constant 0 : index
        %get3A_3153 = tpu.vector_load %arg10[%get3A_3151, %get3A_3152] {strides = array<i32>} : memref<640x64xf32, #tpu.memory_space<vmem>>, vector<16xf32>,
        %mul3A_3154 = arith.mulf %get3A_3153, %get3A_3062 : vector<16xf32>
        %get3A_3155 = arith.index_cast %add3A_3150 : i32 to index
        %get3A_3156 = arith.constant 16 : index
        %get3A_3157 = tpu.vector_load %arg10[%get3A_3155, %get3A_3156] {strides = array<i32>} : memref<640x64xf32, #tpu.memory_space<vmem>>, vector<16xf32>,
        %mul3A_3158 = arith.mulf %get3A_3157, %get3A_3065 : vector<16xf32>
        %add3A_3159 = arith.addf %mul3A_3154, %mul3A_3158 : vector<16xf32>
        %get3A_3160 = arith.index_cast %add3A_3150 : i32 to index
        %get3A_3161 = arith.constant 32 : index
        %get3A_3162 = tpu.vector_load %arg10[%get3A_3160, %get3A_3161] {strides = array<i32>} : memref<640x64xf32, #tpu.memory_space<vmem>>, vector<16xf32>,
        %mul3A_3163 = arith.mulf %get3A_3162, %get3A_3068 : vector<16xf32>
        %add3A_3164 = arith.addf %add3A_3159, %mul3A_3163 : vector<16xf32>
        %get3A_3165 = arith.index_cast %add3A_3150 : i32 to index
        %get3A_3166 = arith.constant 48 : index
        %get3A_3167 = tpu.vector_load %arg10[%get3A_3165, %get3A_3166] {strides = array<i32>} : memref<640x64xf32, #tpu.memory_space<vmem>>, vector<16xf32>,
        %mul3A_3168 = arith.mulf %get3A_3167, %get3A_3071 : vector<16xf32>
        %add3A_3169 = arith.addf %add3A_3164, %mul3A_3168 : vector<16xf32>
        %swap3A_3170 = arith.constant 240 : index
        %swap3A_3171 = tpu.vector_load %arg11[%swap3A_3170] {strides = array<i32>} : memref<256xf32, #tpu.memory_space<vmem>>, vector<16xf32>,
        tpu.vector_store %arg11[%swap3A_3170], %add3A_3169 {strides = array<i32>} : memref<256xf32, #tpu.memory_space<vmem>>, vector<16xf32>,
        %iota3A_3172 = tpu.iota {dimensions = array<i32: 0>} : vector<16xi32>
        %mul3A_3173 = arith.constant 16 : i32
        %mul3A_3174 = vector.broadcast %mul3A_3173 : i32 to vector<16xi32>
        %mul3A_3175 = arith.muli %iota3A_3172, %mul3A_3174 : vector<16xi32>
        %gather3A_3176 = tpu.vector_load_idx %arg11[%mul3A_3175] : memref<256xf32, #tpu.memory_space<vmem>>[vector<16xi32>], vector<16xf32>,
        %add3A_3177 = arith.constant 1 : i32
        %add3A_3178 = vector.broadcast %add3A_3177 : i32 to vector<16xi32>
        %add3A_3179 = arith.addi %mul3A_3175, %add3A_3178 : vector<16xi32>
        %gather3A_3180 = tpu.vector_load_idx %arg11[%add3A_3179] : memref<256xf32, #tpu.memory_space<vmem>>[vector<16xi32>], vector<16xf32>,
        %add3A_3181 = arith.addf %gather3A_3176, %gather3A_3180 : vector<16xf32>
        %add3A_3182 = arith.constant 2 : i32
        %add3A_3183 = vector.broadcast %add3A_3182 : i32 to vector<16xi32>
        %add3A_3184 = arith.addi %mul3A_3175, %add3A_3183 : vector<16xi32>
        %gather3A_3185 = tpu.vector_load_idx %arg11[%add3A_3184] : memref<256xf32, #tpu.memory_space<vmem>>[vector<16xi32>], vector<16xf32>,
        %add3A_3186 = arith.addf %add3A_3181, %gather3A_3185 : vector<16xf32>
        %add3A_3187 = arith.constant 3 : i32
        %add3A_3188 = vector.broadcast %add3A_3187 : i32 to vector<16xi32>
        %add3A_3189 = arith.addi %mul3A_3175, %add3A_3188 : vector<16xi32>
        %gather3A_3190 = tpu.vector_load_idx %arg11[%add3A_3189] : memref<256xf32, #tpu.memory_space<vmem>>[vector<16xi32>], vector<16xf32>,
        %add3A_3191 = arith.addf %add3A_3186, %gather3A_3190 : vector<16xf32>
        %add3A_3192 = arith.constant 4 : i32
        %add3A_3193 = vector.broadcast %add3A_3192 : i32 to vector<16xi32>
        %add3A_3194 = arith.addi %mul3A_3175, %add3A_3193 : vector<16xi32>
        %gather3A_3195 = tpu.vector_load_idx %arg11[%add3A_3194] : memref<256xf32, #tpu.memory_space<vmem>>[vector<16xi32>], vector<16xf32>,
        %add3A_3196 = arith.addf %add3A_3191, %gather3A_3195 : vector<16xf32>
        %add3A_3197 = arith.constant 5 : i32
        %add3A_3198 = vector.broadcast %add3A_3197 : i32 to vector<16xi32>
        %add3A_3199 = arith.addi %mul3A_3175, %add3A_3198 : vector<16xi32>
        %gather3A_3200 = tpu.vector_load_idx %arg11[%add3A_3199] : memref<256xf32, #tpu.memory_space<vmem>>[vector<16xi32>], vector<16xf32>,
        %add3A_3201 = arith.addf %add3A_3196, %gather3A_3200 : vector<16xf32>
        %add3A_3202 = arith.constant 6 : i32
        %add3A_3203 = vector.broadcast %add3A_3202 : i32 to vector<16xi32>
        %add3A_3204 = arith.addi %mul3A_3175, %add3A_3203 : vector<16xi32>
        %gather3A_3205 = tpu.vector_load_idx %arg11[%add3A_3204] : memref<256xf32, #tpu.memory_space<vmem>>[vector<16xi32>], vector<16xf32>,
        %add3A_3206 = arith.addf %add3A_3201, %gather3A_3205 : vector<16xf32>
        %add3A_3207 = arith.constant 7 : i32
        %add3A_3208 = vector.broadcast %add3A_3207 : i32 to vector<16xi32>
        %add3A_3209 = arith.addi %mul3A_3175, %add3A_3208 : vector<16xi32>
        %gather3A_3210 = tpu.vector_load_idx %arg11[%add3A_3209] : memref<256xf32, #tpu.memory_space<vmem>>[vector<16xi32>], vector<16xf32>,
        %add3A_3211 = arith.addf %add3A_3206, %gather3A_3210 : vector<16xf32>
        %add3A_3212 = arith.constant 8 : i32
        %add3A_3213 = vector.broadcast %add3A_3212 : i32 to vector<16xi32>
        %add3A_3214 = arith.addi %mul3A_3175, %add3A_3213 : vector<16xi32>
        %gather3A_3215 = tpu.vector_load_idx %arg11[%add3A_3214] : memref<256xf32, #tpu.memory_space<vmem>>[vector<16xi32>], vector<16xf32>,
        %add3A_3216 = arith.addf %add3A_3211, %gather3A_3215 : vector<16xf32>
        %add3A_3217 = arith.constant 9 : i32
        %add3A_3218 = vector.broadcast %add3A_3217 : i32 to vector<16xi32>
        %add3A_3219 = arith.addi %mul3A_3175, %add3A_3218 : vector<16xi32>
        %gather3A_3220 = tpu.vector_load_idx %arg11[%add3A_3219] : memref<256xf32, #tpu.memory_space<vmem>>[vector<16xi32>], vector<16xf32>,
        %add3A_3221 = arith.addf %add3A_3216, %gather3A_3220 : vector<16xf32>
        %add3A_3222 = arith.constant 10 : i32
        %add3A_3223 = vector.broadcast %add3A_3222 : i32 to vector<16xi32>
        %add3A_3224 = arith.addi %mul3A_3175, %add3A_3223 : vector<16xi32>
        %gather3A_3225 = tpu.vector_load_idx %arg11[%add3A_3224] : memref<256xf32, #tpu.memory_space<vmem>>[vector<16xi32>], vector<16xf32>,
        %add3A_3226 = arith.addf %add3A_3221, %gather3A_3225 : vector<16xf32>
        %add3A_3227 = arith.constant 11 : i32
        %add3A_3228 = vector.broadcast %add3A_3227 : i32 to vector<16xi32>
        %add3A_3229 = arith.addi %mul3A_3175, %add3A_3228 : vector<16xi32>
        %gather3A_3230 = tpu.vector_load_idx %arg11[%add3A_3229] : memref<256xf32, #tpu.memory_space<vmem>>[vector<16xi32>], vector<16xf32>,
        %add3A_3231 = arith.addf %add3A_3226, %gather3A_3230 : vector<16xf32>
        %add3A_3232 = arith.constant 12 : i32
        %add3A_3233 = vector.broadcast %add3A_3232 : i32 to vector<16xi32>
        %add3A_3234 = arith.addi %mul3A_3175, %add3A_3233 : vector<16xi32>
        %gather3A_3235 = tpu.vector_load_idx %arg11[%add3A_3234] : memref<256xf32, #tpu.memory_space<vmem>>[vector<16xi32>], vector<16xf32>,
        %add3A_3236 = arith.addf %add3A_3231, %gather3A_3235 : vector<16xf32>
        %add3A_3237 = arith.constant 13 : i32
        %add3A_3238 = vector.broadcast %add3A_3237 : i32 to vector<16xi32>
        %add3A_3239 = arith.addi %mul3A_3175, %add3A_3238 : vector<16xi32>
        %gather3A_3240 = tpu.vector_load_idx %arg11[%add3A_3239] : memref<256xf32, #tpu.memory_space<vmem>>[vector<16xi32>], vector<16xf32>,
        %add3A_3241 = arith.addf %add3A_3236, %gather3A_3240 : vector<16xf32>
        %add3A_3242 = arith.constant 14 : i32
        %add3A_3243 = vector.broadcast %add3A_3242 : i32 to vector<16xi32>
        %add3A_3244 = arith.addi %mul3A_3175, %add3A_3243 : vector<16xi32>
        %gather3A_3245 = tpu.vector_load_idx %arg11[%add3A_3244] : memref<256xf32, #tpu.memory_space<vmem>>[vector<16xi32>], vector<16xf32>,
        %add3A_3246 = arith.addf %add3A_3241, %gather3A_3245 : vector<16xf32>
        %add3A_3247 = arith.constant 15 : i32
        %add3A_3248 = vector.broadcast %add3A_3247 : i32 to vector<16xi32>
        %add3A_3249 = arith.addi %mul3A_3175, %add3A_3248 : vector<16xi32>
        %gather3A_3250 = tpu.vector_load_idx %arg11[%add3A_3249] : memref<256xf32, #tpu.memory_space<vmem>>[vector<16xi32>], vector<16xf32>,
        %add3A_3251 = arith.addf %add3A_3246, %gather3A_3250 : vector<16xf32>
        %abs3A_3252 = math.absf %add3A_3251 : vector<16xf32>
        %neg3A_3253 = arith.constant 0.000000e+00 : f32
        %neg3A_3254 = vector.broadcast %neg3A_3253 : f32 to vector<16xf32>
        %neg3A_3255 = arith.subf %neg3A_3254, %abs3A_3252 : vector<16xf32>
        %exp3A_3256 = math.exp %neg3A_3255 : vector<16xf32>
        %add3A_3257 = arith.constant 2.000000e+00 : f32
        %add3A_3258 = vector.broadcast %add3A_3257 : f32 to vector<16xf32>
        %add3A_3259 = arith.addf %add3A_3258, %exp3A_3256 : vector<16xf32>
        %div3A_3260 = arith.divf %exp3A_3256, %add3A_3259 : vector<16xf32>
        %mul3A_3261 = arith.mulf %div3A_3260, %div3A_3260 : vector<16xf32>
        %mul3A_3262 = arith.constant 0.111111112 : f32
        %mul3A_3263 = vector.broadcast %mul3A_3262 : f32 to vector<16xf32>
        %mul3A_3264 = arith.mulf %mul3A_3261, %mul3A_3263 : vector<16xf32>
        %add3A_3265 = arith.constant 0.142857149 : f32
        %add3A_3266 = vector.broadcast %add3A_3265 : f32 to vector<16xf32>
        %add3A_3267 = arith.addf %add3A_3266, %mul3A_3264 : vector<16xf32>
        %mul3A_3268 = arith.mulf %mul3A_3261, %add3A_3267 : vector<16xf32>
        %add3A_3269 = arith.constant 2.000000e-01 : f32
        %add3A_3270 = vector.broadcast %add3A_3269 : f32 to vector<16xf32>
        %add3A_3271 = arith.addf %add3A_3270, %mul3A_3268 : vector<16xf32>
        %mul3A_3272 = arith.mulf %mul3A_3261, %add3A_3271 : vector<16xf32>
        %add3A_3273 = arith.constant 0.333333343 : f32
        %add3A_3274 = vector.broadcast %add3A_3273 : f32 to vector<16xf32>
        %add3A_3275 = arith.addf %add3A_3274, %mul3A_3272 : vector<16xf32>
        %mul3A_3276 = arith.mulf %mul3A_3261, %add3A_3275 : vector<16xf32>
        %add3A_3277 = arith.constant 1.000000e+00 : f32
        %add3A_3278 = vector.broadcast %add3A_3277 : f32 to vector<16xf32>
        %add3A_3279 = arith.addf %add3A_3278, %mul3A_3276 : vector<16xf32>
        %min3A_3280 = arith.constant 0.000000e+00 : f32
        %min3A_3281 = vector.broadcast %min3A_3280 : f32 to vector<16xf32>
        %min3A_3282 = arith.minimumf %add3A_3251, %min3A_3281 : vector<16xf32>
        %mul3A_3283 = arith.constant 2.000000e+00 : f32
        %mul3A_3284 = vector.broadcast %mul3A_3283 : f32 to vector<16xf32>
        %mul3A_3285 = arith.mulf %mul3A_3284, %div3A_3260 : vector<16xf32>
        %mul3A_3286 = arith.mulf %mul3A_3285, %add3A_3279 : vector<16xf32>
        %sub3A_3287 = arith.subf %min3A_3282, %mul3A_3286 : vector<16xf32>
        %add3A_3288 = arith.addf %add3A_2755, %sub3A_3287 : vector<16xf32>
        %mul3A_3289 = arith.constant 80 : i32
        %mul3A_3290 = arith.muli %scan3A_1153, %mul3A_3289 : i32
        %add3A_3291 = arith.constant 64 : i32
        %add3A_3292 = arith.addi %mul3A_3290, %add3A_3291 : i32
        %get3A_3293 = arith.index_cast %add3A_3292 : i32 to index
        %get3A_3294 = arith.constant 0 : index
        %get3A_3295 = tpu.vector_load %arg10[%get3A_3293, %get3A_3294] {strides = array<i32>} : memref<640x64xf32, #tpu.memory_space<vmem>>, vector<16xf32>,
        %mul3A_3296 = arith.mulf %get3A_3295, %get3A_3062 : vector<16xf32>
        %get3A_3297 = arith.index_cast %add3A_3292 : i32 to index
        %get3A_3298 = arith.constant 16 : index
        %get3A_3299 = tpu.vector_load %arg10[%get3A_3297, %get3A_3298] {strides = array<i32>} : memref<640x64xf32, #tpu.memory_space<vmem>>, vector<16xf32>,
        %mul3A_3300 = arith.mulf %get3A_3299, %get3A_3065 : vector<16xf32>
        %add3A_3301 = arith.addf %mul3A_3296, %mul3A_3300 : vector<16xf32>
        %get3A_3302 = arith.index_cast %add3A_3292 : i32 to index
        %get3A_3303 = arith.constant 32 : index
        %get3A_3304 = tpu.vector_load %arg10[%get3A_3302, %get3A_3303] {strides = array<i32>} : memref<640x64xf32, #tpu.memory_space<vmem>>, vector<16xf32>,
        %mul3A_3305 = arith.mulf %get3A_3304, %get3A_3068 : vector<16xf32>
        %add3A_3306 = arith.addf %add3A_3301, %mul3A_3305 : vector<16xf32>
        %get3A_3307 = arith.index_cast %add3A_3292 : i32 to index
        %get3A_3308 = arith.constant 48 : index
        %get3A_3309 = tpu.vector_load %arg10[%get3A_3307, %get3A_3308] {strides = array<i32>} : memref<640x64xf32, #tpu.memory_space<vmem>>, vector<16xf32>,
        %mul3A_3310 = arith.mulf %get3A_3309, %get3A_3071 : vector<16xf32>
        %add3A_3311 = arith.addf %add3A_3306, %mul3A_3310 : vector<16xf32>
        %swap3A_3312 = arith.constant 0 : index
        %swap3A_3313 = tpu.vector_load %arg11[%swap3A_3312] {strides = array<i32>} : memref<256xf32, #tpu.memory_space<vmem>>, vector<16xf32>,
        tpu.vector_store %arg11[%swap3A_3312], %add3A_3311 {strides = array<i32>} : memref<256xf32, #tpu.memory_space<vmem>>, vector<16xf32>,
        %mul3A_3314 = arith.constant 80 : i32
        %mul3A_3315 = arith.muli %scan3A_1153, %mul3A_3314 : i32
        %add3A_3316 = arith.constant 65 : i32
        %add3A_3317 = arith.addi %mul3A_3315, %add3A_3316 : i32
        %get3A_3318 = arith.index_cast %add3A_3317 : i32 to index
        %get3A_3319 = arith.constant 0 : index
        %get3A_3320 = tpu.vector_load %arg10[%get3A_3318, %get3A_3319] {strides = array<i32>} : memref<640x64xf32, #tpu.memory_space<vmem>>, vector<16xf32>,
        %mul3A_3321 = arith.mulf %get3A_3320, %get3A_3062 : vector<16xf32>
        %get3A_3322 = arith.index_cast %add3A_3317 : i32 to index
        %get3A_3323 = arith.constant 16 : index
        %get3A_3324 = tpu.vector_load %arg10[%get3A_3322, %get3A_3323] {strides = array<i32>} : memref<640x64xf32, #tpu.memory_space<vmem>>, vector<16xf32>,
        %mul3A_3325 = arith.mulf %get3A_3324, %get3A_3065 : vector<16xf32>
        %add3A_3326 = arith.addf %mul3A_3321, %mul3A_3325 : vector<16xf32>
        %get3A_3327 = arith.index_cast %add3A_3317 : i32 to index
        %get3A_3328 = arith.constant 32 : index
        %get3A_3329 = tpu.vector_load %arg10[%get3A_3327, %get3A_3328] {strides = array<i32>} : memref<640x64xf32, #tpu.memory_space<vmem>>, vector<16xf32>,
        %mul3A_3330 = arith.mulf %get3A_3329, %get3A_3068 : vector<16xf32>
        %add3A_3331 = arith.addf %add3A_3326, %mul3A_3330 : vector<16xf32>
        %get3A_3332 = arith.index_cast %add3A_3317 : i32 to index
        %get3A_3333 = arith.constant 48 : index
        %get3A_3334 = tpu.vector_load %arg10[%get3A_3332, %get3A_3333] {strides = array<i32>} : memref<640x64xf32, #tpu.memory_space<vmem>>, vector<16xf32>,
        %mul3A_3335 = arith.mulf %get3A_3334, %get3A_3071 : vector<16xf32>
        %add3A_3336 = arith.addf %add3A_3331, %mul3A_3335 : vector<16xf32>
        %swap3A_3337 = arith.constant 16 : index
        %swap3A_3338 = tpu.vector_load %arg11[%swap3A_3337] {strides = array<i32>} : memref<256xf32, #tpu.memory_space<vmem>>, vector<16xf32>,
        tpu.vector_store %arg11[%swap3A_3337], %add3A_3336 {strides = array<i32>} : memref<256xf32, #tpu.memory_space<vmem>>, vector<16xf32>,
        %mul3A_3339 = arith.constant 80 : i32
        %mul3A_3340 = arith.muli %scan3A_1153, %mul3A_3339 : i32
        %add3A_3341 = arith.constant 66 : i32
        %add3A_3342 = arith.addi %mul3A_3340, %add3A_3341 : i32
        %get3A_3343 = arith.index_cast %add3A_3342 : i32 to index
        %get3A_3344 = arith.constant 0 : index
        %get3A_3345 = tpu.vector_load %arg10[%get3A_3343, %get3A_3344] {strides = array<i32>} : memref<640x64xf32, #tpu.memory_space<vmem>>, vector<16xf32>,
        %mul3A_3346 = arith.mulf %get3A_3345, %get3A_3062 : vector<16xf32>
        %get3A_3347 = arith.index_cast %add3A_3342 : i32 to index
        %get3A_3348 = arith.constant 16 : index
        %get3A_3349 = tpu.vector_load %arg10[%get3A_3347, %get3A_3348] {strides = array<i32>} : memref<640x64xf32, #tpu.memory_space<vmem>>, vector<16xf32>,
        %mul3A_3350 = arith.mulf %get3A_3349, %get3A_3065 : vector<16xf32>
        %add3A_3351 = arith.addf %mul3A_3346, %mul3A_3350 : vector<16xf32>
        %get3A_3352 = arith.index_cast %add3A_3342 : i32 to index
        %get3A_3353 = arith.constant 32 : index
        %get3A_3354 = tpu.vector_load %arg10[%get3A_3352, %get3A_3353] {strides = array<i32>} : memref<640x64xf32, #tpu.memory_space<vmem>>, vector<16xf32>,
        %mul3A_3355 = arith.mulf %get3A_3354, %get3A_3068 : vector<16xf32>
        %add3A_3356 = arith.addf %add3A_3351, %mul3A_3355 : vector<16xf32>
        %get3A_3357 = arith.index_cast %add3A_3342 : i32 to index
        %get3A_3358 = arith.constant 48 : index
        %get3A_3359 = tpu.vector_load %arg10[%get3A_3357, %get3A_3358] {strides = array<i32>} : memref<640x64xf32, #tpu.memory_space<vmem>>, vector<16xf32>,
        %mul3A_3360 = arith.mulf %get3A_3359, %get3A_3071 : vector<16xf32>
        %add3A_3361 = arith.addf %add3A_3356, %mul3A_3360 : vector<16xf32>
        %swap3A_3362 = arith.constant 32 : index
        %swap3A_3363 = tpu.vector_load %arg11[%swap3A_3362] {strides = array<i32>} : memref<256xf32, #tpu.memory_space<vmem>>, vector<16xf32>,
        tpu.vector_store %arg11[%swap3A_3362], %add3A_3361 {strides = array<i32>} : memref<256xf32, #tpu.memory_space<vmem>>, vector<16xf32>,
        %mul3A_3364 = arith.constant 80 : i32
        %mul3A_3365 = arith.muli %scan3A_1153, %mul3A_3364 : i32
        %add3A_3366 = arith.constant 67 : i32
        %add3A_3367 = arith.addi %mul3A_3365, %add3A_3366 : i32
        %get3A_3368 = arith.index_cast %add3A_3367 : i32 to index
        %get3A_3369 = arith.constant 0 : index
        %get3A_3370 = tpu.vector_load %arg10[%get3A_3368, %get3A_3369] {strides = array<i32>} : memref<640x64xf32, #tpu.memory_space<vmem>>, vector<16xf32>,
        %mul3A_3371 = arith.mulf %get3A_3370, %get3A_3062 : vector<16xf32>
        %get3A_3372 = arith.index_cast %add3A_3367 : i32 to index
        %get3A_3373 = arith.constant 16 : index
        %get3A_3374 = tpu.vector_load %arg10[%get3A_3372, %get3A_3373] {strides = array<i32>} : memref<640x64xf32, #tpu.memory_space<vmem>>, vector<16xf32>,
        %mul3A_3375 = arith.mulf %get3A_3374, %get3A_3065 : vector<16xf32>
        %add3A_3376 = arith.addf %mul3A_3371, %mul3A_3375 : vector<16xf32>
        %get3A_3377 = arith.index_cast %add3A_3367 : i32 to index
        %get3A_3378 = arith.constant 32 : index
        %get3A_3379 = tpu.vector_load %arg10[%get3A_3377, %get3A_3378] {strides = array<i32>} : memref<640x64xf32, #tpu.memory_space<vmem>>, vector<16xf32>,
        %mul3A_3380 = arith.mulf %get3A_3379, %get3A_3068 : vector<16xf32>
        %add3A_3381 = arith.addf %add3A_3376, %mul3A_3380 : vector<16xf32>
        %get3A_3382 = arith.index_cast %add3A_3367 : i32 to index
        %get3A_3383 = arith.constant 48 : index
        %get3A_3384 = tpu.vector_load %arg10[%get3A_3382, %get3A_3383] {strides = array<i32>} : memref<640x64xf32, #tpu.memory_space<vmem>>, vector<16xf32>,
        %mul3A_3385 = arith.mulf %get3A_3384, %get3A_3071 : vector<16xf32>
        %add3A_3386 = arith.addf %add3A_3381, %mul3A_3385 : vector<16xf32>
        %swap3A_3387 = arith.constant 48 : index
        %swap3A_3388 = tpu.vector_load %arg11[%swap3A_3387] {strides = array<i32>} : memref<256xf32, #tpu.memory_space<vmem>>, vector<16xf32>,
        tpu.vector_store %arg11[%swap3A_3387], %add3A_3386 {strides = array<i32>} : memref<256xf32, #tpu.memory_space<vmem>>, vector<16xf32>,
        %mul3A_3389 = arith.constant 80 : i32
        %mul3A_3390 = arith.muli %scan3A_1153, %mul3A_3389 : i32
        %add3A_3391 = arith.constant 68 : i32
        %add3A_3392 = arith.addi %mul3A_3390, %add3A_3391 : i32
        %get3A_3393 = arith.index_cast %add3A_3392 : i32 to index
        %get3A_3394 = arith.constant 0 : index
        %get3A_3395 = tpu.vector_load %arg10[%get3A_3393, %get3A_3394] {strides = array<i32>} : memref<640x64xf32, #tpu.memory_space<vmem>>, vector<16xf32>,
        %mul3A_3396 = arith.mulf %get3A_3395, %get3A_3062 : vector<16xf32>
        %get3A_3397 = arith.index_cast %add3A_3392 : i32 to index
        %get3A_3398 = arith.constant 16 : index
        %get3A_3399 = tpu.vector_load %arg10[%get3A_3397, %get3A_3398] {strides = array<i32>} : memref<640x64xf32, #tpu.memory_space<vmem>>, vector<16xf32>,
        %mul3A_3400 = arith.mulf %get3A_3399, %get3A_3065 : vector<16xf32>
        %add3A_3401 = arith.addf %mul3A_3396, %mul3A_3400 : vector<16xf32>
        %get3A_3402 = arith.index_cast %add3A_3392 : i32 to index
        %get3A_3403 = arith.constant 32 : index
        %get3A_3404 = tpu.vector_load %arg10[%get3A_3402, %get3A_3403] {strides = array<i32>} : memref<640x64xf32, #tpu.memory_space<vmem>>, vector<16xf32>,
        %mul3A_3405 = arith.mulf %get3A_3404, %get3A_3068 : vector<16xf32>
        %add3A_3406 = arith.addf %add3A_3401, %mul3A_3405 : vector<16xf32>
        %get3A_3407 = arith.index_cast %add3A_3392 : i32 to index
        %get3A_3408 = arith.constant 48 : index
        %get3A_3409 = tpu.vector_load %arg10[%get3A_3407, %get3A_3408] {strides = array<i32>} : memref<640x64xf32, #tpu.memory_space<vmem>>, vector<16xf32>,
        %mul3A_3410 = arith.mulf %get3A_3409, %get3A_3071 : vector<16xf32>
        %add3A_3411 = arith.addf %add3A_3406, %mul3A_3410 : vector<16xf32>
        %swap3A_3412 = arith.constant 64 : index
        %swap3A_3413 = tpu.vector_load %arg11[%swap3A_3412] {strides = array<i32>} : memref<256xf32, #tpu.memory_space<vmem>>, vector<16xf32>,
        tpu.vector_store %arg11[%swap3A_3412], %add3A_3411 {strides = array<i32>} : memref<256xf32, #tpu.memory_space<vmem>>, vector<16xf32>,
        %mul3A_3414 = arith.constant 80 : i32
        %mul3A_3415 = arith.muli %scan3A_1153, %mul3A_3414 : i32
        %add3A_3416 = arith.constant 69 : i32
        %add3A_3417 = arith.addi %mul3A_3415, %add3A_3416 : i32
        %get3A_3418 = arith.index_cast %add3A_3417 : i32 to index
        %get3A_3419 = arith.constant 0 : index
        %get3A_3420 = tpu.vector_load %arg10[%get3A_3418, %get3A_3419] {strides = array<i32>} : memref<640x64xf32, #tpu.memory_space<vmem>>, vector<16xf32>,
        %mul3A_3421 = arith.mulf %get3A_3420, %get3A_3062 : vector<16xf32>
        %get3A_3422 = arith.index_cast %add3A_3417 : i32 to index
        %get3A_3423 = arith.constant 16 : index
        %get3A_3424 = tpu.vector_load %arg10[%get3A_3422, %get3A_3423] {strides = array<i32>} : memref<640x64xf32, #tpu.memory_space<vmem>>, vector<16xf32>,
        %mul3A_3425 = arith.mulf %get3A_3424, %get3A_3065 : vector<16xf32>
        %add3A_3426 = arith.addf %mul3A_3421, %mul3A_3425 : vector<16xf32>
        %get3A_3427 = arith.index_cast %add3A_3417 : i32 to index
        %get3A_3428 = arith.constant 32 : index
        %get3A_3429 = tpu.vector_load %arg10[%get3A_3427, %get3A_3428] {strides = array<i32>} : memref<640x64xf32, #tpu.memory_space<vmem>>, vector<16xf32>,
        %mul3A_3430 = arith.mulf %get3A_3429, %get3A_3068 : vector<16xf32>
        %add3A_3431 = arith.addf %add3A_3426, %mul3A_3430 : vector<16xf32>
        %get3A_3432 = arith.index_cast %add3A_3417 : i32 to index
        %get3A_3433 = arith.constant 48 : index
        %get3A_3434 = tpu.vector_load %arg10[%get3A_3432, %get3A_3433] {strides = array<i32>} : memref<640x64xf32, #tpu.memory_space<vmem>>, vector<16xf32>,
        %mul3A_3435 = arith.mulf %get3A_3434, %get3A_3071 : vector<16xf32>
        %add3A_3436 = arith.addf %add3A_3431, %mul3A_3435 : vector<16xf32>
        %swap3A_3437 = arith.constant 80 : index
        %swap3A_3438 = tpu.vector_load %arg11[%swap3A_3437] {strides = array<i32>} : memref<256xf32, #tpu.memory_space<vmem>>, vector<16xf32>,
        tpu.vector_store %arg11[%swap3A_3437], %add3A_3436 {strides = array<i32>} : memref<256xf32, #tpu.memory_space<vmem>>, vector<16xf32>,
        %mul3A_3439 = arith.constant 80 : i32
        %mul3A_3440 = arith.muli %scan3A_1153, %mul3A_3439 : i32
        %add3A_3441 = arith.constant 70 : i32
        %add3A_3442 = arith.addi %mul3A_3440, %add3A_3441 : i32
        %get3A_3443 = arith.index_cast %add3A_3442 : i32 to index
        %get3A_3444 = arith.constant 0 : index
        %get3A_3445 = tpu.vector_load %arg10[%get3A_3443, %get3A_3444] {strides = array<i32>} : memref<640x64xf32, #tpu.memory_space<vmem>>, vector<16xf32>,
        %mul3A_3446 = arith.mulf %get3A_3445, %get3A_3062 : vector<16xf32>
        %get3A_3447 = arith.index_cast %add3A_3442 : i32 to index
        %get3A_3448 = arith.constant 16 : index
        %get3A_3449 = tpu.vector_load %arg10[%get3A_3447, %get3A_3448] {strides = array<i32>} : memref<640x64xf32, #tpu.memory_space<vmem>>, vector<16xf32>,
        %mul3A_3450 = arith.mulf %get3A_3449, %get3A_3065 : vector<16xf32>
        %add3A_3451 = arith.addf %mul3A_3446, %mul3A_3450 : vector<16xf32>
        %get3A_3452 = arith.index_cast %add3A_3442 : i32 to index
        %get3A_3453 = arith.constant 32 : index
        %get3A_3454 = tpu.vector_load %arg10[%get3A_3452, %get3A_3453] {strides = array<i32>} : memref<640x64xf32, #tpu.memory_space<vmem>>, vector<16xf32>,
        %mul3A_3455 = arith.mulf %get3A_3454, %get3A_3068 : vector<16xf32>
        %add3A_3456 = arith.addf %add3A_3451, %mul3A_3455 : vector<16xf32>
        %get3A_3457 = arith.index_cast %add3A_3442 : i32 to index
        %get3A_3458 = arith.constant 48 : index
        %get3A_3459 = tpu.vector_load %arg10[%get3A_3457, %get3A_3458] {strides = array<i32>} : memref<640x64xf32, #tpu.memory_space<vmem>>, vector<16xf32>,
        %mul3A_3460 = arith.mulf %get3A_3459, %get3A_3071 : vector<16xf32>
        %add3A_3461 = arith.addf %add3A_3456, %mul3A_3460 : vector<16xf32>
        %swap3A_3462 = arith.constant 96 : index
        %swap3A_3463 = tpu.vector_load %arg11[%swap3A_3462] {strides = array<i32>} : memref<256xf32, #tpu.memory_space<vmem>>, vector<16xf32>,
        tpu.vector_store %arg11[%swap3A_3462], %add3A_3461 {strides = array<i32>} : memref<256xf32, #tpu.memory_space<vmem>>, vector<16xf32>,
        %mul3A_3464 = arith.constant 80 : i32
        %mul3A_3465 = arith.muli %scan3A_1153, %mul3A_3464 : i32
        %add3A_3466 = arith.constant 71 : i32
        %add3A_3467 = arith.addi %mul3A_3465, %add3A_3466 : i32
        %get3A_3468 = arith.index_cast %add3A_3467 : i32 to index
        %get3A_3469 = arith.constant 0 : index
        %get3A_3470 = tpu.vector_load %arg10[%get3A_3468, %get3A_3469] {strides = array<i32>} : memref<640x64xf32, #tpu.memory_space<vmem>>, vector<16xf32>,
        %mul3A_3471 = arith.mulf %get3A_3470, %get3A_3062 : vector<16xf32>
        %get3A_3472 = arith.index_cast %add3A_3467 : i32 to index
        %get3A_3473 = arith.constant 16 : index
        %get3A_3474 = tpu.vector_load %arg10[%get3A_3472, %get3A_3473] {strides = array<i32>} : memref<640x64xf32, #tpu.memory_space<vmem>>, vector<16xf32>,
        %mul3A_3475 = arith.mulf %get3A_3474, %get3A_3065 : vector<16xf32>
        %add3A_3476 = arith.addf %mul3A_3471, %mul3A_3475 : vector<16xf32>
        %get3A_3477 = arith.index_cast %add3A_3467 : i32 to index
        %get3A_3478 = arith.constant 32 : index
        %get3A_3479 = tpu.vector_load %arg10[%get3A_3477, %get3A_3478] {strides = array<i32>} : memref<640x64xf32, #tpu.memory_space<vmem>>, vector<16xf32>,
        %mul3A_3480 = arith.mulf %get3A_3479, %get3A_3068 : vector<16xf32>
        %add3A_3481 = arith.addf %add3A_3476, %mul3A_3480 : vector<16xf32>
        %get3A_3482 = arith.index_cast %add3A_3467 : i32 to index
        %get3A_3483 = arith.constant 48 : index
        %get3A_3484 = tpu.vector_load %arg10[%get3A_3482, %get3A_3483] {strides = array<i32>} : memref<640x64xf32, #tpu.memory_space<vmem>>, vector<16xf32>,
        %mul3A_3485 = arith.mulf %get3A_3484, %get3A_3071 : vector<16xf32>
        %add3A_3486 = arith.addf %add3A_3481, %mul3A_3485 : vector<16xf32>
        %swap3A_3487 = arith.constant 112 : index
        %swap3A_3488 = tpu.vector_load %arg11[%swap3A_3487] {strides = array<i32>} : memref<256xf32, #tpu.memory_space<vmem>>, vector<16xf32>,
        tpu.vector_store %arg11[%swap3A_3487], %add3A_3486 {strides = array<i32>} : memref<256xf32, #tpu.memory_space<vmem>>, vector<16xf32>,
        %mul3A_3489 = arith.constant 80 : i32
        %mul3A_3490 = arith.muli %scan3A_1153, %mul3A_3489 : i32
        %add3A_3491 = arith.constant 72 : i32
        %add3A_3492 = arith.addi %mul3A_3490, %add3A_3491 : i32
        %get3A_3493 = arith.index_cast %add3A_3492 : i32 to index
        %get3A_3494 = arith.constant 0 : index
        %get3A_3495 = tpu.vector_load %arg10[%get3A_3493, %get3A_3494] {strides = array<i32>} : memref<640x64xf32, #tpu.memory_space<vmem>>, vector<16xf32>,
        %mul3A_3496 = arith.mulf %get3A_3495, %get3A_3062 : vector<16xf32>
        %get3A_3497 = arith.index_cast %add3A_3492 : i32 to index
        %get3A_3498 = arith.constant 16 : index
        %get3A_3499 = tpu.vector_load %arg10[%get3A_3497, %get3A_3498] {strides = array<i32>} : memref<640x64xf32, #tpu.memory_space<vmem>>, vector<16xf32>,
        %mul3A_3500 = arith.mulf %get3A_3499, %get3A_3065 : vector<16xf32>
        %add3A_3501 = arith.addf %mul3A_3496, %mul3A_3500 : vector<16xf32>
        %get3A_3502 = arith.index_cast %add3A_3492 : i32 to index
        %get3A_3503 = arith.constant 32 : index
        %get3A_3504 = tpu.vector_load %arg10[%get3A_3502, %get3A_3503] {strides = array<i32>} : memref<640x64xf32, #tpu.memory_space<vmem>>, vector<16xf32>,
        %mul3A_3505 = arith.mulf %get3A_3504, %get3A_3068 : vector<16xf32>
        %add3A_3506 = arith.addf %add3A_3501, %mul3A_3505 : vector<16xf32>
        %get3A_3507 = arith.index_cast %add3A_3492 : i32 to index
        %get3A_3508 = arith.constant 48 : index
        %get3A_3509 = tpu.vector_load %arg10[%get3A_3507, %get3A_3508] {strides = array<i32>} : memref<640x64xf32, #tpu.memory_space<vmem>>, vector<16xf32>,
        %mul3A_3510 = arith.mulf %get3A_3509, %get3A_3071 : vector<16xf32>
        %add3A_3511 = arith.addf %add3A_3506, %mul3A_3510 : vector<16xf32>
        %swap3A_3512 = arith.constant 128 : index
        %swap3A_3513 = tpu.vector_load %arg11[%swap3A_3512] {strides = array<i32>} : memref<256xf32, #tpu.memory_space<vmem>>, vector<16xf32>,
        tpu.vector_store %arg11[%swap3A_3512], %add3A_3511 {strides = array<i32>} : memref<256xf32, #tpu.memory_space<vmem>>, vector<16xf32>,
        %mul3A_3514 = arith.constant 80 : i32
        %mul3A_3515 = arith.muli %scan3A_1153, %mul3A_3514 : i32
        %add3A_3516 = arith.constant 73 : i32
        %add3A_3517 = arith.addi %mul3A_3515, %add3A_3516 : i32
        %get3A_3518 = arith.index_cast %add3A_3517 : i32 to index
        %get3A_3519 = arith.constant 0 : index
        %get3A_3520 = tpu.vector_load %arg10[%get3A_3518, %get3A_3519] {strides = array<i32>} : memref<640x64xf32, #tpu.memory_space<vmem>>, vector<16xf32>,
        %mul3A_3521 = arith.mulf %get3A_3520, %get3A_3062 : vector<16xf32>
        %get3A_3522 = arith.index_cast %add3A_3517 : i32 to index
        %get3A_3523 = arith.constant 16 : index
        %get3A_3524 = tpu.vector_load %arg10[%get3A_3522, %get3A_3523] {strides = array<i32>} : memref<640x64xf32, #tpu.memory_space<vmem>>, vector<16xf32>,
        %mul3A_3525 = arith.mulf %get3A_3524, %get3A_3065 : vector<16xf32>
        %add3A_3526 = arith.addf %mul3A_3521, %mul3A_3525 : vector<16xf32>
        %get3A_3527 = arith.index_cast %add3A_3517 : i32 to index
        %get3A_3528 = arith.constant 32 : index
        %get3A_3529 = tpu.vector_load %arg10[%get3A_3527, %get3A_3528] {strides = array<i32>} : memref<640x64xf32, #tpu.memory_space<vmem>>, vector<16xf32>,
        %mul3A_3530 = arith.mulf %get3A_3529, %get3A_3068 : vector<16xf32>
        %add3A_3531 = arith.addf %add3A_3526, %mul3A_3530 : vector<16xf32>
        %get3A_3532 = arith.index_cast %add3A_3517 : i32 to index
        %get3A_3533 = arith.constant 48 : index
        %get3A_3534 = tpu.vector_load %arg10[%get3A_3532, %get3A_3533] {strides = array<i32>} : memref<640x64xf32, #tpu.memory_space<vmem>>, vector<16xf32>,
        %mul3A_3535 = arith.mulf %get3A_3534, %get3A_3071 : vector<16xf32>
        %add3A_3536 = arith.addf %add3A_3531, %mul3A_3535 : vector<16xf32>
        %swap3A_3537 = arith.constant 144 : index
        %swap3A_3538 = tpu.vector_load %arg11[%swap3A_3537] {strides = array<i32>} : memref<256xf32, #tpu.memory_space<vmem>>, vector<16xf32>,
        tpu.vector_store %arg11[%swap3A_3537], %add3A_3536 {strides = array<i32>} : memref<256xf32, #tpu.memory_space<vmem>>, vector<16xf32>,
        %mul3A_3539 = arith.constant 80 : i32
        %mul3A_3540 = arith.muli %scan3A_1153, %mul3A_3539 : i32
        %add3A_3541 = arith.constant 74 : i32
        %add3A_3542 = arith.addi %mul3A_3540, %add3A_3541 : i32
        %get3A_3543 = arith.index_cast %add3A_3542 : i32 to index
        %get3A_3544 = arith.constant 0 : index
        %get3A_3545 = tpu.vector_load %arg10[%get3A_3543, %get3A_3544] {strides = array<i32>} : memref<640x64xf32, #tpu.memory_space<vmem>>, vector<16xf32>,
        %mul3A_3546 = arith.mulf %get3A_3545, %get3A_3062 : vector<16xf32>
        %get3A_3547 = arith.index_cast %add3A_3542 : i32 to index
        %get3A_3548 = arith.constant 16 : index
        %get3A_3549 = tpu.vector_load %arg10[%get3A_3547, %get3A_3548] {strides = array<i32>} : memref<640x64xf32, #tpu.memory_space<vmem>>, vector<16xf32>,
        %mul3A_3550 = arith.mulf %get3A_3549, %get3A_3065 : vector<16xf32>
        %add3A_3551 = arith.addf %mul3A_3546, %mul3A_3550 : vector<16xf32>
        %get3A_3552 = arith.index_cast %add3A_3542 : i32 to index
        %get3A_3553 = arith.constant 32 : index
        %get3A_3554 = tpu.vector_load %arg10[%get3A_3552, %get3A_3553] {strides = array<i32>} : memref<640x64xf32, #tpu.memory_space<vmem>>, vector<16xf32>,
        %mul3A_3555 = arith.mulf %get3A_3554, %get3A_3068 : vector<16xf32>
        %add3A_3556 = arith.addf %add3A_3551, %mul3A_3555 : vector<16xf32>
        %get3A_3557 = arith.index_cast %add3A_3542 : i32 to index
        %get3A_3558 = arith.constant 48 : index
        %get3A_3559 = tpu.vector_load %arg10[%get3A_3557, %get3A_3558] {strides = array<i32>} : memref<640x64xf32, #tpu.memory_space<vmem>>, vector<16xf32>,
        %mul3A_3560 = arith.mulf %get3A_3559, %get3A_3071 : vector<16xf32>
        %add3A_3561 = arith.addf %add3A_3556, %mul3A_3560 : vector<16xf32>
        %swap3A_3562 = arith.constant 160 : index
        %swap3A_3563 = tpu.vector_load %arg11[%swap3A_3562] {strides = array<i32>} : memref<256xf32, #tpu.memory_space<vmem>>, vector<16xf32>,
        tpu.vector_store %arg11[%swap3A_3562], %add3A_3561 {strides = array<i32>} : memref<256xf32, #tpu.memory_space<vmem>>, vector<16xf32>,
        %mul3A_3564 = arith.constant 80 : i32
        %mul3A_3565 = arith.muli %scan3A_1153, %mul3A_3564 : i32
        %add3A_3566 = arith.constant 75 : i32
        %add3A_3567 = arith.addi %mul3A_3565, %add3A_3566 : i32
        %get3A_3568 = arith.index_cast %add3A_3567 : i32 to index
        %get3A_3569 = arith.constant 0 : index
        %get3A_3570 = tpu.vector_load %arg10[%get3A_3568, %get3A_3569] {strides = array<i32>} : memref<640x64xf32, #tpu.memory_space<vmem>>, vector<16xf32>,
        %mul3A_3571 = arith.mulf %get3A_3570, %get3A_3062 : vector<16xf32>
        %get3A_3572 = arith.index_cast %add3A_3567 : i32 to index
        %get3A_3573 = arith.constant 16 : index
        %get3A_3574 = tpu.vector_load %arg10[%get3A_3572, %get3A_3573] {strides = array<i32>} : memref<640x64xf32, #tpu.memory_space<vmem>>, vector<16xf32>,
        %mul3A_3575 = arith.mulf %get3A_3574, %get3A_3065 : vector<16xf32>
        %add3A_3576 = arith.addf %mul3A_3571, %mul3A_3575 : vector<16xf32>
        %get3A_3577 = arith.index_cast %add3A_3567 : i32 to index
        %get3A_3578 = arith.constant 32 : index
        %get3A_3579 = tpu.vector_load %arg10[%get3A_3577, %get3A_3578] {strides = array<i32>} : memref<640x64xf32, #tpu.memory_space<vmem>>, vector<16xf32>,
        %mul3A_3580 = arith.mulf %get3A_3579, %get3A_3068 : vector<16xf32>
        %add3A_3581 = arith.addf %add3A_3576, %mul3A_3580 : vector<16xf32>
        %get3A_3582 = arith.index_cast %add3A_3567 : i32 to index
        %get3A_3583 = arith.constant 48 : index
        %get3A_3584 = tpu.vector_load %arg10[%get3A_3582, %get3A_3583] {strides = array<i32>} : memref<640x64xf32, #tpu.memory_space<vmem>>, vector<16xf32>,
        %mul3A_3585 = arith.mulf %get3A_3584, %get3A_3071 : vector<16xf32>
        %add3A_3586 = arith.addf %add3A_3581, %mul3A_3585 : vector<16xf32>
        %swap3A_3587 = arith.constant 176 : index
        %swap3A_3588 = tpu.vector_load %arg11[%swap3A_3587] {strides = array<i32>} : memref<256xf32, #tpu.memory_space<vmem>>, vector<16xf32>,
        tpu.vector_store %arg11[%swap3A_3587], %add3A_3586 {strides = array<i32>} : memref<256xf32, #tpu.memory_space<vmem>>, vector<16xf32>,
        %mul3A_3589 = arith.constant 80 : i32
        %mul3A_3590 = arith.muli %scan3A_1153, %mul3A_3589 : i32
        %add3A_3591 = arith.constant 76 : i32
        %add3A_3592 = arith.addi %mul3A_3590, %add3A_3591 : i32
        %get3A_3593 = arith.index_cast %add3A_3592 : i32 to index
        %get3A_3594 = arith.constant 0 : index
        %get3A_3595 = tpu.vector_load %arg10[%get3A_3593, %get3A_3594] {strides = array<i32>} : memref<640x64xf32, #tpu.memory_space<vmem>>, vector<16xf32>,
        %mul3A_3596 = arith.mulf %get3A_3595, %get3A_3062 : vector<16xf32>
        %get3A_3597 = arith.index_cast %add3A_3592 : i32 to index
        %get3A_3598 = arith.constant 16 : index
        %get3A_3599 = tpu.vector_load %arg10[%get3A_3597, %get3A_3598] {strides = array<i32>} : memref<640x64xf32, #tpu.memory_space<vmem>>, vector<16xf32>,
        %mul3A_3600 = arith.mulf %get3A_3599, %get3A_3065 : vector<16xf32>
        %add3A_3601 = arith.addf %mul3A_3596, %mul3A_3600 : vector<16xf32>
        %get3A_3602 = arith.index_cast %add3A_3592 : i32 to index
        %get3A_3603 = arith.constant 32 : index
        %get3A_3604 = tpu.vector_load %arg10[%get3A_3602, %get3A_3603] {strides = array<i32>} : memref<640x64xf32, #tpu.memory_space<vmem>>, vector<16xf32>,
        %mul3A_3605 = arith.mulf %get3A_3604, %get3A_3068 : vector<16xf32>
        %add3A_3606 = arith.addf %add3A_3601, %mul3A_3605 : vector<16xf32>
        %get3A_3607 = arith.index_cast %add3A_3592 : i32 to index
        %get3A_3608 = arith.constant 48 : index
        %get3A_3609 = tpu.vector_load %arg10[%get3A_3607, %get3A_3608] {strides = array<i32>} : memref<640x64xf32, #tpu.memory_space<vmem>>, vector<16xf32>,
        %mul3A_3610 = arith.mulf %get3A_3609, %get3A_3071 : vector<16xf32>
        %add3A_3611 = arith.addf %add3A_3606, %mul3A_3610 : vector<16xf32>
        %swap3A_3612 = arith.constant 192 : index
        %swap3A_3613 = tpu.vector_load %arg11[%swap3A_3612] {strides = array<i32>} : memref<256xf32, #tpu.memory_space<vmem>>, vector<16xf32>,
        tpu.vector_store %arg11[%swap3A_3612], %add3A_3611 {strides = array<i32>} : memref<256xf32, #tpu.memory_space<vmem>>, vector<16xf32>,
        %mul3A_3614 = arith.constant 80 : i32
        %mul3A_3615 = arith.muli %scan3A_1153, %mul3A_3614 : i32
        %add3A_3616 = arith.constant 77 : i32
        %add3A_3617 = arith.addi %mul3A_3615, %add3A_3616 : i32
        %get3A_3618 = arith.index_cast %add3A_3617 : i32 to index
        %get3A_3619 = arith.constant 0 : index
        %get3A_3620 = tpu.vector_load %arg10[%get3A_3618, %get3A_3619] {strides = array<i32>} : memref<640x64xf32, #tpu.memory_space<vmem>>, vector<16xf32>,
        %mul3A_3621 = arith.mulf %get3A_3620, %get3A_3062 : vector<16xf32>
        %get3A_3622 = arith.index_cast %add3A_3617 : i32 to index
        %get3A_3623 = arith.constant 16 : index
        %get3A_3624 = tpu.vector_load %arg10[%get3A_3622, %get3A_3623] {strides = array<i32>} : memref<640x64xf32, #tpu.memory_space<vmem>>, vector<16xf32>,
        %mul3A_3625 = arith.mulf %get3A_3624, %get3A_3065 : vector<16xf32>
        %add3A_3626 = arith.addf %mul3A_3621, %mul3A_3625 : vector<16xf32>
        %get3A_3627 = arith.index_cast %add3A_3617 : i32 to index
        %get3A_3628 = arith.constant 32 : index
        %get3A_3629 = tpu.vector_load %arg10[%get3A_3627, %get3A_3628] {strides = array<i32>} : memref<640x64xf32, #tpu.memory_space<vmem>>, vector<16xf32>,
        %mul3A_3630 = arith.mulf %get3A_3629, %get3A_3068 : vector<16xf32>
        %add3A_3631 = arith.addf %add3A_3626, %mul3A_3630 : vector<16xf32>
        %get3A_3632 = arith.index_cast %add3A_3617 : i32 to index
        %get3A_3633 = arith.constant 48 : index
        %get3A_3634 = tpu.vector_load %arg10[%get3A_3632, %get3A_3633] {strides = array<i32>} : memref<640x64xf32, #tpu.memory_space<vmem>>, vector<16xf32>,
        %mul3A_3635 = arith.mulf %get3A_3634, %get3A_3071 : vector<16xf32>
        %add3A_3636 = arith.addf %add3A_3631, %mul3A_3635 : vector<16xf32>
        %swap3A_3637 = arith.constant 208 : index
        %swap3A_3638 = tpu.vector_load %arg11[%swap3A_3637] {strides = array<i32>} : memref<256xf32, #tpu.memory_space<vmem>>, vector<16xf32>,
        tpu.vector_store %arg11[%swap3A_3637], %add3A_3636 {strides = array<i32>} : memref<256xf32, #tpu.memory_space<vmem>>, vector<16xf32>,
        %mul3A_3639 = arith.constant 80 : i32
        %mul3A_3640 = arith.muli %scan3A_1153, %mul3A_3639 : i32
        %add3A_3641 = arith.constant 78 : i32
        %add3A_3642 = arith.addi %mul3A_3640, %add3A_3641 : i32
        %get3A_3643 = arith.index_cast %add3A_3642 : i32 to index
        %get3A_3644 = arith.constant 0 : index
        %get3A_3645 = tpu.vector_load %arg10[%get3A_3643, %get3A_3644] {strides = array<i32>} : memref<640x64xf32, #tpu.memory_space<vmem>>, vector<16xf32>,
        %mul3A_3646 = arith.mulf %get3A_3645, %get3A_3062 : vector<16xf32>
        %get3A_3647 = arith.index_cast %add3A_3642 : i32 to index
        %get3A_3648 = arith.constant 16 : index
        %get3A_3649 = tpu.vector_load %arg10[%get3A_3647, %get3A_3648] {strides = array<i32>} : memref<640x64xf32, #tpu.memory_space<vmem>>, vector<16xf32>,
        %mul3A_3650 = arith.mulf %get3A_3649, %get3A_3065 : vector<16xf32>
        %add3A_3651 = arith.addf %mul3A_3646, %mul3A_3650 : vector<16xf32>
        %get3A_3652 = arith.index_cast %add3A_3642 : i32 to index
        %get3A_3653 = arith.constant 32 : index
        %get3A_3654 = tpu.vector_load %arg10[%get3A_3652, %get3A_3653] {strides = array<i32>} : memref<640x64xf32, #tpu.memory_space<vmem>>, vector<16xf32>,
        %mul3A_3655 = arith.mulf %get3A_3654, %get3A_3068 : vector<16xf32>
        %add3A_3656 = arith.addf %add3A_3651, %mul3A_3655 : vector<16xf32>
        %get3A_3657 = arith.index_cast %add3A_3642 : i32 to index
        %get3A_3658 = arith.constant 48 : index
        %get3A_3659 = tpu.vector_load %arg10[%get3A_3657, %get3A_3658] {strides = array<i32>} : memref<640x64xf32, #tpu.memory_space<vmem>>, vector<16xf32>,
        %mul3A_3660 = arith.mulf %get3A_3659, %get3A_3071 : vector<16xf32>
        %add3A_3661 = arith.addf %add3A_3656, %mul3A_3660 : vector<16xf32>
        %swap3A_3662 = arith.constant 224 : index
        %swap3A_3663 = tpu.vector_load %arg11[%swap3A_3662] {strides = array<i32>} : memref<256xf32, #tpu.memory_space<vmem>>, vector<16xf32>,
        tpu.vector_store %arg11[%swap3A_3662], %add3A_3661 {strides = array<i32>} : memref<256xf32, #tpu.memory_space<vmem>>, vector<16xf32>,
        %mul3A_3664 = arith.constant 80 : i32
        %mul3A_3665 = arith.muli %scan3A_1153, %mul3A_3664 : i32
        %add3A_3666 = arith.constant 79 : i32
        %add3A_3667 = arith.addi %mul3A_3665, %add3A_3666 : i32
        %get3A_3668 = arith.index_cast %add3A_3667 : i32 to index
        %get3A_3669 = arith.constant 0 : index
        %get3A_3670 = tpu.vector_load %arg10[%get3A_3668, %get3A_3669] {strides = array<i32>} : memref<640x64xf32, #tpu.memory_space<vmem>>, vector<16xf32>,
        %mul3A_3671 = arith.mulf %get3A_3670, %get3A_3062 : vector<16xf32>
        %get3A_3672 = arith.index_cast %add3A_3667 : i32 to index
        %get3A_3673 = arith.constant 16 : index
        %get3A_3674 = tpu.vector_load %arg10[%get3A_3672, %get3A_3673] {strides = array<i32>} : memref<640x64xf32, #tpu.memory_space<vmem>>, vector<16xf32>,
        %mul3A_3675 = arith.mulf %get3A_3674, %get3A_3065 : vector<16xf32>
        %add3A_3676 = arith.addf %mul3A_3671, %mul3A_3675 : vector<16xf32>
        %get3A_3677 = arith.index_cast %add3A_3667 : i32 to index
        %get3A_3678 = arith.constant 32 : index
        %get3A_3679 = tpu.vector_load %arg10[%get3A_3677, %get3A_3678] {strides = array<i32>} : memref<640x64xf32, #tpu.memory_space<vmem>>, vector<16xf32>,
        %mul3A_3680 = arith.mulf %get3A_3679, %get3A_3068 : vector<16xf32>
        %add3A_3681 = arith.addf %add3A_3676, %mul3A_3680 : vector<16xf32>
        %get3A_3682 = arith.index_cast %add3A_3667 : i32 to index
        %get3A_3683 = arith.constant 48 : index
        %get3A_3684 = tpu.vector_load %arg10[%get3A_3682, %get3A_3683] {strides = array<i32>} : memref<640x64xf32, #tpu.memory_space<vmem>>, vector<16xf32>,
        %mul3A_3685 = arith.mulf %get3A_3684, %get3A_3071 : vector<16xf32>
        %add3A_3686 = arith.addf %add3A_3681, %mul3A_3685 : vector<16xf32>
        %swap3A_3687 = arith.constant 240 : index
        %swap3A_3688 = tpu.vector_load %arg11[%swap3A_3687] {strides = array<i32>} : memref<256xf32, #tpu.memory_space<vmem>>, vector<16xf32>,
        tpu.vector_store %arg11[%swap3A_3687], %add3A_3686 {strides = array<i32>} : memref<256xf32, #tpu.memory_space<vmem>>, vector<16xf32>,
        %iota3A_3689 = tpu.iota {dimensions = array<i32: 0>} : vector<16xi32>
        %mul3A_3690 = arith.constant 16 : i32
        %mul3A_3691 = vector.broadcast %mul3A_3690 : i32 to vector<16xi32>
        %mul3A_3692 = arith.muli %iota3A_3689, %mul3A_3691 : vector<16xi32>
        %gather3A_3693 = tpu.vector_load_idx %arg11[%mul3A_3692] : memref<256xf32, #tpu.memory_space<vmem>>[vector<16xi32>], vector<16xf32>,
        %add3A_3694 = arith.constant 1 : i32
        %add3A_3695 = vector.broadcast %add3A_3694 : i32 to vector<16xi32>
        %add3A_3696 = arith.addi %mul3A_3692, %add3A_3695 : vector<16xi32>
        %gather3A_3697 = tpu.vector_load_idx %arg11[%add3A_3696] : memref<256xf32, #tpu.memory_space<vmem>>[vector<16xi32>], vector<16xf32>,
        %add3A_3698 = arith.addf %gather3A_3693, %gather3A_3697 : vector<16xf32>
        %add3A_3699 = arith.constant 2 : i32
        %add3A_3700 = vector.broadcast %add3A_3699 : i32 to vector<16xi32>
        %add3A_3701 = arith.addi %mul3A_3692, %add3A_3700 : vector<16xi32>
        %gather3A_3702 = tpu.vector_load_idx %arg11[%add3A_3701] : memref<256xf32, #tpu.memory_space<vmem>>[vector<16xi32>], vector<16xf32>,
        %add3A_3703 = arith.addf %add3A_3698, %gather3A_3702 : vector<16xf32>
        %add3A_3704 = arith.constant 3 : i32
        %add3A_3705 = vector.broadcast %add3A_3704 : i32 to vector<16xi32>
        %add3A_3706 = arith.addi %mul3A_3692, %add3A_3705 : vector<16xi32>
        %gather3A_3707 = tpu.vector_load_idx %arg11[%add3A_3706] : memref<256xf32, #tpu.memory_space<vmem>>[vector<16xi32>], vector<16xf32>,
        %add3A_3708 = arith.addf %add3A_3703, %gather3A_3707 : vector<16xf32>
        %add3A_3709 = arith.constant 4 : i32
        %add3A_3710 = vector.broadcast %add3A_3709 : i32 to vector<16xi32>
        %add3A_3711 = arith.addi %mul3A_3692, %add3A_3710 : vector<16xi32>
        %gather3A_3712 = tpu.vector_load_idx %arg11[%add3A_3711] : memref<256xf32, #tpu.memory_space<vmem>>[vector<16xi32>], vector<16xf32>,
        %add3A_3713 = arith.addf %add3A_3708, %gather3A_3712 : vector<16xf32>
        %add3A_3714 = arith.constant 5 : i32
        %add3A_3715 = vector.broadcast %add3A_3714 : i32 to vector<16xi32>
        %add3A_3716 = arith.addi %mul3A_3692, %add3A_3715 : vector<16xi32>
        %gather3A_3717 = tpu.vector_load_idx %arg11[%add3A_3716] : memref<256xf32, #tpu.memory_space<vmem>>[vector<16xi32>], vector<16xf32>,
        %add3A_3718 = arith.addf %add3A_3713, %gather3A_3717 : vector<16xf32>
        %add3A_3719 = arith.constant 6 : i32
        %add3A_3720 = vector.broadcast %add3A_3719 : i32 to vector<16xi32>
        %add3A_3721 = arith.addi %mul3A_3692, %add3A_3720 : vector<16xi32>
        %gather3A_3722 = tpu.vector_load_idx %arg11[%add3A_3721] : memref<256xf32, #tpu.memory_space<vmem>>[vector<16xi32>], vector<16xf32>,
        %add3A_3723 = arith.addf %add3A_3718, %gather3A_3722 : vector<16xf32>
        %add3A_3724 = arith.constant 7 : i32
        %add3A_3725 = vector.broadcast %add3A_3724 : i32 to vector<16xi32>
        %add3A_3726 = arith.addi %mul3A_3692, %add3A_3725 : vector<16xi32>
        %gather3A_3727 = tpu.vector_load_idx %arg11[%add3A_3726] : memref<256xf32, #tpu.memory_space<vmem>>[vector<16xi32>], vector<16xf32>,
        %add3A_3728 = arith.addf %add3A_3723, %gather3A_3727 : vector<16xf32>
        %add3A_3729 = arith.constant 8 : i32
        %add3A_3730 = vector.broadcast %add3A_3729 : i32 to vector<16xi32>
        %add3A_3731 = arith.addi %mul3A_3692, %add3A_3730 : vector<16xi32>
        %gather3A_3732 = tpu.vector_load_idx %arg11[%add3A_3731] : memref<256xf32, #tpu.memory_space<vmem>>[vector<16xi32>], vector<16xf32>,
        %add3A_3733 = arith.addf %add3A_3728, %gather3A_3732 : vector<16xf32>
        %add3A_3734 = arith.constant 9 : i32
        %add3A_3735 = vector.broadcast %add3A_3734 : i32 to vector<16xi32>
        %add3A_3736 = arith.addi %mul3A_3692, %add3A_3735 : vector<16xi32>
        %gather3A_3737 = tpu.vector_load_idx %arg11[%add3A_3736] : memref<256xf32, #tpu.memory_space<vmem>>[vector<16xi32>], vector<16xf32>,
        %add3A_3738 = arith.addf %add3A_3733, %gather3A_3737 : vector<16xf32>
        %add3A_3739 = arith.constant 10 : i32
        %add3A_3740 = vector.broadcast %add3A_3739 : i32 to vector<16xi32>
        %add3A_3741 = arith.addi %mul3A_3692, %add3A_3740 : vector<16xi32>
        %gather3A_3742 = tpu.vector_load_idx %arg11[%add3A_3741] : memref<256xf32, #tpu.memory_space<vmem>>[vector<16xi32>], vector<16xf32>,
        %add3A_3743 = arith.addf %add3A_3738, %gather3A_3742 : vector<16xf32>
        %add3A_3744 = arith.constant 11 : i32
        %add3A_3745 = vector.broadcast %add3A_3744 : i32 to vector<16xi32>
        %add3A_3746 = arith.addi %mul3A_3692, %add3A_3745 : vector<16xi32>
        %gather3A_3747 = tpu.vector_load_idx %arg11[%add3A_3746] : memref<256xf32, #tpu.memory_space<vmem>>[vector<16xi32>], vector<16xf32>,
        %add3A_3748 = arith.addf %add3A_3743, %gather3A_3747 : vector<16xf32>
        %add3A_3749 = arith.constant 12 : i32
        %add3A_3750 = vector.broadcast %add3A_3749 : i32 to vector<16xi32>
        %add3A_3751 = arith.addi %mul3A_3692, %add3A_3750 : vector<16xi32>
        %gather3A_3752 = tpu.vector_load_idx %arg11[%add3A_3751] : memref<256xf32, #tpu.memory_space<vmem>>[vector<16xi32>], vector<16xf32>,
        %add3A_3753 = arith.addf %add3A_3748, %gather3A_3752 : vector<16xf32>
        %add3A_3754 = arith.constant 13 : i32
        %add3A_3755 = vector.broadcast %add3A_3754 : i32 to vector<16xi32>
        %add3A_3756 = arith.addi %mul3A_3692, %add3A_3755 : vector<16xi32>
        %gather3A_3757 = tpu.vector_load_idx %arg11[%add3A_3756] : memref<256xf32, #tpu.memory_space<vmem>>[vector<16xi32>], vector<16xf32>,
        %add3A_3758 = arith.addf %add3A_3753, %gather3A_3757 : vector<16xf32>
        %add3A_3759 = arith.constant 14 : i32
        %add3A_3760 = vector.broadcast %add3A_3759 : i32 to vector<16xi32>
        %add3A_3761 = arith.addi %mul3A_3692, %add3A_3760 : vector<16xi32>
        %gather3A_3762 = tpu.vector_load_idx %arg11[%add3A_3761] : memref<256xf32, #tpu.memory_space<vmem>>[vector<16xi32>], vector<16xf32>,
        %add3A_3763 = arith.addf %add3A_3758, %gather3A_3762 : vector<16xf32>
        %add3A_3764 = arith.constant 15 : i32
        %add3A_3765 = vector.broadcast %add3A_3764 : i32 to vector<16xi32>
        %add3A_3766 = arith.addi %mul3A_3692, %add3A_3765 : vector<16xi32>
        %gather3A_3767 = tpu.vector_load_idx %arg11[%add3A_3766] : memref<256xf32, #tpu.memory_space<vmem>>[vector<16xi32>], vector<16xf32>,
        %add3A_3768 = arith.addf %add3A_3763, %gather3A_3767 : vector<16xf32>
        %abs3A_3769 = math.absf %add3A_3768 : vector<16xf32>
        %neg3A_3770 = arith.constant 0.000000e+00 : f32
        %neg3A_3771 = vector.broadcast %neg3A_3770 : f32 to vector<16xf32>
        %neg3A_3772 = arith.subf %neg3A_3771, %abs3A_3769 : vector<16xf32>
        %exp3A_3773 = math.exp %neg3A_3772 : vector<16xf32>
        %add3A_3774 = arith.constant 2.000000e+00 : f32
        %add3A_3775 = vector.broadcast %add3A_3774 : f32 to vector<16xf32>
        %add3A_3776 = arith.addf %add3A_3775, %exp3A_3773 : vector<16xf32>
        %div3A_3777 = arith.divf %exp3A_3773, %add3A_3776 : vector<16xf32>
        %mul3A_3778 = arith.mulf %div3A_3777, %div3A_3777 : vector<16xf32>
        %mul3A_3779 = arith.constant 0.111111112 : f32
        %mul3A_3780 = vector.broadcast %mul3A_3779 : f32 to vector<16xf32>
        %mul3A_3781 = arith.mulf %mul3A_3778, %mul3A_3780 : vector<16xf32>
        %add3A_3782 = arith.constant 0.142857149 : f32
        %add3A_3783 = vector.broadcast %add3A_3782 : f32 to vector<16xf32>
        %add3A_3784 = arith.addf %add3A_3783, %mul3A_3781 : vector<16xf32>
        %mul3A_3785 = arith.mulf %mul3A_3778, %add3A_3784 : vector<16xf32>
        %add3A_3786 = arith.constant 2.000000e-01 : f32
        %add3A_3787 = vector.broadcast %add3A_3786 : f32 to vector<16xf32>
        %add3A_3788 = arith.addf %add3A_3787, %mul3A_3785 : vector<16xf32>
        %mul3A_3789 = arith.mulf %mul3A_3778, %add3A_3788 : vector<16xf32>
        %add3A_3790 = arith.constant 0.333333343 : f32
        %add3A_3791 = vector.broadcast %add3A_3790 : f32 to vector<16xf32>
        %add3A_3792 = arith.addf %add3A_3791, %mul3A_3789 : vector<16xf32>
        %mul3A_3793 = arith.mulf %mul3A_3778, %add3A_3792 : vector<16xf32>
        %add3A_3794 = arith.constant 1.000000e+00 : f32
        %add3A_3795 = vector.broadcast %add3A_3794 : f32 to vector<16xf32>
        %add3A_3796 = arith.addf %add3A_3795, %mul3A_3793 : vector<16xf32>
        %min3A_3797 = arith.constant 0.000000e+00 : f32
        %min3A_3798 = vector.broadcast %min3A_3797 : f32 to vector<16xf32>
        %min3A_3799 = arith.minimumf %add3A_3768, %min3A_3798 : vector<16xf32>
        %mul3A_3800 = arith.constant 2.000000e+00 : f32
        %mul3A_3801 = vector.broadcast %mul3A_3800 : f32 to vector<16xf32>
        %mul3A_3802 = arith.mulf %mul3A_3801, %div3A_3777 : vector<16xf32>
        %mul3A_3803 = arith.mulf %mul3A_3802, %add3A_3796 : vector<16xf32>
        %sub3A_3804 = arith.subf %min3A_3799, %mul3A_3803 : vector<16xf32>
        %add3A_3805 = arith.addf %add3A_3288, %sub3A_3804 : vector<16xf32>
        %swap3A_3806 = arith.constant 0 : index
        %swap3A_3807 = tpu.vector_load %arg12[%swap3A_3806] {strides = array<i32>} : memref<16xf32, #tpu.memory_space<vmem>>, vector<16xf32>,
        tpu.vector_store %arg12[%swap3A_3806], %add3A_3805 {strides = array<i32>} : memref<16xf32, #tpu.memory_space<vmem>>, vector<16xf32>,
        %scan3A_3808 = arith.constant 0 : i32
        scf.yield %scan3A_3808 : i32
      }
      %scan3A_121 = arith.constant 8 : i32
      %get3A_122 = arith.constant 0 : index
      %get3A_123 = tpu.vector_load %arg13[%get3A_122] {strides = array<i32>} : memref<16xf32, #tpu.memory_space<vmem>>, vector<16xf32>,
      %get3A_124 = arith.constant 0 : i32
      %get3A_125 = arith.index_cast %get3A_124 : i32 to index
      %get3A_126 = arith.constant 0 : index
      %get3A_127 = tpu.vector_load %arg9[%get3A_125, %get3A_126] {strides = array<i32>} : memref<32x64xf32, #tpu.memory_space<vmem>>, vector<16xf32>,
      %get3A_128 = arith.constant 0 : i32
      %get3A_129 = arith.index_cast %get3A_128 : i32 to index
      %get3A_130 = arith.constant 16 : index
      %get3A_131 = tpu.vector_load %arg9[%get3A_129, %get3A_130] {strides = array<i32>} : memref<32x64xf32, #tpu.memory_space<vmem>>, vector<16xf32>,
      %get3A_132 = arith.constant 0 : i32
      %get3A_133 = arith.index_cast %get3A_132 : i32 to index
      %get3A_134 = arith.constant 32 : index
      %get3A_135 = tpu.vector_load %arg9[%get3A_133, %get3A_134] {strides = array<i32>} : memref<32x64xf32, #tpu.memory_space<vmem>>, vector<16xf32>,
      %get3A_136 = arith.constant 0 : i32
      %get3A_137 = arith.index_cast %get3A_136 : i32 to index
      %get3A_138 = arith.constant 48 : index
      %get3A_139 = tpu.vector_load %arg9[%get3A_137, %get3A_138] {strides = array<i32>} : memref<32x64xf32, #tpu.memory_space<vmem>>, vector<16xf32>,
      %mul3A_140 = arith.mulf %get3A_127, %get3A_127 : vector<16xf32>
      %mul3A_141 = arith.mulf %get3A_131, %get3A_131 : vector<16xf32>
      %add3A_142 = arith.addf %mul3A_140, %mul3A_141 : vector<16xf32>
      %mul3A_143 = arith.mulf %get3A_135, %get3A_135 : vector<16xf32>
      %add3A_144 = arith.addf %add3A_142, %mul3A_143 : vector<16xf32>
      %mul3A_145 = arith.mulf %get3A_139, %get3A_139 : vector<16xf32>
      %add3A_146 = arith.addf %add3A_144, %mul3A_145 : vector<16xf32>
      %swap3A_147 = arith.constant 0 : index
      %swap3A_148 = tpu.vector_load %arg11[%swap3A_147] {strides = array<i32>} : memref<256xf32, #tpu.memory_space<vmem>>, vector<16xf32>,
      tpu.vector_store %arg11[%swap3A_147], %add3A_146 {strides = array<i32>} : memref<256xf32, #tpu.memory_space<vmem>>, vector<16xf32>,
      %get3A_149 = arith.constant 1 : i32
      %get3A_150 = arith.index_cast %get3A_149 : i32 to index
      %get3A_151 = arith.constant 0 : index
      %get3A_152 = tpu.vector_load %arg9[%get3A_150, %get3A_151] {strides = array<i32>} : memref<32x64xf32, #tpu.memory_space<vmem>>, vector<16xf32>,
      %get3A_153 = arith.constant 1 : i32
      %get3A_154 = arith.index_cast %get3A_153 : i32 to index
      %get3A_155 = arith.constant 16 : index
      %get3A_156 = tpu.vector_load %arg9[%get3A_154, %get3A_155] {strides = array<i32>} : memref<32x64xf32, #tpu.memory_space<vmem>>, vector<16xf32>,
      %get3A_157 = arith.constant 1 : i32
      %get3A_158 = arith.index_cast %get3A_157 : i32 to index
      %get3A_159 = arith.constant 32 : index
      %get3A_160 = tpu.vector_load %arg9[%get3A_158, %get3A_159] {strides = array<i32>} : memref<32x64xf32, #tpu.memory_space<vmem>>, vector<16xf32>,
      %get3A_161 = arith.constant 1 : i32
      %get3A_162 = arith.index_cast %get3A_161 : i32 to index
      %get3A_163 = arith.constant 48 : index
      %get3A_164 = tpu.vector_load %arg9[%get3A_162, %get3A_163] {strides = array<i32>} : memref<32x64xf32, #tpu.memory_space<vmem>>, vector<16xf32>,
      %mul3A_165 = arith.mulf %get3A_152, %get3A_152 : vector<16xf32>
      %mul3A_166 = arith.mulf %get3A_156, %get3A_156 : vector<16xf32>
      %add3A_167 = arith.addf %mul3A_165, %mul3A_166 : vector<16xf32>
      %mul3A_168 = arith.mulf %get3A_160, %get3A_160 : vector<16xf32>
      %add3A_169 = arith.addf %add3A_167, %mul3A_168 : vector<16xf32>
      %mul3A_170 = arith.mulf %get3A_164, %get3A_164 : vector<16xf32>
      %add3A_171 = arith.addf %add3A_169, %mul3A_170 : vector<16xf32>
      %swap3A_172 = arith.constant 16 : index
      %swap3A_173 = tpu.vector_load %arg11[%swap3A_172] {strides = array<i32>} : memref<256xf32, #tpu.memory_space<vmem>>, vector<16xf32>,
      tpu.vector_store %arg11[%swap3A_172], %add3A_171 {strides = array<i32>} : memref<256xf32, #tpu.memory_space<vmem>>, vector<16xf32>,
      %get3A_174 = arith.constant 2 : i32
      %get3A_175 = arith.index_cast %get3A_174 : i32 to index
      %get3A_176 = arith.constant 0 : index
      %get3A_177 = tpu.vector_load %arg9[%get3A_175, %get3A_176] {strides = array<i32>} : memref<32x64xf32, #tpu.memory_space<vmem>>, vector<16xf32>,
      %get3A_178 = arith.constant 2 : i32
      %get3A_179 = arith.index_cast %get3A_178 : i32 to index
      %get3A_180 = arith.constant 16 : index
      %get3A_181 = tpu.vector_load %arg9[%get3A_179, %get3A_180] {strides = array<i32>} : memref<32x64xf32, #tpu.memory_space<vmem>>, vector<16xf32>,
      %get3A_182 = arith.constant 2 : i32
      %get3A_183 = arith.index_cast %get3A_182 : i32 to index
      %get3A_184 = arith.constant 32 : index
      %get3A_185 = tpu.vector_load %arg9[%get3A_183, %get3A_184] {strides = array<i32>} : memref<32x64xf32, #tpu.memory_space<vmem>>, vector<16xf32>,
      %get3A_186 = arith.constant 2 : i32
      %get3A_187 = arith.index_cast %get3A_186 : i32 to index
      %get3A_188 = arith.constant 48 : index
      %get3A_189 = tpu.vector_load %arg9[%get3A_187, %get3A_188] {strides = array<i32>} : memref<32x64xf32, #tpu.memory_space<vmem>>, vector<16xf32>,
      %mul3A_190 = arith.mulf %get3A_177, %get3A_177 : vector<16xf32>
      %mul3A_191 = arith.mulf %get3A_181, %get3A_181 : vector<16xf32>
      %add3A_192 = arith.addf %mul3A_190, %mul3A_191 : vector<16xf32>
      %mul3A_193 = arith.mulf %get3A_185, %get3A_185 : vector<16xf32>
      %add3A_194 = arith.addf %add3A_192, %mul3A_193 : vector<16xf32>
      %mul3A_195 = arith.mulf %get3A_189, %get3A_189 : vector<16xf32>
      %add3A_196 = arith.addf %add3A_194, %mul3A_195 : vector<16xf32>
      %swap3A_197 = arith.constant 32 : index
      %swap3A_198 = tpu.vector_load %arg11[%swap3A_197] {strides = array<i32>} : memref<256xf32, #tpu.memory_space<vmem>>, vector<16xf32>,
      tpu.vector_store %arg11[%swap3A_197], %add3A_196 {strides = array<i32>} : memref<256xf32, #tpu.memory_space<vmem>>, vector<16xf32>,
      %get3A_199 = arith.constant 3 : i32
      %get3A_200 = arith.index_cast %get3A_199 : i32 to index
      %get3A_201 = arith.constant 0 : index
      %get3A_202 = tpu.vector_load %arg9[%get3A_200, %get3A_201] {strides = array<i32>} : memref<32x64xf32, #tpu.memory_space<vmem>>, vector<16xf32>,
      %get3A_203 = arith.constant 3 : i32
      %get3A_204 = arith.index_cast %get3A_203 : i32 to index
      %get3A_205 = arith.constant 16 : index
      %get3A_206 = tpu.vector_load %arg9[%get3A_204, %get3A_205] {strides = array<i32>} : memref<32x64xf32, #tpu.memory_space<vmem>>, vector<16xf32>,
      %get3A_207 = arith.constant 3 : i32
      %get3A_208 = arith.index_cast %get3A_207 : i32 to index
      %get3A_209 = arith.constant 32 : index
      %get3A_210 = tpu.vector_load %arg9[%get3A_208, %get3A_209] {strides = array<i32>} : memref<32x64xf32, #tpu.memory_space<vmem>>, vector<16xf32>,
      %get3A_211 = arith.constant 3 : i32
      %get3A_212 = arith.index_cast %get3A_211 : i32 to index
      %get3A_213 = arith.constant 48 : index
      %get3A_214 = tpu.vector_load %arg9[%get3A_212, %get3A_213] {strides = array<i32>} : memref<32x64xf32, #tpu.memory_space<vmem>>, vector<16xf32>,
      %mul3A_215 = arith.mulf %get3A_202, %get3A_202 : vector<16xf32>
      %mul3A_216 = arith.mulf %get3A_206, %get3A_206 : vector<16xf32>
      %add3A_217 = arith.addf %mul3A_215, %mul3A_216 : vector<16xf32>
      %mul3A_218 = arith.mulf %get3A_210, %get3A_210 : vector<16xf32>
      %add3A_219 = arith.addf %add3A_217, %mul3A_218 : vector<16xf32>
      %mul3A_220 = arith.mulf %get3A_214, %get3A_214 : vector<16xf32>
      %add3A_221 = arith.addf %add3A_219, %mul3A_220 : vector<16xf32>
      %swap3A_222 = arith.constant 48 : index
      %swap3A_223 = tpu.vector_load %arg11[%swap3A_222] {strides = array<i32>} : memref<256xf32, #tpu.memory_space<vmem>>, vector<16xf32>,
      tpu.vector_store %arg11[%swap3A_222], %add3A_221 {strides = array<i32>} : memref<256xf32, #tpu.memory_space<vmem>>, vector<16xf32>,
      %get3A_224 = arith.constant 4 : i32
      %get3A_225 = arith.index_cast %get3A_224 : i32 to index
      %get3A_226 = arith.constant 0 : index
      %get3A_227 = tpu.vector_load %arg9[%get3A_225, %get3A_226] {strides = array<i32>} : memref<32x64xf32, #tpu.memory_space<vmem>>, vector<16xf32>,
      %get3A_228 = arith.constant 4 : i32
      %get3A_229 = arith.index_cast %get3A_228 : i32 to index
      %get3A_230 = arith.constant 16 : index
      %get3A_231 = tpu.vector_load %arg9[%get3A_229, %get3A_230] {strides = array<i32>} : memref<32x64xf32, #tpu.memory_space<vmem>>, vector<16xf32>,
      %get3A_232 = arith.constant 4 : i32
      %get3A_233 = arith.index_cast %get3A_232 : i32 to index
      %get3A_234 = arith.constant 32 : index
      %get3A_235 = tpu.vector_load %arg9[%get3A_233, %get3A_234] {strides = array<i32>} : memref<32x64xf32, #tpu.memory_space<vmem>>, vector<16xf32>,
      %get3A_236 = arith.constant 4 : i32
      %get3A_237 = arith.index_cast %get3A_236 : i32 to index
      %get3A_238 = arith.constant 48 : index
      %get3A_239 = tpu.vector_load %arg9[%get3A_237, %get3A_238] {strides = array<i32>} : memref<32x64xf32, #tpu.memory_space<vmem>>, vector<16xf32>,
      %mul3A_240 = arith.mulf %get3A_227, %get3A_227 : vector<16xf32>
      %mul3A_241 = arith.mulf %get3A_231, %get3A_231 : vector<16xf32>
      %add3A_242 = arith.addf %mul3A_240, %mul3A_241 : vector<16xf32>
      %mul3A_243 = arith.mulf %get3A_235, %get3A_235 : vector<16xf32>
      %add3A_244 = arith.addf %add3A_242, %mul3A_243 : vector<16xf32>
      %mul3A_245 = arith.mulf %get3A_239, %get3A_239 : vector<16xf32>
      %add3A_246 = arith.addf %add3A_244, %mul3A_245 : vector<16xf32>
      %swap3A_247 = arith.constant 64 : index
      %swap3A_248 = tpu.vector_load %arg11[%swap3A_247] {strides = array<i32>} : memref<256xf32, #tpu.memory_space<vmem>>, vector<16xf32>,
      tpu.vector_store %arg11[%swap3A_247], %add3A_246 {strides = array<i32>} : memref<256xf32, #tpu.memory_space<vmem>>, vector<16xf32>,
      %get3A_249 = arith.constant 5 : i32
      %get3A_250 = arith.index_cast %get3A_249 : i32 to index
      %get3A_251 = arith.constant 0 : index
      %get3A_252 = tpu.vector_load %arg9[%get3A_250, %get3A_251] {strides = array<i32>} : memref<32x64xf32, #tpu.memory_space<vmem>>, vector<16xf32>,
      %get3A_253 = arith.constant 5 : i32
      %get3A_254 = arith.index_cast %get3A_253 : i32 to index
      %get3A_255 = arith.constant 16 : index
      %get3A_256 = tpu.vector_load %arg9[%get3A_254, %get3A_255] {strides = array<i32>} : memref<32x64xf32, #tpu.memory_space<vmem>>, vector<16xf32>,
      %get3A_257 = arith.constant 5 : i32
      %get3A_258 = arith.index_cast %get3A_257 : i32 to index
      %get3A_259 = arith.constant 32 : index
      %get3A_260 = tpu.vector_load %arg9[%get3A_258, %get3A_259] {strides = array<i32>} : memref<32x64xf32, #tpu.memory_space<vmem>>, vector<16xf32>,
      %get3A_261 = arith.constant 5 : i32
      %get3A_262 = arith.index_cast %get3A_261 : i32 to index
      %get3A_263 = arith.constant 48 : index
      %get3A_264 = tpu.vector_load %arg9[%get3A_262, %get3A_263] {strides = array<i32>} : memref<32x64xf32, #tpu.memory_space<vmem>>, vector<16xf32>,
      %mul3A_265 = arith.mulf %get3A_252, %get3A_252 : vector<16xf32>
      %mul3A_266 = arith.mulf %get3A_256, %get3A_256 : vector<16xf32>
      %add3A_267 = arith.addf %mul3A_265, %mul3A_266 : vector<16xf32>
      %mul3A_268 = arith.mulf %get3A_260, %get3A_260 : vector<16xf32>
      %add3A_269 = arith.addf %add3A_267, %mul3A_268 : vector<16xf32>
      %mul3A_270 = arith.mulf %get3A_264, %get3A_264 : vector<16xf32>
      %add3A_271 = arith.addf %add3A_269, %mul3A_270 : vector<16xf32>
      %swap3A_272 = arith.constant 80 : index
      %swap3A_273 = tpu.vector_load %arg11[%swap3A_272] {strides = array<i32>} : memref<256xf32, #tpu.memory_space<vmem>>, vector<16xf32>,
      tpu.vector_store %arg11[%swap3A_272], %add3A_271 {strides = array<i32>} : memref<256xf32, #tpu.memory_space<vmem>>, vector<16xf32>,
      %get3A_274 = arith.constant 6 : i32
      %get3A_275 = arith.index_cast %get3A_274 : i32 to index
      %get3A_276 = arith.constant 0 : index
      %get3A_277 = tpu.vector_load %arg9[%get3A_275, %get3A_276] {strides = array<i32>} : memref<32x64xf32, #tpu.memory_space<vmem>>, vector<16xf32>,
      %get3A_278 = arith.constant 6 : i32
      %get3A_279 = arith.index_cast %get3A_278 : i32 to index
      %get3A_280 = arith.constant 16 : index
      %get3A_281 = tpu.vector_load %arg9[%get3A_279, %get3A_280] {strides = array<i32>} : memref<32x64xf32, #tpu.memory_space<vmem>>, vector<16xf32>,
      %get3A_282 = arith.constant 6 : i32
      %get3A_283 = arith.index_cast %get3A_282 : i32 to index
      %get3A_284 = arith.constant 32 : index
      %get3A_285 = tpu.vector_load %arg9[%get3A_283, %get3A_284] {strides = array<i32>} : memref<32x64xf32, #tpu.memory_space<vmem>>, vector<16xf32>,
      %get3A_286 = arith.constant 6 : i32
      %get3A_287 = arith.index_cast %get3A_286 : i32 to index
      %get3A_288 = arith.constant 48 : index
      %get3A_289 = tpu.vector_load %arg9[%get3A_287, %get3A_288] {strides = array<i32>} : memref<32x64xf32, #tpu.memory_space<vmem>>, vector<16xf32>,
      %mul3A_290 = arith.mulf %get3A_277, %get3A_277 : vector<16xf32>
      %mul3A_291 = arith.mulf %get3A_281, %get3A_281 : vector<16xf32>
      %add3A_292 = arith.addf %mul3A_290, %mul3A_291 : vector<16xf32>
      %mul3A_293 = arith.mulf %get3A_285, %get3A_285 : vector<16xf32>
      %add3A_294 = arith.addf %add3A_292, %mul3A_293 : vector<16xf32>
      %mul3A_295 = arith.mulf %get3A_289, %get3A_289 : vector<16xf32>
      %add3A_296 = arith.addf %add3A_294, %mul3A_295 : vector<16xf32>
      %swap3A_297 = arith.constant 96 : index
      %swap3A_298 = tpu.vector_load %arg11[%swap3A_297] {strides = array<i32>} : memref<256xf32, #tpu.memory_space<vmem>>, vector<16xf32>,
      tpu.vector_store %arg11[%swap3A_297], %add3A_296 {strides = array<i32>} : memref<256xf32, #tpu.memory_space<vmem>>, vector<16xf32>,
      %get3A_299 = arith.constant 7 : i32
      %get3A_300 = arith.index_cast %get3A_299 : i32 to index
      %get3A_301 = arith.constant 0 : index
      %get3A_302 = tpu.vector_load %arg9[%get3A_300, %get3A_301] {strides = array<i32>} : memref<32x64xf32, #tpu.memory_space<vmem>>, vector<16xf32>,
      %get3A_303 = arith.constant 7 : i32
      %get3A_304 = arith.index_cast %get3A_303 : i32 to index
      %get3A_305 = arith.constant 16 : index
      %get3A_306 = tpu.vector_load %arg9[%get3A_304, %get3A_305] {strides = array<i32>} : memref<32x64xf32, #tpu.memory_space<vmem>>, vector<16xf32>,
      %get3A_307 = arith.constant 7 : i32
      %get3A_308 = arith.index_cast %get3A_307 : i32 to index
      %get3A_309 = arith.constant 32 : index
      %get3A_310 = tpu.vector_load %arg9[%get3A_308, %get3A_309] {strides = array<i32>} : memref<32x64xf32, #tpu.memory_space<vmem>>, vector<16xf32>,
      %get3A_311 = arith.constant 7 : i32
      %get3A_312 = arith.index_cast %get3A_311 : i32 to index
      %get3A_313 = arith.constant 48 : index
      %get3A_314 = tpu.vector_load %arg9[%get3A_312, %get3A_313] {strides = array<i32>} : memref<32x64xf32, #tpu.memory_space<vmem>>, vector<16xf32>,
      %mul3A_315 = arith.mulf %get3A_302, %get3A_302 : vector<16xf32>
      %mul3A_316 = arith.mulf %get3A_306, %get3A_306 : vector<16xf32>
      %add3A_317 = arith.addf %mul3A_315, %mul3A_316 : vector<16xf32>
      %mul3A_318 = arith.mulf %get3A_310, %get3A_310 : vector<16xf32>
      %add3A_319 = arith.addf %add3A_317, %mul3A_318 : vector<16xf32>
      %mul3A_320 = arith.mulf %get3A_314, %get3A_314 : vector<16xf32>
      %add3A_321 = arith.addf %add3A_319, %mul3A_320 : vector<16xf32>
      %swap3A_322 = arith.constant 112 : index
      %swap3A_323 = tpu.vector_load %arg11[%swap3A_322] {strides = array<i32>} : memref<256xf32, #tpu.memory_space<vmem>>, vector<16xf32>,
      tpu.vector_store %arg11[%swap3A_322], %add3A_321 {strides = array<i32>} : memref<256xf32, #tpu.memory_space<vmem>>, vector<16xf32>,
      %get3A_324 = arith.constant 8 : i32
      %get3A_325 = arith.index_cast %get3A_324 : i32 to index
      %get3A_326 = arith.constant 0 : index
      %get3A_327 = tpu.vector_load %arg9[%get3A_325, %get3A_326] {strides = array<i32>} : memref<32x64xf32, #tpu.memory_space<vmem>>, vector<16xf32>,
      %get3A_328 = arith.constant 8 : i32
      %get3A_329 = arith.index_cast %get3A_328 : i32 to index
      %get3A_330 = arith.constant 16 : index
      %get3A_331 = tpu.vector_load %arg9[%get3A_329, %get3A_330] {strides = array<i32>} : memref<32x64xf32, #tpu.memory_space<vmem>>, vector<16xf32>,
      %get3A_332 = arith.constant 8 : i32
      %get3A_333 = arith.index_cast %get3A_332 : i32 to index
      %get3A_334 = arith.constant 32 : index
      %get3A_335 = tpu.vector_load %arg9[%get3A_333, %get3A_334] {strides = array<i32>} : memref<32x64xf32, #tpu.memory_space<vmem>>, vector<16xf32>,
      %get3A_336 = arith.constant 8 : i32
      %get3A_337 = arith.index_cast %get3A_336 : i32 to index
      %get3A_338 = arith.constant 48 : index
      %get3A_339 = tpu.vector_load %arg9[%get3A_337, %get3A_338] {strides = array<i32>} : memref<32x64xf32, #tpu.memory_space<vmem>>, vector<16xf32>,
      %mul3A_340 = arith.mulf %get3A_327, %get3A_327 : vector<16xf32>
      %mul3A_341 = arith.mulf %get3A_331, %get3A_331 : vector<16xf32>
      %add3A_342 = arith.addf %mul3A_340, %mul3A_341 : vector<16xf32>
      %mul3A_343 = arith.mulf %get3A_335, %get3A_335 : vector<16xf32>
      %add3A_344 = arith.addf %add3A_342, %mul3A_343 : vector<16xf32>
      %mul3A_345 = arith.mulf %get3A_339, %get3A_339 : vector<16xf32>
      %add3A_346 = arith.addf %add3A_344, %mul3A_345 : vector<16xf32>
      %swap3A_347 = arith.constant 128 : index
      %swap3A_348 = tpu.vector_load %arg11[%swap3A_347] {strides = array<i32>} : memref<256xf32, #tpu.memory_space<vmem>>, vector<16xf32>,
      tpu.vector_store %arg11[%swap3A_347], %add3A_346 {strides = array<i32>} : memref<256xf32, #tpu.memory_space<vmem>>, vector<16xf32>,
      %get3A_349 = arith.constant 9 : i32
      %get3A_350 = arith.index_cast %get3A_349 : i32 to index
      %get3A_351 = arith.constant 0 : index
      %get3A_352 = tpu.vector_load %arg9[%get3A_350, %get3A_351] {strides = array<i32>} : memref<32x64xf32, #tpu.memory_space<vmem>>, vector<16xf32>,
      %get3A_353 = arith.constant 9 : i32
      %get3A_354 = arith.index_cast %get3A_353 : i32 to index
      %get3A_355 = arith.constant 16 : index
      %get3A_356 = tpu.vector_load %arg9[%get3A_354, %get3A_355] {strides = array<i32>} : memref<32x64xf32, #tpu.memory_space<vmem>>, vector<16xf32>,
      %get3A_357 = arith.constant 9 : i32
      %get3A_358 = arith.index_cast %get3A_357 : i32 to index
      %get3A_359 = arith.constant 32 : index
      %get3A_360 = tpu.vector_load %arg9[%get3A_358, %get3A_359] {strides = array<i32>} : memref<32x64xf32, #tpu.memory_space<vmem>>, vector<16xf32>,
      %get3A_361 = arith.constant 9 : i32
      %get3A_362 = arith.index_cast %get3A_361 : i32 to index
      %get3A_363 = arith.constant 48 : index
      %get3A_364 = tpu.vector_load %arg9[%get3A_362, %get3A_363] {strides = array<i32>} : memref<32x64xf32, #tpu.memory_space<vmem>>, vector<16xf32>,
      %mul3A_365 = arith.mulf %get3A_352, %get3A_352 : vector<16xf32>
      %mul3A_366 = arith.mulf %get3A_356, %get3A_356 : vector<16xf32>
      %add3A_367 = arith.addf %mul3A_365, %mul3A_366 : vector<16xf32>
      %mul3A_368 = arith.mulf %get3A_360, %get3A_360 : vector<16xf32>
      %add3A_369 = arith.addf %add3A_367, %mul3A_368 : vector<16xf32>
      %mul3A_370 = arith.mulf %get3A_364, %get3A_364 : vector<16xf32>
      %add3A_371 = arith.addf %add3A_369, %mul3A_370 : vector<16xf32>
      %swap3A_372 = arith.constant 144 : index
      %swap3A_373 = tpu.vector_load %arg11[%swap3A_372] {strides = array<i32>} : memref<256xf32, #tpu.memory_space<vmem>>, vector<16xf32>,
      tpu.vector_store %arg11[%swap3A_372], %add3A_371 {strides = array<i32>} : memref<256xf32, #tpu.memory_space<vmem>>, vector<16xf32>,
      %get3A_374 = arith.constant 10 : i32
      %get3A_375 = arith.index_cast %get3A_374 : i32 to index
      %get3A_376 = arith.constant 0 : index
      %get3A_377 = tpu.vector_load %arg9[%get3A_375, %get3A_376] {strides = array<i32>} : memref<32x64xf32, #tpu.memory_space<vmem>>, vector<16xf32>,
      %get3A_378 = arith.constant 10 : i32
      %get3A_379 = arith.index_cast %get3A_378 : i32 to index
      %get3A_380 = arith.constant 16 : index
      %get3A_381 = tpu.vector_load %arg9[%get3A_379, %get3A_380] {strides = array<i32>} : memref<32x64xf32, #tpu.memory_space<vmem>>, vector<16xf32>,
      %get3A_382 = arith.constant 10 : i32
      %get3A_383 = arith.index_cast %get3A_382 : i32 to index
      %get3A_384 = arith.constant 32 : index
      %get3A_385 = tpu.vector_load %arg9[%get3A_383, %get3A_384] {strides = array<i32>} : memref<32x64xf32, #tpu.memory_space<vmem>>, vector<16xf32>,
      %get3A_386 = arith.constant 10 : i32
      %get3A_387 = arith.index_cast %get3A_386 : i32 to index
      %get3A_388 = arith.constant 48 : index
      %get3A_389 = tpu.vector_load %arg9[%get3A_387, %get3A_388] {strides = array<i32>} : memref<32x64xf32, #tpu.memory_space<vmem>>, vector<16xf32>,
      %mul3A_390 = arith.mulf %get3A_377, %get3A_377 : vector<16xf32>
      %mul3A_391 = arith.mulf %get3A_381, %get3A_381 : vector<16xf32>
      %add3A_392 = arith.addf %mul3A_390, %mul3A_391 : vector<16xf32>
      %mul3A_393 = arith.mulf %get3A_385, %get3A_385 : vector<16xf32>
      %add3A_394 = arith.addf %add3A_392, %mul3A_393 : vector<16xf32>
      %mul3A_395 = arith.mulf %get3A_389, %get3A_389 : vector<16xf32>
      %add3A_396 = arith.addf %add3A_394, %mul3A_395 : vector<16xf32>
      %swap3A_397 = arith.constant 160 : index
      %swap3A_398 = tpu.vector_load %arg11[%swap3A_397] {strides = array<i32>} : memref<256xf32, #tpu.memory_space<vmem>>, vector<16xf32>,
      tpu.vector_store %arg11[%swap3A_397], %add3A_396 {strides = array<i32>} : memref<256xf32, #tpu.memory_space<vmem>>, vector<16xf32>,
      %get3A_399 = arith.constant 11 : i32
      %get3A_400 = arith.index_cast %get3A_399 : i32 to index
      %get3A_401 = arith.constant 0 : index
      %get3A_402 = tpu.vector_load %arg9[%get3A_400, %get3A_401] {strides = array<i32>} : memref<32x64xf32, #tpu.memory_space<vmem>>, vector<16xf32>,
      %get3A_403 = arith.constant 11 : i32
      %get3A_404 = arith.index_cast %get3A_403 : i32 to index
      %get3A_405 = arith.constant 16 : index
      %get3A_406 = tpu.vector_load %arg9[%get3A_404, %get3A_405] {strides = array<i32>} : memref<32x64xf32, #tpu.memory_space<vmem>>, vector<16xf32>,
      %get3A_407 = arith.constant 11 : i32
      %get3A_408 = arith.index_cast %get3A_407 : i32 to index
      %get3A_409 = arith.constant 32 : index
      %get3A_410 = tpu.vector_load %arg9[%get3A_408, %get3A_409] {strides = array<i32>} : memref<32x64xf32, #tpu.memory_space<vmem>>, vector<16xf32>,
      %get3A_411 = arith.constant 11 : i32
      %get3A_412 = arith.index_cast %get3A_411 : i32 to index
      %get3A_413 = arith.constant 48 : index
      %get3A_414 = tpu.vector_load %arg9[%get3A_412, %get3A_413] {strides = array<i32>} : memref<32x64xf32, #tpu.memory_space<vmem>>, vector<16xf32>,
      %mul3A_415 = arith.mulf %get3A_402, %get3A_402 : vector<16xf32>
      %mul3A_416 = arith.mulf %get3A_406, %get3A_406 : vector<16xf32>
      %add3A_417 = arith.addf %mul3A_415, %mul3A_416 : vector<16xf32>
      %mul3A_418 = arith.mulf %get3A_410, %get3A_410 : vector<16xf32>
      %add3A_419 = arith.addf %add3A_417, %mul3A_418 : vector<16xf32>
      %mul3A_420 = arith.mulf %get3A_414, %get3A_414 : vector<16xf32>
      %add3A_421 = arith.addf %add3A_419, %mul3A_420 : vector<16xf32>
      %swap3A_422 = arith.constant 176 : index
      %swap3A_423 = tpu.vector_load %arg11[%swap3A_422] {strides = array<i32>} : memref<256xf32, #tpu.memory_space<vmem>>, vector<16xf32>,
      tpu.vector_store %arg11[%swap3A_422], %add3A_421 {strides = array<i32>} : memref<256xf32, #tpu.memory_space<vmem>>, vector<16xf32>,
      %get3A_424 = arith.constant 12 : i32
      %get3A_425 = arith.index_cast %get3A_424 : i32 to index
      %get3A_426 = arith.constant 0 : index
      %get3A_427 = tpu.vector_load %arg9[%get3A_425, %get3A_426] {strides = array<i32>} : memref<32x64xf32, #tpu.memory_space<vmem>>, vector<16xf32>,
      %get3A_428 = arith.constant 12 : i32
      %get3A_429 = arith.index_cast %get3A_428 : i32 to index
      %get3A_430 = arith.constant 16 : index
      %get3A_431 = tpu.vector_load %arg9[%get3A_429, %get3A_430] {strides = array<i32>} : memref<32x64xf32, #tpu.memory_space<vmem>>, vector<16xf32>,
      %get3A_432 = arith.constant 12 : i32
      %get3A_433 = arith.index_cast %get3A_432 : i32 to index
      %get3A_434 = arith.constant 32 : index
      %get3A_435 = tpu.vector_load %arg9[%get3A_433, %get3A_434] {strides = array<i32>} : memref<32x64xf32, #tpu.memory_space<vmem>>, vector<16xf32>,
      %get3A_436 = arith.constant 12 : i32
      %get3A_437 = arith.index_cast %get3A_436 : i32 to index
      %get3A_438 = arith.constant 48 : index
      %get3A_439 = tpu.vector_load %arg9[%get3A_437, %get3A_438] {strides = array<i32>} : memref<32x64xf32, #tpu.memory_space<vmem>>, vector<16xf32>,
      %mul3A_440 = arith.mulf %get3A_427, %get3A_427 : vector<16xf32>
      %mul3A_441 = arith.mulf %get3A_431, %get3A_431 : vector<16xf32>
      %add3A_442 = arith.addf %mul3A_440, %mul3A_441 : vector<16xf32>
      %mul3A_443 = arith.mulf %get3A_435, %get3A_435 : vector<16xf32>
      %add3A_444 = arith.addf %add3A_442, %mul3A_443 : vector<16xf32>
      %mul3A_445 = arith.mulf %get3A_439, %get3A_439 : vector<16xf32>
      %add3A_446 = arith.addf %add3A_444, %mul3A_445 : vector<16xf32>
      %swap3A_447 = arith.constant 192 : index
      %swap3A_448 = tpu.vector_load %arg11[%swap3A_447] {strides = array<i32>} : memref<256xf32, #tpu.memory_space<vmem>>, vector<16xf32>,
      tpu.vector_store %arg11[%swap3A_447], %add3A_446 {strides = array<i32>} : memref<256xf32, #tpu.memory_space<vmem>>, vector<16xf32>,
      %get3A_449 = arith.constant 13 : i32
      %get3A_450 = arith.index_cast %get3A_449 : i32 to index
      %get3A_451 = arith.constant 0 : index
      %get3A_452 = tpu.vector_load %arg9[%get3A_450, %get3A_451] {strides = array<i32>} : memref<32x64xf32, #tpu.memory_space<vmem>>, vector<16xf32>,
      %get3A_453 = arith.constant 13 : i32
      %get3A_454 = arith.index_cast %get3A_453 : i32 to index
      %get3A_455 = arith.constant 16 : index
      %get3A_456 = tpu.vector_load %arg9[%get3A_454, %get3A_455] {strides = array<i32>} : memref<32x64xf32, #tpu.memory_space<vmem>>, vector<16xf32>,
      %get3A_457 = arith.constant 13 : i32
      %get3A_458 = arith.index_cast %get3A_457 : i32 to index
      %get3A_459 = arith.constant 32 : index
      %get3A_460 = tpu.vector_load %arg9[%get3A_458, %get3A_459] {strides = array<i32>} : memref<32x64xf32, #tpu.memory_space<vmem>>, vector<16xf32>,
      %get3A_461 = arith.constant 13 : i32
      %get3A_462 = arith.index_cast %get3A_461 : i32 to index
      %get3A_463 = arith.constant 48 : index
      %get3A_464 = tpu.vector_load %arg9[%get3A_462, %get3A_463] {strides = array<i32>} : memref<32x64xf32, #tpu.memory_space<vmem>>, vector<16xf32>,
      %mul3A_465 = arith.mulf %get3A_452, %get3A_452 : vector<16xf32>
      %mul3A_466 = arith.mulf %get3A_456, %get3A_456 : vector<16xf32>
      %add3A_467 = arith.addf %mul3A_465, %mul3A_466 : vector<16xf32>
      %mul3A_468 = arith.mulf %get3A_460, %get3A_460 : vector<16xf32>
      %add3A_469 = arith.addf %add3A_467, %mul3A_468 : vector<16xf32>
      %mul3A_470 = arith.mulf %get3A_464, %get3A_464 : vector<16xf32>
      %add3A_471 = arith.addf %add3A_469, %mul3A_470 : vector<16xf32>
      %swap3A_472 = arith.constant 208 : index
      %swap3A_473 = tpu.vector_load %arg11[%swap3A_472] {strides = array<i32>} : memref<256xf32, #tpu.memory_space<vmem>>, vector<16xf32>,
      tpu.vector_store %arg11[%swap3A_472], %add3A_471 {strides = array<i32>} : memref<256xf32, #tpu.memory_space<vmem>>, vector<16xf32>,
      %get3A_474 = arith.constant 14 : i32
      %get3A_475 = arith.index_cast %get3A_474 : i32 to index
      %get3A_476 = arith.constant 0 : index
      %get3A_477 = tpu.vector_load %arg9[%get3A_475, %get3A_476] {strides = array<i32>} : memref<32x64xf32, #tpu.memory_space<vmem>>, vector<16xf32>,
      %get3A_478 = arith.constant 14 : i32
      %get3A_479 = arith.index_cast %get3A_478 : i32 to index
      %get3A_480 = arith.constant 16 : index
      %get3A_481 = tpu.vector_load %arg9[%get3A_479, %get3A_480] {strides = array<i32>} : memref<32x64xf32, #tpu.memory_space<vmem>>, vector<16xf32>,
      %get3A_482 = arith.constant 14 : i32
      %get3A_483 = arith.index_cast %get3A_482 : i32 to index
      %get3A_484 = arith.constant 32 : index
      %get3A_485 = tpu.vector_load %arg9[%get3A_483, %get3A_484] {strides = array<i32>} : memref<32x64xf32, #tpu.memory_space<vmem>>, vector<16xf32>,
      %get3A_486 = arith.constant 14 : i32
      %get3A_487 = arith.index_cast %get3A_486 : i32 to index
      %get3A_488 = arith.constant 48 : index
      %get3A_489 = tpu.vector_load %arg9[%get3A_487, %get3A_488] {strides = array<i32>} : memref<32x64xf32, #tpu.memory_space<vmem>>, vector<16xf32>,
      %mul3A_490 = arith.mulf %get3A_477, %get3A_477 : vector<16xf32>
      %mul3A_491 = arith.mulf %get3A_481, %get3A_481 : vector<16xf32>
      %add3A_492 = arith.addf %mul3A_490, %mul3A_491 : vector<16xf32>
      %mul3A_493 = arith.mulf %get3A_485, %get3A_485 : vector<16xf32>
      %add3A_494 = arith.addf %add3A_492, %mul3A_493 : vector<16xf32>
      %mul3A_495 = arith.mulf %get3A_489, %get3A_489 : vector<16xf32>
      %add3A_496 = arith.addf %add3A_494, %mul3A_495 : vector<16xf32>
      %swap3A_497 = arith.constant 224 : index
      %swap3A_498 = tpu.vector_load %arg11[%swap3A_497] {strides = array<i32>} : memref<256xf32, #tpu.memory_space<vmem>>, vector<16xf32>,
      tpu.vector_store %arg11[%swap3A_497], %add3A_496 {strides = array<i32>} : memref<256xf32, #tpu.memory_space<vmem>>, vector<16xf32>,
      %get3A_499 = arith.constant 15 : i32
      %get3A_500 = arith.index_cast %get3A_499 : i32 to index
      %get3A_501 = arith.constant 0 : index
      %get3A_502 = tpu.vector_load %arg9[%get3A_500, %get3A_501] {strides = array<i32>} : memref<32x64xf32, #tpu.memory_space<vmem>>, vector<16xf32>,
      %get3A_503 = arith.constant 15 : i32
      %get3A_504 = arith.index_cast %get3A_503 : i32 to index
      %get3A_505 = arith.constant 16 : index
      %get3A_506 = tpu.vector_load %arg9[%get3A_504, %get3A_505] {strides = array<i32>} : memref<32x64xf32, #tpu.memory_space<vmem>>, vector<16xf32>,
      %get3A_507 = arith.constant 15 : i32
      %get3A_508 = arith.index_cast %get3A_507 : i32 to index
      %get3A_509 = arith.constant 32 : index
      %get3A_510 = tpu.vector_load %arg9[%get3A_508, %get3A_509] {strides = array<i32>} : memref<32x64xf32, #tpu.memory_space<vmem>>, vector<16xf32>,
      %get3A_511 = arith.constant 15 : i32
      %get3A_512 = arith.index_cast %get3A_511 : i32 to index
      %get3A_513 = arith.constant 48 : index
      %get3A_514 = tpu.vector_load %arg9[%get3A_512, %get3A_513] {strides = array<i32>} : memref<32x64xf32, #tpu.memory_space<vmem>>, vector<16xf32>,
      %mul3A_515 = arith.mulf %get3A_502, %get3A_502 : vector<16xf32>
      %mul3A_516 = arith.mulf %get3A_506, %get3A_506 : vector<16xf32>
      %add3A_517 = arith.addf %mul3A_515, %mul3A_516 : vector<16xf32>
      %mul3A_518 = arith.mulf %get3A_510, %get3A_510 : vector<16xf32>
      %add3A_519 = arith.addf %add3A_517, %mul3A_518 : vector<16xf32>
      %mul3A_520 = arith.mulf %get3A_514, %get3A_514 : vector<16xf32>
      %add3A_521 = arith.addf %add3A_519, %mul3A_520 : vector<16xf32>
      %swap3A_522 = arith.constant 240 : index
      %swap3A_523 = tpu.vector_load %arg11[%swap3A_522] {strides = array<i32>} : memref<256xf32, #tpu.memory_space<vmem>>, vector<16xf32>,
      tpu.vector_store %arg11[%swap3A_522], %add3A_521 {strides = array<i32>} : memref<256xf32, #tpu.memory_space<vmem>>, vector<16xf32>,
      %iota3A = tpu.iota {dimensions = array<i32: 0>} : vector<16xi32>
      %mul3A_524 = arith.constant 16 : i32
      %mul3A_525 = vector.broadcast %mul3A_524 : i32 to vector<16xi32>
      %mul3A_526 = arith.muli %iota3A, %mul3A_525 : vector<16xi32>
      %gather3A = tpu.vector_load_idx %arg11[%mul3A_526] : memref<256xf32, #tpu.memory_space<vmem>>[vector<16xi32>], vector<16xf32>,
      %add3A_527 = arith.constant 1 : i32
      %add3A_528 = vector.broadcast %add3A_527 : i32 to vector<16xi32>
      %add3A_529 = arith.addi %mul3A_526, %add3A_528 : vector<16xi32>
      %gather3A_530 = tpu.vector_load_idx %arg11[%add3A_529] : memref<256xf32, #tpu.memory_space<vmem>>[vector<16xi32>], vector<16xf32>,
      %add3A_531 = arith.addf %gather3A, %gather3A_530 : vector<16xf32>
      %add3A_532 = arith.constant 2 : i32
      %add3A_533 = vector.broadcast %add3A_532 : i32 to vector<16xi32>
      %add3A_534 = arith.addi %mul3A_526, %add3A_533 : vector<16xi32>
      %gather3A_535 = tpu.vector_load_idx %arg11[%add3A_534] : memref<256xf32, #tpu.memory_space<vmem>>[vector<16xi32>], vector<16xf32>,
      %add3A_536 = arith.addf %add3A_531, %gather3A_535 : vector<16xf32>
      %add3A_537 = arith.constant 3 : i32
      %add3A_538 = vector.broadcast %add3A_537 : i32 to vector<16xi32>
      %add3A_539 = arith.addi %mul3A_526, %add3A_538 : vector<16xi32>
      %gather3A_540 = tpu.vector_load_idx %arg11[%add3A_539] : memref<256xf32, #tpu.memory_space<vmem>>[vector<16xi32>], vector<16xf32>,
      %add3A_541 = arith.addf %add3A_536, %gather3A_540 : vector<16xf32>
      %add3A_542 = arith.constant 4 : i32
      %add3A_543 = vector.broadcast %add3A_542 : i32 to vector<16xi32>
      %add3A_544 = arith.addi %mul3A_526, %add3A_543 : vector<16xi32>
      %gather3A_545 = tpu.vector_load_idx %arg11[%add3A_544] : memref<256xf32, #tpu.memory_space<vmem>>[vector<16xi32>], vector<16xf32>,
      %add3A_546 = arith.addf %add3A_541, %gather3A_545 : vector<16xf32>
      %add3A_547 = arith.constant 5 : i32
      %add3A_548 = vector.broadcast %add3A_547 : i32 to vector<16xi32>
      %add3A_549 = arith.addi %mul3A_526, %add3A_548 : vector<16xi32>
      %gather3A_550 = tpu.vector_load_idx %arg11[%add3A_549] : memref<256xf32, #tpu.memory_space<vmem>>[vector<16xi32>], vector<16xf32>,
      %add3A_551 = arith.addf %add3A_546, %gather3A_550 : vector<16xf32>
      %add3A_552 = arith.constant 6 : i32
      %add3A_553 = vector.broadcast %add3A_552 : i32 to vector<16xi32>
      %add3A_554 = arith.addi %mul3A_526, %add3A_553 : vector<16xi32>
      %gather3A_555 = tpu.vector_load_idx %arg11[%add3A_554] : memref<256xf32, #tpu.memory_space<vmem>>[vector<16xi32>], vector<16xf32>,
      %add3A_556 = arith.addf %add3A_551, %gather3A_555 : vector<16xf32>
      %add3A_557 = arith.constant 7 : i32
      %add3A_558 = vector.broadcast %add3A_557 : i32 to vector<16xi32>
      %add3A_559 = arith.addi %mul3A_526, %add3A_558 : vector<16xi32>
      %gather3A_560 = tpu.vector_load_idx %arg11[%add3A_559] : memref<256xf32, #tpu.memory_space<vmem>>[vector<16xi32>], vector<16xf32>,
      %add3A_561 = arith.addf %add3A_556, %gather3A_560 : vector<16xf32>
      %add3A_562 = arith.constant 8 : i32
      %add3A_563 = vector.broadcast %add3A_562 : i32 to vector<16xi32>
      %add3A_564 = arith.addi %mul3A_526, %add3A_563 : vector<16xi32>
      %gather3A_565 = tpu.vector_load_idx %arg11[%add3A_564] : memref<256xf32, #tpu.memory_space<vmem>>[vector<16xi32>], vector<16xf32>,
      %add3A_566 = arith.addf %add3A_561, %gather3A_565 : vector<16xf32>
      %add3A_567 = arith.constant 9 : i32
      %add3A_568 = vector.broadcast %add3A_567 : i32 to vector<16xi32>
      %add3A_569 = arith.addi %mul3A_526, %add3A_568 : vector<16xi32>
      %gather3A_570 = tpu.vector_load_idx %arg11[%add3A_569] : memref<256xf32, #tpu.memory_space<vmem>>[vector<16xi32>], vector<16xf32>,
      %add3A_571 = arith.addf %add3A_566, %gather3A_570 : vector<16xf32>
      %add3A_572 = arith.constant 10 : i32
      %add3A_573 = vector.broadcast %add3A_572 : i32 to vector<16xi32>
      %add3A_574 = arith.addi %mul3A_526, %add3A_573 : vector<16xi32>
      %gather3A_575 = tpu.vector_load_idx %arg11[%add3A_574] : memref<256xf32, #tpu.memory_space<vmem>>[vector<16xi32>], vector<16xf32>,
      %add3A_576 = arith.addf %add3A_571, %gather3A_575 : vector<16xf32>
      %add3A_577 = arith.constant 11 : i32
      %add3A_578 = vector.broadcast %add3A_577 : i32 to vector<16xi32>
      %add3A_579 = arith.addi %mul3A_526, %add3A_578 : vector<16xi32>
      %gather3A_580 = tpu.vector_load_idx %arg11[%add3A_579] : memref<256xf32, #tpu.memory_space<vmem>>[vector<16xi32>], vector<16xf32>,
      %add3A_581 = arith.addf %add3A_576, %gather3A_580 : vector<16xf32>
      %add3A_582 = arith.constant 12 : i32
      %add3A_583 = vector.broadcast %add3A_582 : i32 to vector<16xi32>
      %add3A_584 = arith.addi %mul3A_526, %add3A_583 : vector<16xi32>
      %gather3A_585 = tpu.vector_load_idx %arg11[%add3A_584] : memref<256xf32, #tpu.memory_space<vmem>>[vector<16xi32>], vector<16xf32>,
      %add3A_586 = arith.addf %add3A_581, %gather3A_585 : vector<16xf32>
      %add3A_587 = arith.constant 13 : i32
      %add3A_588 = vector.broadcast %add3A_587 : i32 to vector<16xi32>
      %add3A_589 = arith.addi %mul3A_526, %add3A_588 : vector<16xi32>
      %gather3A_590 = tpu.vector_load_idx %arg11[%add3A_589] : memref<256xf32, #tpu.memory_space<vmem>>[vector<16xi32>], vector<16xf32>,
      %add3A_591 = arith.addf %add3A_586, %gather3A_590 : vector<16xf32>
      %add3A_592 = arith.constant 14 : i32
      %add3A_593 = vector.broadcast %add3A_592 : i32 to vector<16xi32>
      %add3A_594 = arith.addi %mul3A_526, %add3A_593 : vector<16xi32>
      %gather3A_595 = tpu.vector_load_idx %arg11[%add3A_594] : memref<256xf32, #tpu.memory_space<vmem>>[vector<16xi32>], vector<16xf32>,
      %add3A_596 = arith.addf %add3A_591, %gather3A_595 : vector<16xf32>
      %add3A_597 = arith.constant 15 : i32
      %add3A_598 = vector.broadcast %add3A_597 : i32 to vector<16xi32>
      %add3A_599 = arith.addi %mul3A_526, %add3A_598 : vector<16xi32>
      %gather3A_600 = tpu.vector_load_idx %arg11[%add3A_599] : memref<256xf32, #tpu.memory_space<vmem>>[vector<16xi32>], vector<16xf32>,
      %add3A_601 = arith.addf %add3A_596, %gather3A_600 : vector<16xf32>
      %abs3A = math.absf %add3A_601 : vector<16xf32>
      %neg3A = arith.constant 0.000000e+00 : f32
      %neg3A_602 = vector.broadcast %neg3A : f32 to vector<16xf32>
      %neg3A_603 = arith.subf %neg3A_602, %abs3A : vector<16xf32>
      %exp3A = math.exp %neg3A_603 : vector<16xf32>
      %add3A_604 = arith.constant 2.000000e+00 : f32
      %add3A_605 = vector.broadcast %add3A_604 : f32 to vector<16xf32>
      %add3A_606 = arith.addf %add3A_605, %exp3A : vector<16xf32>
      %div3A = arith.divf %exp3A, %add3A_606 : vector<16xf32>
      %mul3A_607 = arith.mulf %div3A, %div3A : vector<16xf32>
      %mul3A_608 = arith.constant 0.111111112 : f32
      %mul3A_609 = vector.broadcast %mul3A_608 : f32 to vector<16xf32>
      %mul3A_610 = arith.mulf %mul3A_607, %mul3A_609 : vector<16xf32>
      %add3A_611 = arith.constant 0.142857149 : f32
      %add3A_612 = vector.broadcast %add3A_611 : f32 to vector<16xf32>
      %add3A_613 = arith.addf %add3A_612, %mul3A_610 : vector<16xf32>
      %mul3A_614 = arith.mulf %mul3A_607, %add3A_613 : vector<16xf32>
      %add3A_615 = arith.constant 2.000000e-01 : f32
      %add3A_616 = vector.broadcast %add3A_615 : f32 to vector<16xf32>
      %add3A_617 = arith.addf %add3A_616, %mul3A_614 : vector<16xf32>
      %mul3A_618 = arith.mulf %mul3A_607, %add3A_617 : vector<16xf32>
      %add3A_619 = arith.constant 0.333333343 : f32
      %add3A_620 = vector.broadcast %add3A_619 : f32 to vector<16xf32>
      %add3A_621 = arith.addf %add3A_620, %mul3A_618 : vector<16xf32>
      %mul3A_622 = arith.mulf %mul3A_607, %add3A_621 : vector<16xf32>
      %add3A_623 = arith.constant 1.000000e+00 : f32
      %add3A_624 = vector.broadcast %add3A_623 : f32 to vector<16xf32>
      %add3A_625 = arith.addf %add3A_624, %mul3A_622 : vector<16xf32>
      %min3A = arith.constant 0.000000e+00 : f32
      %min3A_626 = vector.broadcast %min3A : f32 to vector<16xf32>
      %min3A_627 = arith.minimumf %add3A_601, %min3A_626 : vector<16xf32>
      %mul3A_628 = arith.constant 2.000000e+00 : f32
      %mul3A_629 = vector.broadcast %mul3A_628 : f32 to vector<16xf32>
      %mul3A_630 = arith.mulf %mul3A_629, %div3A : vector<16xf32>
      %mul3A_631 = arith.mulf %mul3A_630, %add3A_625 : vector<16xf32>
      %sub3A = arith.subf %min3A_627, %mul3A_631 : vector<16xf32>
      %add3A_632 = arith.addf %get3A_123, %sub3A : vector<16xf32>
      %get3A_633 = arith.constant 16 : i32
      %get3A_634 = arith.index_cast %get3A_633 : i32 to index
      %get3A_635 = arith.constant 0 : index
      %get3A_636 = tpu.vector_load %arg9[%get3A_634, %get3A_635] {strides = array<i32>} : memref<32x64xf32, #tpu.memory_space<vmem>>, vector<16xf32>,
      %get3A_637 = arith.constant 16 : i32
      %get3A_638 = arith.index_cast %get3A_637 : i32 to index
      %get3A_639 = arith.constant 16 : index
      %get3A_640 = tpu.vector_load %arg9[%get3A_638, %get3A_639] {strides = array<i32>} : memref<32x64xf32, #tpu.memory_space<vmem>>, vector<16xf32>,
      %get3A_641 = arith.constant 16 : i32
      %get3A_642 = arith.index_cast %get3A_641 : i32 to index
      %get3A_643 = arith.constant 32 : index
      %get3A_644 = tpu.vector_load %arg9[%get3A_642, %get3A_643] {strides = array<i32>} : memref<32x64xf32, #tpu.memory_space<vmem>>, vector<16xf32>,
      %get3A_645 = arith.constant 16 : i32
      %get3A_646 = arith.index_cast %get3A_645 : i32 to index
      %get3A_647 = arith.constant 48 : index
      %get3A_648 = tpu.vector_load %arg9[%get3A_646, %get3A_647] {strides = array<i32>} : memref<32x64xf32, #tpu.memory_space<vmem>>, vector<16xf32>,
      %mul3A_649 = arith.mulf %get3A_636, %get3A_636 : vector<16xf32>
      %mul3A_650 = arith.mulf %get3A_640, %get3A_640 : vector<16xf32>
      %add3A_651 = arith.addf %mul3A_649, %mul3A_650 : vector<16xf32>
      %mul3A_652 = arith.mulf %get3A_644, %get3A_644 : vector<16xf32>
      %add3A_653 = arith.addf %add3A_651, %mul3A_652 : vector<16xf32>
      %mul3A_654 = arith.mulf %get3A_648, %get3A_648 : vector<16xf32>
      %add3A_655 = arith.addf %add3A_653, %mul3A_654 : vector<16xf32>
      %swap3A_656 = arith.constant 0 : index
      %swap3A_657 = tpu.vector_load %arg11[%swap3A_656] {strides = array<i32>} : memref<256xf32, #tpu.memory_space<vmem>>, vector<16xf32>,
      tpu.vector_store %arg11[%swap3A_656], %add3A_655 {strides = array<i32>} : memref<256xf32, #tpu.memory_space<vmem>>, vector<16xf32>,
      %get3A_658 = arith.constant 17 : i32
      %get3A_659 = arith.index_cast %get3A_658 : i32 to index
      %get3A_660 = arith.constant 0 : index
      %get3A_661 = tpu.vector_load %arg9[%get3A_659, %get3A_660] {strides = array<i32>} : memref<32x64xf32, #tpu.memory_space<vmem>>, vector<16xf32>,
      %get3A_662 = arith.constant 17 : i32
      %get3A_663 = arith.index_cast %get3A_662 : i32 to index
      %get3A_664 = arith.constant 16 : index
      %get3A_665 = tpu.vector_load %arg9[%get3A_663, %get3A_664] {strides = array<i32>} : memref<32x64xf32, #tpu.memory_space<vmem>>, vector<16xf32>,
      %get3A_666 = arith.constant 17 : i32
      %get3A_667 = arith.index_cast %get3A_666 : i32 to index
      %get3A_668 = arith.constant 32 : index
      %get3A_669 = tpu.vector_load %arg9[%get3A_667, %get3A_668] {strides = array<i32>} : memref<32x64xf32, #tpu.memory_space<vmem>>, vector<16xf32>,
      %get3A_670 = arith.constant 17 : i32
      %get3A_671 = arith.index_cast %get3A_670 : i32 to index
      %get3A_672 = arith.constant 48 : index
      %get3A_673 = tpu.vector_load %arg9[%get3A_671, %get3A_672] {strides = array<i32>} : memref<32x64xf32, #tpu.memory_space<vmem>>, vector<16xf32>,
      %mul3A_674 = arith.mulf %get3A_661, %get3A_661 : vector<16xf32>
      %mul3A_675 = arith.mulf %get3A_665, %get3A_665 : vector<16xf32>
      %add3A_676 = arith.addf %mul3A_674, %mul3A_675 : vector<16xf32>
      %mul3A_677 = arith.mulf %get3A_669, %get3A_669 : vector<16xf32>
      %add3A_678 = arith.addf %add3A_676, %mul3A_677 : vector<16xf32>
      %mul3A_679 = arith.mulf %get3A_673, %get3A_673 : vector<16xf32>
      %add3A_680 = arith.addf %add3A_678, %mul3A_679 : vector<16xf32>
      %swap3A_681 = arith.constant 16 : index
      %swap3A_682 = tpu.vector_load %arg11[%swap3A_681] {strides = array<i32>} : memref<256xf32, #tpu.memory_space<vmem>>, vector<16xf32>,
      tpu.vector_store %arg11[%swap3A_681], %add3A_680 {strides = array<i32>} : memref<256xf32, #tpu.memory_space<vmem>>, vector<16xf32>,
      %get3A_683 = arith.constant 18 : i32
      %get3A_684 = arith.index_cast %get3A_683 : i32 to index
      %get3A_685 = arith.constant 0 : index
      %get3A_686 = tpu.vector_load %arg9[%get3A_684, %get3A_685] {strides = array<i32>} : memref<32x64xf32, #tpu.memory_space<vmem>>, vector<16xf32>,
      %get3A_687 = arith.constant 18 : i32
      %get3A_688 = arith.index_cast %get3A_687 : i32 to index
      %get3A_689 = arith.constant 16 : index
      %get3A_690 = tpu.vector_load %arg9[%get3A_688, %get3A_689] {strides = array<i32>} : memref<32x64xf32, #tpu.memory_space<vmem>>, vector<16xf32>,
      %get3A_691 = arith.constant 18 : i32
      %get3A_692 = arith.index_cast %get3A_691 : i32 to index
      %get3A_693 = arith.constant 32 : index
      %get3A_694 = tpu.vector_load %arg9[%get3A_692, %get3A_693] {strides = array<i32>} : memref<32x64xf32, #tpu.memory_space<vmem>>, vector<16xf32>,
      %get3A_695 = arith.constant 18 : i32
      %get3A_696 = arith.index_cast %get3A_695 : i32 to index
      %get3A_697 = arith.constant 48 : index
      %get3A_698 = tpu.vector_load %arg9[%get3A_696, %get3A_697] {strides = array<i32>} : memref<32x64xf32, #tpu.memory_space<vmem>>, vector<16xf32>,
      %mul3A_699 = arith.mulf %get3A_686, %get3A_686 : vector<16xf32>
      %mul3A_700 = arith.mulf %get3A_690, %get3A_690 : vector<16xf32>
      %add3A_701 = arith.addf %mul3A_699, %mul3A_700 : vector<16xf32>
      %mul3A_702 = arith.mulf %get3A_694, %get3A_694 : vector<16xf32>
      %add3A_703 = arith.addf %add3A_701, %mul3A_702 : vector<16xf32>
      %mul3A_704 = arith.mulf %get3A_698, %get3A_698 : vector<16xf32>
      %add3A_705 = arith.addf %add3A_703, %mul3A_704 : vector<16xf32>
      %swap3A_706 = arith.constant 32 : index
      %swap3A_707 = tpu.vector_load %arg11[%swap3A_706] {strides = array<i32>} : memref<256xf32, #tpu.memory_space<vmem>>, vector<16xf32>,
      tpu.vector_store %arg11[%swap3A_706], %add3A_705 {strides = array<i32>} : memref<256xf32, #tpu.memory_space<vmem>>, vector<16xf32>,
      %get3A_708 = arith.constant 19 : i32
      %get3A_709 = arith.index_cast %get3A_708 : i32 to index
      %get3A_710 = arith.constant 0 : index
      %get3A_711 = tpu.vector_load %arg9[%get3A_709, %get3A_710] {strides = array<i32>} : memref<32x64xf32, #tpu.memory_space<vmem>>, vector<16xf32>,
      %get3A_712 = arith.constant 19 : i32
      %get3A_713 = arith.index_cast %get3A_712 : i32 to index
      %get3A_714 = arith.constant 16 : index
      %get3A_715 = tpu.vector_load %arg9[%get3A_713, %get3A_714] {strides = array<i32>} : memref<32x64xf32, #tpu.memory_space<vmem>>, vector<16xf32>,
      %get3A_716 = arith.constant 19 : i32
      %get3A_717 = arith.index_cast %get3A_716 : i32 to index
      %get3A_718 = arith.constant 32 : index
      %get3A_719 = tpu.vector_load %arg9[%get3A_717, %get3A_718] {strides = array<i32>} : memref<32x64xf32, #tpu.memory_space<vmem>>, vector<16xf32>,
      %get3A_720 = arith.constant 19 : i32
      %get3A_721 = arith.index_cast %get3A_720 : i32 to index
      %get3A_722 = arith.constant 48 : index
      %get3A_723 = tpu.vector_load %arg9[%get3A_721, %get3A_722] {strides = array<i32>} : memref<32x64xf32, #tpu.memory_space<vmem>>, vector<16xf32>,
      %mul3A_724 = arith.mulf %get3A_711, %get3A_711 : vector<16xf32>
      %mul3A_725 = arith.mulf %get3A_715, %get3A_715 : vector<16xf32>
      %add3A_726 = arith.addf %mul3A_724, %mul3A_725 : vector<16xf32>
      %mul3A_727 = arith.mulf %get3A_719, %get3A_719 : vector<16xf32>
      %add3A_728 = arith.addf %add3A_726, %mul3A_727 : vector<16xf32>
      %mul3A_729 = arith.mulf %get3A_723, %get3A_723 : vector<16xf32>
      %add3A_730 = arith.addf %add3A_728, %mul3A_729 : vector<16xf32>
      %swap3A_731 = arith.constant 48 : index
      %swap3A_732 = tpu.vector_load %arg11[%swap3A_731] {strides = array<i32>} : memref<256xf32, #tpu.memory_space<vmem>>, vector<16xf32>,
      tpu.vector_store %arg11[%swap3A_731], %add3A_730 {strides = array<i32>} : memref<256xf32, #tpu.memory_space<vmem>>, vector<16xf32>,
      %get3A_733 = arith.constant 20 : i32
      %get3A_734 = arith.index_cast %get3A_733 : i32 to index
      %get3A_735 = arith.constant 0 : index
      %get3A_736 = tpu.vector_load %arg9[%get3A_734, %get3A_735] {strides = array<i32>} : memref<32x64xf32, #tpu.memory_space<vmem>>, vector<16xf32>,
      %get3A_737 = arith.constant 20 : i32
      %get3A_738 = arith.index_cast %get3A_737 : i32 to index
      %get3A_739 = arith.constant 16 : index
      %get3A_740 = tpu.vector_load %arg9[%get3A_738, %get3A_739] {strides = array<i32>} : memref<32x64xf32, #tpu.memory_space<vmem>>, vector<16xf32>,
      %get3A_741 = arith.constant 20 : i32
      %get3A_742 = arith.index_cast %get3A_741 : i32 to index
      %get3A_743 = arith.constant 32 : index
      %get3A_744 = tpu.vector_load %arg9[%get3A_742, %get3A_743] {strides = array<i32>} : memref<32x64xf32, #tpu.memory_space<vmem>>, vector<16xf32>,
      %get3A_745 = arith.constant 20 : i32
      %get3A_746 = arith.index_cast %get3A_745 : i32 to index
      %get3A_747 = arith.constant 48 : index
      %get3A_748 = tpu.vector_load %arg9[%get3A_746, %get3A_747] {strides = array<i32>} : memref<32x64xf32, #tpu.memory_space<vmem>>, vector<16xf32>,
      %mul3A_749 = arith.mulf %get3A_736, %get3A_736 : vector<16xf32>
      %mul3A_750 = arith.mulf %get3A_740, %get3A_740 : vector<16xf32>
      %add3A_751 = arith.addf %mul3A_749, %mul3A_750 : vector<16xf32>
      %mul3A_752 = arith.mulf %get3A_744, %get3A_744 : vector<16xf32>
      %add3A_753 = arith.addf %add3A_751, %mul3A_752 : vector<16xf32>
      %mul3A_754 = arith.mulf %get3A_748, %get3A_748 : vector<16xf32>
      %add3A_755 = arith.addf %add3A_753, %mul3A_754 : vector<16xf32>
      %swap3A_756 = arith.constant 64 : index
      %swap3A_757 = tpu.vector_load %arg11[%swap3A_756] {strides = array<i32>} : memref<256xf32, #tpu.memory_space<vmem>>, vector<16xf32>,
      tpu.vector_store %arg11[%swap3A_756], %add3A_755 {strides = array<i32>} : memref<256xf32, #tpu.memory_space<vmem>>, vector<16xf32>,
      %get3A_758 = arith.constant 21 : i32
      %get3A_759 = arith.index_cast %get3A_758 : i32 to index
      %get3A_760 = arith.constant 0 : index
      %get3A_761 = tpu.vector_load %arg9[%get3A_759, %get3A_760] {strides = array<i32>} : memref<32x64xf32, #tpu.memory_space<vmem>>, vector<16xf32>,
      %get3A_762 = arith.constant 21 : i32
      %get3A_763 = arith.index_cast %get3A_762 : i32 to index
      %get3A_764 = arith.constant 16 : index
      %get3A_765 = tpu.vector_load %arg9[%get3A_763, %get3A_764] {strides = array<i32>} : memref<32x64xf32, #tpu.memory_space<vmem>>, vector<16xf32>,
      %get3A_766 = arith.constant 21 : i32
      %get3A_767 = arith.index_cast %get3A_766 : i32 to index
      %get3A_768 = arith.constant 32 : index
      %get3A_769 = tpu.vector_load %arg9[%get3A_767, %get3A_768] {strides = array<i32>} : memref<32x64xf32, #tpu.memory_space<vmem>>, vector<16xf32>,
      %get3A_770 = arith.constant 21 : i32
      %get3A_771 = arith.index_cast %get3A_770 : i32 to index
      %get3A_772 = arith.constant 48 : index
      %get3A_773 = tpu.vector_load %arg9[%get3A_771, %get3A_772] {strides = array<i32>} : memref<32x64xf32, #tpu.memory_space<vmem>>, vector<16xf32>,
      %mul3A_774 = arith.mulf %get3A_761, %get3A_761 : vector<16xf32>
      %mul3A_775 = arith.mulf %get3A_765, %get3A_765 : vector<16xf32>
      %add3A_776 = arith.addf %mul3A_774, %mul3A_775 : vector<16xf32>
      %mul3A_777 = arith.mulf %get3A_769, %get3A_769 : vector<16xf32>
      %add3A_778 = arith.addf %add3A_776, %mul3A_777 : vector<16xf32>
      %mul3A_779 = arith.mulf %get3A_773, %get3A_773 : vector<16xf32>
      %add3A_780 = arith.addf %add3A_778, %mul3A_779 : vector<16xf32>
      %swap3A_781 = arith.constant 80 : index
      %swap3A_782 = tpu.vector_load %arg11[%swap3A_781] {strides = array<i32>} : memref<256xf32, #tpu.memory_space<vmem>>, vector<16xf32>,
      tpu.vector_store %arg11[%swap3A_781], %add3A_780 {strides = array<i32>} : memref<256xf32, #tpu.memory_space<vmem>>, vector<16xf32>,
      %get3A_783 = arith.constant 22 : i32
      %get3A_784 = arith.index_cast %get3A_783 : i32 to index
      %get3A_785 = arith.constant 0 : index
      %get3A_786 = tpu.vector_load %arg9[%get3A_784, %get3A_785] {strides = array<i32>} : memref<32x64xf32, #tpu.memory_space<vmem>>, vector<16xf32>,
      %get3A_787 = arith.constant 22 : i32
      %get3A_788 = arith.index_cast %get3A_787 : i32 to index
      %get3A_789 = arith.constant 16 : index
      %get3A_790 = tpu.vector_load %arg9[%get3A_788, %get3A_789] {strides = array<i32>} : memref<32x64xf32, #tpu.memory_space<vmem>>, vector<16xf32>,
      %get3A_791 = arith.constant 22 : i32
      %get3A_792 = arith.index_cast %get3A_791 : i32 to index
      %get3A_793 = arith.constant 32 : index
      %get3A_794 = tpu.vector_load %arg9[%get3A_792, %get3A_793] {strides = array<i32>} : memref<32x64xf32, #tpu.memory_space<vmem>>, vector<16xf32>,
      %get3A_795 = arith.constant 22 : i32
      %get3A_796 = arith.index_cast %get3A_795 : i32 to index
      %get3A_797 = arith.constant 48 : index
      %get3A_798 = tpu.vector_load %arg9[%get3A_796, %get3A_797] {strides = array<i32>} : memref<32x64xf32, #tpu.memory_space<vmem>>, vector<16xf32>,
      %mul3A_799 = arith.mulf %get3A_786, %get3A_786 : vector<16xf32>
      %mul3A_800 = arith.mulf %get3A_790, %get3A_790 : vector<16xf32>
      %add3A_801 = arith.addf %mul3A_799, %mul3A_800 : vector<16xf32>
      %mul3A_802 = arith.mulf %get3A_794, %get3A_794 : vector<16xf32>
      %add3A_803 = arith.addf %add3A_801, %mul3A_802 : vector<16xf32>
      %mul3A_804 = arith.mulf %get3A_798, %get3A_798 : vector<16xf32>
      %add3A_805 = arith.addf %add3A_803, %mul3A_804 : vector<16xf32>
      %swap3A_806 = arith.constant 96 : index
      %swap3A_807 = tpu.vector_load %arg11[%swap3A_806] {strides = array<i32>} : memref<256xf32, #tpu.memory_space<vmem>>, vector<16xf32>,
      tpu.vector_store %arg11[%swap3A_806], %add3A_805 {strides = array<i32>} : memref<256xf32, #tpu.memory_space<vmem>>, vector<16xf32>,
      %get3A_808 = arith.constant 23 : i32
      %get3A_809 = arith.index_cast %get3A_808 : i32 to index
      %get3A_810 = arith.constant 0 : index
      %get3A_811 = tpu.vector_load %arg9[%get3A_809, %get3A_810] {strides = array<i32>} : memref<32x64xf32, #tpu.memory_space<vmem>>, vector<16xf32>,
      %get3A_812 = arith.constant 23 : i32
      %get3A_813 = arith.index_cast %get3A_812 : i32 to index
      %get3A_814 = arith.constant 16 : index
      %get3A_815 = tpu.vector_load %arg9[%get3A_813, %get3A_814] {strides = array<i32>} : memref<32x64xf32, #tpu.memory_space<vmem>>, vector<16xf32>,
      %get3A_816 = arith.constant 23 : i32
      %get3A_817 = arith.index_cast %get3A_816 : i32 to index
      %get3A_818 = arith.constant 32 : index
      %get3A_819 = tpu.vector_load %arg9[%get3A_817, %get3A_818] {strides = array<i32>} : memref<32x64xf32, #tpu.memory_space<vmem>>, vector<16xf32>,
      %get3A_820 = arith.constant 23 : i32
      %get3A_821 = arith.index_cast %get3A_820 : i32 to index
      %get3A_822 = arith.constant 48 : index
      %get3A_823 = tpu.vector_load %arg9[%get3A_821, %get3A_822] {strides = array<i32>} : memref<32x64xf32, #tpu.memory_space<vmem>>, vector<16xf32>,
      %mul3A_824 = arith.mulf %get3A_811, %get3A_811 : vector<16xf32>
      %mul3A_825 = arith.mulf %get3A_815, %get3A_815 : vector<16xf32>
      %add3A_826 = arith.addf %mul3A_824, %mul3A_825 : vector<16xf32>
      %mul3A_827 = arith.mulf %get3A_819, %get3A_819 : vector<16xf32>
      %add3A_828 = arith.addf %add3A_826, %mul3A_827 : vector<16xf32>
      %mul3A_829 = arith.mulf %get3A_823, %get3A_823 : vector<16xf32>
      %add3A_830 = arith.addf %add3A_828, %mul3A_829 : vector<16xf32>
      %swap3A_831 = arith.constant 112 : index
      %swap3A_832 = tpu.vector_load %arg11[%swap3A_831] {strides = array<i32>} : memref<256xf32, #tpu.memory_space<vmem>>, vector<16xf32>,
      tpu.vector_store %arg11[%swap3A_831], %add3A_830 {strides = array<i32>} : memref<256xf32, #tpu.memory_space<vmem>>, vector<16xf32>,
      %get3A_833 = arith.constant 24 : i32
      %get3A_834 = arith.index_cast %get3A_833 : i32 to index
      %get3A_835 = arith.constant 0 : index
      %get3A_836 = tpu.vector_load %arg9[%get3A_834, %get3A_835] {strides = array<i32>} : memref<32x64xf32, #tpu.memory_space<vmem>>, vector<16xf32>,
      %get3A_837 = arith.constant 24 : i32
      %get3A_838 = arith.index_cast %get3A_837 : i32 to index
      %get3A_839 = arith.constant 16 : index
      %get3A_840 = tpu.vector_load %arg9[%get3A_838, %get3A_839] {strides = array<i32>} : memref<32x64xf32, #tpu.memory_space<vmem>>, vector<16xf32>,
      %get3A_841 = arith.constant 24 : i32
      %get3A_842 = arith.index_cast %get3A_841 : i32 to index
      %get3A_843 = arith.constant 32 : index
      %get3A_844 = tpu.vector_load %arg9[%get3A_842, %get3A_843] {strides = array<i32>} : memref<32x64xf32, #tpu.memory_space<vmem>>, vector<16xf32>,
      %get3A_845 = arith.constant 24 : i32
      %get3A_846 = arith.index_cast %get3A_845 : i32 to index
      %get3A_847 = arith.constant 48 : index
      %get3A_848 = tpu.vector_load %arg9[%get3A_846, %get3A_847] {strides = array<i32>} : memref<32x64xf32, #tpu.memory_space<vmem>>, vector<16xf32>,
      %mul3A_849 = arith.mulf %get3A_836, %get3A_836 : vector<16xf32>
      %mul3A_850 = arith.mulf %get3A_840, %get3A_840 : vector<16xf32>
      %add3A_851 = arith.addf %mul3A_849, %mul3A_850 : vector<16xf32>
      %mul3A_852 = arith.mulf %get3A_844, %get3A_844 : vector<16xf32>
      %add3A_853 = arith.addf %add3A_851, %mul3A_852 : vector<16xf32>
      %mul3A_854 = arith.mulf %get3A_848, %get3A_848 : vector<16xf32>
      %add3A_855 = arith.addf %add3A_853, %mul3A_854 : vector<16xf32>
      %swap3A_856 = arith.constant 128 : index
      %swap3A_857 = tpu.vector_load %arg11[%swap3A_856] {strides = array<i32>} : memref<256xf32, #tpu.memory_space<vmem>>, vector<16xf32>,
      tpu.vector_store %arg11[%swap3A_856], %add3A_855 {strides = array<i32>} : memref<256xf32, #tpu.memory_space<vmem>>, vector<16xf32>,
      %get3A_858 = arith.constant 25 : i32
      %get3A_859 = arith.index_cast %get3A_858 : i32 to index
      %get3A_860 = arith.constant 0 : index
      %get3A_861 = tpu.vector_load %arg9[%get3A_859, %get3A_860] {strides = array<i32>} : memref<32x64xf32, #tpu.memory_space<vmem>>, vector<16xf32>,
      %get3A_862 = arith.constant 25 : i32
      %get3A_863 = arith.index_cast %get3A_862 : i32 to index
      %get3A_864 = arith.constant 16 : index
      %get3A_865 = tpu.vector_load %arg9[%get3A_863, %get3A_864] {strides = array<i32>} : memref<32x64xf32, #tpu.memory_space<vmem>>, vector<16xf32>,
      %get3A_866 = arith.constant 25 : i32
      %get3A_867 = arith.index_cast %get3A_866 : i32 to index
      %get3A_868 = arith.constant 32 : index
      %get3A_869 = tpu.vector_load %arg9[%get3A_867, %get3A_868] {strides = array<i32>} : memref<32x64xf32, #tpu.memory_space<vmem>>, vector<16xf32>,
      %get3A_870 = arith.constant 25 : i32
      %get3A_871 = arith.index_cast %get3A_870 : i32 to index
      %get3A_872 = arith.constant 48 : index
      %get3A_873 = tpu.vector_load %arg9[%get3A_871, %get3A_872] {strides = array<i32>} : memref<32x64xf32, #tpu.memory_space<vmem>>, vector<16xf32>,
      %mul3A_874 = arith.mulf %get3A_861, %get3A_861 : vector<16xf32>
      %mul3A_875 = arith.mulf %get3A_865, %get3A_865 : vector<16xf32>
      %add3A_876 = arith.addf %mul3A_874, %mul3A_875 : vector<16xf32>
      %mul3A_877 = arith.mulf %get3A_869, %get3A_869 : vector<16xf32>
      %add3A_878 = arith.addf %add3A_876, %mul3A_877 : vector<16xf32>
      %mul3A_879 = arith.mulf %get3A_873, %get3A_873 : vector<16xf32>
      %add3A_880 = arith.addf %add3A_878, %mul3A_879 : vector<16xf32>
      %swap3A_881 = arith.constant 144 : index
      %swap3A_882 = tpu.vector_load %arg11[%swap3A_881] {strides = array<i32>} : memref<256xf32, #tpu.memory_space<vmem>>, vector<16xf32>,
      tpu.vector_store %arg11[%swap3A_881], %add3A_880 {strides = array<i32>} : memref<256xf32, #tpu.memory_space<vmem>>, vector<16xf32>,
      %get3A_883 = arith.constant 26 : i32
      %get3A_884 = arith.index_cast %get3A_883 : i32 to index
      %get3A_885 = arith.constant 0 : index
      %get3A_886 = tpu.vector_load %arg9[%get3A_884, %get3A_885] {strides = array<i32>} : memref<32x64xf32, #tpu.memory_space<vmem>>, vector<16xf32>,
      %get3A_887 = arith.constant 26 : i32
      %get3A_888 = arith.index_cast %get3A_887 : i32 to index
      %get3A_889 = arith.constant 16 : index
      %get3A_890 = tpu.vector_load %arg9[%get3A_888, %get3A_889] {strides = array<i32>} : memref<32x64xf32, #tpu.memory_space<vmem>>, vector<16xf32>,
      %get3A_891 = arith.constant 26 : i32
      %get3A_892 = arith.index_cast %get3A_891 : i32 to index
      %get3A_893 = arith.constant 32 : index
      %get3A_894 = tpu.vector_load %arg9[%get3A_892, %get3A_893] {strides = array<i32>} : memref<32x64xf32, #tpu.memory_space<vmem>>, vector<16xf32>,
      %get3A_895 = arith.constant 26 : i32
      %get3A_896 = arith.index_cast %get3A_895 : i32 to index
      %get3A_897 = arith.constant 48 : index
      %get3A_898 = tpu.vector_load %arg9[%get3A_896, %get3A_897] {strides = array<i32>} : memref<32x64xf32, #tpu.memory_space<vmem>>, vector<16xf32>,
      %mul3A_899 = arith.mulf %get3A_886, %get3A_886 : vector<16xf32>
      %mul3A_900 = arith.mulf %get3A_890, %get3A_890 : vector<16xf32>
      %add3A_901 = arith.addf %mul3A_899, %mul3A_900 : vector<16xf32>
      %mul3A_902 = arith.mulf %get3A_894, %get3A_894 : vector<16xf32>
      %add3A_903 = arith.addf %add3A_901, %mul3A_902 : vector<16xf32>
      %mul3A_904 = arith.mulf %get3A_898, %get3A_898 : vector<16xf32>
      %add3A_905 = arith.addf %add3A_903, %mul3A_904 : vector<16xf32>
      %swap3A_906 = arith.constant 160 : index
      %swap3A_907 = tpu.vector_load %arg11[%swap3A_906] {strides = array<i32>} : memref<256xf32, #tpu.memory_space<vmem>>, vector<16xf32>,
      tpu.vector_store %arg11[%swap3A_906], %add3A_905 {strides = array<i32>} : memref<256xf32, #tpu.memory_space<vmem>>, vector<16xf32>,
      %get3A_908 = arith.constant 27 : i32
      %get3A_909 = arith.index_cast %get3A_908 : i32 to index
      %get3A_910 = arith.constant 0 : index
      %get3A_911 = tpu.vector_load %arg9[%get3A_909, %get3A_910] {strides = array<i32>} : memref<32x64xf32, #tpu.memory_space<vmem>>, vector<16xf32>,
      %get3A_912 = arith.constant 27 : i32
      %get3A_913 = arith.index_cast %get3A_912 : i32 to index
      %get3A_914 = arith.constant 16 : index
      %get3A_915 = tpu.vector_load %arg9[%get3A_913, %get3A_914] {strides = array<i32>} : memref<32x64xf32, #tpu.memory_space<vmem>>, vector<16xf32>,
      %get3A_916 = arith.constant 27 : i32
      %get3A_917 = arith.index_cast %get3A_916 : i32 to index
      %get3A_918 = arith.constant 32 : index
      %get3A_919 = tpu.vector_load %arg9[%get3A_917, %get3A_918] {strides = array<i32>} : memref<32x64xf32, #tpu.memory_space<vmem>>, vector<16xf32>,
      %get3A_920 = arith.constant 27 : i32
      %get3A_921 = arith.index_cast %get3A_920 : i32 to index
      %get3A_922 = arith.constant 48 : index
      %get3A_923 = tpu.vector_load %arg9[%get3A_921, %get3A_922] {strides = array<i32>} : memref<32x64xf32, #tpu.memory_space<vmem>>, vector<16xf32>,
      %mul3A_924 = arith.mulf %get3A_911, %get3A_911 : vector<16xf32>
      %mul3A_925 = arith.mulf %get3A_915, %get3A_915 : vector<16xf32>
      %add3A_926 = arith.addf %mul3A_924, %mul3A_925 : vector<16xf32>
      %mul3A_927 = arith.mulf %get3A_919, %get3A_919 : vector<16xf32>
      %add3A_928 = arith.addf %add3A_926, %mul3A_927 : vector<16xf32>
      %mul3A_929 = arith.mulf %get3A_923, %get3A_923 : vector<16xf32>
      %add3A_930 = arith.addf %add3A_928, %mul3A_929 : vector<16xf32>
      %swap3A_931 = arith.constant 176 : index
      %swap3A_932 = tpu.vector_load %arg11[%swap3A_931] {strides = array<i32>} : memref<256xf32, #tpu.memory_space<vmem>>, vector<16xf32>,
      tpu.vector_store %arg11[%swap3A_931], %add3A_930 {strides = array<i32>} : memref<256xf32, #tpu.memory_space<vmem>>, vector<16xf32>,
      %get3A_933 = arith.constant 28 : i32
      %get3A_934 = arith.index_cast %get3A_933 : i32 to index
      %get3A_935 = arith.constant 0 : index
      %get3A_936 = tpu.vector_load %arg9[%get3A_934, %get3A_935] {strides = array<i32>} : memref<32x64xf32, #tpu.memory_space<vmem>>, vector<16xf32>,
      %get3A_937 = arith.constant 28 : i32
      %get3A_938 = arith.index_cast %get3A_937 : i32 to index
      %get3A_939 = arith.constant 16 : index
      %get3A_940 = tpu.vector_load %arg9[%get3A_938, %get3A_939] {strides = array<i32>} : memref<32x64xf32, #tpu.memory_space<vmem>>, vector<16xf32>,
      %get3A_941 = arith.constant 28 : i32
      %get3A_942 = arith.index_cast %get3A_941 : i32 to index
      %get3A_943 = arith.constant 32 : index
      %get3A_944 = tpu.vector_load %arg9[%get3A_942, %get3A_943] {strides = array<i32>} : memref<32x64xf32, #tpu.memory_space<vmem>>, vector<16xf32>,
      %get3A_945 = arith.constant 28 : i32
      %get3A_946 = arith.index_cast %get3A_945 : i32 to index
      %get3A_947 = arith.constant 48 : index
      %get3A_948 = tpu.vector_load %arg9[%get3A_946, %get3A_947] {strides = array<i32>} : memref<32x64xf32, #tpu.memory_space<vmem>>, vector<16xf32>,
      %mul3A_949 = arith.mulf %get3A_936, %get3A_936 : vector<16xf32>
      %mul3A_950 = arith.mulf %get3A_940, %get3A_940 : vector<16xf32>
      %add3A_951 = arith.addf %mul3A_949, %mul3A_950 : vector<16xf32>
      %mul3A_952 = arith.mulf %get3A_944, %get3A_944 : vector<16xf32>
      %add3A_953 = arith.addf %add3A_951, %mul3A_952 : vector<16xf32>
      %mul3A_954 = arith.mulf %get3A_948, %get3A_948 : vector<16xf32>
      %add3A_955 = arith.addf %add3A_953, %mul3A_954 : vector<16xf32>
      %swap3A_956 = arith.constant 192 : index
      %swap3A_957 = tpu.vector_load %arg11[%swap3A_956] {strides = array<i32>} : memref<256xf32, #tpu.memory_space<vmem>>, vector<16xf32>,
      tpu.vector_store %arg11[%swap3A_956], %add3A_955 {strides = array<i32>} : memref<256xf32, #tpu.memory_space<vmem>>, vector<16xf32>,
      %get3A_958 = arith.constant 29 : i32
      %get3A_959 = arith.index_cast %get3A_958 : i32 to index
      %get3A_960 = arith.constant 0 : index
      %get3A_961 = tpu.vector_load %arg9[%get3A_959, %get3A_960] {strides = array<i32>} : memref<32x64xf32, #tpu.memory_space<vmem>>, vector<16xf32>,
      %get3A_962 = arith.constant 29 : i32
      %get3A_963 = arith.index_cast %get3A_962 : i32 to index
      %get3A_964 = arith.constant 16 : index
      %get3A_965 = tpu.vector_load %arg9[%get3A_963, %get3A_964] {strides = array<i32>} : memref<32x64xf32, #tpu.memory_space<vmem>>, vector<16xf32>,
      %get3A_966 = arith.constant 29 : i32
      %get3A_967 = arith.index_cast %get3A_966 : i32 to index
      %get3A_968 = arith.constant 32 : index
      %get3A_969 = tpu.vector_load %arg9[%get3A_967, %get3A_968] {strides = array<i32>} : memref<32x64xf32, #tpu.memory_space<vmem>>, vector<16xf32>,
      %get3A_970 = arith.constant 29 : i32
      %get3A_971 = arith.index_cast %get3A_970 : i32 to index
      %get3A_972 = arith.constant 48 : index
      %get3A_973 = tpu.vector_load %arg9[%get3A_971, %get3A_972] {strides = array<i32>} : memref<32x64xf32, #tpu.memory_space<vmem>>, vector<16xf32>,
      %mul3A_974 = arith.mulf %get3A_961, %get3A_961 : vector<16xf32>
      %mul3A_975 = arith.mulf %get3A_965, %get3A_965 : vector<16xf32>
      %add3A_976 = arith.addf %mul3A_974, %mul3A_975 : vector<16xf32>
      %mul3A_977 = arith.mulf %get3A_969, %get3A_969 : vector<16xf32>
      %add3A_978 = arith.addf %add3A_976, %mul3A_977 : vector<16xf32>
      %mul3A_979 = arith.mulf %get3A_973, %get3A_973 : vector<16xf32>
      %add3A_980 = arith.addf %add3A_978, %mul3A_979 : vector<16xf32>
      %swap3A_981 = arith.constant 208 : index
      %swap3A_982 = tpu.vector_load %arg11[%swap3A_981] {strides = array<i32>} : memref<256xf32, #tpu.memory_space<vmem>>, vector<16xf32>,
      tpu.vector_store %arg11[%swap3A_981], %add3A_980 {strides = array<i32>} : memref<256xf32, #tpu.memory_space<vmem>>, vector<16xf32>,
      %get3A_983 = arith.constant 30 : i32
      %get3A_984 = arith.index_cast %get3A_983 : i32 to index
      %get3A_985 = arith.constant 0 : index
      %get3A_986 = tpu.vector_load %arg9[%get3A_984, %get3A_985] {strides = array<i32>} : memref<32x64xf32, #tpu.memory_space<vmem>>, vector<16xf32>,
      %get3A_987 = arith.constant 30 : i32
      %get3A_988 = arith.index_cast %get3A_987 : i32 to index
      %get3A_989 = arith.constant 16 : index
      %get3A_990 = tpu.vector_load %arg9[%get3A_988, %get3A_989] {strides = array<i32>} : memref<32x64xf32, #tpu.memory_space<vmem>>, vector<16xf32>,
      %get3A_991 = arith.constant 30 : i32
      %get3A_992 = arith.index_cast %get3A_991 : i32 to index
      %get3A_993 = arith.constant 32 : index
      %get3A_994 = tpu.vector_load %arg9[%get3A_992, %get3A_993] {strides = array<i32>} : memref<32x64xf32, #tpu.memory_space<vmem>>, vector<16xf32>,
      %get3A_995 = arith.constant 30 : i32
      %get3A_996 = arith.index_cast %get3A_995 : i32 to index
      %get3A_997 = arith.constant 48 : index
      %get3A_998 = tpu.vector_load %arg9[%get3A_996, %get3A_997] {strides = array<i32>} : memref<32x64xf32, #tpu.memory_space<vmem>>, vector<16xf32>,
      %mul3A_999 = arith.mulf %get3A_986, %get3A_986 : vector<16xf32>
      %mul3A_1000 = arith.mulf %get3A_990, %get3A_990 : vector<16xf32>
      %add3A_1001 = arith.addf %mul3A_999, %mul3A_1000 : vector<16xf32>
      %mul3A_1002 = arith.mulf %get3A_994, %get3A_994 : vector<16xf32>
      %add3A_1003 = arith.addf %add3A_1001, %mul3A_1002 : vector<16xf32>
      %mul3A_1004 = arith.mulf %get3A_998, %get3A_998 : vector<16xf32>
      %add3A_1005 = arith.addf %add3A_1003, %mul3A_1004 : vector<16xf32>
      %swap3A_1006 = arith.constant 224 : index
      %swap3A_1007 = tpu.vector_load %arg11[%swap3A_1006] {strides = array<i32>} : memref<256xf32, #tpu.memory_space<vmem>>, vector<16xf32>,
      tpu.vector_store %arg11[%swap3A_1006], %add3A_1005 {strides = array<i32>} : memref<256xf32, #tpu.memory_space<vmem>>, vector<16xf32>,
      %get3A_1008 = arith.constant 31 : i32
      %get3A_1009 = arith.index_cast %get3A_1008 : i32 to index
      %get3A_1010 = arith.constant 0 : index
      %get3A_1011 = tpu.vector_load %arg9[%get3A_1009, %get3A_1010] {strides = array<i32>} : memref<32x64xf32, #tpu.memory_space<vmem>>, vector<16xf32>,
      %get3A_1012 = arith.constant 31 : i32
      %get3A_1013 = arith.index_cast %get3A_1012 : i32 to index
      %get3A_1014 = arith.constant 16 : index
      %get3A_1015 = tpu.vector_load %arg9[%get3A_1013, %get3A_1014] {strides = array<i32>} : memref<32x64xf32, #tpu.memory_space<vmem>>, vector<16xf32>,
      %get3A_1016 = arith.constant 31 : i32
      %get3A_1017 = arith.index_cast %get3A_1016 : i32 to index
      %get3A_1018 = arith.constant 32 : index
      %get3A_1019 = tpu.vector_load %arg9[%get3A_1017, %get3A_1018] {strides = array<i32>} : memref<32x64xf32, #tpu.memory_space<vmem>>, vector<16xf32>,
      %get3A_1020 = arith.constant 31 : i32
      %get3A_1021 = arith.index_cast %get3A_1020 : i32 to index
      %get3A_1022 = arith.constant 48 : index
      %get3A_1023 = tpu.vector_load %arg9[%get3A_1021, %get3A_1022] {strides = array<i32>} : memref<32x64xf32, #tpu.memory_space<vmem>>, vector<16xf32>,
      %mul3A_1024 = arith.mulf %get3A_1011, %get3A_1011 : vector<16xf32>
      %mul3A_1025 = arith.mulf %get3A_1015, %get3A_1015 : vector<16xf32>
      %add3A_1026 = arith.addf %mul3A_1024, %mul3A_1025 : vector<16xf32>
      %mul3A_1027 = arith.mulf %get3A_1019, %get3A_1019 : vector<16xf32>
      %add3A_1028 = arith.addf %add3A_1026, %mul3A_1027 : vector<16xf32>
      %mul3A_1029 = arith.mulf %get3A_1023, %get3A_1023 : vector<16xf32>
      %add3A_1030 = arith.addf %add3A_1028, %mul3A_1029 : vector<16xf32>
      %swap3A_1031 = arith.constant 240 : index
      %swap3A_1032 = tpu.vector_load %arg11[%swap3A_1031] {strides = array<i32>} : memref<256xf32, #tpu.memory_space<vmem>>, vector<16xf32>,
      tpu.vector_store %arg11[%swap3A_1031], %add3A_1030 {strides = array<i32>} : memref<256xf32, #tpu.memory_space<vmem>>, vector<16xf32>,
      %iota3A_1033 = tpu.iota {dimensions = array<i32: 0>} : vector<16xi32>
      %mul3A_1034 = arith.constant 16 : i32
      %mul3A_1035 = vector.broadcast %mul3A_1034 : i32 to vector<16xi32>
      %mul3A_1036 = arith.muli %iota3A_1033, %mul3A_1035 : vector<16xi32>
      %gather3A_1037 = tpu.vector_load_idx %arg11[%mul3A_1036] : memref<256xf32, #tpu.memory_space<vmem>>[vector<16xi32>], vector<16xf32>,
      %add3A_1038 = arith.constant 1 : i32
      %add3A_1039 = vector.broadcast %add3A_1038 : i32 to vector<16xi32>
      %add3A_1040 = arith.addi %mul3A_1036, %add3A_1039 : vector<16xi32>
      %gather3A_1041 = tpu.vector_load_idx %arg11[%add3A_1040] : memref<256xf32, #tpu.memory_space<vmem>>[vector<16xi32>], vector<16xf32>,
      %add3A_1042 = arith.addf %gather3A_1037, %gather3A_1041 : vector<16xf32>
      %add3A_1043 = arith.constant 2 : i32
      %add3A_1044 = vector.broadcast %add3A_1043 : i32 to vector<16xi32>
      %add3A_1045 = arith.addi %mul3A_1036, %add3A_1044 : vector<16xi32>
      %gather3A_1046 = tpu.vector_load_idx %arg11[%add3A_1045] : memref<256xf32, #tpu.memory_space<vmem>>[vector<16xi32>], vector<16xf32>,
      %add3A_1047 = arith.addf %add3A_1042, %gather3A_1046 : vector<16xf32>
      %add3A_1048 = arith.constant 3 : i32
      %add3A_1049 = vector.broadcast %add3A_1048 : i32 to vector<16xi32>
      %add3A_1050 = arith.addi %mul3A_1036, %add3A_1049 : vector<16xi32>
      %gather3A_1051 = tpu.vector_load_idx %arg11[%add3A_1050] : memref<256xf32, #tpu.memory_space<vmem>>[vector<16xi32>], vector<16xf32>,
      %add3A_1052 = arith.addf %add3A_1047, %gather3A_1051 : vector<16xf32>
      %add3A_1053 = arith.constant 4 : i32
      %add3A_1054 = vector.broadcast %add3A_1053 : i32 to vector<16xi32>
      %add3A_1055 = arith.addi %mul3A_1036, %add3A_1054 : vector<16xi32>
      %gather3A_1056 = tpu.vector_load_idx %arg11[%add3A_1055] : memref<256xf32, #tpu.memory_space<vmem>>[vector<16xi32>], vector<16xf32>,
      %add3A_1057 = arith.addf %add3A_1052, %gather3A_1056 : vector<16xf32>
      %add3A_1058 = arith.constant 5 : i32
      %add3A_1059 = vector.broadcast %add3A_1058 : i32 to vector<16xi32>
      %add3A_1060 = arith.addi %mul3A_1036, %add3A_1059 : vector<16xi32>
      %gather3A_1061 = tpu.vector_load_idx %arg11[%add3A_1060] : memref<256xf32, #tpu.memory_space<vmem>>[vector<16xi32>], vector<16xf32>,
      %add3A_1062 = arith.addf %add3A_1057, %gather3A_1061 : vector<16xf32>
      %add3A_1063 = arith.constant 6 : i32
      %add3A_1064 = vector.broadcast %add3A_1063 : i32 to vector<16xi32>
      %add3A_1065 = arith.addi %mul3A_1036, %add3A_1064 : vector<16xi32>
      %gather3A_1066 = tpu.vector_load_idx %arg11[%add3A_1065] : memref<256xf32, #tpu.memory_space<vmem>>[vector<16xi32>], vector<16xf32>,
      %add3A_1067 = arith.addf %add3A_1062, %gather3A_1066 : vector<16xf32>
      %add3A_1068 = arith.constant 7 : i32
      %add3A_1069 = vector.broadcast %add3A_1068 : i32 to vector<16xi32>
      %add3A_1070 = arith.addi %mul3A_1036, %add3A_1069 : vector<16xi32>
      %gather3A_1071 = tpu.vector_load_idx %arg11[%add3A_1070] : memref<256xf32, #tpu.memory_space<vmem>>[vector<16xi32>], vector<16xf32>,
      %add3A_1072 = arith.addf %add3A_1067, %gather3A_1071 : vector<16xf32>
      %add3A_1073 = arith.constant 8 : i32
      %add3A_1074 = vector.broadcast %add3A_1073 : i32 to vector<16xi32>
      %add3A_1075 = arith.addi %mul3A_1036, %add3A_1074 : vector<16xi32>
      %gather3A_1076 = tpu.vector_load_idx %arg11[%add3A_1075] : memref<256xf32, #tpu.memory_space<vmem>>[vector<16xi32>], vector<16xf32>,
      %add3A_1077 = arith.addf %add3A_1072, %gather3A_1076 : vector<16xf32>
      %add3A_1078 = arith.constant 9 : i32
      %add3A_1079 = vector.broadcast %add3A_1078 : i32 to vector<16xi32>
      %add3A_1080 = arith.addi %mul3A_1036, %add3A_1079 : vector<16xi32>
      %gather3A_1081 = tpu.vector_load_idx %arg11[%add3A_1080] : memref<256xf32, #tpu.memory_space<vmem>>[vector<16xi32>], vector<16xf32>,
      %add3A_1082 = arith.addf %add3A_1077, %gather3A_1081 : vector<16xf32>
      %add3A_1083 = arith.constant 10 : i32
      %add3A_1084 = vector.broadcast %add3A_1083 : i32 to vector<16xi32>
      %add3A_1085 = arith.addi %mul3A_1036, %add3A_1084 : vector<16xi32>
      %gather3A_1086 = tpu.vector_load_idx %arg11[%add3A_1085] : memref<256xf32, #tpu.memory_space<vmem>>[vector<16xi32>], vector<16xf32>,
      %add3A_1087 = arith.addf %add3A_1082, %gather3A_1086 : vector<16xf32>
      %add3A_1088 = arith.constant 11 : i32
      %add3A_1089 = vector.broadcast %add3A_1088 : i32 to vector<16xi32>
      %add3A_1090 = arith.addi %mul3A_1036, %add3A_1089 : vector<16xi32>
      %gather3A_1091 = tpu.vector_load_idx %arg11[%add3A_1090] : memref<256xf32, #tpu.memory_space<vmem>>[vector<16xi32>], vector<16xf32>,
      %add3A_1092 = arith.addf %add3A_1087, %gather3A_1091 : vector<16xf32>
      %add3A_1093 = arith.constant 12 : i32
      %add3A_1094 = vector.broadcast %add3A_1093 : i32 to vector<16xi32>
      %add3A_1095 = arith.addi %mul3A_1036, %add3A_1094 : vector<16xi32>
      %gather3A_1096 = tpu.vector_load_idx %arg11[%add3A_1095] : memref<256xf32, #tpu.memory_space<vmem>>[vector<16xi32>], vector<16xf32>,
      %add3A_1097 = arith.addf %add3A_1092, %gather3A_1096 : vector<16xf32>
      %add3A_1098 = arith.constant 13 : i32
      %add3A_1099 = vector.broadcast %add3A_1098 : i32 to vector<16xi32>
      %add3A_1100 = arith.addi %mul3A_1036, %add3A_1099 : vector<16xi32>
      %gather3A_1101 = tpu.vector_load_idx %arg11[%add3A_1100] : memref<256xf32, #tpu.memory_space<vmem>>[vector<16xi32>], vector<16xf32>,
      %add3A_1102 = arith.addf %add3A_1097, %gather3A_1101 : vector<16xf32>
      %add3A_1103 = arith.constant 14 : i32
      %add3A_1104 = vector.broadcast %add3A_1103 : i32 to vector<16xi32>
      %add3A_1105 = arith.addi %mul3A_1036, %add3A_1104 : vector<16xi32>
      %gather3A_1106 = tpu.vector_load_idx %arg11[%add3A_1105] : memref<256xf32, #tpu.memory_space<vmem>>[vector<16xi32>], vector<16xf32>,
      %add3A_1107 = arith.addf %add3A_1102, %gather3A_1106 : vector<16xf32>
      %add3A_1108 = arith.constant 15 : i32
      %add3A_1109 = vector.broadcast %add3A_1108 : i32 to vector<16xi32>
      %add3A_1110 = arith.addi %mul3A_1036, %add3A_1109 : vector<16xi32>
      %gather3A_1111 = tpu.vector_load_idx %arg11[%add3A_1110] : memref<256xf32, #tpu.memory_space<vmem>>[vector<16xi32>], vector<16xf32>,
      %add3A_1112 = arith.addf %add3A_1107, %gather3A_1111 : vector<16xf32>
      %abs3A_1113 = math.absf %add3A_1112 : vector<16xf32>
      %neg3A_1114 = arith.constant 0.000000e+00 : f32
      %neg3A_1115 = vector.broadcast %neg3A_1114 : f32 to vector<16xf32>
      %neg3A_1116 = arith.subf %neg3A_1115, %abs3A_1113 : vector<16xf32>
      %exp3A_1117 = math.exp %neg3A_1116 : vector<16xf32>
      %add3A_1118 = arith.constant 2.000000e+00 : f32
      %add3A_1119 = vector.broadcast %add3A_1118 : f32 to vector<16xf32>
      %add3A_1120 = arith.addf %add3A_1119, %exp3A_1117 : vector<16xf32>
      %div3A_1121 = arith.divf %exp3A_1117, %add3A_1120 : vector<16xf32>
      %mul3A_1122 = arith.mulf %div3A_1121, %div3A_1121 : vector<16xf32>
      %mul3A_1123 = arith.constant 0.111111112 : f32
      %mul3A_1124 = vector.broadcast %mul3A_1123 : f32 to vector<16xf32>
      %mul3A_1125 = arith.mulf %mul3A_1122, %mul3A_1124 : vector<16xf32>
      %add3A_1126 = arith.constant 0.142857149 : f32
      %add3A_1127 = vector.broadcast %add3A_1126 : f32 to vector<16xf32>
      %add3A_1128 = arith.addf %add3A_1127, %mul3A_1125 : vector<16xf32>
      %mul3A_1129 = arith.mulf %mul3A_1122, %add3A_1128 : vector<16xf32>
      %add3A_1130 = arith.constant 2.000000e-01 : f32
      %add3A_1131 = vector.broadcast %add3A_1130 : f32 to vector<16xf32>
      %add3A_1132 = arith.addf %add3A_1131, %mul3A_1129 : vector<16xf32>
      %mul3A_1133 = arith.mulf %mul3A_1122, %add3A_1132 : vector<16xf32>
      %add3A_1134 = arith.constant 0.333333343 : f32
      %add3A_1135 = vector.broadcast %add3A_1134 : f32 to vector<16xf32>
      %add3A_1136 = arith.addf %add3A_1135, %mul3A_1133 : vector<16xf32>
      %mul3A_1137 = arith.mulf %mul3A_1122, %add3A_1136 : vector<16xf32>
      %add3A_1138 = arith.constant 1.000000e+00 : f32
      %add3A_1139 = vector.broadcast %add3A_1138 : f32 to vector<16xf32>
      %add3A_1140 = arith.addf %add3A_1139, %mul3A_1137 : vector<16xf32>
      %min3A_1141 = arith.constant 0.000000e+00 : f32
      %min3A_1142 = vector.broadcast %min3A_1141 : f32 to vector<16xf32>
      %min3A_1143 = arith.minimumf %add3A_1112, %min3A_1142 : vector<16xf32>
      %mul3A_1144 = arith.constant 2.000000e+00 : f32
      %mul3A_1145 = vector.broadcast %mul3A_1144 : f32 to vector<16xf32>
      %mul3A_1146 = arith.mulf %mul3A_1145, %div3A_1121 : vector<16xf32>
      %mul3A_1147 = arith.mulf %mul3A_1146, %add3A_1140 : vector<16xf32>
      %sub3A_1148 = arith.subf %min3A_1143, %mul3A_1147 : vector<16xf32>
      %add3A_1149 = arith.addf %add3A_632, %sub3A_1148 : vector<16xf32>
      %swap3A_1150 = arith.constant 0 : index
      %swap3A_1151 = tpu.vector_load %arg13[%swap3A_1150] {strides = array<i32>} : memref<16xf32, #tpu.memory_space<vmem>>, vector<16xf32>,
      tpu.vector_store %arg13[%swap3A_1150], %add3A_1149 {strides = array<i32>} : memref<16xf32, #tpu.memory_space<vmem>>, vector<16xf32>,
      %scan3A_1152 = arith.constant 0 : i32
      scf.yield %scan3A_1152 : i32
    }
    %scan3A_12 = arith.constant 16 : i32
    %get3A = arith.constant 0 : index
    %get3A_13 = tpu.vector_load %arg12[%get3A] {strides = array<i32>} : memref<16xf32, #tpu.memory_space<vmem>>, vector<16xf32>,
    %get3A_14 = arith.constant 0 : index
    %get3A_15 = tpu.vector_load %arg13[%get3A_14] {strides = array<i32>} : memref<16xf32, #tpu.memory_space<vmem>>, vector<16xf32>,
    %mul3A_16 = arith.constant 2.000000e+01 : f32
    %mul3A_17 = vector.broadcast %mul3A_16 : f32 to vector<16xf32>
    %mul3A_18 = arith.mulf %mul3A_17, %get3A_15 : vector<16xf32>
    %add3A_19 = arith.addf %get3A_13, %mul3A_18 : vector<16xf32>
    %swap3A_20 = arith.constant 0 : index
    %swap3A_21 = tpu.vector_load %arg12[%swap3A_20] {strides = array<i32>} : memref<16xf32, #tpu.memory_space<vmem>>, vector<16xf32>,
    tpu.vector_store %arg12[%swap3A_20], %add3A_19 {strides = array<i32>} : memref<16xf32, #tpu.memory_space<vmem>>, vector<16xf32>,
    "tpu.region"() ({
      %run_scoped3A = tpu.sem_alloc : memref<!tpu.dma_semaphore, #tpu.memory_space<semaphore_mem>>
      %dma_start3A = arith.constant 0 : i32
      %dma_start3A_22 = tpu.memref_slice %arg6[%add3A, %dma_start3A] : memref<32x16xf32, #tpu.memory_space<hbm>> -> memref<1x16xf32, #tpu.memory_space<hbm>>
      %dma_start3A_23 = tpu.memref_squeeze %dma_start3A_22 : memref<1x16xf32, #tpu.memory_space<hbm>> -> memref<16xf32, #tpu.memory_space<hbm>>
      %dma_start3A_24 = arith.constant 0 : i32
      %dma_start3A_25 = tpu.memref_slice %arg6[%add3A, %dma_start3A_24] : memref<32x16xf32, #tpu.memory_space<hbm>> -> memref<1x16xf32, #tpu.memory_space<hbm>>
      %dma_start3A_26 = tpu.memref_squeeze %dma_start3A_25 : memref<1x16xf32, #tpu.memory_space<hbm>> -> memref<16xf32, #tpu.memory_space<hbm>>
      tpu.enqueue_dma source(%arg12 : memref<16xf32, #tpu.memory_space<vmem>>) target(%dma_start3A_26 : memref<16xf32, #tpu.memory_space<hbm>>) target_semaphore(%run_scoped3A : memref<!tpu.dma_semaphore, #tpu.memory_space<semaphore_mem>>)
      %dma_wait3A = arith.constant 0 : i32
      %dma_wait3A_27 = tpu.memref_slice %arg6[%add3A, %dma_wait3A] : memref<32x16xf32, #tpu.memory_space<hbm>> -> memref<1x16xf32, #tpu.memory_space<hbm>>
      %dma_wait3A_28 = tpu.memref_squeeze %dma_wait3A_27 : memref<1x16xf32, #tpu.memory_space<hbm>> -> memref<16xf32, #tpu.memory_space<hbm>>
      %dma_wait3A_29 = arith.constant 0 : i32
      %dma_wait3A_30 = tpu.memref_slice %arg6[%add3A, %dma_wait3A_29] : memref<32x16xf32, #tpu.memory_space<hbm>> -> memref<1x16xf32, #tpu.memory_space<hbm>>
      %dma_wait3A_31 = tpu.memref_squeeze %dma_wait3A_30 : memref<1x16xf32, #tpu.memory_space<hbm>> -> memref<16xf32, #tpu.memory_space<hbm>>
      tpu.wait_dma2 semaphore(%run_scoped3A : memref<!tpu.dma_semaphore, #tpu.memory_space<semaphore_mem>>) src(%arg12 : memref<16xf32, #tpu.memory_space<vmem>>) dst(%dma_wait3A_31 : memref<16xf32, #tpu.memory_space<hbm>>)
      tpu.yield
    }) : () -> ()
    return
  }
}

</mosaic_0001>

<sc_bundles>
// kernel: _skipgram_loss.3.cloned.1.call-start
scs
__scs_entry_jumppad:
0x0: {  	(pc) =	sbr.rel $0x88, $3  }
0x1: {  	(tag) =	ssettag $0x0;
	lr =	simm.s32 $0x1  }
0x2: {  	[smem:$0x3F9D] =	sst lr;
	_ =	strace $0xD0000000  }
0x3: {  	_ = 	snop  }
0x4: {  	_ = 	snop  }
0x5: {  	_ = 	snop  }
0x6: {  	_ = 	snop  }
0x7: {  	_ = 	snop  }
__scs_overlays_trampoline_lowered:
0x8: {  	[smem:$0x3FAC] =	sst s0  }
0x9: {  	[smem:$0x3FAD] =	sst s1  }
0xa: {  	[smem:$0x3FAE] =	sst s2  }
0xb: {  	[smem:$0x3FAF] =	sst s3  }
0xc: {  	[smem:$0x3FB0] =	sst s4  }
0xd: {  	[smem:$0x3FB1] =	sst s5  }
0xe: {  	[smem:$0x3FB2] =	sst s6  }
0xf: {  	[smem:$0x3FB3] =	sst s7  }
0x10: {  	[smem:$0x3FB4] =	sst s8  }
0x11: {  	[smem:$0x3FB5] =	sst s9;
	s0 =	simm.s32 @!p0 $0x0  }
0x12: {  	s1 =	sld [smem:$0x3F9B];
	s0 =	simm.s32 @p0 $0x1  }
0x13: {  	[smem:$0x3FB6] =	sst s0;
	s0 =	simm.s32 @!p1 $0x0  }
0x14: {  	s2 =	sld [smem:$0x3F9A];
	s0 =	simm.s32 @p1 $0x1  }
0x15: {  	[smem:$0x3FB7] =	sst s0;
	s0 =	simm.s32 @!p2 $0x0  }
0x16: {  	s3 =	sld [smem:$0x3FDB];
	s0 =	simm.s32 @p2 $0x1  }
0x17: {  	s4 =	simm.s32 $0x1BF5;
	[smem:$0x3FB9] =	sst s0  }
0x18: {  	s0 =	sld [smem:$0x3F9C];
	_ =	swait.ge [sflag:s4], $0x0  }
0x19: {  	s7 =	sld [smem:$0x3F9D]  }
0x1a: {  	s8 =	sadd.s32 $0xFFFFE003, lr  }
0x1b: {  	s9 =	sadd.s32 $0xFFFFFEF7, lr;
	s5 =	simm.s32 $0xFFFFFFFF;
	p2 =	slt.u32 s8, $0xFFFFF086  }
0x1c: {  	p1 =	slt.u32 s9, $0xF7A;
	s5 =	simm.s32 @!p2 $0x0  }
0x1d: {  	s5 =	simm.s32 @p1 $0x1;
	p0 =	seq.s32 s7, s2  }
0x1e: {  	s7 =	smul.u32 @!p0 $0xF7A, s2;
	p2 =	seq.s32 @!p0 s5, $0x0  }
0x1f: {  	s9 =	smul.u32 $0xF7A, s1;
	s8 =	simm.s32 @!p0 $0x1BF5;
	p2 =	por !p2, p0  }
0x20: {  	[sflag:s8] =	ssyncset.s32 @!p0 $0xFFFFF086;
	s6 =	sadd.s32 @!p0 s3, s7;
	s7 =	simm.s32 @!p0 $0x108  }
0x21: {  	s3 =	sadd.s32 s3, s9;
	s6 =	sadd.s32 @!p0 $0x88, s6;
	s7 =	simm.s32 @p2 $0x1082  }
0x22: {  	[simem:s7], [sflag:s8] =	dma.local @!p0 [hbm:s6], $0xF7A  }
0x23: {  	s9 =	sor.u32 $0xD0000000, s2;
	s6 =	simm.s32 $0x108;
	_ =	swait.ge @!p0 [sflag:s8], $0x0  }
0x24: {  	s3 =	sadd.s32 $0x88, s3;
	s6 =	simm.s32 @!p1 $0x1082;
	[sflag:s4] =	ssyncset.s32 $0xFFFFF086  }
0x25: {  	[simem:s6], [sflag:s4] =	dma.local [hbm:s3], $0xF7A  }
0x26: {  	[smem:$0x3F9D] =	sst s1;
	(tag) =	ssettag s2;
	_ =	strace s9  }
0x27: {  	s1 =	sld [smem:$0x3FAD]  }
0x28: {  	s2 =	sld [smem:$0x3FAE]  }
0x29: {  	s4 =	sld [smem:$0x3FB0]  }
0x2a: {  	p0 =	seq.s32 s5, $0x0;
	s5 =	sld [smem:$0x3FB1]  }
0x2b: {  	s6 =	sld [smem:$0x3FB2]  }
0x2c: {  	s7 =	sld [smem:$0x3FB3]  }
0x2d: {  	s3 =	simm.s32 $0x108;
	s8 =	sld [smem:$0x3FB4]  }
0x2e: {  	s3 =	simm.s32 @!p0 $0x1082;
	s9 =	sld [smem:$0x3FB5]  }
0x2f: {  	lr =	sadd.s32 s0, s3;
	s0 =	sld [smem:$0x3FAC]  }
0x30: {  	s3 =	sld [smem:$0x3FAF]  }
0x31: {  	[smem:$0x3FB8] =	sst s10  }
0x32: {  	s10 =	sld [smem:$0x3FB6];
	_ =	sdelay $0x3  }
0x33: {  	p0 =	seq.s32 s10, $0x1;
	s10 =	sld [smem:$0x3FB8];
	_ =	sdelay $0x3  }
0x34: {  	[smem:$0x3FB8] =	sst s10  }
0x35: {  	s10 =	sld [smem:$0x3FB7];
	_ =	sdelay $0x3  }
0x36: {  	p1 =	seq.s32 s10, $0x1;
	s10 =	sld [smem:$0x3FB8];
	_ =	sdelay $0x3  }
0x37: {  	[smem:$0x3FB8] =	sst s10  }
0x38: {  	s10 =	sld [smem:$0x3FB9]  }
0x39: {  	_ = 	snop;
	(pc) =	sbr.ind lr, $3  }
0x3a: {  	_ = 	snop  }
0x3b: {  	_ = 	snop  }
0x3c: {  	p2 =	seq.s32 s10, $0x1;
	s10 =	sld [smem:$0x3FB8]  }
0x3d: {  	_ =	shalt  }
0x3e: {  	_ =	shalt  }
0x3f: {  	_ =	shalt  }
0x40: {  	_ =	shalt  }
0x41: {  	_ =	shalt  }
0x42: {  	_ =	shalt  }
0x43: {  	_ =	shalt  }
0x44: {  	_ =	shalt  }
0x45: {  	_ =	shalt  }
0x46: {  	_ =	shalt  }
0x47: {  	_ =	shalt  }
0x48: {  	_ =	shalt  }
0x49: {  	_ =	shalt  }
0x4a: {  	_ =	shalt  }
0x4b: {  	_ =	shalt  }
0x4c: {  	_ =	shalt  }
0x4d: {  	_ =	shalt  }
0x4e: {  	_ =	shalt  }
0x4f: {  	_ =	shalt  }
0x50: {  	_ =	shalt  }
0x51: {  	_ =	shalt  }
0x52: {  	_ =	shalt  }
0x53: {  	_ =	shalt  }
0x54: {  	_ =	shalt  }
0x55: {  	_ =	shalt  }
0x56: {  	_ =	shalt  }
0x57: {  	_ =	shalt  }
0x58: {  	_ =	shalt  }
0x59: {  	_ =	shalt  }
0x5a: {  	_ =	shalt  }
0x5b: {  	_ =	shalt  }
0x5c: {  	_ =	shalt  }
0x5d: {  	_ =	shalt  }
0x5e: {  	_ =	shalt  }
0x5f: {  	_ =	shalt  }
0x60: {  	_ =	shalt  }
0x61: {  	_ =	shalt  }
0x62: {  	_ =	shalt  }
0x63: {  	_ =	shalt  }
0x64: {  	_ =	shalt  }
0x65: {  	_ =	shalt  }
0x66: {  	_ =	shalt  }
0x67: {  	_ =	shalt  }
0x68: {  	_ =	shalt  }
0x69: {  	_ =	shalt  }
0x6a: {  	_ =	shalt  }
0x6b: {  	_ =	shalt  }
0x6c: {  	_ =	shalt  }
0x6d: {  	_ =	shalt  }
0x6e: {  	_ =	shalt  }
0x6f: {  	_ =	shalt  }
0x70: {  	_ =	shalt  }
0x71: {  	_ =	shalt  }
0x72: {  	_ =	shalt  }
0x73: {  	_ =	shalt  }
0x74: {  	_ =	shalt  }
0x75: {  	_ =	shalt  }
0x76: {  	_ =	shalt  }
0x77: {  	_ =	shalt  }
0x78: {  	_ =	shalt  }
0x79: {  	_ =	shalt  }
0x7a: {  	_ =	shalt  }
0x7b: {  	_ =	shalt  }
0x7c: {  	_ =	shalt  }
0x7d: {  	_ =	shalt  }
0x7e: {  	_ =	shalt  }
0x7f: {  	_ =	shalt  }
0x80: {  	_ =	shalt  }
0x81: {  	_ =	shalt  }
0x82: {  	_ =	shalt  }
0x83: {  	_ =	shalt  }
0x84: {  	_ =	shalt  }
0x85: {  	_ =	shalt  }
0x86: {  	_ =	shalt  }
0x87: {  	_ =	shalt  }
.Lfunc_end0:
.L_simem_size_0:
called_computation_lowered:
.L_overlay_start_0:
0x88: {  	s2 =	sld [smem:$0x3FD9]  }
0x89: {  	s3 =	sld [smem:$0x3FFE];
	_ =	sdelay $0x1  }
0x8a: {  	s1 =	srdreg.scid  }
0x8b: {  	s0 =	sand.u32 $0x1, s1  }
0x8c: {  	s17 =	sshll.u32 s0, $0xA;
	s2 =	sadd.s32 s3, s2  }
0x8d: {  	s2 =	sadd.s32 s2, s17  }
0x8e: {  	[smem:$0x3FC4] =	sst s2  }
0x8f: {  	_ = 	snop  }
0x90: {  	s2 =	sld [smem:$0x3FC9]  }
0x91: {  	s18 =	sld [smem:$0x3FC8];
	(tm) =	ssettm $0x1  }
0x92: {  	s4 =	sld [smem:$0x3FFB];
	_ =	sdelay $0x3  }
0x93: {  	_ =	strace s4  }
0x94: {  	s4 =	sld [smem:$0x3FFC];
	_ =	sdelay $0x3  }
0x95: {  	_ =	strace s4  }
0x96: {  	s4 =	sld [smem:$0x3FFD];
	_ =	sdelay $0x3  }
0x97: {  	_ =	strace s4  }
0x98: {  	_ =	strace $0x8FFFFFFF  }
0x99: {  	s19 =	sld [smem:$0x3FDB];
	_ =	sdelay $0x1  }
0x9a: {  	s5 =	simm.s32 $_scs_section_size  }
0x9b: {  	s6 =	simm.s32 $_size__tile_overlayer_lowered;
	s7 =	simm.s32 $_tile_overlayer_lowered  }
0x9c: {  	s22 =	simm.s32 $0x1BFF;
	s21 =	sshll.u32 s7, $0x1;
	s4 =	sadd.s32 s5, s19  }
0x9d: {  	s8 =	simm.s32 $0x0;
	s20 =	sshll.u32 s6, $0x1;
	s6 =	sadd.s32 s21, s4  }
0x9e: {  	[timem:s8], [sflag:s22] =	dma.local [hbm:s6], s20  }
0x9f: {  	_ =	swait.ge [sflag:s22], s20  }
0xa0: {  	s5 =	ssub.s32 $0x0, s20;
	[sflag:s22] =	ssyncset.done $0x0  }
0xa1: {  	[sflag:s22] =	ssyncadd.s32 s5;
	_ =	sdelay $0x1  }
0xa2: {  	s23 =	simm.s32 $0x1B8B  }
0xa3: {  	_ =	swait.ge [sflag:s23], $0x1  }
0xa4: {  	[sflag:s23] =	ssyncset.done $0x0  }
0xa5: {  	s25 =	simm.s32 $0x1B8E;
	s24 =	sld [smem:$0x3FFE];
	[sflag:s23] =	ssyncadd.s32 $0xFFFFFFFF  }
0xa6: {  	s26 =	simm.s32 $execute0_lowered;
	[smem:$0x3FD2] =	sst s25  }
0xa7: {  	s6 =	sshll.u32 s26, $0x1;
	_ =	strace $0x80000046;
	[dreg:$0x1] =	wrdreg $0xFFFFFFFF  }
0xa8: {  	s28 =	simm.s32 $_size_execute0_lowered;
	s4 =	sadd.s32 s4, s6;
	[dreg:$0x0] =	wrdreg $0x0  }
0xa9: {  	s6 =	sshll.u32 s28, $0x1;
	[dreg:$0x2] =	wrdreg s4  }
0xaa: {  	[dreg:$0x3] =	wrdreg s6  }
0xab: {  	[dreg:$0x4] =	wrdreg $0xC0  }
0xac: {  	_ =	task [dreg:s8], $0x5FFFF  }
0xad: {  	[dreg:$0x1] =	wrdreg $0xFFFFFFFF  }
0xae: {  	[dreg:$0x0] =	wrdreg $0x60  }
0xaf: {  	[dreg:$0x2] =	wrdreg s2  }
0xb0: {  	[dreg:$0x3] =	wrdreg s18  }
0xb1: {  	[dreg:$0x4] =	wrdreg s24  }
0xb2: {  	[dreg:$0x5] =	wrdreg $0x9  }
0xb3: {  	_ =	task.clear_ibuf [dreg:s8], $0x6FFFF;
	_ =	strace $0x90000046  }
0xb4: {  	s29 =	simm.s32 $0x9;
	_ =	strace $0x80000048  }
0xb5: {  	_ =	swait.ge [sflag:s29], $0x1  }
0xb6: {  	[sflag:s29] =	ssyncadd.s32 $0xFFFFFFFF  }
0xb7: {  	_ =	strace $0x90000048  }
0xb8: {  	_ =	sfence  }
0xb9: {  	s30 =	sld [smem:$0x0];
	_ =	sdelay $0x2  }
0xba: {  	s31 =	sshll.u32 s1, $0xD;
	s1 =	sshrl.u32 s1, $0x2  }
0xbb: {  	s3 =	sand.u32 $0x4000, s31;
	s1 =	sadd.s32 s1, s30  }
0xbc: {  	s0 =	sor.u32 s3, s0;
	s1 =	sshll.u32 s1, $0x11  }
0xbd: {  	s0 =	sor.u32 s1, s0  }
0xbe: {  	s0 =	sadd.s32 $0x8F2B, s0  }
0xbf: {  	[sflag:s0] =	ssyncadd.remote.s32 $0x1  }
0xc0: {  	_ =	sfence.sel $0xFFFF  }
0xc1: {  	[dreg:$0x0] =	wrdreg $0xFFFFFFFF;
	(pc) =	sbr.abs _section_cstart, $3  }
0xc2: {  	[dreg:$0x1] =	wrdreg $0xFFFFFFFF  }
0xc3: {  	_ =	task.clear_ibuf [dreg:s8], $0x2FFFF;
	_ =	strace $0x9FFFFFFF  }
0xc4: {  	(tm) =	ssettm $0x7FFFFFFF  }
0xc5: {  	_ =	shalt  }
tec
execute0_lowered:
.L_overlay_start_1:
0x0: {  	(tag) =	ssettag $0x1  }
0x1: {  	s1 =	rddreg [dreg:$0x0]  }
0x2: {  	s2 =	rddreg [dreg:$0x1]  }
0x3: {  	s8 =	rddreg [dreg:$0x2]  }
0x4: {  	s0 =	rddreg [dreg:$0x3];
	s4 =	simm.s32 $0x0  }
0x5: {  	s5 =	srdreg.scid;
	s3 =	stileid.u32;
	s12 =	simm.s32 $0x2A0  }
0x6: {  	s13 =	simm.s32 $0x80;
	s14 =	simm.s32 $0xAA0;
	s15 =	simm.s32 $0xA0  }
0x7: {  	s16 =	simm.s32 $0x2AA0;
	s17 =	simm.s32 $0x120;
	s18 =	simm.s32 $0x4AA0  }
0x8: {  	v0 =	vlaneseq.u32;
	s19 =	simm.s32 $0x1A0;
	s20 =	simm.s32 $0x6AA0;
	s21 =	simm.s32 $0x220  }
0x9: {  	s22 =	simm.s32 $0x8AA0;
	s23 =	simm.s32 $0x1;
	s24 =	simm.s32 $0xAAA0;
	v56 =	vmul.u32 $0x10, v0  }
0xa: {  	s25 =	simm.s32 $0xABA0;
	s26 =	simm.s32 $0x0;
	[smem:$0x7FF] =	sst s4  }
0xb: {  	s6 =	sand.u32 $0x1, s5;
	s7 =	sshll.u32 s3, $0x1;
	s5 =	sadd.s32 $0xF42400, s8;
	v10 =	vor.u32 $0x1, v56;
	v11 =	vor.u32 $0x2, v56;
	v12 =	vor.u32 $0x3, v56  }
0xc: {  	_ =	strace $0x80000047;
	s9 =	ssub.s32 $0x2, s6;
	s7 =	sor.u32 s6, s7;
	v13 =	vor.u32 $0x4, v56;
	v14 =	vor.u32 $0x5, v56;
	v15 =	vor.u32 $0x6, v56  }
0xd: {  	s6 =	sadd.s32 $0x16E3600, s8;
	s10 =	sshrl.u32 s9, $0x1;
	s11 =	sshll.u32 s7, $0x1;
	v16 =	vor.u32 $0x7, v56;
	v57 =	vor.u32 $0x8, v56;
	v58 =	vor.u32 $0x9, v56  }
0xe: {  	s7 =	sshll.u32 s7, $0x9;
	v59 =	vor.u32 $0xA, v56;
	v60 =	vor.u32 $0xB, v56;
	v61 =	vor.u32 $0xC, v56;
	s9 =	ssub.s32 s9, s10;
	s8 =	sadd.s32 s8, s11  }
0xf: {  	v62 =	vor.u32 $0xD, v56;
	v63 =	vor.u32 $0xE, v56;
	v42 =	vor.u32 $0xF, v56;
	s10 =	simm.s32 $0x2;
	s11 =	simm.s32 $0x20;
	s9 =	smax.u32 s9, $0x1  }
.LBB2_1:
0x10: {  	v0 =	vimm.f32 $0.0e+00  }
0x11: {  	[tilespmem:$0xABA0] =	vst v0  }
0x12: {  	s28 =	simm.s32 $0x0;
	[tilespmem:$0xABB0] =	vst v0  }
.LBB2_2:
0x13: {  	s29 =	sshll.u32 s28, $0x5  }
0x14: {  	s29 =	sadd.s32 s7, s29  }
0x15: {  	s30 =	sshrl.u32 s29, $0x3  }
0x16: {  	s31 =	smul.u32 $0x14, s29;
	s29 =	simm.s32 $0x0;
	s30 =	sadd.s32 s1, s30  }
0x17: {  	[tilespmem:s29], [sflag:$0x2] =	stream.linear.gather [hbm4b:s30+s29], $0x20, $0x38;
	[tilespmem:$0xABC0] =	vst v63  }
0x18: {  	_ =	swait.ge [sflag:s10], $0x20  }
0x19: {  	s31 =	sshrl.u32 s31, $0x3;
	[sflag:s10] =	ssyncset.done $0x0  }
0x1a: {  	s30 =	sadd.s32 s2, s31;
	[sflag:s10] =	ssyncadd.s32 $0xFFFFFFE0  }
0x1b: {  	[tilespmem:s11], [sflag:$0x2] =	stream.linear.gather [hbm4b:s30+s29], $0x280, $0x38;
	[tilespmem:$0xABC0] =	vst v63  }
0x1c: {  	_ =	swait.ge [sflag:s10], $0x280  }
0x1d: {  	[sflag:s10] =	ssyncset.done $0x0  }
0x1e: {  	[sflag:s10] =	ssyncadd.s32 $0xFFFFFD80  }
0x1f: {  	[tilespmem:s12], [sflag:$0x1] =	stream.indirect.gather [hbm4b:s5+s11], $0x40, s29, s11, $0xb8;
	[tilespmem:$0xABC0] =	vst v63  }
0x20: {  	_ = 	snop  }
0x21: {  	[tilespmem:s14], [sflag:$0x1] =	stream.indirect.gather [hbm4b:s6+s13], $0x40, s11, s13, $0xb8;
	[tilespmem:$0xABC0] =	vst v63  }
0x22: {  	_ = 	snop  }
0x23: {  	[tilespmem:s16], [sflag:$0x1] =	stream.indirect.gather [hbm4b:s6+s13], $0x40, s15, s13, $0xb8;
	[tilespmem:$0xABC0] =	vst v63  }
0x24: {  	_ = 	snop  }
0x25: {  	[tilespmem:s18], [sflag:$0x1] =	stream.indirect.gather [hbm4b:s6+s13], $0x40, s17, s13, $0xb8;
	[tilespmem:$0xABC0] =	vst v63  }
0x26: {  	_ = 	snop  }
0x27: {  	[tilespmem:s20], [sflag:$0x1] =	stream.indirect.gather [hbm4b:s6+s13], $0x40, s19, s13, $0xb8;
	[tilespmem:$0xABC0] =	vst v63  }
0x28: {  	_ = 	snop  }
0x29: {  	[tilespmem:s22], [sflag:$0x1] =	stream.indirect.gather [hbm4b:s6+s13], $0x40, s21, s13, $0xb8;
	[tilespmem:$0xABC0] =	vst v63  }
0x2a: {  	_ =	swait.ge [sflag:s23], $0x800  }
0x2b: {  	[sflag:s23] =	ssyncset.done $0x0  }
0x2c: {  	[sflag:s23] =	ssyncadd.s32 $0xFFFFF800  }
0x2d: {  	_ =	swait.ge [sflag:s23], $0x2000  }
0x2e: {  	[sflag:s23] =	ssyncset.done $0x0  }
0x2f: {  	[sflag:s23] =	ssyncadd.s32 $0xFFFFE000  }
0x30: {  	_ =	swait.ge [sflag:s23], $0x2000  }
0x31: {  	[sflag:s23] =	ssyncset.done $0x0  }
0x32: {  	[sflag:s23] =	ssyncadd.s32 $0xFFFFE000  }
0x33: {  	_ =	swait.ge [sflag:s23], $0x2000  }
0x34: {  	[sflag:s23] =	ssyncset.done $0x0  }
0x35: {  	[sflag:s23] =	ssyncadd.s32 $0xFFFFE000  }
0x36: {  	_ =	swait.ge [sflag:s23], $0x2000  }
0x37: {  	[sflag:s23] =	ssyncset.done $0x0  }
0x38: {  	[sflag:s23] =	ssyncadd.s32 $0xFFFFE000  }
0x39: {  	_ =	swait.ge [sflag:s23], $0x2000  }
0x3a: {  	[sflag:s23] =	ssyncset.done $0x0  }
0x3b: {  	[sflag:s23] =	ssyncadd.s32 $0xFFFFE000  }
.LBB2_3:
0x3c: {  	s30 =	sshll.u32 s29, $0x8  }
0x3d: {  	s31 =	sand.u32 $0x3FFFFF00, s30;
	s30 =	smul.u32 $0x5000, s29  }
0x3e: {  	v0 =	vld [tilespmem:s31+$0x2A0]  }
0x3f: {  	v1 =	vld [tilespmem:s31+$0x2B0];
	s30 =	sshra.s32 s30, $0x2  }
0x40: {  	v2 =	vld [tilespmem:s30+$0xAA0]  }
0x41: {  	v3 =	vld [tilespmem:s30+$0xAB0]  }
0x42: {  	v17 =	vld [tilespmem:s31+$0x2C0]  }
0x43: {  	v4 =	vld [tilespmem:s30+$0xAC0]  }
0x44: {  	v18 =	vld [tilespmem:s31+$0x2D0]  }
0x45: {  	v19 =	vld [tilespmem:s30+$0xAD0]  }
0x46: {  	v2 =	vmul.f32 v2, v0;
	v3 =	vmul.f32 v3, v1;
	_ =	sdelay $0x1  }
0x47: {  	v31 =	vmul.f32 v4, v17;
	v2 =	vadd.f32 v3, v2;
	_ =	sdelay $0x1  }
0x48: {  	v32 =	vmul.f32 v19, v18;
	v2 =	vadd.f32 v31, v2;
	_ =	sdelay $0x1  }
0x49: {  	v2 =	vadd.f32 v32, v2;
	_ =	sdelay $0x1  }
0x4a: {  	[tilespmem:$0xAAA0] =	vst v2  }
0x4b: {  	v2 =	vld [tilespmem:s30+$0xAE0]  }
0x4c: {  	v33 =	vld [tilespmem:s30+$0xAF0];
	_ =	sdelay $0x1  }
0x4d: {  	v34 =	vld [tilespmem:s30+$0xB00];
	_ =	sdelay $0x1  }
0x4e: {  	v19 =	vld [tilespmem:s30+$0xB10]  }
0x4f: {  	v2 =	vmul.f32 v2, v0;
	v3 =	vmul.f32 v33, v1;
	_ =	sdelay $0x1  }
0x50: {  	v35 =	vmul.f32 v34, v17;
	v2 =	vadd.f32 v3, v2;
	_ =	sdelay $0x1  }
0x51: {  	v36 =	vmul.f32 v19, v18;
	v2 =	vadd.f32 v35, v2;
	_ =	sdelay $0x1  }
0x52: {  	v2 =	vadd.f32 v36, v2;
	_ =	sdelay $0x1  }
0x53: {  	[tilespmem:$0xAAB0] =	vst v2  }
0x54: {  	v2 =	vld [tilespmem:s30+$0xB20]  }
0x55: {  	v37 =	vld [tilespmem:s30+$0xB30];
	_ =	sdelay $0x1  }
0x56: {  	v38 =	vld [tilespmem:s30+$0xB40];
	_ =	sdelay $0x1  }
0x57: {  	v19 =	vld [tilespmem:s30+$0xB50]  }
0x58: {  	v2 =	vmul.f32 v2, v0;
	v3 =	vmul.f32 v37, v1;
	_ =	sdelay $0x1  }
0x59: {  	v39 =	vmul.f32 v38, v17;
	v2 =	vadd.f32 v3, v2;
	_ =	sdelay $0x1  }
0x5a: {  	v40 =	vmul.f32 v19, v18;
	v2 =	vadd.f32 v39, v2;
	_ =	sdelay $0x1  }
0x5b: {  	v2 =	vadd.f32 v40, v2;
	_ =	sdelay $0x1  }
0x5c: {  	[tilespmem:$0xAAC0] =	vst v2  }
0x5d: {  	v2 =	vld [tilespmem:s30+$0xB60]  }
0x5e: {  	v41 =	vld [tilespmem:s30+$0xB70];
	_ =	sdelay $0x1  }
0x5f: {  	v43 =	vld [tilespmem:s30+$0xB80];
	_ =	sdelay $0x1  }
0x60: {  	v19 =	vld [tilespmem:s30+$0xB90]  }
0x61: {  	v2 =	vmul.f32 v2, v0;
	v3 =	vmul.f32 v41, v1;
	_ =	sdelay $0x1  }
0x62: {  	v44 =	vmul.f32 v43, v17;
	v2 =	vadd.f32 v3, v2;
	_ =	sdelay $0x1  }
0x63: {  	v45 =	vmul.f32 v19, v18;
	v2 =	vadd.f32 v44, v2;
	_ =	sdelay $0x1  }
0x64: {  	v2 =	vadd.f32 v45, v2;
	_ =	sdelay $0x1  }
0x65: {  	[tilespmem:$0xAAD0] =	vst v2  }
0x66: {  	v2 =	vld [tilespmem:s30+$0xBA0]  }
0x67: {  	v46 =	vld [tilespmem:s30+$0xBB0];
	_ =	sdelay $0x1  }
0x68: {  	v47 =	vld [tilespmem:s30+$0xBC0];
	_ =	sdelay $0x1  }
0x69: {  	v19 =	vld [tilespmem:s30+$0xBD0]  }
0x6a: {  	v2 =	vmul.f32 v2, v0;
	v3 =	vmul.f32 v46, v1;
	_ =	sdelay $0x1  }
0x6b: {  	v48 =	vmul.f32 v47, v17;
	v2 =	vadd.f32 v3, v2;
	_ =	sdelay $0x1  }
0x6c: {  	v49 =	vmul.f32 v19, v18;
	v2 =	vadd.f32 v48, v2;
	_ =	sdelay $0x1  }
0x6d: {  	v2 =	vadd.f32 v49, v2;
	_ =	sdelay $0x1  }
0x6e: {  	[tilespmem:$0xAAE0] =	vst v2  }
0x6f: {  	v2 =	vld [tilespmem:s30+$0xBE0]  }
0x70: {  	v50 =	vld [tilespmem:s30+$0xBF0];
	_ =	sdelay $0x1  }
0x71: {  	v51 =	vld [tilespmem:s30+$0xC00];
	_ =	sdelay $0x1  }
0x72: {  	v19 =	vld [tilespmem:s30+$0xC10]  }
0x73: {  	v2 =	vmul.f32 v2, v0;
	v3 =	vmul.f32 v50, v1;
	_ =	sdelay $0x1  }
0x74: {  	v52 =	vmul.f32 v51, v17;
	v2 =	vadd.f32 v3, v2;
	_ =	sdelay $0x1  }
0x75: {  	v53 =	vmul.f32 v19, v18;
	v2 =	vadd.f32 v52, v2;
	_ =	sdelay $0x1  }
0x76: {  	v2 =	vadd.f32 v53, v2;
	_ =	sdelay $0x1  }
0x77: {  	[tilespmem:$0xAAF0] =	vst v2  }
0x78: {  	v2 =	vld [tilespmem:s30+$0xC20]  }
0x79: {  	v54 =	vld [tilespmem:s30+$0xC30];
	_ =	sdelay $0x1  }
0x7a: {  	v55 =	vld [tilespmem:s30+$0xC40];
	_ =	sdelay $0x1  }
0x7b: {  	v19 =	vld [tilespmem:s30+$0xC50]  }
0x7c: {  	v2 =	vmul.f32 v2, v0;
	v3 =	vmul.f32 v54, v1;
	_ =	sdelay $0x1  }
0x7d: {  	v7 =	vmul.f32 v55, v17;
	v2 =	vadd.f32 v3, v2;
	_ =	sdelay $0x1  }
0x7e: {  	v20 =	vmul.f32 v19, v18;
	v2 =	vadd.f32 v7, v2;
	_ =	sdelay $0x1  }
0x7f: {  	v2 =	vadd.f32 v20, v2;
	_ =	sdelay $0x1  }
0x80: {  	[tilespmem:$0xAB00] =	vst v2  }
0x81: {  	v2 =	vld [tilespmem:s30+$0xC60]  }
0x82: {  	v21 =	vld [tilespmem:s30+$0xC70];
	_ =	sdelay $0x1  }
0x83: {  	v22 =	vld [tilespmem:s30+$0xC80];
	_ =	sdelay $0x1  }
0x84: {  	v19 =	vld [tilespmem:s30+$0xC90]  }
0x85: {  	v2 =	vmul.f32 v2, v0;
	v3 =	vmul.f32 v21, v1;
	_ =	sdelay $0x1  }
0x86: {  	v23 =	vmul.f32 v22, v17;
	v2 =	vadd.f32 v3, v2;
	_ =	sdelay $0x1  }
0x87: {  	v24 =	vmul.f32 v19, v18;
	v2 =	vadd.f32 v23, v2;
	_ =	sdelay $0x1  }
0x88: {  	v2 =	vadd.f32 v24, v2;
	_ =	sdelay $0x1  }
0x89: {  	[tilespmem:$0xAB10] =	vst v2  }
0x8a: {  	v2 =	vld [tilespmem:s30+$0xCA0]  }
0x8b: {  	v25 =	vld [tilespmem:s30+$0xCB0];
	_ =	sdelay $0x1  }
0x8c: {  	v26 =	vld [tilespmem:s30+$0xCC0];
	_ =	sdelay $0x1  }
0x8d: {  	v19 =	vld [tilespmem:s30+$0xCD0]  }
0x8e: {  	v2 =	vmul.f32 v2, v0;
	v3 =	vmul.f32 v25, v1;
	_ =	sdelay $0x1  }
0x8f: {  	v27 =	vmul.f32 v26, v17;
	v2 =	vadd.f32 v3, v2;
	_ =	sdelay $0x1  }
0x90: {  	v28 =	vmul.f32 v19, v18;
	v2 =	vadd.f32 v27, v2;
	_ =	sdelay $0x1  }
0x91: {  	v2 =	vadd.f32 v28, v2;
	_ =	sdelay $0x1  }
0x92: {  	[tilespmem:$0xAB20] =	vst v2  }
0x93: {  	v2 =	vld [tilespmem:s30+$0xCE0]  }
0x94: {  	v29 =	vld [tilespmem:s30+$0xCF0];
	_ =	sdelay $0x1  }
0x95: {  	v30 =	vld [tilespmem:s30+$0xD00];
	_ =	sdelay $0x1  }
0x96: {  	v19 =	vld [tilespmem:s30+$0xD10]  }
0x97: {  	v2 =	vmul.f32 v2, v0;
	v3 =	vmul.f32 v29, v1;
	_ =	sdelay $0x1  }
0x98: {  	v31 =	vmul.f32 v30, v17;
	v2 =	vadd.f32 v3, v2;
	_ =	sdelay $0x1  }
0x99: {  	v32 =	vmul.f32 v19, v18;
	v2 =	vadd.f32 v31, v2;
	_ =	sdelay $0x1  }
0x9a: {  	v2 =	vadd.f32 v32, v2;
	_ =	sdelay $0x1  }
0x9b: {  	[tilespmem:$0xAB30] =	vst v2  }
0x9c: {  	v2 =	vld [tilespmem:s30+$0xD20]  }
0x9d: {  	v33 =	vld [tilespmem:s30+$0xD30];
	_ =	sdelay $0x1  }
0x9e: {  	v34 =	vld [tilespmem:s30+$0xD40];
	_ =	sdelay $0x1  }
0x9f: {  	v19 =	vld [tilespmem:s30+$0xD50]  }
0xa0: {  	v2 =	vmul.f32 v2, v0;
	v3 =	vmul.f32 v33, v1;
	_ =	sdelay $0x1  }
0xa1: {  	v35 =	vmul.f32 v34, v17;
	v2 =	vadd.f32 v3, v2;
	_ =	sdelay $0x1  }
0xa2: {  	v36 =	vmul.f32 v19, v18;
	v2 =	vadd.f32 v35, v2;
	_ =	sdelay $0x1  }
0xa3: {  	v2 =	vadd.f32 v36, v2;
	_ =	sdelay $0x1  }
0xa4: {  	[tilespmem:$0xAB40] =	vst v2  }
0xa5: {  	v2 =	vld [tilespmem:s30+$0xD60]  }
0xa6: {  	v37 =	vld [tilespmem:s30+$0xD70];
	_ =	sdelay $0x1  }
0xa7: {  	v38 =	vld [tilespmem:s30+$0xD80];
	_ =	sdelay $0x1  }
0xa8: {  	v19 =	vld [tilespmem:s30+$0xD90]  }
0xa9: {  	v2 =	vmul.f32 v2, v0;
	v3 =	vmul.f32 v37, v1;
	_ =	sdelay $0x1  }
0xaa: {  	v39 =	vmul.f32 v38, v17;
	v2 =	vadd.f32 v3, v2;
	_ =	sdelay $0x1  }
0xab: {  	v40 =	vmul.f32 v19, v18;
	v2 =	vadd.f32 v39, v2;
	_ =	sdelay $0x1  }
0xac: {  	v5 =	vld [tilespmem:$0xABA0];
	v2 =	vadd.f32 v40, v2;
	_ =	sdelay $0x1  }
0xad: {  	[tilespmem:$0xAB50] =	vst v2  }
0xae: {  	v2 =	vld [tilespmem:s30+$0xDA0]  }
0xaf: {  	v41 =	vld [tilespmem:s30+$0xDB0]  }
0xb0: {  	[tilespmem:$0x1FFF0] =	vst v5  }
0xb1: {  	v43 =	vld [tilespmem:s30+$0xDC0];
	_ =	sdelay $0x1  }
0xb2: {  	v19 =	vld [tilespmem:s30+$0xDD0]  }
0xb3: {  	v2 =	vmul.f32 v2, v0;
	v3 =	vmul.f32 v41, v1;
	_ =	sdelay $0x1  }
0xb4: {  	v44 =	vmul.f32 v43, v17;
	v2 =	vadd.f32 v3, v2;
	_ =	sdelay $0x1  }
0xb5: {  	v45 =	vmul.f32 v19, v18;
	v2 =	vadd.f32 v44, v2;
	_ =	sdelay $0x1  }
0xb6: {  	v2 =	vadd.f32 v45, v2;
	_ =	sdelay $0x1  }
0xb7: {  	[tilespmem:$0xAB60] =	vst v2  }
0xb8: {  	v2 =	vld [tilespmem:s30+$0xDE0]  }
0xb9: {  	v46 =	vld [tilespmem:s30+$0xDF0];
	_ =	sdelay $0x1  }
0xba: {  	v47 =	vld [tilespmem:s30+$0xE00];
	_ =	sdelay $0x1  }
0xbb: {  	v19 =	vld [tilespmem:s30+$0xE10]  }
0xbc: {  	v2 =	vmul.f32 v2, v0;
	v3 =	vmul.f32 v46, v1;
	_ =	sdelay $0x1  }
0xbd: {  	v48 =	vmul.f32 v47, v17;
	v2 =	vadd.f32 v3, v2;
	_ =	sdelay $0x1  }
0xbe: {  	v49 =	vmul.f32 v19, v18;
	v2 =	vadd.f32 v48, v2;
	_ =	sdelay $0x1  }
0xbf: {  	v2 =	vadd.f32 v49, v2;
	_ =	sdelay $0x1  }
0xc0: {  	[tilespmem:$0xAB70] =	vst v2  }
0xc1: {  	v2 =	vld [tilespmem:s30+$0xE20]  }
0xc2: {  	v50 =	vld [tilespmem:s30+$0xE30];
	_ =	sdelay $0x1  }
0xc3: {  	v51 =	vld [tilespmem:s30+$0xE40];
	_ =	sdelay $0x1  }
0xc4: {  	v19 =	vld [tilespmem:s30+$0xE50]  }
0xc5: {  	v2 =	vmul.f32 v2, v0;
	v3 =	vmul.f32 v50, v1;
	_ =	sdelay $0x1  }
0xc6: {  	v52 =	vmul.f32 v51, v17;
	v2 =	vadd.f32 v3, v2;
	_ =	sdelay $0x1  }
0xc7: {  	v53 =	vmul.f32 v19, v18;
	v2 =	vadd.f32 v52, v2;
	_ =	sdelay $0x1  }
0xc8: {  	v2 =	vadd.f32 v53, v2;
	_ =	sdelay $0x1  }
0xc9: {  	[tilespmem:$0xAB80] =	vst v2  }
0xca: {  	v2 =	vld [tilespmem:s30+$0xE60]  }
0xcb: {  	v54 =	vld [tilespmem:s30+$0xE70];
	_ =	sdelay $0x1  }
0xcc: {  	v55 =	vld [tilespmem:s30+$0xE80];
	_ =	sdelay $0x1  }
0xcd: {  	v19 =	vld [tilespmem:s30+$0xE90]  }
0xce: {  	v2 =	vmul.f32 v2, v0;
	v3 =	vmul.f32 v54, v1;
	_ =	sdelay $0x1  }
0xcf: {  	v7 =	vmul.f32 v55, v17;
	v2 =	vadd.f32 v3, v2;
	_ =	sdelay $0x1  }
0xd0: {  	v20 =	vmul.f32 v19, v18;
	v2 =	vadd.f32 v7, v2;
	_ =	sdelay $0x1  }
0xd1: {  	v2 =	vadd.f32 v20, v2;
	_ =	sdelay $0x1  }
0xd2: {  	[tilespmem:$0xAB90] =	vst v2  }
0xd3: {  	v2 =	vld.idx.msk [tilespmem:v56+s24+$0x0], $0xffff  }
0xd4: {  	v21 =	vld.idx.msk [tilespmem:v10+s24+$0x0], $0xffff  }
0xd5: {  	v22 =	vld.idx.msk [tilespmem:v11+s24+$0x0], $0xffff  }
0xd6: {  	v23 =	vld.idx.msk [tilespmem:v12+s24+$0x0], $0xffff  }
0xd7: {  	v43 =	vld.idx.msk [tilespmem:v13+s24+$0x0], $0xffff  }
0xd8: {  	v24 =	vld [tilespmem:s30+$0xEA0]  }
0xd9: {  	v25 =	vld [tilespmem:s30+$0xEB0]  }
0xda: {  	v9 =	vld.idx.msk [tilespmem:v14+s24+$0x0], $0xffff  }
0xdb: {  	v27 =	vld [tilespmem:s30+$0xEC0]  }
0xdc: {  	v26 =	vld.idx.msk [tilespmem:v15+s24+$0x0], $0xffff  }
0xdd: {  	v19 =	vld [tilespmem:s30+$0xED0]  }
0xde: {  	v28 =	vld.idx.msk [tilespmem:v16+s24+$0x0], $0xffff;
	[tilespmem:$0x1FE70] =	vst v2;
	v2 =	vmul.f32 v24, v0;
	v3 =	vmul.f32 v25, v1  }
0xdf: {  	v29 =	vld.idx.msk [tilespmem:v57+s24+$0x0], $0xffff  }
0xe0: {  	v30 =	vld.idx.msk [tilespmem:v58+s24+$0x0], $0xffff;
	v32 =	vmul.f32 v27, v17;
	v2 =	vadd.f32 v3, v2  }
0xe1: {  	v31 =	vld.idx.msk [tilespmem:v59+s24+$0x0], $0xffff  }
0xe2: {  	v33 =	vld.idx.msk [tilespmem:v60+s24+$0x0], $0xffff;
	v35 =	vmul.f32 v19, v18;
	v2 =	vadd.f32 v32, v2  }
0xe3: {  	v34 =	vld.idx.msk [tilespmem:v61+s24+$0x0], $0xffff  }
0xe4: {  	v36 =	vld.idx.msk [tilespmem:v62+s24+$0x0], $0xffff;
	v2 =	vadd.f32 v35, v2  }
0xe5: {  	v37 =	vld.idx.msk [tilespmem:v63+s24+$0x0], $0xffff  }
0xe6: {  	v38 =	vld.idx.msk [tilespmem:v42+s24+$0x0], $0xffff;
	[tilespmem:$0xAAA0] =	vst v2  }
0xe7: {  	v2 =	vld [tilespmem:s30+$0xEE0]  }
0xe8: {  	v39 =	vld [tilespmem:s30+$0xEF0];
	_ =	sdelay $0x1  }
0xe9: {  	v40 =	vld [tilespmem:s30+$0xF00];
	_ =	sdelay $0x1  }
0xea: {  	v19 =	vld [tilespmem:s30+$0xF10]  }
0xeb: {  	v2 =	vmul.f32 v2, v0;
	v3 =	vmul.f32 v39, v1;
	_ =	sdelay $0x1  }
0xec: {  	v41 =	vmul.f32 v40, v17;
	v2 =	vadd.f32 v3, v2;
	_ =	sdelay $0x1  }
0xed: {  	v44 =	vmul.f32 v19, v18;
	v2 =	vadd.f32 v41, v2;
	_ =	sdelay $0x1  }
0xee: {  	v2 =	vadd.f32 v44, v2;
	_ =	sdelay $0x1  }
0xef: {  	[tilespmem:$0xAAB0] =	vst v2  }
0xf0: {  	v2 =	vld [tilespmem:s30+$0xF20]  }
0xf1: {  	v45 =	vld [tilespmem:s30+$0xF30];
	_ =	sdelay $0x1  }
0xf2: {  	v46 =	vld [tilespmem:s30+$0xF40];
	_ =	sdelay $0x1  }
0xf3: {  	v19 =	vld [tilespmem:s30+$0xF50]  }
0xf4: {  	v2 =	vmul.f32 v2, v0;
	v3 =	vmul.f32 v45, v1;
	_ =	sdelay $0x1  }
0xf5: {  	v47 =	vmul.f32 v46, v17;
	v2 =	vadd.f32 v3, v2;
	_ =	sdelay $0x1  }
0xf6: {  	v48 =	vmul.f32 v19, v18;
	v2 =	vadd.f32 v47, v2;
	_ =	sdelay $0x1  }
0xf7: {  	v2 =	vadd.f32 v48, v2;
	_ =	sdelay $0x1  }
0xf8: {  	[tilespmem:$0xAAC0] =	vst v2  }
0xf9: {  	v2 =	vld [tilespmem:s30+$0xF60]  }
0xfa: {  	v49 =	vld [tilespmem:s30+$0xF70];
	_ =	sdelay $0x1  }
0xfb: {  	v50 =	vld [tilespmem:s30+$0xF80];
	_ =	sdelay $0x1  }
0xfc: {  	v19 =	vld [tilespmem:s30+$0xF90]  }
0xfd: {  	v0 =	vmul.f32 v2, v0;
	v1 =	vmul.f32 v49, v1;
	_ =	sdelay $0x1  }
0xfe: {  	v51 =	vmul.f32 v50, v17;
	v0 =	vadd.f32 v1, v0;
	_ =	sdelay $0x1  }
0xff: {  	v52 =	vmul.f32 v19, v18;
	v0 =	vadd.f32 v51, v0;
	_ =	sdelay $0x1  }
0x100: {  	v0 =	vadd.f32 v52, v0;
	_ =	sdelay $0x1  }
0x101: {  	[tilespmem:$0xAAD0] =	vst v0  }
0x102: {  	v0 =	vld [tilespmem:s31+$0x2E0]  }
0x103: {  	v1 =	vld [tilespmem:s31+$0x2F0]  }
0x104: {  	v53 =	vld [tilespmem:s30+$0xFA0]  }
0x105: {  	v54 =	vld [tilespmem:s30+$0xFB0]  }
0x106: {  	v17 =	vld [tilespmem:s31+$0x300]  }
0x107: {  	v55 =	vld [tilespmem:s30+$0xFC0]  }
0x108: {  	v18 =	vld [tilespmem:s31+$0x310]  }
0x109: {  	v19 =	vld [tilespmem:s30+$0xFD0]  }
0x10a: {  	v2 =	vmul.f32 v53, v0;
	v3 =	vmul.f32 v54, v1;
	_ =	sdelay $0x1  }
0x10b: {  	v7 =	vmul.f32 v55, v17;
	v2 =	vadd.f32 v3, v2;
	_ =	sdelay $0x1  }
0x10c: {  	v20 =	vmul.f32 v19, v18;
	v2 =	vadd.f32 v7, v2;
	_ =	sdelay $0x1  }
0x10d: {  	v2 =	vadd.f32 v20, v2;
	_ =	sdelay $0x1  }
0x10e: {  	[tilespmem:$0xAAE0] =	vst v2  }
0x10f: {  	v2 =	vld [tilespmem:s30+$0xFE0]  }
0x110: {  	[tilespmem:$0x1FE80] =	vst v21;
	v21 =	vld [tilespmem:s30+$0xFF0];
	_ =	sdelay $0x1  }
0x111: {  	[tilespmem:$0x1FE90] =	vst v22;
	v22 =	vld [tilespmem:s30+$0x1000];
	_ =	sdelay $0x1  }
0x112: {  	v19 =	vld [tilespmem:s30+$0x1010]  }
0x113: {  	v2 =	vmul.f32 v2, v0;
	v3 =	vmul.f32 v21, v1;
	_ =	sdelay $0x1  }
0x114: {  	[tilespmem:$0x1FEA0] =	vst v23;
	v23 =	vmul.f32 v22, v17;
	v2 =	vadd.f32 v3, v2;
	_ =	sdelay $0x1  }
0x115: {  	v24 =	vmul.f32 v19, v18;
	v2 =	vadd.f32 v23, v2;
	_ =	sdelay $0x1  }
0x116: {  	v2 =	vadd.f32 v24, v2;
	_ =	sdelay $0x1  }
0x117: {  	[tilespmem:$0xAAF0] =	vst v2  }
0x118: {  	v2 =	vld [tilespmem:s30+$0x1020]  }
0x119: {  	v25 =	vld [tilespmem:s30+$0x1030];
	_ =	sdelay $0x1  }
0x11a: {  	[tilespmem:$0x1FEB0] =	vst v26;
	v26 =	vld [tilespmem:s30+$0x1040];
	_ =	sdelay $0x1  }
0x11b: {  	v19 =	vld [tilespmem:s30+$0x1050]  }
0x11c: {  	v2 =	vmul.f32 v2, v0;
	v3 =	vmul.f32 v25, v1;
	_ =	sdelay $0x1  }
0x11d: {  	v27 =	vmul.f32 v26, v17;
	v2 =	vadd.f32 v3, v2;
	_ =	sdelay $0x1  }
0x11e: {  	[tilespmem:$0x1FEC0] =	vst v28;
	v28 =	vmul.f32 v19, v18;
	v2 =	vadd.f32 v27, v2;
	_ =	sdelay $0x1  }
0x11f: {  	v2 =	vadd.f32 v28, v2;
	_ =	sdelay $0x1  }
0x120: {  	[tilespmem:$0xAB00] =	vst v2  }
0x121: {  	v2 =	vld [tilespmem:s30+$0x1060]  }
0x122: {  	[tilespmem:$0x1FED0] =	vst v29;
	v29 =	vld [tilespmem:s30+$0x1070];
	_ =	sdelay $0x1  }
0x123: {  	[tilespmem:$0x1FEE0] =	vst v30;
	v30 =	vld [tilespmem:s30+$0x1080];
	_ =	sdelay $0x1  }
0x124: {  	v19 =	vld [tilespmem:s30+$0x1090]  }
0x125: {  	v2 =	vmul.f32 v2, v0;
	v3 =	vmul.f32 v29, v1;
	_ =	sdelay $0x1  }
0x126: {  	[tilespmem:$0x1FEF0] =	vst v31;
	v31 =	vmul.f32 v30, v17;
	v2 =	vadd.f32 v3, v2;
	_ =	sdelay $0x1  }
0x127: {  	v32 =	vmul.f32 v19, v18;
	v2 =	vadd.f32 v31, v2;
	_ =	sdelay $0x1  }
0x128: {  	v2 =	vadd.f32 v32, v2;
	_ =	sdelay $0x1  }
0x129: {  	[tilespmem:$0xAB10] =	vst v2  }
0x12a: {  	v2 =	vld [tilespmem:s30+$0x10A0]  }
0x12b: {  	[tilespmem:$0x1FF00] =	vst v33;
	v33 =	vld [tilespmem:s30+$0x10B0];
	_ =	sdelay $0x1  }
0x12c: {  	[tilespmem:$0x1FF20] =	vst v34;
	v34 =	vld [tilespmem:s30+$0x10C0];
	_ =	sdelay $0x1  }
0x12d: {  	v19 =	vld [tilespmem:s30+$0x10D0]  }
0x12e: {  	v2 =	vmul.f32 v2, v0;
	v3 =	vmul.f32 v33, v1;
	_ =	sdelay $0x1  }
0x12f: {  	v35 =	vmul.f32 v34, v17;
	v2 =	vadd.f32 v3, v2;
	_ =	sdelay $0x1  }
0x130: {  	[tilespmem:$0x1FF30] =	vst v36;
	v36 =	vmul.f32 v19, v18;
	v2 =	vadd.f32 v35, v2;
	_ =	sdelay $0x1  }
0x131: {  	v2 =	vadd.f32 v36, v2;
	_ =	sdelay $0x1  }
0x132: {  	[tilespmem:$0xAB20] =	vst v2  }
0x133: {  	v2 =	vld [tilespmem:s30+$0x10E0]  }
0x134: {  	[tilespmem:$0x1FF50] =	vst v37;
	v37 =	vld [tilespmem:s30+$0x10F0];
	_ =	sdelay $0x1  }
0x135: {  	[tilespmem:$0x1FF70] =	vst v38;
	v38 =	vld [tilespmem:s30+$0x1100];
	_ =	sdelay $0x1  }
0x136: {  	v19 =	vld [tilespmem:s30+$0x1110]  }
0x137: {  	v2 =	vmul.f32 v2, v0;
	v3 =	vmul.f32 v37, v1;
	_ =	sdelay $0x1  }
0x138: {  	v39 =	vmul.f32 v38, v17;
	v2 =	vadd.f32 v3, v2;
	_ =	sdelay $0x1  }
0x139: {  	v40 =	vmul.f32 v19, v18;
	v2 =	vadd.f32 v39, v2;
	_ =	sdelay $0x1  }
0x13a: {  	v2 =	vadd.f32 v40, v2;
	_ =	sdelay $0x1  }
0x13b: {  	[tilespmem:$0xAB30] =	vst v2  }
0x13c: {  	v2 =	vld [tilespmem:s30+$0x1120]  }
0x13d: {  	v41 =	vld [tilespmem:s30+$0x1130];
	_ =	sdelay $0x1  }
0x13e: {  	v44 =	vld [tilespmem:s30+$0x1140];
	_ =	sdelay $0x1  }
0x13f: {  	v19 =	vld [tilespmem:s30+$0x1150]  }
0x140: {  	v2 =	vmul.f32 v2, v0;
	v3 =	vmul.f32 v41, v1;
	_ =	sdelay $0x1  }
0x141: {  	v45 =	vmul.f32 v44, v17;
	v2 =	vadd.f32 v3, v2;
	_ =	sdelay $0x1  }
0x142: {  	v46 =	vmul.f32 v19, v18;
	v2 =	vadd.f32 v45, v2;
	_ =	sdelay $0x1  }
0x143: {  	v2 =	vadd.f32 v46, v2;
	_ =	sdelay $0x1  }
0x144: {  	[tilespmem:$0xAB40] =	vst v2  }
0x145: {  	v2 =	vld [tilespmem:s30+$0x1160]  }
0x146: {  	v47 =	vld [tilespmem:s30+$0x1170];
	_ =	sdelay $0x1  }
0x147: {  	v48 =	vld [tilespmem:s30+$0x1180];
	_ =	sdelay $0x1  }
0x148: {  	v19 =	vld [tilespmem:s30+$0x1190]  }
0x149: {  	v2 =	vmul.f32 v2, v0;
	v3 =	vmul.f32 v47, v1;
	_ =	sdelay $0x1  }
0x14a: {  	v49 =	vmul.f32 v48, v17;
	v2 =	vadd.f32 v3, v2;
	_ =	sdelay $0x1  }
0x14b: {  	v50 =	vmul.f32 v19, v18;
	v2 =	vadd.f32 v49, v2;
	_ =	sdelay $0x1  }
0x14c: {  	v2 =	vadd.f32 v50, v2;
	_ =	sdelay $0x1  }
0x14d: {  	[tilespmem:$0xAB50] =	vst v2  }
0x14e: {  	v2 =	vld [tilespmem:s30+$0x11A0]  }
0x14f: {  	v51 =	vld [tilespmem:s30+$0x11B0];
	_ =	sdelay $0x1  }
0x150: {  	v52 =	vld [tilespmem:s30+$0x11C0];
	_ =	sdelay $0x1  }
0x151: {  	v19 =	vld [tilespmem:s30+$0x11D0]  }
0x152: {  	v2 =	vmul.f32 v2, v0;
	v3 =	vmul.f32 v51, v1;
	_ =	sdelay $0x1  }
0x153: {  	v53 =	vmul.f32 v52, v17;
	v2 =	vadd.f32 v3, v2;
	_ =	sdelay $0x1  }
0x154: {  	v54 =	vmul.f32 v19, v18;
	v2 =	vadd.f32 v53, v2;
	_ =	sdelay $0x1  }
0x155: {  	v2 =	vadd.f32 v54, v2;
	_ =	sdelay $0x1  }
0x156: {  	[tilespmem:$0xAB60] =	vst v2  }
0x157: {  	v2 =	vld [tilespmem:s30+$0x11E0]  }
0x158: {  	v55 =	vld [tilespmem:s30+$0x11F0];
	_ =	sdelay $0x1  }
0x159: {  	v21 =	vld [tilespmem:s30+$0x1200];
	_ =	sdelay $0x1  }
0x15a: {  	v19 =	vld [tilespmem:s30+$0x1210]  }
0x15b: {  	v2 =	vmul.f32 v2, v0;
	v3 =	vmul.f32 v55, v1;
	_ =	sdelay $0x1  }
0x15c: {  	v22 =	vmul.f32 v21, v17;
	v2 =	vadd.f32 v3, v2;
	_ =	sdelay $0x1  }
0x15d: {  	v23 =	vmul.f32 v19, v18;
	v2 =	vadd.f32 v22, v2;
	_ =	sdelay $0x1  }
0x15e: {  	v2 =	vadd.f32 v23, v2;
	_ =	sdelay $0x1  }
0x15f: {  	[tilespmem:$0xAB70] =	vst v2  }
0x160: {  	v2 =	vld [tilespmem:s30+$0x1220]  }
0x161: {  	v24 =	vld [tilespmem:s30+$0x1230];
	_ =	sdelay $0x1  }
0x162: {  	v25 =	vld [tilespmem:s30+$0x1240];
	_ =	sdelay $0x1  }
0x163: {  	v19 =	vld [tilespmem:s30+$0x1250]  }
0x164: {  	v2 =	vmul.f32 v2, v0;
	v3 =	vmul.f32 v24, v1;
	_ =	sdelay $0x1  }
0x165: {  	v26 =	vmul.f32 v25, v17;
	v2 =	vadd.f32 v3, v2;
	_ =	sdelay $0x1  }
0x166: {  	v27 =	vmul.f32 v19, v18;
	v2 =	vadd.f32 v26, v2;
	_ =	sdelay $0x1  }
0x167: {  	v2 =	vadd.f32 v27, v2;
	_ =	sdelay $0x1  }
0x168: {  	[tilespmem:$0xAB80] =	vst v2  }
0x169: {  	v2 =	vld [tilespmem:s30+$0x1260]  }
0x16a: {  	v28 =	vld [tilespmem:s30+$0x1270];
	_ =	sdelay $0x1  }
0x16b: {  	v29 =	vld [tilespmem:s30+$0x1280];
	_ =	sdelay $0x1  }
0x16c: {  	v19 =	vld [tilespmem:s30+$0x1290]  }
0x16d: {  	v2 =	vmul.f32 v2, v0;
	v3 =	vmul.f32 v28, v1;
	_ =	sdelay $0x1  }
0x16e: {  	v30 =	vmul.f32 v29, v17;
	v2 =	vadd.f32 v3, v2;
	_ =	sdelay $0x1  }
0x16f: {  	v31 =	vmul.f32 v19, v18;
	v2 =	vadd.f32 v30, v2;
	_ =	sdelay $0x1  }
0x170: {  	v2 =	vadd.f32 v31, v2;
	_ =	sdelay $0x1  }
0x171: {  	[tilespmem:$0xAB90] =	vst v2  }
0x172: {  	v48 =	vld.idx.msk [tilespmem:v56+s24+$0x0], $0xffff  }
0x173: {  	v49 =	vld.idx.msk [tilespmem:v10+s24+$0x0], $0xffff  }
0x174: {  	v47 =	vld.idx.msk [tilespmem:v11+s24+$0x0], $0xffff  }
0x175: {  	v46 =	vld.idx.msk [tilespmem:v12+s24+$0x0], $0xffff  }
0x176: {  	v2 =	vld.idx.msk [tilespmem:v14+s24+$0x0], $0xffff  }
0x177: {  	v32 =	vld [tilespmem:s30+$0x12A0]  }
0x178: {  	v33 =	vld [tilespmem:s30+$0x12B0]  }
0x179: {  	v45 =	vld.idx.msk [tilespmem:v13+s24+$0x0], $0xffff  }
0x17a: {  	v34 =	vld [tilespmem:s30+$0x12C0]  }
0x17b: {  	v44 =	vld.idx.msk [tilespmem:v15+s24+$0x0], $0xffff  }
0x17c: {  	v19 =	vld [tilespmem:s30+$0x12D0]  }
0x17d: {  	v35 =	vld.idx.msk [tilespmem:v16+s24+$0x0], $0xffff;
	[tilespmem:$0x1FF10] =	vst v2;
	v2 =	vmul.f32 v32, v0;
	v3 =	vmul.f32 v33, v1  }
0x17e: {  	v36 =	vld.idx.msk [tilespmem:v57+s24+$0x0], $0xffff  }
0x17f: {  	v37 =	vld.idx.msk [tilespmem:v58+s24+$0x0], $0xffff;
	v39 =	vmul.f32 v34, v17;
	v2 =	vadd.f32 v3, v2  }
0x180: {  	v38 =	vld.idx.msk [tilespmem:v59+s24+$0x0], $0xffff  }
0x181: {  	v40 =	vld.idx.msk [tilespmem:v60+s24+$0x0], $0xffff;
	v50 =	vmul.f32 v19, v18;
	v2 =	vadd.f32 v39, v2  }
0x182: {  	v41 =	vld.idx.msk [tilespmem:v61+s24+$0x0], $0xffff  }
0x183: {  	v51 =	vld.idx.msk [tilespmem:v62+s24+$0x0], $0xffff;
	v2 =	vadd.f32 v50, v2  }
0x184: {  	v52 =	vld.idx.msk [tilespmem:v63+s24+$0x0], $0xffff  }
0x185: {  	v53 =	vld.idx.msk [tilespmem:v42+s24+$0x0], $0xffff;
	[tilespmem:$0xAAA0] =	vst v2  }
0x186: {  	v2 =	vld [tilespmem:s30+$0x12E0]  }
0x187: {  	v54 =	vld [tilespmem:s30+$0x12F0];
	_ =	sdelay $0x1  }
0x188: {  	v55 =	vld [tilespmem:s30+$0x1300];
	_ =	sdelay $0x1  }
0x189: {  	v19 =	vld [tilespmem:s30+$0x1310]  }
0x18a: {  	v2 =	vmul.f32 v2, v0;
	v3 =	vmul.f32 v54, v1;
	_ =	sdelay $0x1  }
0x18b: {  	v7 =	vmul.f32 v55, v17;
	v2 =	vadd.f32 v3, v2;
	_ =	sdelay $0x1  }
0x18c: {  	v20 =	vmul.f32 v19, v18;
	v2 =	vadd.f32 v7, v2;
	_ =	sdelay $0x1  }
0x18d: {  	v2 =	vadd.f32 v20, v2;
	_ =	sdelay $0x1  }
0x18e: {  	[tilespmem:$0xAAB0] =	vst v2  }
0x18f: {  	v2 =	vld [tilespmem:s30+$0x1320]  }
0x190: {  	v21 =	vld [tilespmem:s30+$0x1330];
	_ =	sdelay $0x1  }
0x191: {  	v22 =	vld [tilespmem:s30+$0x1340];
	_ =	sdelay $0x1  }
0x192: {  	v19 =	vld [tilespmem:s30+$0x1350]  }
0x193: {  	v2 =	vmul.f32 v2, v0;
	v3 =	vmul.f32 v21, v1;
	_ =	sdelay $0x1  }
0x194: {  	v23 =	vmul.f32 v22, v17;
	v2 =	vadd.f32 v3, v2;
	_ =	sdelay $0x1  }
0x195: {  	v24 =	vmul.f32 v19, v18;
	v2 =	vadd.f32 v23, v2;
	_ =	sdelay $0x1  }
0x196: {  	v2 =	vadd.f32 v24, v2;
	_ =	sdelay $0x1  }
0x197: {  	[tilespmem:$0xAAC0] =	vst v2  }
0x198: {  	v2 =	vld [tilespmem:s30+$0x1360]  }
0x199: {  	v25 =	vld [tilespmem:s30+$0x1370];
	_ =	sdelay $0x1  }
0x19a: {  	v26 =	vld [tilespmem:s30+$0x1380];
	_ =	sdelay $0x1  }
0x19b: {  	v19 =	vld [tilespmem:s30+$0x1390]  }
0x19c: {  	v2 =	vmul.f32 v2, v0;
	v3 =	vmul.f32 v25, v1;
	_ =	sdelay $0x1  }
0x19d: {  	v27 =	vmul.f32 v26, v17;
	v2 =	vadd.f32 v3, v2;
	_ =	sdelay $0x1  }
0x19e: {  	v28 =	vmul.f32 v19, v18;
	v2 =	vadd.f32 v27, v2;
	_ =	sdelay $0x1  }
0x19f: {  	v2 =	vadd.f32 v28, v2;
	_ =	sdelay $0x1  }
0x1a0: {  	[tilespmem:$0xAAD0] =	vst v2  }
0x1a1: {  	v2 =	vld [tilespmem:s30+$0x13A0]  }
0x1a2: {  	v29 =	vld [tilespmem:s30+$0x13B0];
	_ =	sdelay $0x1  }
0x1a3: {  	v30 =	vld [tilespmem:s30+$0x13C0];
	_ =	sdelay $0x1  }
0x1a4: {  	v19 =	vld [tilespmem:s30+$0x13D0]  }
0x1a5: {  	v2 =	vmul.f32 v2, v0;
	v3 =	vmul.f32 v29, v1;
	_ =	sdelay $0x1  }
0x1a6: {  	v31 =	vmul.f32 v30, v17;
	v2 =	vadd.f32 v3, v2;
	_ =	sdelay $0x1  }
0x1a7: {  	v32 =	vmul.f32 v19, v18;
	v2 =	vadd.f32 v31, v2;
	_ =	sdelay $0x1  }
0x1a8: {  	v2 =	vadd.f32 v32, v2;
	_ =	sdelay $0x1  }
0x1a9: {  	[tilespmem:$0xAAE0] =	vst v2  }
0x1aa: {  	v2 =	vld [tilespmem:s30+$0x13E0]  }
0x1ab: {  	v33 =	vld [tilespmem:s30+$0x13F0];
	_ =	sdelay $0x1  }
0x1ac: {  	v34 =	vld [tilespmem:s30+$0x1400];
	_ =	sdelay $0x1  }
0x1ad: {  	v19 =	vld [tilespmem:s30+$0x1410]  }
0x1ae: {  	v2 =	vmul.f32 v2, v0;
	v3 =	vmul.f32 v33, v1;
	_ =	sdelay $0x1  }
0x1af: {  	[tilespmem:$0x1FF40] =	vst v35;
	v35 =	vmul.f32 v34, v17;
	v2 =	vadd.f32 v3, v2;
	_ =	sdelay $0x1  }
0x1b0: {  	[tilespmem:$0x1FF60] =	vst v36;
	v36 =	vmul.f32 v19, v18;
	v2 =	vadd.f32 v35, v2;
	_ =	sdelay $0x1  }
0x1b1: {  	v2 =	vadd.f32 v36, v2;
	_ =	sdelay $0x1  }
0x1b2: {  	[tilespmem:$0xAAF0] =	vst v2  }
0x1b3: {  	v2 =	vld [tilespmem:s30+$0x1420]  }
0x1b4: {  	[tilespmem:$0x1FF80] =	vst v37;
	v37 =	vld [tilespmem:s30+$0x1430];
	_ =	sdelay $0x1  }
0x1b5: {  	[tilespmem:$0x1FF90] =	vst v38;
	v38 =	vld [tilespmem:s30+$0x1440];
	_ =	sdelay $0x1  }
0x1b6: {  	v19 =	vld [tilespmem:s30+$0x1450]  }
0x1b7: {  	v2 =	vmul.f32 v2, v0;
	v3 =	vmul.f32 v37, v1;
	_ =	sdelay $0x1  }
0x1b8: {  	v39 =	vmul.f32 v38, v17;
	v2 =	vadd.f32 v3, v2;
	_ =	sdelay $0x1  }
0x1b9: {  	[tilespmem:$0x1FFA0] =	vst v40;
	v40 =	vmul.f32 v19, v18;
	v2 =	vadd.f32 v39, v2;
	_ =	sdelay $0x1  }
0x1ba: {  	v2 =	vadd.f32 v40, v2;
	_ =	sdelay $0x1  }
0x1bb: {  	[tilespmem:$0xAB00] =	vst v2  }
0x1bc: {  	v2 =	vld [tilespmem:s30+$0x1460]  }
0x1bd: {  	[tilespmem:$0x1FFB0] =	vst v41;
	v41 =	vld [tilespmem:s30+$0x1470];
	_ =	sdelay $0x1  }
0x1be: {  	v50 =	vld [tilespmem:s30+$0x1480];
	_ =	sdelay $0x1  }
0x1bf: {  	v19 =	vld [tilespmem:s30+$0x1490]  }
0x1c0: {  	v0 =	vmul.f32 v2, v0;
	v1 =	vmul.f32 v41, v1;
	_ =	sdelay $0x1  }
0x1c1: {  	[tilespmem:$0x1FFC0] =	vst v51;
	v51 =	vmul.f32 v50, v17;
	v0 =	vadd.f32 v1, v0;
	_ =	sdelay $0x1  }
0x1c2: {  	[tilespmem:$0x1FFD0] =	vst v52;
	v52 =	vmul.f32 v19, v18;
	v0 =	vadd.f32 v51, v0;
	_ =	sdelay $0x1  }
0x1c3: {  	v0 =	vadd.f32 v52, v0;
	_ =	sdelay $0x1  }
0x1c4: {  	[tilespmem:$0xAB10] =	vst v0  }
0x1c5: {  	v17 =	vld [tilespmem:s31+$0x320]  }
0x1c6: {  	v18 =	vld [tilespmem:s31+$0x330]  }
0x1c7: {  	v0 =	vld [tilespmem:s30+$0x14A0]  }
0x1c8: {  	[tilespmem:$0x1FFE0] =	vst v53;
	v53 =	vld [tilespmem:s30+$0x14B0]  }
0x1c9: {  	v19 =	vld [tilespmem:s31+$0x340]  }
0x1ca: {  	v54 =	vld [tilespmem:s30+$0x14C0]  }
0x1cb: {  	v20 =	vld [tilespmem:s31+$0x350]  }
0x1cc: {  	v55 =	vld [tilespmem:s30+$0x14D0]  }
0x1cd: {  	v0 =	vmul.f32 v0, v17;
	v1 =	vmul.f32 v53, v18;
	_ =	sdelay $0x1  }
0x1ce: {  	v6 =	vmul.f32 v54, v19;
	v0 =	vadd.f32 v1, v0;
	_ =	sdelay $0x1  }
0x1cf: {  	v7 =	vmul.f32 v55, v20;
	v0 =	vadd.f32 v6, v0;
	_ =	sdelay $0x1  }
0x1d0: {  	v0 =	vadd.f32 v7, v0;
	_ =	sdelay $0x1  }
0x1d1: {  	[tilespmem:$0xAB20] =	vst v0  }
0x1d2: {  	v0 =	vld [tilespmem:s30+$0x14E0]  }
0x1d3: {  	v21 =	vld [tilespmem:s30+$0x14F0];
	_ =	sdelay $0x1  }
0x1d4: {  	v22 =	vld [tilespmem:s30+$0x1500];
	_ =	sdelay $0x1  }
0x1d5: {  	v23 =	vld [tilespmem:s30+$0x1510]  }
0x1d6: {  	v0 =	vmul.f32 v0, v17;
	v1 =	vmul.f32 v21, v18;
	_ =	sdelay $0x1  }
0x1d7: {  	v24 =	vmul.f32 v22, v19;
	v0 =	vadd.f32 v1, v0;
	_ =	sdelay $0x1  }
0x1d8: {  	v25 =	vmul.f32 v23, v20;
	v0 =	vadd.f32 v24, v0;
	_ =	sdelay $0x1  }
0x1d9: {  	v0 =	vadd.f32 v25, v0;
	_ =	sdelay $0x1  }
0x1da: {  	[tilespmem:$0xAB30] =	vst v0  }
0x1db: {  	v0 =	vld [tilespmem:s30+$0x1520]  }
0x1dc: {  	v26 =	vld [tilespmem:s30+$0x1530];
	_ =	sdelay $0x1  }
0x1dd: {  	v27 =	vld [tilespmem:s30+$0x1540];
	_ =	sdelay $0x1  }
0x1de: {  	v28 =	vld [tilespmem:s30+$0x1550]  }
0x1df: {  	v0 =	vmul.f32 v0, v17;
	v1 =	vmul.f32 v26, v18;
	_ =	sdelay $0x1  }
0x1e0: {  	v29 =	vmul.f32 v27, v19;
	v0 =	vadd.f32 v1, v0;
	_ =	sdelay $0x1  }
0x1e1: {  	v30 =	vmul.f32 v28, v20;
	v0 =	vadd.f32 v29, v0;
	_ =	sdelay $0x1  }
0x1e2: {  	v0 =	vadd.f32 v30, v0;
	_ =	sdelay $0x1  }
0x1e3: {  	[tilespmem:$0xAB40] =	vst v0  }
0x1e4: {  	v0 =	vld [tilespmem:s30+$0x1560]  }
0x1e5: {  	v31 =	vld [tilespmem:s30+$0x1570];
	_ =	sdelay $0x1  }
0x1e6: {  	v32 =	vld [tilespmem:s30+$0x1580];
	_ =	sdelay $0x1  }
0x1e7: {  	v33 =	vld [tilespmem:s30+$0x1590]  }
0x1e8: {  	v0 =	vmul.f32 v0, v17;
	v1 =	vmul.f32 v31, v18;
	_ =	sdelay $0x1  }
0x1e9: {  	v34 =	vmul.f32 v32, v19;
	v0 =	vadd.f32 v1, v0;
	_ =	sdelay $0x1  }
0x1ea: {  	v35 =	vmul.f32 v33, v20;
	v0 =	vadd.f32 v34, v0;
	_ =	sdelay $0x1  }
0x1eb: {  	v0 =	vadd.f32 v35, v0;
	_ =	sdelay $0x1  }
0x1ec: {  	[tilespmem:$0xAB50] =	vst v0  }
0x1ed: {  	v0 =	vld [tilespmem:s30+$0x15A0]  }
0x1ee: {  	v36 =	vld [tilespmem:s30+$0x15B0];
	_ =	sdelay $0x1  }
0x1ef: {  	v37 =	vld [tilespmem:s30+$0x15C0];
	_ =	sdelay $0x1  }
0x1f0: {  	v38 =	vld [tilespmem:s30+$0x15D0]  }
0x1f1: {  	v0 =	vmul.f32 v0, v17;
	v1 =	vmul.f32 v36, v18;
	_ =	sdelay $0x1  }
0x1f2: {  	v39 =	vmul.f32 v37, v19;
	v0 =	vadd.f32 v1, v0;
	_ =	sdelay $0x1  }
0x1f3: {  	v40 =	vmul.f32 v38, v20;
	v0 =	vadd.f32 v39, v0;
	_ =	sdelay $0x1  }
0x1f4: {  	v0 =	vadd.f32 v40, v0;
	_ =	sdelay $0x1  }
0x1f5: {  	[tilespmem:$0xAB60] =	vst v0  }
0x1f6: {  	v0 =	vld [tilespmem:s30+$0x15E0]  }
0x1f7: {  	v41 =	vld [tilespmem:s30+$0x15F0];
	_ =	sdelay $0x1  }
0x1f8: {  	v50 =	vld [tilespmem:s30+$0x1600];
	_ =	sdelay $0x1  }
0x1f9: {  	v51 =	vld [tilespmem:s30+$0x1610]  }
0x1fa: {  	v0 =	vmul.f32 v0, v17;
	v1 =	vmul.f32 v41, v18;
	_ =	sdelay $0x1  }
0x1fb: {  	v52 =	vmul.f32 v50, v19;
	v0 =	vadd.f32 v1, v0;
	_ =	sdelay $0x1  }
0x1fc: {  	v53 =	vmul.f32 v51, v20;
	v0 =	vadd.f32 v52, v0;
	_ =	sdelay $0x1  }
0x1fd: {  	v0 =	vadd.f32 v53, v0;
	_ =	sdelay $0x1  }
0x1fe: {  	[tilespmem:$0xAB70] =	vst v0  }
0x1ff: {  	v0 =	vld [tilespmem:s30+$0x1620]  }
0x200: {  	v54 =	vld [tilespmem:s30+$0x1630];
	_ =	sdelay $0x1  }
0x201: {  	v55 =	vld [tilespmem:s30+$0x1640];
	_ =	sdelay $0x1  }
0x202: {  	v6 =	vld [tilespmem:s30+$0x1650]  }
0x203: {  	v0 =	vmul.f32 v0, v17;
	v1 =	vmul.f32 v54, v18;
	_ =	sdelay $0x1  }
0x204: {  	v7 =	vmul.f32 v55, v19;
	v0 =	vadd.f32 v1, v0;
	_ =	sdelay $0x1  }
0x205: {  	v21 =	vmul.f32 v6, v20;
	v0 =	vadd.f32 v7, v0;
	_ =	sdelay $0x1  }
0x206: {  	v0 =	vadd.f32 v21, v0;
	_ =	sdelay $0x1  }
0x207: {  	[tilespmem:$0xAB80] =	vst v0  }
0x208: {  	v0 =	vld [tilespmem:s30+$0x1660]  }
0x209: {  	v22 =	vld [tilespmem:s30+$0x1670];
	_ =	sdelay $0x1  }
0x20a: {  	v23 =	vld [tilespmem:s30+$0x1680];
	_ =	sdelay $0x1  }
0x20b: {  	v24 =	vld [tilespmem:s30+$0x1690]  }
0x20c: {  	v0 =	vmul.f32 v0, v17;
	v1 =	vmul.f32 v22, v18;
	_ =	sdelay $0x1  }
0x20d: {  	v25 =	vmul.f32 v23, v19;
	v0 =	vadd.f32 v1, v0;
	_ =	sdelay $0x1  }
0x20e: {  	v26 =	vmul.f32 v24, v20;
	v0 =	vadd.f32 v25, v0;
	_ =	sdelay $0x1  }
0x20f: {  	v0 =	vadd.f32 v26, v0;
	_ =	sdelay $0x1  }
0x210: {  	[tilespmem:$0xAB90] =	vst v0  }
0x211: {  	v1 =	vld.idx.msk [tilespmem:v56+s24+$0x0], $0xffff  }
0x212: {  	v0 =	vld.idx.msk [tilespmem:v10+s24+$0x0], $0xffff  }
0x213: {  	v34 =	vld.idx.msk [tilespmem:v11+s24+$0x0], $0xffff  }
0x214: {  	v35 =	vld.idx.msk [tilespmem:v12+s24+$0x0], $0xffff  }
0x215: {  	v36 =	vld.idx.msk [tilespmem:v13+s24+$0x0], $0xffff  }
0x216: {  	v27 =	vld [tilespmem:s30+$0x16A0]  }
0x217: {  	v28 =	vld [tilespmem:s30+$0x16B0]  }
0x218: {  	v37 =	vld.idx.msk [tilespmem:v14+s24+$0x0], $0xffff  }
0x219: {  	v29 =	vld [tilespmem:s30+$0x16C0]  }
0x21a: {  	v38 =	vld.idx.msk [tilespmem:v15+s24+$0x0], $0xffff  }
0x21b: {  	v21 =	vld [tilespmem:s30+$0x16D0]  }
0x21c: {  	v39 =	vld.idx.msk [tilespmem:v16+s24+$0x0], $0xffff;
	v2 =	vmul.f32 v27, v17;
	v3 =	vmul.f32 v28, v18  }
0x21d: {  	v40 =	vld.idx.msk [tilespmem:v57+s24+$0x0], $0xffff  }
0x21e: {  	v41 =	vmov v42;
	v42 =	vld.idx.msk [tilespmem:v58+s24+$0x0], $0xffff;
	v30 =	vmul.f32 v29, v19;
	v2 =	vadd.f32 v3, v2  }
0x21f: {  	v55 =	vld.idx.msk [tilespmem:v59+s24+$0x0], $0xffff  }
0x220: {  	v54 =	vld.idx.msk [tilespmem:v60+s24+$0x0], $0xffff;
	v31 =	vmul.f32 v21, v20;
	v2 =	vadd.f32 v30, v2  }
0x221: {  	v52 =	vld.idx.msk [tilespmem:v61+s24+$0x0], $0xffff  }
0x222: {  	v53 =	vld.idx.msk [tilespmem:v62+s24+$0x0], $0xffff;
	v2 =	vadd.f32 v31, v2  }
0x223: {  	v51 =	vld.idx.msk [tilespmem:v63+s24+$0x0], $0xffff  }
0x224: {  	v50 =	vld.idx.msk [tilespmem:v41+s24+$0x0], $0xffff;
	[tilespmem:$0xAAA0] =	vst v2  }
0x225: {  	v2 =	vld [tilespmem:s30+$0x16E0]  }
0x226: {  	v32 =	vld [tilespmem:s30+$0x16F0];
	_ =	sdelay $0x1  }
0x227: {  	v33 =	vld [tilespmem:s30+$0x1700];
	_ =	sdelay $0x1  }
0x228: {  	v24 =	vld [tilespmem:s30+$0x1710]  }
0x229: {  	v2 =	vmul.f32 v2, v17;
	v3 =	vmul.f32 v32, v18;
	_ =	sdelay $0x1  }
0x22a: {  	v25 =	vmul.f32 v33, v19;
	v2 =	vadd.f32 v3, v2;
	_ =	sdelay $0x1  }
0x22b: {  	v26 =	vmul.f32 v24, v20;
	v2 =	vadd.f32 v25, v2;
	_ =	sdelay $0x1  }
0x22c: {  	v2 =	vadd.f32 v26, v2;
	_ =	sdelay $0x1  }
0x22d: {  	[tilespmem:$0xAAB0] =	vst v2  }
0x22e: {  	v2 =	vld [tilespmem:s30+$0x1720]  }
0x22f: {  	v27 =	vld [tilespmem:s30+$0x1730];
	_ =	sdelay $0x1  }
0x230: {  	v28 =	vld [tilespmem:s30+$0x1740];
	_ =	sdelay $0x1  }
0x231: {  	v29 =	vld [tilespmem:s30+$0x1750]  }
0x232: {  	v2 =	vmul.f32 v2, v17;
	v3 =	vmul.f32 v27, v18;
	_ =	sdelay $0x1  }
0x233: {  	v30 =	vmul.f32 v28, v19;
	v2 =	vadd.f32 v3, v2;
	_ =	sdelay $0x1  }
0x234: {  	v31 =	vmul.f32 v29, v20;
	v2 =	vadd.f32 v30, v2;
	_ =	sdelay $0x1  }
0x235: {  	v2 =	vadd.f32 v31, v2;
	_ =	sdelay $0x1  }
0x236: {  	[tilespmem:$0xAAC0] =	vst v2  }
0x237: {  	v2 =	vld [tilespmem:s30+$0x1760]  }
0x238: {  	v32 =	vld [tilespmem:s30+$0x1770];
	_ =	sdelay $0x1  }
0x239: {  	v33 =	vld [tilespmem:s30+$0x1780];
	_ =	sdelay $0x1  }
0x23a: {  	v24 =	vld [tilespmem:s30+$0x1790]  }
0x23b: {  	v2 =	vmul.f32 v2, v17;
	v3 =	vmul.f32 v32, v18;
	_ =	sdelay $0x1  }
0x23c: {  	v25 =	vmul.f32 v33, v19;
	v2 =	vadd.f32 v3, v2;
	_ =	sdelay $0x1  }
0x23d: {  	v26 =	vmul.f32 v24, v20;
	v2 =	vadd.f32 v25, v2;
	_ =	sdelay $0x1  }
0x23e: {  	v2 =	vadd.f32 v26, v2;
	_ =	sdelay $0x1  }
0x23f: {  	[tilespmem:$0xAAD0] =	vst v2  }
0x240: {  	v2 =	vld [tilespmem:s30+$0x17A0]  }
0x241: {  	v27 =	vld [tilespmem:s30+$0x17B0];
	_ =	sdelay $0x1  }
0x242: {  	v28 =	vld [tilespmem:s30+$0x17C0];
	_ =	sdelay $0x1  }
0x243: {  	v29 =	vld [tilespmem:s30+$0x17D0]  }
0x244: {  	v2 =	vmul.f32 v2, v17;
	v3 =	vmul.f32 v27, v18;
	_ =	sdelay $0x1  }
0x245: {  	v30 =	vmul.f32 v28, v19;
	v2 =	vadd.f32 v3, v2;
	_ =	sdelay $0x1  }
0x246: {  	v31 =	vmul.f32 v29, v20;
	v2 =	vadd.f32 v30, v2;
	_ =	sdelay $0x1  }
0x247: {  	v2 =	vadd.f32 v31, v2;
	_ =	sdelay $0x1  }
0x248: {  	[tilespmem:$0xAAE0] =	vst v2  }
0x249: {  	v2 =	vld [tilespmem:s30+$0x17E0]  }
0x24a: {  	v32 =	vld [tilespmem:s30+$0x17F0];
	_ =	sdelay $0x1  }
0x24b: {  	v33 =	vld [tilespmem:s30+$0x1800];
	_ =	sdelay $0x1  }
0x24c: {  	v24 =	vld [tilespmem:s30+$0x1810]  }
0x24d: {  	v2 =	vmul.f32 v2, v17;
	v3 =	vmul.f32 v32, v18;
	_ =	sdelay $0x1  }
0x24e: {  	v25 =	vmul.f32 v33, v19;
	v2 =	vadd.f32 v3, v2;
	_ =	sdelay $0x1  }
0x24f: {  	v26 =	vmul.f32 v24, v20;
	v2 =	vadd.f32 v25, v2;
	_ =	sdelay $0x1  }
0x250: {  	v2 =	vadd.f32 v26, v2;
	_ =	sdelay $0x1  }
0x251: {  	[tilespmem:$0xAAF0] =	vst v2  }
0x252: {  	v2 =	vld [tilespmem:s30+$0x1820]  }
0x253: {  	v27 =	vld [tilespmem:s30+$0x1830];
	_ =	sdelay $0x1  }
0x254: {  	v28 =	vld [tilespmem:s30+$0x1840];
	_ =	sdelay $0x1  }
0x255: {  	v29 =	vld [tilespmem:s30+$0x1850]  }
0x256: {  	v2 =	vmul.f32 v2, v17;
	v3 =	vmul.f32 v27, v18;
	_ =	sdelay $0x1  }
0x257: {  	v30 =	vmul.f32 v28, v19;
	v2 =	vadd.f32 v3, v2;
	_ =	sdelay $0x1  }
0x258: {  	v31 =	vmul.f32 v29, v20;
	v2 =	vadd.f32 v30, v2;
	_ =	sdelay $0x1  }
0x259: {  	v2 =	vadd.f32 v31, v2;
	_ =	sdelay $0x1  }
0x25a: {  	[tilespmem:$0xAB00] =	vst v2  }
0x25b: {  	v2 =	vld [tilespmem:s30+$0x1860]  }
0x25c: {  	v32 =	vld [tilespmem:s30+$0x1870];
	_ =	sdelay $0x1  }
0x25d: {  	v33 =	vld [tilespmem:s30+$0x1880];
	_ =	sdelay $0x1  }
0x25e: {  	v24 =	vld [tilespmem:s30+$0x1890]  }
0x25f: {  	v2 =	vmul.f32 v2, v17;
	v3 =	vmul.f32 v32, v18;
	_ =	sdelay $0x1  }
0x260: {  	v25 =	vmul.f32 v33, v19;
	v2 =	vadd.f32 v3, v2;
	_ =	sdelay $0x1  }
0x261: {  	v26 =	vmul.f32 v24, v20;
	v2 =	vadd.f32 v25, v2;
	_ =	sdelay $0x1  }
0x262: {  	v2 =	vadd.f32 v26, v2;
	_ =	sdelay $0x1  }
0x263: {  	[tilespmem:$0xAB10] =	vst v2  }
0x264: {  	v2 =	vld [tilespmem:s30+$0x18A0]  }
0x265: {  	v27 =	vld [tilespmem:s30+$0x18B0];
	_ =	sdelay $0x1  }
0x266: {  	v28 =	vld [tilespmem:s30+$0x18C0];
	_ =	sdelay $0x1  }
0x267: {  	v29 =	vld [tilespmem:s30+$0x18D0]  }
0x268: {  	v2 =	vmul.f32 v2, v17;
	v3 =	vmul.f32 v27, v18;
	_ =	sdelay $0x1  }
0x269: {  	v30 =	vmul.f32 v28, v19;
	v2 =	vadd.f32 v3, v2;
	_ =	sdelay $0x1  }
0x26a: {  	v31 =	vmul.f32 v29, v20;
	v2 =	vadd.f32 v30, v2;
	_ =	sdelay $0x1  }
0x26b: {  	v2 =	vadd.f32 v31, v2;
	_ =	sdelay $0x1  }
0x26c: {  	[tilespmem:$0xAB20] =	vst v2  }
0x26d: {  	v2 =	vld [tilespmem:s30+$0x18E0]  }
0x26e: {  	v32 =	vld [tilespmem:s30+$0x18F0];
	_ =	sdelay $0x1  }
0x26f: {  	v33 =	vld [tilespmem:s30+$0x1900];
	_ =	sdelay $0x1  }
0x270: {  	v24 =	vld [tilespmem:s30+$0x1910]  }
0x271: {  	v2 =	vmul.f32 v2, v17;
	v3 =	vmul.f32 v32, v18;
	_ =	sdelay $0x1  }
0x272: {  	v25 =	vmul.f32 v33, v19;
	v2 =	vadd.f32 v3, v2;
	_ =	sdelay $0x1  }
0x273: {  	v26 =	vmul.f32 v24, v20;
	v2 =	vadd.f32 v25, v2;
	_ =	sdelay $0x1  }
0x274: {  	v2 =	vadd.f32 v26, v2;
	_ =	sdelay $0x1  }
0x275: {  	[tilespmem:$0xAB30] =	vst v2  }
0x276: {  	v2 =	vld [tilespmem:s30+$0x1920]  }
0x277: {  	v27 =	vld [tilespmem:s30+$0x1930];
	_ =	sdelay $0x1  }
0x278: {  	v28 =	vld [tilespmem:s30+$0x1940];
	_ =	sdelay $0x1  }
0x279: {  	v29 =	vld [tilespmem:s30+$0x1950]  }
0x27a: {  	v2 =	vmul.f32 v2, v17;
	v3 =	vmul.f32 v27, v18;
	_ =	sdelay $0x1  }
0x27b: {  	v30 =	vmul.f32 v28, v19;
	v2 =	vadd.f32 v3, v2;
	_ =	sdelay $0x1  }
0x27c: {  	v31 =	vmul.f32 v29, v20;
	v2 =	vadd.f32 v30, v2;
	_ =	sdelay $0x1  }
0x27d: {  	v2 =	vadd.f32 v31, v2;
	_ =	sdelay $0x1  }
0x27e: {  	[tilespmem:$0xAB40] =	vst v2  }
0x27f: {  	v2 =	vld [tilespmem:s30+$0x1960]  }
0x280: {  	v32 =	vld [tilespmem:s30+$0x1970];
	_ =	sdelay $0x1  }
0x281: {  	v33 =	vld [tilespmem:s30+$0x1980];
	_ =	sdelay $0x1  }
0x282: {  	v24 =	vld [tilespmem:s30+$0x1990]  }
0x283: {  	v2 =	vmul.f32 v2, v17;
	v3 =	vmul.f32 v32, v18;
	_ =	sdelay $0x1  }
0x284: {  	v25 =	vmul.f32 v33, v19;
	v2 =	vadd.f32 v3, v2;
	_ =	sdelay $0x1  }
0x285: {  	v26 =	vmul.f32 v24, v20;
	v2 =	vadd.f32 v25, v2;
	_ =	sdelay $0x1  }
0x286: {  	v2 =	vadd.f32 v26, v2;
	_ =	sdelay $0x1  }
0x287: {  	[tilespmem:$0xAB50] =	vst v2  }
0x288: {  	v19 =	vld [tilespmem:s31+$0x360]  }
0x289: {  	v20 =	vld [tilespmem:s31+$0x370]  }
0x28a: {  	v2 =	vld [tilespmem:s30+$0x19A0]  }
0x28b: {  	v27 =	vld [tilespmem:s30+$0x19B0]  }
0x28c: {  	v18 =	vld [tilespmem:s31+$0x380]  }
0x28d: {  	v28 =	vld [tilespmem:s30+$0x19C0]  }
0x28e: {  	v17 =	vld [tilespmem:s31+$0x390]  }
0x28f: {  	v29 =	vld [tilespmem:s30+$0x19D0]  }
0x290: {  	v2 =	vmul.f32 v2, v19;
	v3 =	vmul.f32 v27, v20;
	_ =	sdelay $0x1  }
0x291: {  	v30 =	vmul.f32 v28, v18;
	v2 =	vadd.f32 v3, v2;
	_ =	sdelay $0x1  }
0x292: {  	v31 =	vmul.f32 v29, v17;
	v2 =	vadd.f32 v30, v2;
	_ =	sdelay $0x1  }
0x293: {  	v2 =	vadd.f32 v31, v2;
	_ =	sdelay $0x1  }
0x294: {  	[tilespmem:$0xAB60] =	vst v2  }
0x295: {  	v2 =	vld [tilespmem:s30+$0x19E0]  }
0x296: {  	v32 =	vld [tilespmem:s30+$0x19F0];
	_ =	sdelay $0x1  }
0x297: {  	v33 =	vld [tilespmem:s30+$0x1A00];
	_ =	sdelay $0x1  }
0x298: {  	v7 =	vld [tilespmem:s30+$0x1A10]  }
0x299: {  	v2 =	vmul.f32 v2, v19;
	v3 =	vmul.f32 v32, v20;
	_ =	sdelay $0x1  }
0x29a: {  	v22 =	vmul.f32 v33, v18;
	v2 =	vadd.f32 v3, v2;
	_ =	sdelay $0x1  }
0x29b: {  	v23 =	vmul.f32 v7, v17;
	v2 =	vadd.f32 v22, v2;
	_ =	sdelay $0x1  }
0x29c: {  	v2 =	vadd.f32 v23, v2;
	_ =	sdelay $0x1  }
0x29d: {  	[tilespmem:$0xAB70] =	vst v2  }
0x29e: {  	v2 =	vld [tilespmem:s30+$0x1A20]  }
0x29f: {  	v24 =	vld [tilespmem:s30+$0x1A30];
	_ =	sdelay $0x1  }
0x2a0: {  	v25 =	vld [tilespmem:s30+$0x1A40];
	_ =	sdelay $0x1  }
0x2a1: {  	v26 =	vld [tilespmem:s30+$0x1A50]  }
0x2a2: {  	v2 =	vmul.f32 v2, v19;
	v3 =	vmul.f32 v24, v20;
	_ =	sdelay $0x1  }
0x2a3: {  	v27 =	vmul.f32 v25, v18;
	v2 =	vadd.f32 v3, v2;
	_ =	sdelay $0x1  }
0x2a4: {  	v28 =	vmul.f32 v26, v17;
	v2 =	vadd.f32 v27, v2;
	_ =	sdelay $0x1  }
0x2a5: {  	v2 =	vadd.f32 v28, v2;
	_ =	sdelay $0x1  }
0x2a6: {  	[tilespmem:$0xAB80] =	vst v2  }
0x2a7: {  	v2 =	vld [tilespmem:s30+$0x1A60]  }
0x2a8: {  	v29 =	vld [tilespmem:s30+$0x1A70];
	_ =	sdelay $0x1  }
0x2a9: {  	v30 =	vld [tilespmem:s30+$0x1A80];
	_ =	sdelay $0x1  }
0x2aa: {  	v31 =	vld [tilespmem:s30+$0x1A90]  }
0x2ab: {  	v2 =	vmul.f32 v2, v19;
	v3 =	vmul.f32 v29, v20;
	_ =	sdelay $0x1  }
0x2ac: {  	v32 =	vmul.f32 v30, v18;
	v2 =	vadd.f32 v3, v2;
	_ =	sdelay $0x1  }
0x2ad: {  	v33 =	vmul.f32 v31, v17;
	v2 =	vadd.f32 v32, v2;
	_ =	sdelay $0x1  }
0x2ae: {  	v2 =	vadd.f32 v33, v2;
	_ =	sdelay $0x1  }
0x2af: {  	[tilespmem:$0xAB90] =	vst v2  }
0x2b0: {  	v3 =	vld.idx.msk [tilespmem:v56+s24+$0x0], $0xffff  }
0x2b1: {  	v4 =	vld.idx.msk [tilespmem:v10+s24+$0x0], $0xffff  }
0x2b2: {  	v2 =	vld.idx.msk [tilespmem:v11+s24+$0x0], $0xffff  }
0x2b3: {  	v33 =	vld.idx.msk [tilespmem:v12+s24+$0x0], $0xffff  }
0x2b4: {  	v32 =	vld.idx.msk [tilespmem:v13+s24+$0x0], $0xffff  }
0x2b5: {  	v5 =	vld [tilespmem:s30+$0x1AA0]  }
0x2b6: {  	v22 =	vld [tilespmem:s30+$0x1AB0]  }
0x2b7: {  	v31 =	vld.idx.msk [tilespmem:v14+s24+$0x0], $0xffff  }
0x2b8: {  	v23 =	vld [tilespmem:s30+$0x1AC0]  }
0x2b9: {  	v30 =	vld.idx.msk [tilespmem:v15+s24+$0x0], $0xffff  }
0x2ba: {  	v24 =	vld [tilespmem:s30+$0x1AD0]  }
0x2bb: {  	v28 =	vld.idx.msk [tilespmem:v16+s24+$0x0], $0xffff;
	v21 =	vmul.f32 v5, v19;
	v22 =	vmul.f32 v22, v20  }
0x2bc: {  	v29 =	vld.idx.msk [tilespmem:v57+s24+$0x0], $0xffff  }
0x2bd: {  	v27 =	vld.idx.msk [tilespmem:v58+s24+$0x0], $0xffff;
	v6 =	vmul.f32 v23, v18;
	v21 =	vadd.f32 v22, v21  }
0x2be: {  	v26 =	vld.idx.msk [tilespmem:v59+s24+$0x0], $0xffff  }
0x2bf: {  	v25 =	vld.idx.msk [tilespmem:v60+s24+$0x0], $0xffff;
	v7 =	vmul.f32 v24, v17;
	v21 =	vadd.f32 v6, v21  }
0x2c0: {  	v24 =	vld.idx.msk [tilespmem:v61+s24+$0x0], $0xffff  }
0x2c1: {  	v23 =	vld.idx.msk [tilespmem:v62+s24+$0x0], $0xffff;
	v5 =	vadd.f32 v7, v21  }
0x2c2: {  	v22 =	vld.idx.msk [tilespmem:v63+s24+$0x0], $0xffff  }
0x2c3: {  	v21 =	vld.idx.msk [tilespmem:v41+s24+$0x0], $0xffff;
	[tilespmem:$0xAAA0] =	vst v5  }
0x2c4: {  	v5 =	vld [tilespmem:s30+$0x1AE0]  }
0x2c5: {  	v6 =	vld [tilespmem:s30+$0x1AF0];
	_ =	sdelay $0x1  }
0x2c6: {  	v7 =	vld [tilespmem:s30+$0x1B00];
	_ =	sdelay $0x1  }
0x2c7: {  	v8 =	vld [tilespmem:s30+$0x1B10]  }
0x2c8: {  	v5 =	vmul.f32 v5, v19;
	v6 =	vmul.f32 v6, v20;
	_ =	sdelay $0x1  }
0x2c9: {  	v5 =	vadd.f32 v6, v5;
	v6 =	vmul.f32 v7, v18;
	_ =	sdelay $0x1  }
0x2ca: {  	v5 =	vadd.f32 v6, v5;
	v6 =	vmul.f32 v8, v17;
	_ =	sdelay $0x1  }
0x2cb: {  	v5 =	vadd.f32 v6, v5;
	_ =	sdelay $0x1  }
0x2cc: {  	[tilespmem:$0xAAB0] =	vst v5  }
0x2cd: {  	v5 =	vld [tilespmem:s30+$0x1B20]  }
0x2ce: {  	v6 =	vld [tilespmem:s30+$0x1B30];
	_ =	sdelay $0x1  }
0x2cf: {  	v7 =	vld [tilespmem:s30+$0x1B40];
	_ =	sdelay $0x1  }
0x2d0: {  	v8 =	vld [tilespmem:s30+$0x1B50]  }
0x2d1: {  	v5 =	vmul.f32 v5, v19;
	v6 =	vmul.f32 v6, v20;
	_ =	sdelay $0x1  }
0x2d2: {  	v5 =	vadd.f32 v6, v5;
	v6 =	vmul.f32 v7, v18;
	_ =	sdelay $0x1  }
0x2d3: {  	v5 =	vadd.f32 v6, v5;
	v6 =	vmul.f32 v8, v17;
	_ =	sdelay $0x1  }
0x2d4: {  	v5 =	vadd.f32 v6, v5;
	_ =	sdelay $0x1  }
0x2d5: {  	[tilespmem:$0xAAC0] =	vst v5  }
0x2d6: {  	v5 =	vld [tilespmem:s30+$0x1B60]  }
0x2d7: {  	v6 =	vld [tilespmem:s30+$0x1B70];
	_ =	sdelay $0x1  }
0x2d8: {  	v7 =	vld [tilespmem:s30+$0x1B80];
	_ =	sdelay $0x1  }
0x2d9: {  	v8 =	vld [tilespmem:s30+$0x1B90]  }
0x2da: {  	v5 =	vmul.f32 v5, v19;
	v6 =	vmul.f32 v6, v20;
	_ =	sdelay $0x1  }
0x2db: {  	v5 =	vadd.f32 v6, v5;
	v6 =	vmul.f32 v7, v18;
	_ =	sdelay $0x1  }
0x2dc: {  	v5 =	vadd.f32 v6, v5;
	v6 =	vmul.f32 v8, v17;
	_ =	sdelay $0x1  }
0x2dd: {  	v5 =	vadd.f32 v6, v5;
	_ =	sdelay $0x1  }
0x2de: {  	[tilespmem:$0xAAD0] =	vst v5  }
0x2df: {  	v5 =	vld [tilespmem:s30+$0x1BA0]  }
0x2e0: {  	v6 =	vld [tilespmem:s30+$0x1BB0];
	_ =	sdelay $0x1  }
0x2e1: {  	v7 =	vld [tilespmem:s30+$0x1BC0];
	_ =	sdelay $0x1  }
0x2e2: {  	v8 =	vld [tilespmem:s30+$0x1BD0]  }
0x2e3: {  	v5 =	vmul.f32 v5, v19;
	v6 =	vmul.f32 v6, v20;
	_ =	sdelay $0x1  }
0x2e4: {  	v5 =	vadd.f32 v6, v5;
	v6 =	vmul.f32 v7, v18;
	_ =	sdelay $0x1  }
0x2e5: {  	v5 =	vadd.f32 v6, v5;
	v6 =	vmul.f32 v8, v17;
	_ =	sdelay $0x1  }
0x2e6: {  	v5 =	vadd.f32 v6, v5;
	_ =	sdelay $0x1  }
0x2e7: {  	[tilespmem:$0xAAE0] =	vst v5  }
0x2e8: {  	v5 =	vld [tilespmem:s30+$0x1BE0]  }
0x2e9: {  	v6 =	vld [tilespmem:s30+$0x1BF0];
	_ =	sdelay $0x1  }
0x2ea: {  	v7 =	vld [tilespmem:s30+$0x1C00];
	_ =	sdelay $0x1  }
0x2eb: {  	v8 =	vld [tilespmem:s30+$0x1C10]  }
0x2ec: {  	v5 =	vmul.f32 v5, v19;
	v6 =	vmul.f32 v6, v20;
	_ =	sdelay $0x1  }
0x2ed: {  	v5 =	vadd.f32 v6, v5;
	v6 =	vmul.f32 v7, v18;
	_ =	sdelay $0x1  }
0x2ee: {  	v5 =	vadd.f32 v6, v5;
	v6 =	vmul.f32 v8, v17;
	_ =	sdelay $0x1  }
0x2ef: {  	v5 =	vadd.f32 v6, v5;
	_ =	sdelay $0x1  }
0x2f0: {  	[tilespmem:$0xAAF0] =	vst v5  }
0x2f1: {  	v5 =	vld [tilespmem:s30+$0x1C20]  }
0x2f2: {  	v6 =	vld [tilespmem:s30+$0x1C30];
	_ =	sdelay $0x1  }
0x2f3: {  	v7 =	vld [tilespmem:s30+$0x1C40];
	_ =	sdelay $0x1  }
0x2f4: {  	v8 =	vld [tilespmem:s30+$0x1C50]  }
0x2f5: {  	v5 =	vmul.f32 v5, v19;
	v6 =	vmul.f32 v6, v20;
	_ =	sdelay $0x1  }
0x2f6: {  	v5 =	vadd.f32 v6, v5;
	v6 =	vmul.f32 v7, v18;
	_ =	sdelay $0x1  }
0x2f7: {  	v5 =	vadd.f32 v6, v5;
	v6 =	vmul.f32 v8, v17;
	_ =	sdelay $0x1  }
0x2f8: {  	v5 =	vadd.f32 v6, v5;
	_ =	sdelay $0x1  }
0x2f9: {  	[tilespmem:$0xAB00] =	vst v5  }
0x2fa: {  	v5 =	vld [tilespmem:s30+$0x1C60]  }
0x2fb: {  	v6 =	vld [tilespmem:s30+$0x1C70];
	_ =	sdelay $0x1  }
0x2fc: {  	v7 =	vld [tilespmem:s30+$0x1C80];
	_ =	sdelay $0x1  }
0x2fd: {  	v8 =	vld [tilespmem:s30+$0x1C90]  }
0x2fe: {  	v5 =	vmul.f32 v5, v19;
	v6 =	vmul.f32 v6, v20;
	_ =	sdelay $0x1  }
0x2ff: {  	v5 =	vadd.f32 v6, v5;
	v6 =	vmul.f32 v7, v18;
	_ =	sdelay $0x1  }
0x300: {  	v5 =	vadd.f32 v6, v5;
	v6 =	vmul.f32 v8, v17;
	_ =	sdelay $0x1  }
0x301: {  	v5 =	vadd.f32 v6, v5;
	_ =	sdelay $0x1  }
0x302: {  	[tilespmem:$0xAB10] =	vst v5  }
0x303: {  	v5 =	vld [tilespmem:s30+$0x1CA0]  }
0x304: {  	v6 =	vld [tilespmem:s30+$0x1CB0];
	_ =	sdelay $0x1  }
0x305: {  	v7 =	vld [tilespmem:s30+$0x1CC0];
	_ =	sdelay $0x1  }
0x306: {  	v8 =	vld [tilespmem:s30+$0x1CD0]  }
0x307: {  	v5 =	vmul.f32 v5, v19;
	v6 =	vmul.f32 v6, v20;
	_ =	sdelay $0x1  }
0x308: {  	v5 =	vadd.f32 v6, v5;
	v6 =	vmul.f32 v7, v18;
	_ =	sdelay $0x1  }
0x309: {  	v5 =	vadd.f32 v6, v5;
	v6 =	vmul.f32 v8, v17;
	_ =	sdelay $0x1  }
0x30a: {  	v5 =	vadd.f32 v6, v5;
	_ =	sdelay $0x1  }
0x30b: {  	[tilespmem:$0xAB20] =	vst v5  }
0x30c: {  	v5 =	vld [tilespmem:s30+$0x1CE0]  }
0x30d: {  	v6 =	vld [tilespmem:s30+$0x1CF0];
	_ =	sdelay $0x1  }
0x30e: {  	v7 =	vld [tilespmem:s30+$0x1D00];
	_ =	sdelay $0x1  }
0x30f: {  	v8 =	vld [tilespmem:s30+$0x1D10]  }
0x310: {  	v5 =	vmul.f32 v5, v19;
	v6 =	vmul.f32 v6, v20;
	_ =	sdelay $0x1  }
0x311: {  	v5 =	vadd.f32 v6, v5;
	v6 =	vmul.f32 v7, v18;
	_ =	sdelay $0x1  }
0x312: {  	v5 =	vadd.f32 v6, v5;
	v6 =	vmul.f32 v8, v17;
	_ =	sdelay $0x1  }
0x313: {  	v5 =	vadd.f32 v6, v5;
	_ =	sdelay $0x1  }
0x314: {  	[tilespmem:$0xAB30] =	vst v5  }
0x315: {  	v5 =	vld [tilespmem:s30+$0x1D20]  }
0x316: {  	v6 =	vld [tilespmem:s30+$0x1D30];
	_ =	sdelay $0x1  }
0x317: {  	v7 =	vld [tilespmem:s30+$0x1D40];
	_ =	sdelay $0x1  }
0x318: {  	v8 =	vld [tilespmem:s30+$0x1D50]  }
0x319: {  	v5 =	vmul.f32 v5, v19;
	v6 =	vmul.f32 v6, v20;
	_ =	sdelay $0x1  }
0x31a: {  	v5 =	vadd.f32 v6, v5;
	v6 =	vmul.f32 v7, v18;
	_ =	sdelay $0x1  }
0x31b: {  	v5 =	vadd.f32 v6, v5;
	v6 =	vmul.f32 v8, v17;
	_ =	sdelay $0x1  }
0x31c: {  	v5 =	vadd.f32 v6, v5;
	_ =	sdelay $0x1  }
0x31d: {  	[tilespmem:$0xAB40] =	vst v5  }
0x31e: {  	v5 =	vld [tilespmem:s30+$0x1D60]  }
0x31f: {  	v6 =	vld [tilespmem:s30+$0x1D70];
	_ =	sdelay $0x1  }
0x320: {  	v7 =	vld [tilespmem:s30+$0x1D80];
	_ =	sdelay $0x1  }
0x321: {  	v8 =	vld [tilespmem:s30+$0x1D90]  }
0x322: {  	v5 =	vmul.f32 v5, v19;
	v6 =	vmul.f32 v6, v20;
	_ =	sdelay $0x1  }
0x323: {  	v5 =	vadd.f32 v6, v5;
	v6 =	vmul.f32 v7, v18;
	_ =	sdelay $0x1  }
0x324: {  	v5 =	vadd.f32 v6, v5;
	v6 =	vmul.f32 v8, v17;
	_ =	sdelay $0x1  }
0x325: {  	v5 =	vadd.f32 v6, v5;
	_ =	sdelay $0x1  }
0x326: {  	[tilespmem:$0xAB50] =	vst v5  }
0x327: {  	v5 =	vld [tilespmem:s30+$0x1DA0]  }
0x328: {  	v6 =	vld [tilespmem:s30+$0x1DB0];
	_ =	sdelay $0x1  }
0x329: {  	v7 =	vld [tilespmem:s30+$0x1DC0];
	_ =	sdelay $0x1  }
0x32a: {  	v8 =	vld [tilespmem:s30+$0x1DD0]  }
0x32b: {  	v5 =	vmul.f32 v5, v19;
	v6 =	vmul.f32 v6, v20;
	_ =	sdelay $0x1  }
0x32c: {  	v5 =	vadd.f32 v6, v5;
	v6 =	vmul.f32 v7, v18  }
0x32d: {  	v7 =	vld [tilespmem:$0x1FE70]  }
0x32e: {  	v5 =	vadd.f32 v6, v5;
	v6 =	vmul.f32 v8, v17;
	v8 =	vld [tilespmem:$0x1FE80];
	_ =	sdelay $0x1  }
0x32f: {  	v5 =	vadd.f32 v6, v5;
	v6 =	vld [tilespmem:$0x1FE90];
	_ =	sdelay $0x2  }
0x330: {  	v7 =	vadd.f32 v8, v7;
	_ =	sdelay $0x1  }
0x331: {  	v6 =	vadd.f32 v6, v7;
	v7 =	vld [tilespmem:$0x1FEA0];
	_ =	sdelay $0x4  }
0x332: {  	[tilespmem:$0xAB60] =	vst v5;
	v6 =	vadd.f32 v7, v6  }
0x333: {  	v8 =	vld [tilespmem:s30+$0x1E00]  }
0x334: {  	v6 =	vadd.f32 v43, v6;
	v43 =	vld [tilespmem:$0x1FEB0]  }
0x335: {  	v5 =	vld [tilespmem:s30+$0x1DE0]  }
0x336: {  	v7 =	vld [tilespmem:s30+$0x1DF0]  }
0x337: {  	v6 =	vadd.f32 v9, v6  }
0x338: {  	v9 =	vld [tilespmem:s30+$0x1E10]  }
0x339: {  	v6 =	vadd.f32 v43, v6;
	v43 =	vmul.f32 v8, v18;
	v8 =	vld [tilespmem:$0x1FEC0];
	_ =	sdelay $0x1  }
0x33a: {  	v5 =	vmul.f32 v5, v19;
	v7 =	vmul.f32 v7, v20;
	_ =	sdelay $0x1  }
0x33b: {  	v5 =	vadd.f32 v7, v5  }
0x33c: {  	v6 =	vadd.f32 v8, v6;
	v8 =	vadd.f32 v49, v48;
	v49 =	vmul.f32 v9, v17;
	v9 =	vld [tilespmem:$0x1FED0];
	_ =	sdelay $0x1  }
0x33d: {  	v5 =	vadd.f32 v43, v5;
	v43 =	vld [tilespmem:$0x1FEE0];
	v8 =	vadd.f32 v47, v8;
	_ =	sdelay $0x1  }
0x33e: {  	v47 =	vadd.f32 v46, v8;
	v8 =	vld [tilespmem:$0x1FEF0]  }
0x33f: {  	v6 =	vadd.f32 v9, v6  }
0x340: {  	v9 =	vld [tilespmem:$0x1FF00]  }
0x341: {  	v6 =	vadd.f32 v43, v6;
	_ =	sdelay $0x1  }
0x342: {  	v6 =	vadd.f32 v8, v6  }
0x343: {  	v5 =	vadd.f32 v49, v5  }
0x344: {  	v6 =	vadd.f32 v9, v6;
	v9 =	vld [tilespmem:$0x1FF10]  }
0x345: {  	[tilespmem:$0xAB70] =	vst v5  }
0x346: {  	v5 =	vld [tilespmem:s30+$0x1E20]  }
0x347: {  	v7 =	vadd.f32 v45, v47;
	v8 =	vld [tilespmem:s30+$0x1E30];
	_ =	sdelay $0x1  }
0x348: {  	v7 =	vadd.f32 v9, v7;
	v9 =	vld [tilespmem:s30+$0x1E40]  }
0x349: {  	v48 =	vld [tilespmem:$0x1FF20];
	_ =	sdelay $0x1  }
0x34a: {  	v49 =	vld [tilespmem:$0x1FF30];
	v5 =	vmul.f32 v5, v19;
	v8 =	vmul.f32 v8, v20;
	_ =	sdelay $0x1  }
0x34b: {  	v5 =	vadd.f32 v8, v5;
	v8 =	vmul.f32 v9, v18;
	v9 =	vld [tilespmem:$0x1FF50]  }
0x34c: {  	v6 =	vadd.f32 v48, v6  }
0x34d: {  	v43 =	vld [tilespmem:s30+$0x1E50]  }
0x34e: {  	v48 =	vld [tilespmem:$0x1FF40];
	v6 =	vadd.f32 v49, v6;
	_ =	sdelay $0x1  }
0x34f: {  	v6 =	vadd.f32 v9, v6;
	v9 =	vld [tilespmem:$0x1FF60]  }
0x350: {  	v49 =	vld [tilespmem:$0x1FF70];
	v7 =	vadd.f32 v44, v7  }
0x351: {  	v5 =	vadd.f32 v8, v5;
	v8 =	vmul.f32 v43, v17;
	v43 =	vld [tilespmem:$0x1FF80]  }
0x352: {  	v7 =	vadd.f32 v48, v7  }
0x353: {  	v1 =	vadd.f32 v0, v1;
	v44 =	vld [tilespmem:$0x1FF90];
	v5 =	vadd.f32 v8, v5  }
0x354: {  	v7 =	vadd.f32 v9, v7  }
0x355: {  	v1 =	vadd.f32 v34, v1;
	v8 =	vld [tilespmem:$0x1FFA0];
	[tilespmem:$0xAB80] =	vst v5  }
0x356: {  	v0 =	vadd.f32 v49, v6;
	v47 =	vld [tilespmem:s30+$0x1E60];
	v6 =	vadd.f32 v43, v7  }
0x357: {  	v9 =	vld [tilespmem:$0x1FFB0]  }
0x358: {  	v1 =	vadd.f32 v35, v1;
	v45 =	vand.u32 $0x7FFFFFFF, v0;
	v6 =	vadd.f32 v44, v6  }
0x359: {  	v48 =	vld [tilespmem:$0x1FFC0];
	v46 =	vsub.f32 $0.0e+00, v45  }
0x35a: {  	v1 =	vadd.f32 v36, v1;
	v6 =	vadd.f32 v8, v6;
	v8 =	vld [tilespmem:s30+$0x1E70]  }
0x35b: {  	v5 =	vmul.f32 $1.442695020e+00, v46;
	v7 =	vmul.f32 v47, v19;
	v19 =	vld [tilespmem:$0x1FFD0]  }
0x35c: {  	v1 =	vadd.f32 v37, v1;
	v6 =	vadd.f32 v9, v6;
	v9 =	vld [tilespmem:s30+$0x1E80]  }
0x35d: {  	v36 =	vld [tilespmem:$0x1FFE0];
	(erf) = vpow2.f32 v5  }
0x35e: {  	v1 =	vadd.f32 v38, v1;
	v49 =	vld [tilespmem:s30+$0x1E90];
	v5 =	vadd.f32 v48, v6  }
0x35f: {  	v3 =	vadd.f32 v4, v3;
	v8 =	vmul.f32 v8, v20  }
0x360: {  	v5 =	vadd.f32 v19, v5;
	v19 =	vadd.f32 v39, v1  }
0x361: {  	v34 =	vadd.f32 v8, v7;
	v35 =	vmul.f32 v9, v18  }
0x362: {  	v2 =	vadd.f32 v2, v3;
	v37 =	vadd.f32 v40, v19  }
0x363: {  	v39 =	vmul.f32 v49, v17;
	v1 =	vadd.f32 v36, v5;
	v38 =	vadd.f32 v35, v34  }
0x364: {  	v5 =	vadd.f32 v42, v37  }
0x365: {  	v2 =	vadd.f32 v33, v2;
	v44 =	vand.u32 $0x7FFFFFFF, v1;
	v3 =	vadd.f32 v39, v38  }
0x366: {  	v45 =	vpop (erf);
	v4 =	vsub.f32 $0.0e+00, v44;
	v5 =	vadd.f32 v55, v5  }
0x367: {  	v2 =	vadd.f32 v32, v2;
	v46 =	vadd.f32 $2.000000000e+00, v45;
	[tilespmem:$0xAB90] =	vst v3  }
0x368: {  	v4 =	vmul.f32 $1.442695020e+00, v4;
	v5 =	vadd.f32 v54, v5;
	v47 =	vld.idx.msk [tilespmem:v56+s24+$0x0], $0xffff  }
0x369: {  	v2 =	vadd.f32 v31, v2;
	(erf) = vrcp.f32 v46;
	v48 =	vld.idx.msk [tilespmem:v10+s24+$0x0], $0xffff  }
0x36a: {  	(erf) = vpow2.f32 v4;
	v49 =	vadd.f32 v52, v5  }
0x36b: {  	v2 =	vadd.f32 v30, v2;
	v52 =	vld.idx.msk [tilespmem:v11+s24+$0x0], $0xffff  }
0x36c: {  	v4 =	vadd.f32 v53, v49  }
0x36d: {  	v2 =	vadd.f32 v28, v2;
	v8 =	vld.idx.msk [tilespmem:v12+s24+$0x0], $0xffff  }
0x36e: {  	v3 =	vadd.f32 v48, v47;
	v4 =	vadd.f32 v51, v4  }
0x36f: {  	v2 =	vadd.f32 v29, v2;
	v54 =	vld.idx.msk [tilespmem:v13+s24+$0x0], $0xffff  }
0x370: {  	v3 =	vadd.f32 v52, v3;
	v4 =	vadd.f32 v50, v4  }
0x371: {  	v2 =	vadd.f32 v27, v2;
	v55 =	vld.idx.msk [tilespmem:v14+s24+$0x0], $0xffff  }
0x372: {  	v9 =	vpop (erf);
	v3 =	vadd.f32 v8, v3;
	v17 =	vand.u32 $0x7FFFFFFF, v4  }
0x373: {  	v2 =	vadd.f32 v26, v2;
	v18 =	vld.idx.msk [tilespmem:v15+s24+$0x0], $0xffff;
	v8 =	vpop (erf);
	v17 =	vsub.f32 $0.0e+00, v17  }
0x374: {  	v19 =	vadd.f32 $2.000000000e+00, v8;
	v3 =	vadd.f32 v54, v3  }
0x375: {  	v2 =	vadd.f32 v25, v2;
	v26 =	vmul.f32 $1.442695020e+00, v17;
	v17 =	vld.idx.msk [tilespmem:v16+s24+$0x0], $0xffff  }
0x376: {  	(erf) = vrcp.f32 v19;
	v3 =	vadd.f32 v55, v3  }
0x377: {  	v2 =	vadd.f32 v24, v2;
	v27 =	vld.idx.msk [tilespmem:v57+s24+$0x0], $0xffff;
	(erf) = vpow2.f32 v26  }
0x378: {  	v3 =	vadd.f32 v18, v3  }
0x379: {  	v2 =	vadd.f32 v23, v2;
	v28 =	vld.idx.msk [tilespmem:v58+s24+$0x0], $0xffff  }
0x37a: {  	v3 =	vadd.f32 v17, v3  }
0x37b: {  	v2 =	vadd.f32 v22, v2;
	v17 =	vld.idx.msk [tilespmem:v59+s24+$0x0], $0xffff  }
0x37c: {  	v3 =	vadd.f32 v27, v3  }
0x37d: {  	v2 =	vadd.f32 v21, v2;
	v29 =	vld.idx.msk [tilespmem:v60+s24+$0x0], $0xffff  }
0x37e: {  	v3 =	vadd.f32 v28, v3  }
0x37f: {  	v19 =	vld.idx.msk [tilespmem:v61+s24+$0x0], $0xffff;
	v18 =	vand.u32 $0x7FFFFFFF, v2;
	v30 =	vpop (erf)  }
0x380: {  	v18 =	vsub.f32 $0.0e+00, v18;
	v31 =	vpop (erf);
	v3 =	vadd.f32 v17, v3  }
0x381: {  	v32 =	vld.idx.msk [tilespmem:v62+s24+$0x0], $0xffff;
	v17 =	vadd.f32 $2.000000000e+00, v31  }
0x382: {  	v18 =	vmul.f32 $1.442695020e+00, v18;
	v3 =	vadd.f32 v29, v3  }
0x383: {  	v33 =	vld.idx.msk [tilespmem:v63+s24+$0x0], $0xffff;
	(erf) = vrcp.f32 v17  }
0x384: {  	(erf) = vpow2.f32 v18;
	v3 =	vadd.f32 v19, v3  }
0x385: {  	v17 =	vld.idx.msk [tilespmem:v41+s24+$0x0], $0xffff  }
0x386: {  	v3 =	vadd.f32 v32, v3;
	_ =	sdelay $0x1  }
0x387: {  	v3 =	vadd.f32 v33, v3;
	_ =	sdelay $0x1  }
0x388: {  	v3 =	vadd.f32 v17, v3;
	_ =	sdelay $0x1  }
0x389: {  	v34 =	vpop (erf);
	v17 =	vand.u32 $0x7FFFFFFF, v3  }
0x38a: {  	v18 =	vpop (erf);
	v17 =	vsub.f32 $0.0e+00, v17  }
0x38b: {  	v19 =	vadd.f32 $2.000000000e+00, v18  }
0x38c: {  	v17 =	vmul.f32 $1.442695020e+00, v17  }
0x38d: {  	(erf) = vrcp.f32 v19  }
0x38e: {  	(erf) = vpow2.f32 v17;
	_ =	sdelay $0x7  }
0x38f: {  	v17 =	vpop (erf)  }
0x390: {  	v19 =	vpop (erf)  }
0x391: {  	v6 =	vmul.f32 v9, v45;
	v9 =	vadd.f32 $2.000000000e+00, v19;
	_ =	sdelay $0x1  }
0x392: {  	v35 =	vmul.f32 v6, v6;
	(erf) = vrcp.f32 v9;
	_ =	sdelay $0x1  }
0x393: {  	v9 =	vmul.f32 $1.111111120e-01, v35;
	_ =	sdelay $0x1  }
0x394: {  	v7 =	vmul.f32 v30, v8;
	v9 =	vadd.f32 $1.428571490e-01, v9  }
0x395: {  	v5 =	vmul.f32 v34, v31  }
0x396: {  	v8 =	vmul.f32 v9, v35;
	v9 =	vmul.f32 v7, v7  }
0x397: {  	v20 =	vmul.f32 v5, v5  }
0x398: {  	v36 =	vmul.f32 $1.111111120e-01, v9  }
0x399: {  	v37 =	vmul.f32 $1.111111120e-01, v20;
	v17 =	vmul.f32 v17, v18;
	v8 =	vadd.f32 $2.000000030e-01, v8;
	v18 =	vpop (erf)  }
0x39a: {  	v22 =	vadd.f32 $1.428571490e-01, v36;
	v18 =	vmul.f32 v18, v19  }
0x39b: {  	v38 =	vmul.f32 v17, v17;
	v8 =	vmul.f32 v8, v35;
	v19 =	vadd.f32 $1.428571490e-01, v37  }
0x39c: {  	v22 =	vmul.f32 v22, v9;
	v39 =	vmul.f32 v18, v18  }
0x39d: {  	v8 =	vadd.f32 $3.333333430e-01, v8;
	v19 =	vmul.f32 v19, v20  }
0x39e: {  	v40 =	vmul.f32 $1.111111120e-01, v38;
	v43 =	vadd.f32 $2.000000030e-01, v22;
	v44 =	vmul.f32 $1.111111120e-01, v39  }
0x39f: {  	v8 =	vmul.f32 v8, v35;
	v19 =	vadd.f32 $2.000000030e-01, v19  }
0x3a0: {  	v25 =	vadd.f32 $1.428571490e-01, v40;
	v21 =	vmul.f32 v43, v9;
	v22 =	vadd.f32 $1.428571490e-01, v44  }
0x3a1: {  	v6 =	vadd.f32 v6, v6;
	v8 =	vadd.f32 $1.000000000e+00, v8;
	v19 =	vmul.f32 v19, v20  }
0x3a2: {  	v25 =	vmul.f32 v25, v38;
	v21 =	vadd.f32 $3.333333430e-01, v21;
	v22 =	vmul.f32 v22, v39  }
0x3a3: {  	v6 =	vmul.f32 v8, v6;
	v8 =	vadd.f32 $3.333333430e-01, v19  }
0x3a4: {  	v19 =	vadd.f32 $2.000000030e-01, v25;
	v9 =	vmul.f32 v21, v9;
	v45 =	vadd.f32 $2.000000030e-01, v22  }
0x3a5: {  	v7 =	vadd.f32 v7, v7;
	v46 =	vmul.f32 v8, v20  }
0x3a6: {  	v8 =	vmul.f32 v19, v38;
	v9 =	vadd.f32 $1.000000000e+00, v9;
	v19 =	vmul.f32 v45, v39;
	_ =	sdelay $0x1  }
0x3a7: {  	v8 =	vadd.f32 $3.333333430e-01, v8;
	v7 =	vmul.f32 v9, v7;
	v9 =	vadd.f32 $3.333333430e-01, v19;
	v19 =	vld [tilespmem:$0x1FFF0]  }
0x3a8: {  	v0 =	vmin.f32 v0, $0.0e+00;
	v5 =	vadd.f32 v5, v5  }
0x3a9: {  	v0 =	vsub.f32 v0, v6;
	v6 =	vadd.f32 $1.000000000e+00, v46;
	v8 =	vmul.f32 v8, v38  }
0x3aa: {  	v1 =	vmin.f32 v1, $0.0e+00;
	v4 =	vmin.f32 v4, $0.0e+00  }
0x3ab: {  	v1 =	vsub.f32 v1, v7;
	v5 =	vmul.f32 v6, v5;
	v48 =	vadd.f32 $1.000000000e+00, v8  }
0x3ac: {  	v47 =	vmul.f32 v9, v39;
	v8 =	vadd.f32 v17, v17;
	v0 =	vadd.f32 v0, v19  }
0x3ad: {  	v52 =	vadd.f32 v18, v18;
	v49 =	vsub.f32 v4, v5  }
0x3ae: {  	v50 =	vmul.f32 v48, v8;
	v51 =	vadd.f32 $1.000000000e+00, v47;
	v0 =	vadd.f32 v1, v0  }
0x3af: {  	v2 =	vmin.f32 v2, $0.0e+00  }
0x3b0: {  	v53 =	vsub.f32 v2, v50;
	v54 =	vmul.f32 v51, v52;
	v0 =	vadd.f32 v49, v0  }
0x3b1: {  	p0 =	sne.s32 s29, $0x7;
	v3 =	vmin.f32 v3, $0.0e+00  }
.Ltmp0:
0x3b2: {  	v55 =	vsub.f32 v3, v54;
	v0 =	vadd.f32 v53, v0;
	(pc) =	sbr.rel @p0 .LBB2_3-.Ltmp0, $3  }
0x3b3: {  	_ = 	snop  }
0x3b4: {  	v0 =	vadd.f32 v55, v0;
	_ =	sdelay $0x1  }
0x3b5: {  	s29 =	sadd.s32 $0x1, s29;
	v42 =	vmov v41;
	[tilespmem:$0xABA0] =	vst v0  }
0x3b6: {  	v0 =	vld [tilespmem:$0x2A0]  }
0x3b7: {  	v1 =	vld [tilespmem:$0x2B0]  }
0x3b8: {  	v2 =	vld [tilespmem:$0x2C0]  }
0x3b9: {  	v3 =	vld [tilespmem:$0x2D0]  }
0x3ba: {  	v4 =	vld [tilespmem:$0x2E0]  }
0x3bb: {  	v5 =	vld [tilespmem:$0x2F0]  }
0x3bc: {  	v6 =	vld [tilespmem:$0x300]  }
0x3bd: {  	v7 =	vld [tilespmem:$0x310]  }
0x3be: {  	v8 =	vld [tilespmem:$0x320]  }
0x3bf: {  	v9 =	vld [tilespmem:$0x330]  }
0x3c0: {  	v17 =	vld [tilespmem:$0x340]  }
0x3c1: {  	v18 =	vld [tilespmem:$0x350]  }
0x3c2: {  	v19 =	vld [tilespmem:$0x360]  }
0x3c3: {  	v20 =	vld [tilespmem:$0x370]  }
0x3c4: {  	v21 =	vld [tilespmem:$0x380]  }
0x3c5: {  	v22 =	vld [tilespmem:$0x390]  }
0x3c6: {  	v23 =	vld [tilespmem:$0x3A0]  }
0x3c7: {  	v24 =	vld [tilespmem:$0x3B0]  }
0x3c8: {  	v25 =	vld [tilespmem:$0x3C0]  }
0x3c9: {  	v26 =	vld [tilespmem:$0x3D0]  }
0x3ca: {  	v27 =	vld [tilespmem:$0x3E0]  }
0x3cb: {  	v28 =	vld [tilespmem:$0x3F0]  }
0x3cc: {  	v29 =	vld [tilespmem:$0x400]  }
0x3cd: {  	v30 =	vld [tilespmem:$0x410]  }
0x3ce: {  	v31 =	vld [tilespmem:$0x420]  }
0x3cf: {  	v32 =	vld [tilespmem:$0x430]  }
0x3d0: {  	v33 =	vld [tilespmem:$0x440]  }
0x3d1: {  	v34 =	vld [tilespmem:$0x450]  }
0x3d2: {  	v35 =	vld [tilespmem:$0x460]  }
0x3d3: {  	v36 =	vld [tilespmem:$0x470]  }
0x3d4: {  	v37 =	vld [tilespmem:$0x480]  }
0x3d5: {  	v38 =	vld [tilespmem:$0x490]  }
0x3d6: {  	v39 =	vld [tilespmem:$0x4A0]  }
0x3d7: {  	v40 =	vld [tilespmem:$0x4B0]  }
0x3d8: {  	v44 =	vld [tilespmem:$0x560]  }
0x3d9: {  	v46 =	vmul.f32 v8, v8;
	v8 =	vmul.f32 v9, v9;
	v9 =	vld [tilespmem:$0x4D0]  }
0x3da: {  	v48 =	vmul.f32 v17, v17;
	v17 =	vmul.f32 v21, v21;
	v21 =	vld [tilespmem:$0x530]  }
0x3db: {  	v0 =	vmul.f32 v0, v0;
	v51 =	vmul.f32 v23, v23;
	v23 =	vld [tilespmem:$0x540]  }
0x3dc: {  	v1 =	vmul.f32 v1, v1;
	v53 =	vmul.f32 v28, v28;
	v28 =	vld [tilespmem:$0x590]  }
0x3dd: {  	v4 =	vmul.f32 v4, v4;
	v52 =	vmul.f32 v27, v27;
	v27 =	vld [tilespmem:$0x6E0]  }
0x3de: {  	v5 =	vmul.f32 v5, v5;
	v55 =	vmul.f32 v29, v29;
	v29 =	vld [tilespmem:$0x700]  }
0x3df: {  	v0 =	vadd.f32 v1, v0;
	v1 =	vmul.f32 v3, v3;
	v3 =	vmul.f32 v6, v6;
	v6 =	vld [tilespmem:$0x4C0]  }
0x3e0: {  	v47 =	vadd.f32 v8, v46;
	v8 =	vld [tilespmem:$0x4F0]  }
0x3e1: {  	v2 =	vmul.f32 v2, v2;
	v4 =	vadd.f32 v5, v4;
	v5 =	vld [tilespmem:$0x510]  }
0x3e2: {  	v49 =	vmul.f32 v18, v18;
	v18 =	vmul.f32 v24, v24;
	v46 =	vld [tilespmem:$0x570]  }
0x3e3: {  	v0 =	vadd.f32 v2, v0;
	v2 =	vmul.f32 v19, v19;
	v19 =	vmul.f32 v20, v20;
	v20 =	vld [tilespmem:$0x4E0]  }
0x3e4: {  	v3 =	vadd.f32 v3, v4;
	v4 =	vadd.f32 v18, v51;
	v18 =	vmul.f32 v25, v25;
	v25 =	vld [tilespmem:$0x550]  }
0x3e5: {  	v51 =	vld [tilespmem:$0x5A0]  }
0x3e6: {  	v7 =	vmul.f32 v7, v7;
	v54 =	vmul.f32 v26, v26;
	v2 =	vadd.f32 v19, v2;
	v19 =	vld [tilespmem:$0x500]  }
0x3e7: {  	v0 =	vadd.f32 v1, v0;
	v4 =	vadd.f32 v18, v4;
	v18 =	vmul.f32 v31, v31;
	v31 =	vld [tilespmem:$0x580]  }
0x3e8: {  	v3 =	vadd.f32 v7, v3;
	v7 =	vadd.f32 v53, v52;
	v53 =	vmul.f32 v38, v38;
	v38 =	vld [tilespmem:$0x5D0]  }
0x3e9: {  	v1 =	vadd.f32 v48, v47;
	v48 =	vmul.f32 v36, v36;
	v36 =	vmul.f32 v40, v40;
	v40 =	vld [tilespmem:$0x5F0]  }
0x3ea: {  	v2 =	vadd.f32 v17, v2;
	v17 =	vld [tilespmem:$0x520]  }
0x3eb: {  	v45 =	vmul.f32 v32, v32;
	v4 =	vadd.f32 v54, v4;
	v54 =	vld [tilespmem:$0x5B0]  }
0x3ec: {  	v47 =	vmul.f32 v35, v35;
	v7 =	vadd.f32 v55, v7;
	v55 =	vmul.f32 v39, v39;
	v39 =	vld [tilespmem:$0x5E0]  }
0x3ed: {  	v50 =	vmul.f32 v22, v22;
	v18 =	vadd.f32 v45, v18;
	v45 =	vld [tilespmem:$0x610]  }
0x3ee: {  	v43 =	vmul.f32 v30, v30;
	v22 =	vadd.f32 v48, v47;
	v47 =	vld [tilespmem:$0x620]  }
0x3ef: {  	v2 =	vadd.f32 v50, v2;
	v50 =	vmul.f32 v37, v37;
	v37 =	vld [tilespmem:$0x5C0]  }
0x3f0: {  	v52 =	vmul.f32 v34, v34;
	v7 =	vadd.f32 v43, v7;
	v43 =	vld [tilespmem:$0x600]  }
0x3f1: {  	v8 =	vmul.f32 v8, v8;
	v6 =	vmul.f32 v6, v6;
	v26 =	vadd.f32 v36, v55;
	v36 =	vld [tilespmem:$0x770]  }
0x3f2: {  	v1 =	vadd.f32 v49, v1;
	v49 =	vmul.f32 v33, v33;
	v30 =	vmul.f32 v38, v38;
	v38 =	vld [tilespmem:$0x790]  }
0x3f3: {  	v20 =	vmul.f32 v20, v20;
	v55 =	vmul.f32 v40, v40;
	v40 =	vld [tilespmem:$0x7B0]  }
0x3f4: {  	v18 =	vadd.f32 v49, v18;
	v22 =	vadd.f32 v50, v22;
	v50 =	vmul.f32 v28, v28;
	v28 =	vld [tilespmem:$0x680]  }
0x3f5: {  	v8 =	vadd.f32 v8, v20;
	v19 =	vmul.f32 v19, v19;
	v6 =	vadd.f32 v6, v26;
	v26 =	vld [tilespmem:$0x6D0]  }
0x3f6: {  	v18 =	vadd.f32 v52, v18;
	v52 =	vmul.f32 v54, v54;
	v54 =	vmul.f32 v39, v39;
	v39 =	vld [tilespmem:$0x7A0]  }
0x3f7: {  	v9 =	vmul.f32 v9, v9;
	v8 =	vadd.f32 v19, v8;
	v32 =	vmul.f32 v47, v47;
	v47 =	vld [tilespmem:$0x820]  }
0x3f8: {  	v19 =	vmul.f32 v44, v44;
	v44 =	vmul.f32 v46, v46;
	v22 =	vadd.f32 v53, v22;
	v53 =	vld [tilespmem:$0x640]  }
0x3f9: {  	v5 =	vmul.f32 v5, v5;
	[tilespmem:$0xAAA0] =	vst v0;
	v0 =	vadd.f32 v9, v6;
	v9 =	vmul.f32 v31, v31;
	v31 =	vld [tilespmem:$0x650]  }
0x3fa: {  	v21 =	vmul.f32 v21, v21;
	v48 =	vadd.f32 v44, v19;
	v19 =	vld [tilespmem:$0x630]  }
0x3fb: {  	[tilespmem:$0xAAB0] =	vst v3;
	v17 =	vmul.f32 v17, v17;
	v3 =	vadd.f32 v5, v8;
	v8 =	vmul.f32 v25, v25;
	v25 =	vld [tilespmem:$0x6C0]  }
0x3fc: {  	v44 =	vld [tilespmem:$0x7F0]  }
0x3fd: {  	[tilespmem:$0xAAE0] =	vst v4;
	v46 =	vmul.f32 v23, v23;
	v17 =	vadd.f32 v21, v17;
	v4 =	vadd.f32 v55, v54;
	v54 =	vld [tilespmem:$0x890]  }
0x3fe: {  	v55 =	vld [tilespmem:$0x8B0]  }
0x3ff: {  	v49 =	vadd.f32 v46, v17;
	v17 =	vld [tilespmem:$0x660]  }
0x400: {  	[tilespmem:$0xAAC0] =	vst v1;
	v1 =	vadd.f32 v9, v48;
	v9 =	vmul.f32 v51, v51;
	v51 =	vld [tilespmem:$0x670]  }
0x401: {  	[tilespmem:$0xAB30] =	vst v3;
	v3 =	vmul.f32 v45, v45;
	v45 =	vld [tilespmem:$0x800]  }
0x402: {  	v46 =	vld [tilespmem:$0x810]  }
0x403: {  	v48 =	vld [tilespmem:$0x830]  }
0x404: {  	v35 =	vmul.f32 v31, v31;
	v31 =	vld [tilespmem:$0x720]  }
0x405: {  	[tilespmem:$0xAAD0] =	vst v2;
	v2 =	vadd.f32 v8, v49;
	v8 =	vmul.f32 v37, v37;
	v37 =	vld [tilespmem:$0x780]  }
0x406: {  	v5 =	vadd.f32 v52, v9;
	v9 =	vmul.f32 v43, v43;
	v43 =	vld [tilespmem:$0x7E0]  }
0x407: {  	v49 =	vld [tilespmem:$0x840]  }
0x408: {  	v1 =	vadd.f32 v50, v1;
	v50 =	vld [tilespmem:$0x850]  }
0x409: {  	v52 =	vld [tilespmem:$0x870]  }
0x40a: {  	[tilespmem:$0xAB00] =	vst v18;
	v34 =	vmul.f32 v53, v53;
	v53 =	vld [tilespmem:$0x880]  }
0x40b: {  	[tilespmem:$0xAB20] =	vst v0;
	v18 =	vmul.f32 v19, v19;
	v19 =	vld [tilespmem:$0x690];
	v0 =	vadd.f32 v9, v4;
	v9 =	vmul.f32 v28, v28  }
0x40c: {  	v5 =	vadd.f32 v8, v5;
	v28 =	vld [tilespmem:$0x6F0];
	v8 =	vmul.f32 v17, v17;
	v17 =	vmul.f32 v51, v51  }
0x40d: {  	[tilespmem:$0xAAF0] =	vst v7;
	v33 =	vadd.f32 v18, v32;
	v32 =	vld [tilespmem:$0x730]  }
0x40e: {  	[tilespmem:$0xAB10] =	vst v22;
	v51 =	vld [tilespmem:$0x860];
	v8 =	vadd.f32 v17, v8  }
0x40f: {  	[tilespmem:$0xAB40] =	vst v2;
	v2 =	vadd.f32 v30, v5;
	v30 =	vld [tilespmem:$0x710];
	v4 =	vadd.f32 v34, v33  }
0x410: {  	[tilespmem:$0xAB50] =	vst v1;
	v0 =	vadd.f32 v3, v0;
	v33 =	vld [tilespmem:$0x740];
	v3 =	vmul.f32 v19, v19;
	v1 =	vadd.f32 v9, v8  }
0x411: {  	v34 =	vld [tilespmem:$0x750];
	[tilespmem:$0xAB60] =	vst v2;
	v2 =	vadd.f32 v35, v4  }
0x412: {  	[tilespmem:$0xAB70] =	vst v0;
	v8 =	vld [tilespmem:$0x6A0];
	v0 =	vadd.f32 v3, v1  }
0x413: {  	v9 =	vld [tilespmem:$0x6B0];
	[tilespmem:$0xAB80] =	vst v2  }
0x414: {  	v35 =	vld [tilespmem:$0x760];
	[tilespmem:$0xAB90] =	vst v0  }
0x415: {  	v5 =	vld.idx.msk [tilespmem:v56+s24+$0x0], $0xffff  }
0x416: {  	v6 =	vld.idx.msk [tilespmem:v10+s24+$0x0], $0xffff  }
0x417: {  	v7 =	vld.idx.msk [tilespmem:v11+s24+$0x0], $0xffff  }
0x418: {  	v24 =	vld.idx.msk [tilespmem:v12+s24+$0x0], $0xffff  }
0x419: {  	v23 =	vld.idx.msk [tilespmem:v13+s24+$0x0], $0xffff  }
0x41a: {  	v22 =	vld.idx.msk [tilespmem:v14+s24+$0x0], $0xffff  }
0x41b: {  	v21 =	vld.idx.msk [tilespmem:v15+s24+$0x0], $0xffff  }
0x41c: {  	v20 =	vld.idx.msk [tilespmem:v16+s24+$0x0], $0xffff  }
0x41d: {  	v19 =	vld.idx.msk [tilespmem:v57+s24+$0x0], $0xffff  }
0x41e: {  	v18 =	vld.idx.msk [tilespmem:v58+s24+$0x0], $0xffff  }
0x41f: {  	v17 =	vld.idx.msk [tilespmem:v59+s24+$0x0], $0xffff  }
0x420: {  	v4 =	vld.idx.msk [tilespmem:v60+s24+$0x0], $0xffff  }
0x421: {  	v3 =	vld.idx.msk [tilespmem:v61+s24+$0x0], $0xffff  }
0x422: {  	v0 =	vld.idx.msk [tilespmem:v42+s24+$0x0], $0xffff;
	v8 =	vmul.f32 v8, v8;
	v9 =	vmul.f32 v9, v9  }
0x423: {  	v2 =	vld.idx.msk [tilespmem:v62+s24+$0x0], $0xffff  }
0x424: {  	v42 =	vld [tilespmem:$0x7D0];
	v8 =	vadd.f32 v9, v8;
	v9 =	vmul.f32 v25, v25  }
0x425: {  	v1 =	vld.idx.msk [tilespmem:v63+s24+$0x0], $0xffff  }
0x426: {  	v36 =	vmul.f32 v36, v36;
	v8 =	vadd.f32 v9, v8;
	v9 =	vmul.f32 v31, v31;
	v31 =	vld [tilespmem:$0x920]  }
0x427: {  	v40 =	vmul.f32 v40, v40;
	v26 =	vmul.f32 v26, v26;
	[tilespmem:$0x1FE60] =	vst v0;
	v0 =	vld [tilespmem:$0x7C0]  }
0x428: {  	v5 =	vadd.f32 v6, v5;
	v6 =	vmul.f32 v27, v27;
	v27 =	vmul.f32 v28, v28;
	v28 =	vld [tilespmem:$0x8A0]  }
0x429: {  	v8 =	vadd.f32 v26, v8;
	v26 =	vmul.f32 v39, v39;
	v39 =	vmul.f32 v42, v42;
	v42 =	vld [tilespmem:$0x960]  }
0x42a: {  	v25 =	vadd.f32 v7, v5;
	v5 =	vadd.f32 v27, v6;
	v6 =	vmul.f32 v29, v29;
	v7 =	vld [tilespmem:$0x8C0]  }
0x42b: {  	v44 =	vmul.f32 v44, v44;
	v27 =	vmul.f32 v32, v32;
	v29 =	vld [tilespmem:$0x8D0]  }
0x42c: {  	v54 =	vmul.f32 v54, v54;
	v32 =	vld [tilespmem:$0x8E0];
	v5 =	vadd.f32 v6, v5;
	v6 =	vmul.f32 v35, v35  }
0x42d: {  	v26 =	vadd.f32 v40, v26;
	v40 =	vld [tilespmem:$0x950];
	v9 =	vadd.f32 v27, v9;
	v27 =	vmul.f32 v33, v33  }
0x42e: {  	v30 =	vmul.f32 v30, v30;
	v33 =	vld [tilespmem:$0x8F0];
	v28 =	vmul.f32 v28, v28;
	v6 =	vadd.f32 v36, v6  }
0x42f: {  	v35 =	vld [tilespmem:$0x900];
	v36 =	vmul.f32 v37, v37;
	v9 =	vadd.f32 v27, v9;
	v37 =	vmul.f32 v34, v34  }
0x430: {  	v27 =	vld [tilespmem:$0x910];
	v5 =	vadd.f32 v30, v5;
	v30 =	vmul.f32 v38, v38;
	v34 =	vmul.f32 v0, v0  }
0x431: {  	v38 =	vld [tilespmem:$0x940];
	v0 =	vmul.f32 v46, v46;
	v32 =	vmul.f32 v32, v32  }
0x432: {  	v46 =	vld [tilespmem:$0x980];
	v7 =	vmul.f32 v7, v7;
	v6 =	vadd.f32 v36, v6;
	v9 =	vadd.f32 v37, v9  }
0x433: {  	v36 =	vld [tilespmem:$0x930];
	v37 =	vmul.f32 v45, v45;
	v26 =	vadd.f32 v34, v26;
	v34 =	vmul.f32 v47, v47  }
0x434: {  	v45 =	vld [tilespmem:$0x9A0];
	v33 =	vmul.f32 v33, v33;
	v6 =	vadd.f32 v30, v6;
	v30 =	vmul.f32 v43, v43  }
0x435: {  	v47 =	vld [tilespmem:$0x9B0];
	v43 =	vmul.f32 v48, v48;
	v48 =	vmul.f32 v52, v52;
	v26 =	vadd.f32 v39, v26  }
0x436: {  	v52 =	vmul.f32 v55, v55;
	v39 =	vld [tilespmem:$0x9D0];
	v55 =	vmul.f32 v35, v35;
	v32 =	vadd.f32 v33, v32  }
0x437: {  	v35 =	vld [tilespmem:$0x9E0];
	v27 =	vmul.f32 v27, v27;
	v30 =	vadd.f32 v44, v30;
	v34 =	vadd.f32 v43, v34  }
0x438: {  	v44 =	vld [tilespmem:$0x970];
	v28 =	vadd.f32 v52, v28;
	v32 =	vadd.f32 v55, v32;
	v55 =	vmul.f32 v46, v46  }
0x439: {  	[tilespmem:$0xAAC0] =	vst v9;
	v33 =	vld [tilespmem:$0xA00];
	v9 =	vmul.f32 v45, v45;
	v30 =	vadd.f32 v37, v30;
	v37 =	vmul.f32 v51, v51  }
0x43a: {  	v43 =	vld [tilespmem:$0x990];
	v51 =	vmul.f32 v49, v49;
	v7 =	vadd.f32 v7, v28;
	v49 =	vmul.f32 v31, v31  }
0x43b: {  	v31 =	vmul.f32 v40, v40;
	v28 =	vld [tilespmem:$0xA80];
	v27 =	vadd.f32 v27, v32;
	v30 =	vadd.f32 v0, v30  }
0x43c: {  	v37 =	vadd.f32 v48, v37;
	v0 =	vmul.f32 v53, v53;
	v48 =	vmul.f32 v29, v29;
	v29 =	vld [tilespmem:$0x9F0]  }
0x43d: {  	v34 =	vadd.f32 v51, v34;
	v53 =	vmul.f32 v50, v50;
	v52 =	vmul.f32 v44, v44;
	v44 =	vld [tilespmem:$0xA20]  }
0x43e: {  	v50 =	vmul.f32 v36, v36;
	v51 =	vmul.f32 v42, v42;
	v37 =	vadd.f32 v0, v37;
	v0 =	vld [tilespmem:$0x9C0]  }
0x43f: {  	v34 =	vadd.f32 v53, v34;
	v7 =	vadd.f32 v48, v7;
	v53 =	vmul.f32 v38, v38;
	v38 =	vld [tilespmem:$0xA30]  }
0x440: {  	[tilespmem:$0xAAA0] =	vst v8;
	v8 =	vadd.f32 v50, v49;
	v48 =	vmul.f32 v43, v43;
	v49 =	vld [tilespmem:$0xA60];
	v50 =	vmul.f32 v47, v47  }
0x441: {  	[tilespmem:$0xAAB0] =	vst v5;
	v28 =	vmul.f32 v28, v28;
	v37 =	vadd.f32 v54, v37;
	v54 =	vadd.f32 v52, v51;
	v51 =	vld [tilespmem:$0xA70]  }
0x442: {  	[tilespmem:$0xAAD0] =	vst v6;
	v8 =	vadd.f32 v53, v8;
	v52 =	vmul.f32 v35, v35;
	v53 =	vld [tilespmem:$0xA40];
	v9 =	vadd.f32 v50, v9  }
0x443: {  	[tilespmem:$0xAAE0] =	vst v26;
	v36 =	vld [tilespmem:$0xA10];
	v29 =	vmul.f32 v29, v29;
	v5 =	vadd.f32 v55, v54;
	v55 =	vmul.f32 v33, v33  }
0x444: {  	v40 =	vld [tilespmem:$0xA50];
	[tilespmem:$0xAB30] =	vst v27;
	v8 =	vadd.f32 v31, v8;
	v45 =	vmul.f32 v44, v44;
	v54 =	vmul.f32 v0, v0  }
0x445: {  	[tilespmem:$0xAAF0] =	vst v30;
	v47 =	vmul.f32 v38, v38;
	v49 =	vmul.f32 v49, v49;
	v5 =	vadd.f32 v48, v5;
	v48 =	vld [tilespmem:$0xA90]  }
0x446: {  	[tilespmem:$0xAB00] =	vst v34;
	v6 =	vadd.f32 v29, v52;
	v52 =	vmul.f32 v39, v39;
	v50 =	vmul.f32 v51, v51  }
0x447: {  	[tilespmem:$0xAB20] =	vst v7;
	v9 =	vadd.f32 v54, v9;
	v51 =	vadd.f32 v47, v45;
	v53 =	vmul.f32 v53, v53  }
0x448: {  	[tilespmem:$0xAB10] =	vst v37;
	v6 =	vadd.f32 v55, v6;
	v55 =	vmul.f32 v36, v36;
	v54 =	vadd.f32 v50, v49  }
0x449: {  	[tilespmem:$0xAB40] =	vst v8;
	v8 =	vadd.f32 v52, v9;
	v7 =	vadd.f32 v53, v51;
	v9 =	vmul.f32 v40, v40  }
0x44a: {  	[tilespmem:$0xAB50] =	vst v5;
	v32 =	vadd.f32 v55, v6;
	v34 =	vadd.f32 v28, v54;
	v35 =	vmul.f32 v48, v48  }
0x44b: {  	[tilespmem:$0xAB60] =	vst v8;
	v7 =	vadd.f32 v9, v7  }
0x44c: {  	v8 =	vadd.f32 v24, v25;
	[tilespmem:$0xAB70] =	vst v32;
	v36 =	vadd.f32 v35, v34  }
0x44d: {  	[tilespmem:$0xAB80] =	vst v7  }
0x44e: {  	v37 =	vadd.f32 v23, v8;
	[tilespmem:$0xAB90] =	vst v36  }
0x44f: {  	v5 =	vld.idx.msk [tilespmem:v56+s24+$0x0], $0xffff  }
0x450: {  	v6 =	vadd.f32 v22, v37;
	v7 =	vld.idx.msk [tilespmem:v10+s24+$0x0], $0xffff;
	_ =	sdelay $0x1  }
0x451: {  	v8 =	vld.idx.msk [tilespmem:v11+s24+$0x0], $0xffff;
	v6 =	vadd.f32 v21, v6;
	_ =	sdelay $0x1  }
0x452: {  	v9 =	vld.idx.msk [tilespmem:v12+s24+$0x0], $0xffff;
	v6 =	vadd.f32 v20, v6  }
0x453: {  	v5 =	vadd.f32 v7, v5  }
0x454: {  	v38 =	vld.idx.msk [tilespmem:v13+s24+$0x0], $0xffff;
	v6 =	vadd.f32 v19, v6  }
0x455: {  	v5 =	vadd.f32 v8, v5  }
0x456: {  	v6 =	vadd.f32 v18, v6;
	v8 =	vld.idx.msk [tilespmem:v14+s24+$0x0], $0xffff  }
0x457: {  	v5 =	vadd.f32 v9, v5  }
0x458: {  	v6 =	vadd.f32 v17, v6;
	v9 =	vld.idx.msk [tilespmem:v15+s24+$0x0], $0xffff  }
0x459: {  	v5 =	vadd.f32 v38, v5  }
0x45a: {  	v39 =	vld.idx.msk [tilespmem:v16+s24+$0x0], $0xffff;
	v4 =	vadd.f32 v4, v6  }
0x45b: {  	v5 =	vadd.f32 v8, v5  }
0x45c: {  	v40 =	vld.idx.msk [tilespmem:v57+s24+$0x0], $0xffff;
	v3 =	vadd.f32 v3, v4  }
0x45d: {  	v0 =	vld [tilespmem:$0x1FE60];
	v5 =	vadd.f32 v9, v5  }
0x45e: {  	v2 =	vadd.f32 v2, v3;
	v3 =	vld.idx.msk [tilespmem:v58+s24+$0x0], $0xffff  }
0x45f: {  	v5 =	vadd.f32 v39, v5  }
0x460: {  	v1 =	vadd.f32 v1, v2;
	v2 =	vld.idx.msk [tilespmem:v59+s24+$0x0], $0xffff  }
0x461: {  	v4 =	vadd.f32 v40, v5  }
0x462: {  	v0 =	vadd.f32 v0, v1;
	v1 =	vld.idx.msk [tilespmem:v60+s24+$0x0], $0xffff  }
0x463: {  	v3 =	vadd.f32 v3, v4  }
0x464: {  	v44 =	vld.idx.msk [tilespmem:v61+s24+$0x0], $0xffff;
	v43 =	vand.u32 $0x7FFFFFFF, v0  }
0x465: {  	v4 =	vsub.f32 $0.0e+00, v43;
	v2 =	vadd.f32 v2, v3  }
0x466: {  	v3 =	vld.idx.msk [tilespmem:v62+s24+$0x0], $0xffff  }
0x467: {  	v4 =	vmul.f32 $1.442695020e+00, v4;
	v1 =	vadd.f32 v1, v2  }
0x468: {  	v2 =	vld.idx.msk [tilespmem:v63+s24+$0x0], $0xffff  }
0x469: {  	(erf) = vpow2.f32 v4;
	v1 =	vadd.f32 v44, v1  }
0x46a: {  	v45 =	vld.idx.msk [tilespmem:v41+s24+$0x0], $0xffff  }
0x46b: {  	v1 =	vadd.f32 v3, v1;
	_ =	sdelay $0x1  }
0x46c: {  	v1 =	vadd.f32 v2, v1;
	_ =	sdelay $0x1  }
0x46d: {  	v1 =	vadd.f32 v45, v1;
	_ =	sdelay $0x1  }
0x46e: {  	v2 =	vand.u32 $0x7FFFFFFF, v1  }
0x46f: {  	v3 =	vpop (erf);
	v2 =	vsub.f32 $0.0e+00, v2  }
0x470: {  	v46 =	vadd.f32 $2.000000000e+00, v3  }
0x471: {  	v2 =	vmul.f32 $1.442695020e+00, v2  }
0x472: {  	(erf) = vrcp.f32 v46  }
0x473: {  	(erf) = vpow2.f32 v2;
	_ =	sdelay $0x7  }
0x474: {  	v2 =	vpop (erf)  }
0x475: {  	v47 =	vpop (erf)  }
0x476: {  	v48 =	vadd.f32 $2.000000000e+00, v47;
	_ =	sdelay $0x1  }
0x477: {  	(erf) = vrcp.f32 v48;
	_ =	sdelay $0x7  }
0x478: {  	v2 =	vmul.f32 v2, v3  }
0x479: {  	v3 =	vpop (erf)  }
0x47a: {  	v49 =	vmul.f32 v2, v2;
	v3 =	vmul.f32 v3, v47;
	_ =	sdelay $0x1  }
0x47b: {  	v50 =	vmul.f32 $1.111111120e-01, v49;
	v51 =	vmul.f32 v3, v3;
	_ =	sdelay $0x1  }
0x47c: {  	v4 =	vadd.f32 $1.428571490e-01, v50;
	v52 =	vmul.f32 $1.111111120e-01, v51;
	_ =	sdelay $0x1  }
0x47d: {  	v4 =	vmul.f32 v4, v49;
	v7 =	vadd.f32 $1.428571490e-01, v52;
	_ =	sdelay $0x1  }
0x47e: {  	v4 =	vadd.f32 $2.000000030e-01, v4;
	v7 =	vmul.f32 v7, v51;
	_ =	sdelay $0x1  }
0x47f: {  	v4 =	vmul.f32 v4, v49;
	v7 =	vadd.f32 $2.000000030e-01, v7;
	_ =	sdelay $0x1  }
0x480: {  	v4 =	vadd.f32 $3.333333430e-01, v4;
	v7 =	vmul.f32 v7, v51;
	_ =	sdelay $0x1  }
0x481: {  	v4 =	vmul.f32 v4, v49;
	v53 =	vadd.f32 $3.333333430e-01, v7;
	_ =	sdelay $0x1  }
0x482: {  	v2 =	vadd.f32 v2, v2;
	v4 =	vadd.f32 $1.000000000e+00, v4;
	v5 =	vmul.f32 v53, v51  }
0x483: {  	v54 =	vld [tilespmem:$0xABB0]  }
0x484: {  	v3 =	vadd.f32 v3, v3;
	v2 =	vmul.f32 v4, v2;
	v55 =	vadd.f32 $1.000000000e+00, v5  }
0x485: {  	v0 =	vmin.f32 v0, $0.0e+00  }
0x486: {  	s28 =	sadd.s32 $0x1, s28;
	v0 =	vsub.f32 v0, v2;
	v2 =	vmul.f32 v55, v3  }
0x487: {  	p0 =	sne.s32 s28, $0x10;
	v1 =	vmin.f32 v1, $0.0e+00  }
.Ltmp1:
0x488: {  	v0 =	vadd.f32 v0, v54;
	v1 =	vsub.f32 v1, v2;
	(pc) =	sbr.rel @p0 .LBB2_2-.Ltmp1, $3  }
0x489: {  	_ = 	snop  }
0x48a: {  	v0 =	vadd.f32 v1, v0;
	_ =	sdelay $0x1  }
0x48b: {  	v42 =	vmov v41;
	[tilespmem:$0xABB0] =	vst v0  }
0x48c: {  	v1 =	vld [tilespmem:$0xABA0];
	_ =	sdelay $0x2  }
0x48d: {  	v0 =	vmul.f32 $2.000000000e+01, v0;
	_ =	sdelay $0x1  }
0x48e: {  	s26 =	sadd.s32 $0x1, s26;
	v0 =	vadd.f32 v0, v1  }
0x48f: {  	p0 =	sne.s32 s26, s9  }
.Ltmp2:
0x490: {  	[tilespmem:$0xABA0] =	vst v0;
	(pc) =	sbr.rel @p0 .LBB2_1-.Ltmp2, $4  }
0x491: {  	[hbm4b:s8+s4] =	stream.linear.scatter [tilespmem:s25], [sflag:$0x2], $0x10, $0x38;
	[tilespmem:$0xABC0] =	vst v63  }
0x492: {  	_ =	swait.ge [sflag:s10], $0x10  }
0x493: {  	[sflag:s10] =	ssyncset.done $0x0  }
0x494: {  	[sflag:s10] =	ssyncadd.s32 $0xFFFFFFF0  }
0x495: {  	_ =	sfence.sel $0x180000  }
0x496: {  	[bflag:$0x0] =	sbarrier.arrive $0xFFFF  }
0x497: {  	p0 =	sne.s32 s3, $0x0;
	_ =	strace $0x90000047  }
0x498: {  	s0 =	sadd.s32 @!p0 $0x100000, s0;
	[bflag:$0x2] =	sbarrier.arrive $0xFFFF  }
0x499: {  	[sflag:s0] =	ssyncadd.tile.s32 @!p0 $0x1;
	_ =	shalt  }
.Lfunc_end2:
_tile_overlayer_lowered:
.L_overlay_start_2:
0x49a: {  	(tag) =	ssettag $0x2  }
0x49b: {  	s0 =	rddreg [dreg:$0x0];
	s2 =	stileid.u32  }
0x49c: {  	s1 =	rddreg [dreg:$0x1];
	p0 =	sne.s32 s2, $0x0  }
0x49d: {  	s3 =	rddreg [dreg:$0x2];
	[bflag:$0x3] =	sbarrier.arrive $0xFFFF;
	s2 =	simm.s32 @!p0 $0x1C02  }
0x49e: {  	[timem:s3], [sflag:s2] =	dma.local @!p0 [hbm:s0], s1  }
0x49f: {  	s0 =	simm.s32 @!p0 $0x2  }
0x4a0: {  	_ =	swait.ge @!p0 [sflag:s0], s1  }
0x4a1: {  	s1 =	ssub.s32 @!p0 $0x0, s1;
	[sflag:s0] =	ssyncset.done @!p0 $0x0  }
0x4a2: {  	[sflag:s0] =	ssyncadd.s32 @!p0 s1  }
0x4a3: {  	[bflag:$0x3] =	sbarrier.arrive $0xFFFF  }
0x4a4: {  	_ =	shalt  }

</sc_bundles>
